<compile_context>
chip_gen: v7x
topology: tpu7x:2x2x1
jax: 0.10.2.dev20260603
libtpu: 0.0.44.dev20260713+nightly
codegen_flags: <defaults>
</compile_context>

<pallas_src>
import functools

import jax
import jax.numpy as jnp
from jax import lax
from jax.experimental import pallas as pl
from jax.experimental.pallas import tpu as pltpu
from jax.experimental.pallas import tpu_sc as plsc

N = 10000
D = 128
E_PAIR = 300000
E_LAB = 10000
B = 2 * E_PAIR + E_LAB
CHUNK = 128
NW = 32
CPC = 75
H_ROWS = NW * CPC * CHUNK
B_PAD = 2 * H_ROWS
ACC_ROWS = 10112
RPT = ACC_ROWS // 16
BLK = 600
NBLK_H = (H_ROWS // 2) // BLK
BPR = E_PAIR // 2 // BLK
UBLK = 1000

_SC_MESH = plsc.VectorSubcoreMesh(core_axis_name="c", subcore_axis_name="s")


def _worker_id():
    return lax.axis_index("s") * 2 + lax.axis_index("c")


@functools.partial(
    pl.kernel,
    out_type=jax.ShapeDtypeStruct((H_ROWS, D), jnp.float32),
    mesh=_SC_MESH,
    scratch_types=[
        pltpu.VMEM((CPC, CHUNK), jnp.int32),
        [pltpu.VMEM((CHUNK, D), jnp.float32) for _ in range(2)],
        pltpu.SemaphoreType.DMA,
        [pltpu.SemaphoreType.DMA for _ in range(2)],
    ],
)
def _gather_k(tbl_hbm, idx_hbm, out_hbm, idx_v, bufs, semg, semw):
    w = _worker_id()
    c0 = w * CPC
    pltpu.sync_copy(idx_hbm.at[w], idx_v)

    def fire_w(t, j):
        pltpu.async_copy(bufs[j], out_hbm.at[pl.ds((c0 + t) * CHUNK, CHUNK)],
                         semw[j])

    def drain_w(t, j):
        pltpu.make_async_copy(bufs[j], out_hbm.at[pl.ds((c0 + t) * CHUNK, CHUNK)],
                              semw[j]).wait()

    def fire_g(t, j, sem):
        pltpu.async_copy(tbl_hbm.at[idx_v.at[t]], bufs[j], sem)

    def drain_g(t, j, sem):
        pltpu.make_async_copy(tbl_hbm.at[idx_v.at[t]], bufs[j], sem).wait()

    fire_g(0, 0, semg)
    fire_g(1, 1, semw[0])

    def body(i, carry):
        t0 = 2 * i
        t1 = t0 + 1
        drain_g(t0, 0, semg)
        pltpu.sync_copy(bufs[0], out_hbm.at[pl.ds((c0 + t0) * CHUNK, CHUNK)])

        @pl.when(t0 + 2 < CPC)
        def _():
            fire_g(t0 + 2, 0, semg)

        drain_g(t1, 1, semw[0])
        pltpu.sync_copy(bufs[1], out_hbm.at[pl.ds((c0 + t1) * CHUNK, CHUNK)])

        @pl.when(t1 + 2 < CPC)
        def _():
            fire_g(t1 + 2, 1, semw[0])

        return carry

    lax.fori_loop(0, CPC // 2, body, 0)
    drain_g(CPC - 1, 0, semg)
    pltpu.sync_copy(bufs[0], out_hbm.at[pl.ds((c0 + CPC - 1) * CHUNK, CHUNK)])


@functools.partial(
    pl.kernel,
    out_type=jax.ShapeDtypeStruct((2, ACC_ROWS, D), jnp.float32),
    mesh=_SC_MESH,
    scratch_types=[
        pltpu.VMEM((CPC, CHUNK), jnp.int32),
        [pltpu.VMEM((CHUNK, D), jnp.float32) for _ in range(2)],
        pltpu.VMEM_SHARED((ACC_ROWS, D), jnp.float32),
        [pltpu.SemaphoreType.DMA for _ in range(2)],
    ],
)
def _scatter_k(y_hbm, idx_hbm, zeros_hbm, out_hbm, idx_v, bufs, acc, semr):
    c = lax.axis_index("c")
    s = lax.axis_index("s")
    w = s * 2 + c
    c0 = w * CPC
    pltpu.sync_copy(zeros_hbm.at[pl.ds(s * RPT, RPT)], acc.at[pl.ds(s * RPT, RPT)])
    pltpu.sync_copy(idx_hbm.at[w], idx_v)
    plsc.subcore_barrier()

    def fire_r(t, j):
        pltpu.async_copy(y_hbm.at[pl.ds((c0 + t) * CHUNK, CHUNK)], bufs[j], semr[j])

    def drain_r(t, j):
        pltpu.make_async_copy(y_hbm.at[pl.ds((c0 + t) * CHUNK, CHUNK)], bufs[j],
                              semr[j]).wait()

    fire_r(0, 0)
    fire_r(1, 1)

    def body(i, carry):
        t0 = 2 * i
        t1 = t0 + 1
        drain_r(t0, 0)
        pltpu.sync_copy(bufs[0], acc.at[idx_v.at[t0]], add=True)

        @pl.when(t0 + 2 < CPC)
        def _():
            fire_r(t0 + 2, 0)

        drain_r(t1, 1)
        pltpu.sync_copy(bufs[1], acc.at[idx_v.at[t1]], add=True)

        @pl.when(t1 + 2 < CPC)
        def _():
            fire_r(t1 + 2, 1)

        return carry

    lax.fori_loop(0, CPC // 2, body, 0)
    drain_r(CPC - 1, 0)
    pltpu.sync_copy(bufs[0], acc.at[idx_v.at[CPC - 1]], add=True)
    plsc.subcore_barrier()
    pltpu.sync_copy(acc.at[pl.ds(s * RPT, RPT)], out_hbm.at[c, pl.ds(s * RPT, RPT)])


def _mish(z):
    sp = jnp.maximum(z, 0.0) + jnp.log1p(jnp.exp(-jnp.abs(z)))
    return z * jnp.tanh(sp)


def _dot(a, b):
    return jnp.dot(a, b, preferred_element_type=jnp.float32,
                   precision=lax.Precision.DEFAULT)


def _mlp_body(x_ref, wi_ref, bi_ref, wo_ref, bo_ref, y_ref):
    x = x_ref[...]
    z = _mish(_dot(x, wi_ref[0]) + bi_ref[0])
    y_ref[...] = x + _dot(z, wo_ref[0]) + bo_ref[0]


def _rel_mlp(x2, wi_s, bi_s, wo_s, bo_s, off):
    wsel = lambda i: (jnp.minimum((i + off) // BPR, 2), 0, 0)
    return pl.pallas_call(
        _mlp_body,
        grid=(NBLK_H,),
        in_specs=[
            pl.BlockSpec((BLK, 2 * D), lambda i: (i, 0)),
            pl.BlockSpec((1, 2 * D, 2 * D), wsel),
            pl.BlockSpec((1, 1, 2 * D), wsel),
            pl.BlockSpec((1, 2 * D, 2 * D), wsel),
            pl.BlockSpec((1, 1, 2 * D), wsel),
        ],
        out_specs=pl.BlockSpec((BLK, 2 * D), lambda i: (i, 0)),
        out_shape=jax.ShapeDtypeStruct((H_ROWS // 2, 2 * D), jnp.float32),
    )(x2, wi_s, bi_s, wo_s, bo_s)


def _upd_body(pa0, pa1, pb0, pb1, h_ref, wt_ref, wb_ref, bi_ref, wo_ref, bo_ref,
              o_ref):
    sm = pa0[0] + pa1[0] + pb0[0] + pb1[0]
    h = h_ref[...]
    z = _mish(_dot(sm, wt_ref[...]) + _dot(h, wb_ref[...]) + bi_ref[...])
    o_ref[...] = h + _dot(z, wo_ref[...]) + bo_ref[...]


def _update(pa, pb, h, wt, wb, bi, wo, bo):
    pspec = lambda ci: pl.BlockSpec((1, UBLK, D), lambda i, ci=ci: (ci, i, 0))
    return pl.pallas_call(
        _upd_body,
        grid=(N // UBLK,),
        in_specs=[
            pspec(0), pspec(1), pspec(0), pspec(1),
            pl.BlockSpec((UBLK, D), lambda i: (i, 0)),
            pl.BlockSpec((D, 2 * D), lambda i: (0, 0)),
            pl.BlockSpec((D, 2 * D), lambda i: (0, 0)),
            pl.BlockSpec((1, 2 * D), lambda i: (0, 0)),
            pl.BlockSpec((2 * D, D), lambda i: (0, 0)),
            pl.BlockSpec((1, D), lambda i: (0, 0)),
        ],
        out_specs=pl.BlockSpec((UBLK, D), lambda i: (i, 0)),
        out_shape=jax.ShapeDtypeStruct((N, D), jnp.float32),
    )(pa, pa, pb, pb, h, wt, wb, bi, wo, bo)


def _blockdiag(w):
    z = jnp.zeros((2 * D, 2 * D), jnp.float32)
    return z.at[:D, :D].set(w).at[D:, D:].set(w)


def kernel(node_embeddings, atoms_adj, atoms_goal_adj, atoms_label,
           Wi_adj, bi_adj, Wo_adj, bo_adj,
           Wi_goal_adj, bi_goal_adj, Wo_goal_adj, bo_goal_adj,
           Wi_label, bi_label, Wo_label, bo_label,
           Wi_upd, bi_upd, Wo_upd, bo_upd):
    idx = jnp.concatenate([atoms_adj, atoms_goal_adj, atoms_label]).astype(jnp.int32)
    gidx = jnp.concatenate(
        [idx, jnp.zeros((B_PAD - B,), jnp.int32)]).reshape(2, NW, CPC, CHUNK)
    sidx = jnp.concatenate(
        [idx, jnp.full((B_PAD - B,), N, jnp.int32)]).reshape(2, NW, CPC, CHUNK)
    zeros_acc = jnp.zeros((ACC_ROWS, D), jnp.float32)

    wi_s = jnp.stack([Wi_adj, Wi_goal_adj, _blockdiag(Wi_label)])
    wo_s = jnp.stack([Wo_adj, Wo_goal_adj, _blockdiag(Wo_label)])
    bi_s = jnp.stack([bi_adj, bi_goal_adj,
                      jnp.concatenate([bi_label, bi_label])]).reshape(3, 1, 2 * D)
    bo_s = jnp.stack([bo_adj, bo_goal_adj,
                      jnp.concatenate([bo_label, bo_label])]).reshape(3, 1, 2 * D)

    wt = Wi_upd[:D]
    wb = Wi_upd[D:]
    bi_u = bi_upd.reshape(1, 2 * D)
    bo_u = bo_upd.reshape(1, D)

    h = node_embeddings
    for _ in range(2):
        xa = _gather_k(h, gidx[0])
        ya = _rel_mlp(xa.reshape(H_ROWS // 2, 2 * D), wi_s, bi_s, wo_s, bo_s, 0)
        xb = _gather_k(h, gidx[1])
        yb = _rel_mlp(xb.reshape(H_ROWS // 2, 2 * D), wi_s, bi_s, wo_s, bo_s,
                      NBLK_H)
        pa = _scatter_k(ya.reshape(H_ROWS, D), sidx[0], zeros_acc)
        pb = _scatter_k(yb.reshape(H_ROWS, D), sidx[1], zeros_acc)
        h = _update(pa, pb, h, wt, wb, bi_u, Wo_upd, bo_u)
    return h

# --- scband reference (transcript-rebuilt; emitter-appended) ---
"""Pipeline reference for scband-relational-graph-neural-network-10170482557020 (READ-ONLY COPY).

The authoritative reference and input builder live on the scoring server;
editing this copy changes nothing except your own understanding.
"""

import jax, jax.numpy as jnp
import numpy as np

N = 10000
D = 128
NUM_LAYERS = 2
RELS = [("adj", 2), ("goal_adj", 2), ("label", 1)]


def mish(x):
    return x * jnp.tanh(jax.nn.softplus(x))


def mlp(x, Wi, bi, Wo, bo):
    return mish(x @ Wi + bi) @ Wo + bo


def setup_inputs(seed: int = 0):
    key = jax.random.key(seed)
    ks = jax.random.split(key, 16)
    s = 0.02
    inp = {}
    inp["node_embeddings"] = jax.random.normal(ks[0], (N, D), dtype=jnp.float32)
    inp["atoms_adj"] = jax.random.randint(ks[1], (300000,), 0, N)
    inp["atoms_goal_adj"] = jax.random.randint(ks[2], (300000,), 0, N)
    inp["atoms_label"] = jax.random.randint(ks[3], (10000,), 0, N)
    i = 4
    for name, a in RELS:
        m = a * D
        inp["Wi_" + name] = jax.random.normal(ks[i], (m, m), dtype=jnp.float32) * s
        i += 1
        inp["bi_" + name] = jnp.zeros((m,), dtype=jnp.float32)
        inp["Wo_" + name] = jax.random.normal(ks[i], (m, m), dtype=jnp.float32) * s
        i += 1
        inp["bo_" + name] = jnp.zeros((m,), dtype=jnp.float32)
    inp["Wi_upd"] = jax.random.normal(ks[i], (2 * D, 2 * D), dtype=jnp.float32) * s
    inp["bi_upd"] = jnp.zeros((2 * D,), dtype=jnp.float32)
    inp["Wo_upd"] = jax.random.normal(ks[i + 1], (2 * D, D), dtype=jnp.float32) * s
    inp["bo_upd"] = jnp.zeros((D,), dtype=jnp.float32)
    return inp


def _forward(node_embeddings, atoms, params):
    h = node_embeddings
    for _ in range(NUM_LAYERS):
        msgs = []
        idxs = []
        for name, a in RELS:
            av = atoms[name]
            x = jnp.take(h, av, axis=0).reshape(-1, a * D)
            y = x + mlp(x, params["Wi_" + name], params["bi_" + name], params["Wo_" + name], params["bo_" + name])
            msgs.append(y.reshape(-1, D))
            idxs.append(av)
        messages = jnp.concatenate(msgs, axis=0)
        indices = jnp.concatenate(idxs, axis=0)
        sum_msg = jnp.zeros_like(h).at[indices].add(messages)
        upd = mlp(jnp.concatenate([sum_msg, h], axis=1), params["Wi_upd"], params["bi_upd"], params["Wo_upd"], params["bo_upd"])
        h = h + upd
    return h


def reference(node_embeddings, atoms_adj, atoms_goal_adj, atoms_label, Wi_adj, bi_adj, Wo_adj, bo_adj, Wi_goal_adj, bi_goal_adj, Wo_goal_adj, bo_goal_adj, Wi_label, bi_label, Wo_label, bo_label, Wi_upd, bi_upd, Wo_upd, bo_upd):
    atoms = {"adj": atoms_adj, "goal_adj": atoms_goal_adj, "label": atoms_label}
    params = dict(Wi_adj=Wi_adj, bi_adj=bi_adj, Wo_adj=Wo_adj, bo_adj=bo_adj, Wi_goal_adj=Wi_goal_adj, bi_goal_adj=bi_goal_adj, Wo_goal_adj=Wo_goal_adj, bo_goal_adj=bo_goal_adj, Wi_label=Wi_label, bi_label=bi_label, Wo_label=Wo_label, bo_label=bo_label, Wi_upd=Wi_upd, bi_upd=bi_upd, Wo_upd=Wo_upd, bo_upd=bo_upd)
    return _forward(node_embeddings, atoms, params)

if __name__ == "__main__":
    import jax
    _d = setup_inputs()
    print(jax.jit(kernel)(*tuple(_d.values())))

</pallas_src>

<mosaic_0001>
#map = affine_map<(d0, d1) -> (0, 0)>
#map1 = affine_map<(d0, d1) -> (0, 0, 0)>
module attributes {stable_mosaic.version = 14 : i64} {
  func.func @_scatter_k(%arg0: i32, %arg1: i32, %arg2: memref<307200x128xf32, #tpu.memory_space<hbm>>, %arg3: memref<32x75x128xi32, #tpu.memory_space<hbm>>, %arg4: memref<10112x128xf32, #tpu.memory_space<hbm>>, %arg5: memref<2x10112x128xf32, #tpu.memory_space<hbm>>, %arg6: memref<75x128xi32, #tpu.memory_space<vmem>>, %arg7: memref<128x128xf32, #tpu.memory_space<vmem>>, %arg8: memref<128x128xf32, #tpu.memory_space<vmem>>, %arg9: memref<10112x128xf32, #tpu.memory_space<vmem_shared>>, %arg10: memref<!tpu.dma_semaphore, #tpu.memory_space<semaphore_mem>>, %arg11: memref<!tpu.dma_semaphore, #tpu.memory_space<semaphore_mem>>) attributes {dimension_semantics = [#tpu.dimension_semantics<core_parallel>, #tpu.dimension_semantics<subcore_parallel>], iteration_bounds = array<i64: 2, 16>, scalar_prefetch = 0 : i64, scratch_operands = 6 : i64, tpu.core_type = #tpu.core_type<sc_vector_subcore>, window_params = [{transform_indices = #map}, {transform_indices = #map1}, {transform_indices = #map}, {transform_indices = #map1}]} {
    %mul3A = arith.constant 2 : i32
    %mul3A_0 = arith.muli %arg1, %mul3A : i32
    %add3A = arith.addi %mul3A_0, %arg0 : i32
    %mul3A_1 = arith.constant 75 : i32
    %mul3A_2 = arith.muli %add3A, %mul3A_1 : i32
    %mul3A_3 = arith.constant 632 : i32
    %mul3A_4 = arith.muli %arg1, %mul3A_3 : i32
    %mul3A_5 = arith.constant 632 : i32
    %mul3A_6 = arith.muli %arg1, %mul3A_5 : i32
    "tpu.region"() ({
      %run_scoped3A_39 = tpu.sem_alloc : memref<!tpu.dma_semaphore, #tpu.memory_space<semaphore_mem>>
      %dma_start3A_40 = arith.constant 0 : i32
      %dma_start3A_41 = tpu.memref_slice %arg9[%mul3A_6, %dma_start3A_40] : memref<10112x128xf32, #tpu.memory_space<vmem_shared>> -> memref<632x128xf32, #tpu.memory_space<vmem_shared>>
      %dma_start3A_42 = arith.constant 0 : i32
      %dma_start3A_43 = tpu.memref_slice %arg4[%mul3A_4, %dma_start3A_42] : memref<10112x128xf32, #tpu.memory_space<hbm>> -> memref<632x128xf32, #tpu.memory_space<hbm>>
      tpu.enqueue_dma source(%dma_start3A_43 : memref<632x128xf32, #tpu.memory_space<hbm>>) target(%dma_start3A_41 : memref<632x128xf32, #tpu.memory_space<vmem_shared>>) target_semaphore(%run_scoped3A_39 : memref<!tpu.dma_semaphore, #tpu.memory_space<semaphore_mem>>)
      %dma_wait3A_44 = arith.constant 0 : i32
      %dma_wait3A_45 = tpu.memref_slice %arg9[%mul3A_6, %dma_wait3A_44] : memref<10112x128xf32, #tpu.memory_space<vmem_shared>> -> memref<632x128xf32, #tpu.memory_space<vmem_shared>>
      %dma_wait3A_46 = arith.constant 0 : i32
      %dma_wait3A_47 = tpu.memref_slice %arg4[%mul3A_4, %dma_wait3A_46] : memref<10112x128xf32, #tpu.memory_space<hbm>> -> memref<632x128xf32, #tpu.memory_space<hbm>>
      tpu.wait_dma2 semaphore(%run_scoped3A_39 : memref<!tpu.dma_semaphore, #tpu.memory_space<semaphore_mem>>) src(%dma_wait3A_47 : memref<632x128xf32, #tpu.memory_space<hbm>>) dst(%dma_wait3A_45 : memref<632x128xf32, #tpu.memory_space<vmem_shared>>)
      tpu.yield
    }) : () -> ()
    "tpu.region"() ({
      %run_scoped3A_39 = tpu.sem_alloc : memref<!tpu.dma_semaphore, #tpu.memory_space<semaphore_mem>>
      %dma_start3A_40 = arith.constant 0 : i32
      %dma_start3A_41 = arith.constant 0 : i32
      %dma_start3A_42 = tpu.memref_slice %arg3[%add3A, %dma_start3A_40, %dma_start3A_41] : memref<32x75x128xi32, #tpu.memory_space<hbm>> -> memref<1x75x128xi32, #tpu.memory_space<hbm>>
      %dma_start3A_43 = tpu.memref_squeeze %dma_start3A_42 : memref<1x75x128xi32, #tpu.memory_space<hbm>> -> memref<75x128xi32, #tpu.memory_space<hbm>>
      %dma_start3A_44 = arith.constant 0 : i32
      %dma_start3A_45 = arith.constant 0 : i32
      %dma_start3A_46 = tpu.memref_slice %arg3[%add3A, %dma_start3A_44, %dma_start3A_45] : memref<32x75x128xi32, #tpu.memory_space<hbm>> -> memref<1x75x128xi32, #tpu.memory_space<hbm>>
      %dma_start3A_47 = tpu.memref_squeeze %dma_start3A_46 : memref<1x75x128xi32, #tpu.memory_space<hbm>> -> memref<75x128xi32, #tpu.memory_space<hbm>>
      tpu.enqueue_dma source(%dma_start3A_47 : memref<75x128xi32, #tpu.memory_space<hbm>>) target(%arg6 : memref<75x128xi32, #tpu.memory_space<vmem>>) target_semaphore(%run_scoped3A_39 : memref<!tpu.dma_semaphore, #tpu.memory_space<semaphore_mem>>)
      %dma_wait3A_48 = arith.constant 0 : i32
      %dma_wait3A_49 = arith.constant 0 : i32
      %dma_wait3A_50 = tpu.memref_slice %arg3[%add3A, %dma_wait3A_48, %dma_wait3A_49] : memref<32x75x128xi32, #tpu.memory_space<hbm>> -> memref<1x75x128xi32, #tpu.memory_space<hbm>>
      %dma_wait3A_51 = tpu.memref_squeeze %dma_wait3A_50 : memref<1x75x128xi32, #tpu.memory_space<hbm>> -> memref<75x128xi32, #tpu.memory_space<hbm>>
      %dma_wait3A_52 = arith.constant 0 : i32
      %dma_wait3A_53 = arith.constant 0 : i32
      %dma_wait3A_54 = tpu.memref_slice %arg3[%add3A, %dma_wait3A_52, %dma_wait3A_53] : memref<32x75x128xi32, #tpu.memory_space<hbm>> -> memref<1x75x128xi32, #tpu.memory_space<hbm>>
      %dma_wait3A_55 = tpu.memref_squeeze %dma_wait3A_54 : memref<1x75x128xi32, #tpu.memory_space<hbm>> -> memref<75x128xi32, #tpu.memory_space<hbm>>
      tpu.wait_dma2 semaphore(%run_scoped3A_39 : memref<!tpu.dma_semaphore, #tpu.memory_space<semaphore_mem>>) src(%dma_wait3A_55 : memref<75x128xi32, #tpu.memory_space<hbm>>) dst(%arg6 : memref<75x128xi32, #tpu.memory_space<vmem>>)
      tpu.yield
    }) : () -> ()
    %barrier3A = arith.constant 0 : index
    tpu.barrier barrier_id(%barrier3A)
    %add3A_7 = arith.constant 0 : i32
    %add3A_8 = arith.addi %mul3A_2, %add3A_7 : i32
    %mul3A_9 = arith.constant 128 : i32
    %mul3A_10 = arith.muli %add3A_8, %mul3A_9 : i32
    %dma_start3A = arith.constant 0 : i32
    %dma_start3A_11 = tpu.memref_slice %arg2[%mul3A_10, %dma_start3A] : memref<307200x128xf32, #tpu.memory_space<hbm>> -> memref<128x128xf32, #tpu.memory_space<hbm>>
    %dma_start3A_12 = arith.constant 0 : i32
    %dma_start3A_13 = tpu.memref_slice %arg2[%mul3A_10, %dma_start3A_12] : memref<307200x128xf32, #tpu.memory_space<hbm>> -> memref<128x128xf32, #tpu.memory_space<hbm>>
    tpu.enqueue_dma source(%dma_start3A_13 : memref<128x128xf32, #tpu.memory_space<hbm>>) target(%arg7 : memref<128x128xf32, #tpu.memory_space<vmem>>) target_semaphore(%arg10 : memref<!tpu.dma_semaphore, #tpu.memory_space<semaphore_mem>>)
    %add3A_14 = arith.constant 1 : i32
    %add3A_15 = arith.addi %mul3A_2, %add3A_14 : i32
    %mul3A_16 = arith.constant 128 : i32
    %mul3A_17 = arith.muli %add3A_15, %mul3A_16 : i32
    %dma_start3A_18 = arith.constant 0 : i32
    %dma_start3A_19 = tpu.memref_slice %arg2[%mul3A_17, %dma_start3A_18] : memref<307200x128xf32, #tpu.memory_space<hbm>> -> memref<128x128xf32, #tpu.memory_space<hbm>>
    %dma_start3A_20 = arith.constant 0 : i32
    %dma_start3A_21 = tpu.memref_slice %arg2[%mul3A_17, %dma_start3A_20] : memref<307200x128xf32, #tpu.memory_space<hbm>> -> memref<128x128xf32, #tpu.memory_space<hbm>>
    tpu.enqueue_dma source(%dma_start3A_21 : memref<128x128xf32, #tpu.memory_space<hbm>>) target(%arg8 : memref<128x128xf32, #tpu.memory_space<vmem>>) target_semaphore(%arg11 : memref<!tpu.dma_semaphore, #tpu.memory_space<semaphore_mem>>)
    %scan3A = arith.constant 0 : i32
    %scan3A_22 = arith.constant 0 : i32
    %scan3A_23 = arith.constant 37 : i32
    %scan3A_24 = arith.addi %scan3A_22, %scan3A_23 : i32
    %scan3A_25 = arith.constant 1 : i32
    scf.for %scan3A_39 = %scan3A_22 to %scan3A_24 step %scan3A_25  : i32 {
      %mul3A_40 = arith.constant 2 : i32
      %mul3A_41 = arith.muli %mul3A_40, %scan3A_39 : i32
      %add3A_42 = arith.constant 1 : i32
      %add3A_43 = arith.addi %mul3A_41, %add3A_42 : i32
      %add3A_44 = arith.addi %mul3A_2, %mul3A_41 : i32
      %mul3A_45 = arith.constant 128 : i32
      %mul3A_46 = arith.muli %add3A_44, %mul3A_45 : i32
      %dma_wait3A_47 = arith.constant 0 : i32
      %dma_wait3A_48 = tpu.memref_slice %arg2[%mul3A_46, %dma_wait3A_47] : memref<307200x128xf32, #tpu.memory_space<hbm>> -> memref<128x128xf32, #tpu.memory_space<hbm>>
      %dma_wait3A_49 = arith.constant 0 : i32
      %dma_wait3A_50 = tpu.memref_slice %arg2[%mul3A_46, %dma_wait3A_49] : memref<307200x128xf32, #tpu.memory_space<hbm>> -> memref<128x128xf32, #tpu.memory_space<hbm>>
      tpu.wait_dma2 semaphore(%arg10 : memref<!tpu.dma_semaphore, #tpu.memory_space<semaphore_mem>>) src(%dma_wait3A_50 : memref<128x128xf32, #tpu.memory_space<hbm>>) dst(%arg7 : memref<128x128xf32, #tpu.memory_space<vmem>>)
      "tpu.region"() ({
        %run_scoped3A_69 = tpu.sem_alloc : memref<!tpu.dma_semaphore, #tpu.memory_space<semaphore_mem>>
        %dma_start3A_70 = arith.constant 0 : i32
        %dma_start3A_71 = tpu.memref_slice %arg6[%mul3A_41, %dma_start3A_70] : memref<75x128xi32, #tpu.memory_space<vmem>> -> memref<1x128xi32, #tpu.memory_space<vmem>>
        %dma_start3A_72 = tpu.memref_squeeze %dma_start3A_71 : memref<1x128xi32, #tpu.memory_space<vmem>> -> memref<128xi32, #tpu.memory_space<vmem>>
        %dma_start3A_73 = arith.constant 0 : i32
        %dma_start3A_74 = arith.constant 0 : i32
        %dma_start3A_75 = tpu.memref_slice %arg9[%dma_start3A_73, %dma_start3A_74] : memref<10112x128xf32, #tpu.memory_space<vmem_shared>> -> memref<10112x128xf32, #tpu.memory_space<vmem_shared>>
        tpu.enqueue_indirect_dma source(%arg7 : memref<128x128xf32, #tpu.memory_space<vmem>>) target(%dma_start3A_75 : memref<10112x128xf32, #tpu.memory_space<vmem_shared>>) offsets(%dma_start3A_72 : memref<128xi32, #tpu.memory_space<vmem>>) semaphore(%run_scoped3A_69 : memref<!tpu.dma_semaphore, #tpu.memory_space<semaphore_mem>>) {add = true}
        %dma_wait3A_76 = arith.constant 0 : i32
        %dma_wait3A_77 = tpu.memref_slice %arg6[%mul3A_41, %dma_wait3A_76] : memref<75x128xi32, #tpu.memory_space<vmem>> -> memref<1x128xi32, #tpu.memory_space<vmem>>
        %dma_wait3A_78 = tpu.memref_squeeze %dma_wait3A_77 : memref<1x128xi32, #tpu.memory_space<vmem>> -> memref<128xi32, #tpu.memory_space<vmem>>
        %dma_wait3A_79 = arith.constant 0 : i32
        %dma_wait3A_80 = arith.constant 0 : i32
        %dma_wait3A_81 = tpu.memref_slice %arg9[%dma_wait3A_79, %dma_wait3A_80] : memref<10112x128xf32, #tpu.memory_space<vmem_shared>> -> memref<10112x128xf32, #tpu.memory_space<vmem_shared>>
        tpu.wait_indirect_dma semaphore(%run_scoped3A_69 : memref<!tpu.dma_semaphore, #tpu.memory_space<semaphore_mem>>) src(%arg7 : memref<128x128xf32, #tpu.memory_space<vmem>>) dst(%dma_wait3A_81 : memref<10112x128xf32, #tpu.memory_space<vmem_shared>>)
        tpu.yield
      }) : () -> ()
      %add3A_51 = arith.constant 2 : i32
      %add3A_52 = arith.addi %mul3A_41, %add3A_51 : i32
      %lt3A = arith.constant 75 : i32
      %lt3A_53 = arith.cmpi slt, %add3A_52, %lt3A : i32
      %convert_element_type3A = arith.extui %lt3A_53 : i1 to i32
      %cond3A = arith.constant 0 : i32
      %cond3A_54 = arith.cmpi ne, %convert_element_type3A, %cond3A : i32
      scf.if %cond3A_54 {
        %add3A_69 = arith.constant 2 : i32
        %add3A_70 = arith.addi %mul3A_41, %add3A_69 : i32
        %add3A_71 = arith.addi %mul3A_2, %add3A_70 : i32
        %mul3A_72 = arith.constant 128 : i32
        %mul3A_73 = arith.muli %add3A_71, %mul3A_72 : i32
        %dma_start3A_74 = arith.constant 0 : i32
        %dma_start3A_75 = tpu.memref_slice %arg2[%mul3A_73, %dma_start3A_74] : memref<307200x128xf32, #tpu.memory_space<hbm>> -> memref<128x128xf32, #tpu.memory_space<hbm>>
        %dma_start3A_76 = arith.constant 0 : i32
        %dma_start3A_77 = tpu.memref_slice %arg2[%mul3A_73, %dma_start3A_76] : memref<307200x128xf32, #tpu.memory_space<hbm>> -> memref<128x128xf32, #tpu.memory_space<hbm>>
        tpu.enqueue_dma source(%dma_start3A_77 : memref<128x128xf32, #tpu.memory_space<hbm>>) target(%arg7 : memref<128x128xf32, #tpu.memory_space<vmem>>) target_semaphore(%arg10 : memref<!tpu.dma_semaphore, #tpu.memory_space<semaphore_mem>>)
      } else {
      }
      %add3A_55 = arith.addi %mul3A_2, %add3A_43 : i32
      %mul3A_56 = arith.constant 128 : i32
      %mul3A_57 = arith.muli %add3A_55, %mul3A_56 : i32
      %dma_wait3A_58 = arith.constant 0 : i32
      %dma_wait3A_59 = tpu.memref_slice %arg2[%mul3A_57, %dma_wait3A_58] : memref<307200x128xf32, #tpu.memory_space<hbm>> -> memref<128x128xf32, #tpu.memory_space<hbm>>
      %dma_wait3A_60 = arith.constant 0 : i32
      %dma_wait3A_61 = tpu.memref_slice %arg2[%mul3A_57, %dma_wait3A_60] : memref<307200x128xf32, #tpu.memory_space<hbm>> -> memref<128x128xf32, #tpu.memory_space<hbm>>
      tpu.wait_dma2 semaphore(%arg11 : memref<!tpu.dma_semaphore, #tpu.memory_space<semaphore_mem>>) src(%dma_wait3A_61 : memref<128x128xf32, #tpu.memory_space<hbm>>) dst(%arg8 : memref<128x128xf32, #tpu.memory_space<vmem>>)
      "tpu.region"() ({
        %run_scoped3A_69 = tpu.sem_alloc : memref<!tpu.dma_semaphore, #tpu.memory_space<semaphore_mem>>
        %dma_start3A_70 = arith.constant 0 : i32
        %dma_start3A_71 = tpu.memref_slice %arg6[%add3A_43, %dma_start3A_70] : memref<75x128xi32, #tpu.memory_space<vmem>> -> memref<1x128xi32, #tpu.memory_space<vmem>>
        %dma_start3A_72 = tpu.memref_squeeze %dma_start3A_71 : memref<1x128xi32, #tpu.memory_space<vmem>> -> memref<128xi32, #tpu.memory_space<vmem>>
        %dma_start3A_73 = arith.constant 0 : i32
        %dma_start3A_74 = arith.constant 0 : i32
        %dma_start3A_75 = tpu.memref_slice %arg9[%dma_start3A_73, %dma_start3A_74] : memref<10112x128xf32, #tpu.memory_space<vmem_shared>> -> memref<10112x128xf32, #tpu.memory_space<vmem_shared>>
        tpu.enqueue_indirect_dma source(%arg8 : memref<128x128xf32, #tpu.memory_space<vmem>>) target(%dma_start3A_75 : memref<10112x128xf32, #tpu.memory_space<vmem_shared>>) offsets(%dma_start3A_72 : memref<128xi32, #tpu.memory_space<vmem>>) semaphore(%run_scoped3A_69 : memref<!tpu.dma_semaphore, #tpu.memory_space<semaphore_mem>>) {add = true}
        %dma_wait3A_76 = arith.constant 0 : i32
        %dma_wait3A_77 = tpu.memref_slice %arg6[%add3A_43, %dma_wait3A_76] : memref<75x128xi32, #tpu.memory_space<vmem>> -> memref<1x128xi32, #tpu.memory_space<vmem>>
        %dma_wait3A_78 = tpu.memref_squeeze %dma_wait3A_77 : memref<1x128xi32, #tpu.memory_space<vmem>> -> memref<128xi32, #tpu.memory_space<vmem>>
        %dma_wait3A_79 = arith.constant 0 : i32
        %dma_wait3A_80 = arith.constant 0 : i32
        %dma_wait3A_81 = tpu.memref_slice %arg9[%dma_wait3A_79, %dma_wait3A_80] : memref<10112x128xf32, #tpu.memory_space<vmem_shared>> -> memref<10112x128xf32, #tpu.memory_space<vmem_shared>>
        tpu.wait_indirect_dma semaphore(%run_scoped3A_69 : memref<!tpu.dma_semaphore, #tpu.memory_space<semaphore_mem>>) src(%arg8 : memref<128x128xf32, #tpu.memory_space<vmem>>) dst(%dma_wait3A_81 : memref<10112x128xf32, #tpu.memory_space<vmem_shared>>)
        tpu.yield
      }) : () -> ()
      %add3A_62 = arith.constant 2 : i32
      %add3A_63 = arith.addi %add3A_43, %add3A_62 : i32
      %lt3A_64 = arith.constant 75 : i32
      %lt3A_65 = arith.cmpi slt, %add3A_63, %lt3A_64 : i32
      %convert_element_type3A_66 = arith.extui %lt3A_65 : i1 to i32
      %cond3A_67 = arith.constant 0 : i32
      %cond3A_68 = arith.cmpi ne, %convert_element_type3A_66, %cond3A_67 : i32
      scf.if %cond3A_68 {
        %add3A_69 = arith.constant 2 : i32
        %add3A_70 = arith.addi %add3A_43, %add3A_69 : i32
        %add3A_71 = arith.addi %mul3A_2, %add3A_70 : i32
        %mul3A_72 = arith.constant 128 : i32
        %mul3A_73 = arith.muli %add3A_71, %mul3A_72 : i32
        %dma_start3A_74 = arith.constant 0 : i32
        %dma_start3A_75 = tpu.memref_slice %arg2[%mul3A_73, %dma_start3A_74] : memref<307200x128xf32, #tpu.memory_space<hbm>> -> memref<128x128xf32, #tpu.memory_space<hbm>>
        %dma_start3A_76 = arith.constant 0 : i32
        %dma_start3A_77 = tpu.memref_slice %arg2[%mul3A_73, %dma_start3A_76] : memref<307200x128xf32, #tpu.memory_space<hbm>> -> memref<128x128xf32, #tpu.memory_space<hbm>>
        tpu.enqueue_dma source(%dma_start3A_77 : memref<128x128xf32, #tpu.memory_space<hbm>>) target(%arg8 : memref<128x128xf32, #tpu.memory_space<vmem>>) target_semaphore(%arg11 : memref<!tpu.dma_semaphore, #tpu.memory_space<semaphore_mem>>)
      } else {
      }
    }
    %scan3A_26 = arith.constant 37 : i32
    %add3A_27 = arith.constant 74 : i32
    %add3A_28 = arith.addi %mul3A_2, %add3A_27 : i32
    %mul3A_29 = arith.constant 128 : i32
    %mul3A_30 = arith.muli %add3A_28, %mul3A_29 : i32
    %dma_wait3A = arith.constant 0 : i32
    %dma_wait3A_31 = tpu.memref_slice %arg2[%mul3A_30, %dma_wait3A] : memref<307200x128xf32, #tpu.memory_space<hbm>> -> memref<128x128xf32, #tpu.memory_space<hbm>>
    %dma_wait3A_32 = arith.constant 0 : i32
    %dma_wait3A_33 = tpu.memref_slice %arg2[%mul3A_30, %dma_wait3A_32] : memref<307200x128xf32, #tpu.memory_space<hbm>> -> memref<128x128xf32, #tpu.memory_space<hbm>>
    tpu.wait_dma2 semaphore(%arg10 : memref<!tpu.dma_semaphore, #tpu.memory_space<semaphore_mem>>) src(%dma_wait3A_33 : memref<128x128xf32, #tpu.memory_space<hbm>>) dst(%arg7 : memref<128x128xf32, #tpu.memory_space<vmem>>)
    %run_scoped3A = arith.constant 74 : i32
    "tpu.region"() ({
      %run_scoped3A_39 = tpu.sem_alloc : memref<!tpu.dma_semaphore, #tpu.memory_space<semaphore_mem>>
      %dma_start3A_40 = arith.constant 0 : i32
      %dma_start3A_41 = tpu.memref_slice %arg6[%run_scoped3A, %dma_start3A_40] : memref<75x128xi32, #tpu.memory_space<vmem>> -> memref<1x128xi32, #tpu.memory_space<vmem>>
      %dma_start3A_42 = tpu.memref_squeeze %dma_start3A_41 : memref<1x128xi32, #tpu.memory_space<vmem>> -> memref<128xi32, #tpu.memory_space<vmem>>
      %dma_start3A_43 = arith.constant 0 : i32
      %dma_start3A_44 = arith.constant 0 : i32
      %dma_start3A_45 = tpu.memref_slice %arg9[%dma_start3A_43, %dma_start3A_44] : memref<10112x128xf32, #tpu.memory_space<vmem_shared>> -> memref<10112x128xf32, #tpu.memory_space<vmem_shared>>
      tpu.enqueue_indirect_dma source(%arg7 : memref<128x128xf32, #tpu.memory_space<vmem>>) target(%dma_start3A_45 : memref<10112x128xf32, #tpu.memory_space<vmem_shared>>) offsets(%dma_start3A_42 : memref<128xi32, #tpu.memory_space<vmem>>) semaphore(%run_scoped3A_39 : memref<!tpu.dma_semaphore, #tpu.memory_space<semaphore_mem>>) {add = true}
      %dma_wait3A_46 = arith.constant 0 : i32
      %dma_wait3A_47 = tpu.memref_slice %arg6[%run_scoped3A, %dma_wait3A_46] : memref<75x128xi32, #tpu.memory_space<vmem>> -> memref<1x128xi32, #tpu.memory_space<vmem>>
      %dma_wait3A_48 = tpu.memref_squeeze %dma_wait3A_47 : memref<1x128xi32, #tpu.memory_space<vmem>> -> memref<128xi32, #tpu.memory_space<vmem>>
      %dma_wait3A_49 = arith.constant 0 : i32
      %dma_wait3A_50 = arith.constant 0 : i32
      %dma_wait3A_51 = tpu.memref_slice %arg9[%dma_wait3A_49, %dma_wait3A_50] : memref<10112x128xf32, #tpu.memory_space<vmem_shared>> -> memref<10112x128xf32, #tpu.memory_space<vmem_shared>>
      tpu.wait_indirect_dma semaphore(%run_scoped3A_39 : memref<!tpu.dma_semaphore, #tpu.memory_space<semaphore_mem>>) src(%arg7 : memref<128x128xf32, #tpu.memory_space<vmem>>) dst(%dma_wait3A_51 : memref<10112x128xf32, #tpu.memory_space<vmem_shared>>)
      tpu.yield
    }) : () -> ()
    %barrier3A_34 = arith.constant 0 : index
    tpu.barrier barrier_id(%barrier3A_34)
    %mul3A_35 = arith.constant 632 : i32
    %mul3A_36 = arith.muli %arg1, %mul3A_35 : i32
    %mul3A_37 = arith.constant 632 : i32
    %mul3A_38 = arith.muli %arg1, %mul3A_37 : i32
    "tpu.region"() ({
      %run_scoped3A_39 = tpu.sem_alloc : memref<!tpu.dma_semaphore, #tpu.memory_space<semaphore_mem>>
      %dma_start3A_40 = arith.constant 0 : i32
      %dma_start3A_41 = tpu.memref_slice %arg5[%arg0, %mul3A_38, %dma_start3A_40] : memref<2x10112x128xf32, #tpu.memory_space<hbm>> -> memref<1x632x128xf32, #tpu.memory_space<hbm>>
      %dma_start3A_42 = tpu.memref_squeeze %dma_start3A_41 : memref<1x632x128xf32, #tpu.memory_space<hbm>> -> memref<632x128xf32, #tpu.memory_space<hbm>>
      %dma_start3A_43 = arith.constant 0 : i32
      %dma_start3A_44 = tpu.memref_slice %arg9[%mul3A_36, %dma_start3A_43] : memref<10112x128xf32, #tpu.memory_space<vmem_shared>> -> memref<632x128xf32, #tpu.memory_space<vmem_shared>>
      tpu.enqueue_dma source(%dma_start3A_44 : memref<632x128xf32, #tpu.memory_space<vmem_shared>>) target(%dma_start3A_42 : memref<632x128xf32, #tpu.memory_space<hbm>>) target_semaphore(%run_scoped3A_39 : memref<!tpu.dma_semaphore, #tpu.memory_space<semaphore_mem>>)
      %dma_wait3A_45 = arith.constant 0 : i32
      %dma_wait3A_46 = tpu.memref_slice %arg5[%arg0, %mul3A_38, %dma_wait3A_45] : memref<2x10112x128xf32, #tpu.memory_space<hbm>> -> memref<1x632x128xf32, #tpu.memory_space<hbm>>
      %dma_wait3A_47 = tpu.memref_squeeze %dma_wait3A_46 : memref<1x632x128xf32, #tpu.memory_space<hbm>> -> memref<632x128xf32, #tpu.memory_space<hbm>>
      %dma_wait3A_48 = arith.constant 0 : i32
      %dma_wait3A_49 = tpu.memref_slice %arg9[%mul3A_36, %dma_wait3A_48] : memref<10112x128xf32, #tpu.memory_space<vmem_shared>> -> memref<632x128xf32, #tpu.memory_space<vmem_shared>>
      tpu.wait_dma2 semaphore(%run_scoped3A_39 : memref<!tpu.dma_semaphore, #tpu.memory_space<semaphore_mem>>) src(%dma_wait3A_49 : memref<632x128xf32, #tpu.memory_space<vmem_shared>>) dst(%dma_wait3A_47 : memref<632x128xf32, #tpu.memory_space<hbm>>)
      tpu.yield
    }) : () -> ()
    return
  }
}

#map = affine_map<(d0, d1) -> (0, 0)>
#map1 = affine_map<(d0, d1) -> (0, 0, 0)>
module attributes {stable_mosaic.version = 14 : i64} {
  func.func @_gather_k(%arg0: i32, %arg1: i32, %arg2: memref<10000x128xf32, #tpu.memory_space<hbm>>, %arg3: memref<32x75x128xi32, #tpu.memory_space<hbm>>, %arg4: memref<307200x128xf32, #tpu.memory_space<hbm>>, %arg5: memref<75x128xi32, #tpu.memory_space<vmem>>, %arg6: memref<128x128xf32, #tpu.memory_space<vmem>>, %arg7: memref<128x128xf32, #tpu.memory_space<vmem>>, %arg8: memref<!tpu.dma_semaphore, #tpu.memory_space<semaphore_mem>>, %arg9: memref<!tpu.dma_semaphore, #tpu.memory_space<semaphore_mem>>, %arg10: memref<!tpu.dma_semaphore, #tpu.memory_space<semaphore_mem>>) attributes {dimension_semantics = [#tpu.dimension_semantics<core_parallel>, #tpu.dimension_semantics<subcore_parallel>], iteration_bounds = array<i64: 2, 16>, scalar_prefetch = 0 : i64, scratch_operands = 6 : i64, tpu.core_type = #tpu.core_type<sc_vector_subcore>, window_params = [{transform_indices = #map}, {transform_indices = #map1}, {transform_indices = #map}]} {
    %mul3A = arith.constant 2 : i32
    %mul3A_0 = arith.muli %arg1, %mul3A : i32
    %add3A = arith.addi %mul3A_0, %arg0 : i32
    %mul3A_1 = arith.constant 75 : i32
    %mul3A_2 = arith.muli %add3A, %mul3A_1 : i32
    "tpu.region"() ({
      %run_scoped3A = tpu.sem_alloc : memref<!tpu.dma_semaphore, #tpu.memory_space<semaphore_mem>>
      %dma_start3A_32 = arith.constant 0 : i32
      %dma_start3A_33 = arith.constant 0 : i32
      %dma_start3A_34 = tpu.memref_slice %arg3[%add3A, %dma_start3A_32, %dma_start3A_33] : memref<32x75x128xi32, #tpu.memory_space<hbm>> -> memref<1x75x128xi32, #tpu.memory_space<hbm>>
      %dma_start3A_35 = tpu.memref_squeeze %dma_start3A_34 : memref<1x75x128xi32, #tpu.memory_space<hbm>> -> memref<75x128xi32, #tpu.memory_space<hbm>>
      %dma_start3A_36 = arith.constant 0 : i32
      %dma_start3A_37 = arith.constant 0 : i32
      %dma_start3A_38 = tpu.memref_slice %arg3[%add3A, %dma_start3A_36, %dma_start3A_37] : memref<32x75x128xi32, #tpu.memory_space<hbm>> -> memref<1x75x128xi32, #tpu.memory_space<hbm>>
      %dma_start3A_39 = tpu.memref_squeeze %dma_start3A_38 : memref<1x75x128xi32, #tpu.memory_space<hbm>> -> memref<75x128xi32, #tpu.memory_space<hbm>>
      tpu.enqueue_dma source(%dma_start3A_39 : memref<75x128xi32, #tpu.memory_space<hbm>>) target(%arg5 : memref<75x128xi32, #tpu.memory_space<vmem>>) target_semaphore(%run_scoped3A : memref<!tpu.dma_semaphore, #tpu.memory_space<semaphore_mem>>)
      %dma_wait3A_40 = arith.constant 0 : i32
      %dma_wait3A_41 = arith.constant 0 : i32
      %dma_wait3A_42 = tpu.memref_slice %arg3[%add3A, %dma_wait3A_40, %dma_wait3A_41] : memref<32x75x128xi32, #tpu.memory_space<hbm>> -> memref<1x75x128xi32, #tpu.memory_space<hbm>>
      %dma_wait3A_43 = tpu.memref_squeeze %dma_wait3A_42 : memref<1x75x128xi32, #tpu.memory_space<hbm>> -> memref<75x128xi32, #tpu.memory_space<hbm>>
      %dma_wait3A_44 = arith.constant 0 : i32
      %dma_wait3A_45 = arith.constant 0 : i32
      %dma_wait3A_46 = tpu.memref_slice %arg3[%add3A, %dma_wait3A_44, %dma_wait3A_45] : memref<32x75x128xi32, #tpu.memory_space<hbm>> -> memref<1x75x128xi32, #tpu.memory_space<hbm>>
      %dma_wait3A_47 = tpu.memref_squeeze %dma_wait3A_46 : memref<1x75x128xi32, #tpu.memory_space<hbm>> -> memref<75x128xi32, #tpu.memory_space<hbm>>
      tpu.wait_dma2 semaphore(%run_scoped3A : memref<!tpu.dma_semaphore, #tpu.memory_space<semaphore_mem>>) src(%dma_wait3A_47 : memref<75x128xi32, #tpu.memory_space<hbm>>) dst(%arg5 : memref<75x128xi32, #tpu.memory_space<vmem>>)
      tpu.yield
    }) : () -> ()
    %dma_start3A = arith.constant 0 : i32
    %dma_start3A_3 = arith.constant 0 : i32
    %dma_start3A_4 = tpu.memref_slice %arg5[%dma_start3A, %dma_start3A_3] : memref<75x128xi32, #tpu.memory_space<vmem>> -> memref<1x128xi32, #tpu.memory_space<vmem>>
    %dma_start3A_5 = tpu.memref_squeeze %dma_start3A_4 : memref<1x128xi32, #tpu.memory_space<vmem>> -> memref<128xi32, #tpu.memory_space<vmem>>
    %dma_start3A_6 = arith.constant 0 : i32
    %dma_start3A_7 = arith.constant 0 : i32
    %dma_start3A_8 = tpu.memref_slice %arg2[%dma_start3A_6, %dma_start3A_7] : memref<10000x128xf32, #tpu.memory_space<hbm>> -> memref<10000x128xf32, #tpu.memory_space<hbm>>
    tpu.enqueue_indirect_dma source(%dma_start3A_8 : memref<10000x128xf32, #tpu.memory_space<hbm>>) target(%arg6 : memref<128x128xf32, #tpu.memory_space<vmem>>) offsets(%dma_start3A_5 : memref<128xi32, #tpu.memory_space<vmem>>) semaphore(%arg8 : memref<!tpu.dma_semaphore, #tpu.memory_space<semaphore_mem>>)
    %dma_start3A_9 = arith.constant 1 : i32
    %dma_start3A_10 = arith.constant 0 : i32
    %dma_start3A_11 = tpu.memref_slice %arg5[%dma_start3A_9, %dma_start3A_10] : memref<75x128xi32, #tpu.memory_space<vmem>> -> memref<1x128xi32, #tpu.memory_space<vmem>>
    %dma_start3A_12 = tpu.memref_squeeze %dma_start3A_11 : memref<1x128xi32, #tpu.memory_space<vmem>> -> memref<128xi32, #tpu.memory_space<vmem>>
    %dma_start3A_13 = arith.constant 0 : i32
    %dma_start3A_14 = arith.constant 0 : i32
    %dma_start3A_15 = tpu.memref_slice %arg2[%dma_start3A_13, %dma_start3A_14] : memref<10000x128xf32, #tpu.memory_space<hbm>> -> memref<10000x128xf32, #tpu.memory_space<hbm>>
    tpu.enqueue_indirect_dma source(%dma_start3A_15 : memref<10000x128xf32, #tpu.memory_space<hbm>>) target(%arg7 : memref<128x128xf32, #tpu.memory_space<vmem>>) offsets(%dma_start3A_12 : memref<128xi32, #tpu.memory_space<vmem>>) semaphore(%arg9 : memref<!tpu.dma_semaphore, #tpu.memory_space<semaphore_mem>>)
    %scan3A = arith.constant 0 : i32
    %scan3A_16 = arith.constant 0 : i32
    %scan3A_17 = arith.constant 37 : i32
    %scan3A_18 = arith.addi %scan3A_16, %scan3A_17 : i32
    %scan3A_19 = arith.constant 1 : i32
    scf.for %scan3A_32 = %scan3A_16 to %scan3A_18 step %scan3A_19  : i32 {
      %mul3A_33 = arith.constant 2 : i32
      %mul3A_34 = arith.muli %mul3A_33, %scan3A_32 : i32
      %add3A_35 = arith.constant 1 : i32
      %add3A_36 = arith.addi %mul3A_34, %add3A_35 : i32
      %dma_wait3A_37 = arith.constant 0 : i32
      %dma_wait3A_38 = tpu.memref_slice %arg5[%mul3A_34, %dma_wait3A_37] : memref<75x128xi32, #tpu.memory_space<vmem>> -> memref<1x128xi32, #tpu.memory_space<vmem>>
      %dma_wait3A_39 = tpu.memref_squeeze %dma_wait3A_38 : memref<1x128xi32, #tpu.memory_space<vmem>> -> memref<128xi32, #tpu.memory_space<vmem>>
      %dma_wait3A_40 = arith.constant 0 : i32
      %dma_wait3A_41 = arith.constant 0 : i32
      %dma_wait3A_42 = tpu.memref_slice %arg2[%dma_wait3A_40, %dma_wait3A_41] : memref<10000x128xf32, #tpu.memory_space<hbm>> -> memref<10000x128xf32, #tpu.memory_space<hbm>>
      tpu.wait_indirect_dma semaphore(%arg8 : memref<!tpu.dma_semaphore, #tpu.memory_space<semaphore_mem>>) src(%dma_wait3A_42 : memref<10000x128xf32, #tpu.memory_space<hbm>>) dst(%arg6 : memref<128x128xf32, #tpu.memory_space<vmem>>)
      %add3A_43 = arith.addi %mul3A_2, %mul3A_34 : i32
      %mul3A_44 = arith.constant 128 : i32
      %mul3A_45 = arith.muli %add3A_43, %mul3A_44 : i32
      "tpu.region"() ({
        %run_scoped3A = tpu.sem_alloc : memref<!tpu.dma_semaphore, #tpu.memory_space<semaphore_mem>>
        %dma_start3A_66 = arith.constant 0 : i32
        %dma_start3A_67 = tpu.memref_slice %arg4[%mul3A_45, %dma_start3A_66] : memref<307200x128xf32, #tpu.memory_space<hbm>> -> memref<128x128xf32, #tpu.memory_space<hbm>>
        %dma_start3A_68 = arith.constant 0 : i32
        %dma_start3A_69 = tpu.memref_slice %arg4[%mul3A_45, %dma_start3A_68] : memref<307200x128xf32, #tpu.memory_space<hbm>> -> memref<128x128xf32, #tpu.memory_space<hbm>>
        tpu.enqueue_dma source(%arg6 : memref<128x128xf32, #tpu.memory_space<vmem>>) target(%dma_start3A_69 : memref<128x128xf32, #tpu.memory_space<hbm>>) target_semaphore(%run_scoped3A : memref<!tpu.dma_semaphore, #tpu.memory_space<semaphore_mem>>)
        %dma_wait3A_70 = arith.constant 0 : i32
        %dma_wait3A_71 = tpu.memref_slice %arg4[%mul3A_45, %dma_wait3A_70] : memref<307200x128xf32, #tpu.memory_space<hbm>> -> memref<128x128xf32, #tpu.memory_space<hbm>>
        %dma_wait3A_72 = arith.constant 0 : i32
        %dma_wait3A_73 = tpu.memref_slice %arg4[%mul3A_45, %dma_wait3A_72] : memref<307200x128xf32, #tpu.memory_space<hbm>> -> memref<128x128xf32, #tpu.memory_space<hbm>>
        tpu.wait_dma2 semaphore(%run_scoped3A : memref<!tpu.dma_semaphore, #tpu.memory_space<semaphore_mem>>) src(%arg6 : memref<128x128xf32, #tpu.memory_space<vmem>>) dst(%dma_wait3A_73 : memref<128x128xf32, #tpu.memory_space<hbm>>)
        tpu.yield
      }) : () -> ()
      %add3A_46 = arith.constant 2 : i32
      %add3A_47 = arith.addi %mul3A_34, %add3A_46 : i32
      %lt3A = arith.constant 75 : i32
      %lt3A_48 = arith.cmpi slt, %add3A_47, %lt3A : i32
      %convert_element_type3A = arith.extui %lt3A_48 : i1 to i32
      %cond3A = arith.constant 0 : i32
      %cond3A_49 = arith.cmpi ne, %convert_element_type3A, %cond3A : i32
      scf.if %cond3A_49 {
        %add3A_66 = arith.constant 2 : i32
        %add3A_67 = arith.addi %mul3A_34, %add3A_66 : i32
        %dma_start3A_68 = arith.constant 0 : i32
        %dma_start3A_69 = tpu.memref_slice %arg5[%add3A_67, %dma_start3A_68] : memref<75x128xi32, #tpu.memory_space<vmem>> -> memref<1x128xi32, #tpu.memory_space<vmem>>
        %dma_start3A_70 = tpu.memref_squeeze %dma_start3A_69 : memref<1x128xi32, #tpu.memory_space<vmem>> -> memref<128xi32, #tpu.memory_space<vmem>>
        %dma_start3A_71 = arith.constant 0 : i32
        %dma_start3A_72 = arith.constant 0 : i32
        %dma_start3A_73 = tpu.memref_slice %arg2[%dma_start3A_71, %dma_start3A_72] : memref<10000x128xf32, #tpu.memory_space<hbm>> -> memref<10000x128xf32, #tpu.memory_space<hbm>>
        tpu.enqueue_indirect_dma source(%dma_start3A_73 : memref<10000x128xf32, #tpu.memory_space<hbm>>) target(%arg6 : memref<128x128xf32, #tpu.memory_space<vmem>>) offsets(%dma_start3A_70 : memref<128xi32, #tpu.memory_space<vmem>>) semaphore(%arg8 : memref<!tpu.dma_semaphore, #tpu.memory_space<semaphore_mem>>)
      } else {
      }
      %dma_wait3A_50 = arith.constant 0 : i32
      %dma_wait3A_51 = tpu.memref_slice %arg5[%add3A_36, %dma_wait3A_50] : memref<75x128xi32, #tpu.memory_space<vmem>> -> memref<1x128xi32, #tpu.memory_space<vmem>>
      %dma_wait3A_52 = tpu.memref_squeeze %dma_wait3A_51 : memref<1x128xi32, #tpu.memory_space<vmem>> -> memref<128xi32, #tpu.memory_space<vmem>>
      %dma_wait3A_53 = arith.constant 0 : i32
      %dma_wait3A_54 = arith.constant 0 : i32
      %dma_wait3A_55 = tpu.memref_slice %arg2[%dma_wait3A_53, %dma_wait3A_54] : memref<10000x128xf32, #tpu.memory_space<hbm>> -> memref<10000x128xf32, #tpu.memory_space<hbm>>
      tpu.wait_indirect_dma semaphore(%arg9 : memref<!tpu.dma_semaphore, #tpu.memory_space<semaphore_mem>>) src(%dma_wait3A_55 : memref<10000x128xf32, #tpu.memory_space<hbm>>) dst(%arg7 : memref<128x128xf32, #tpu.memory_space<vmem>>)
      %add3A_56 = arith.addi %mul3A_2, %add3A_36 : i32
      %mul3A_57 = arith.constant 128 : i32
      %mul3A_58 = arith.muli %add3A_56, %mul3A_57 : i32
      "tpu.region"() ({
        %run_scoped3A = tpu.sem_alloc : memref<!tpu.dma_semaphore, #tpu.memory_space<semaphore_mem>>
        %dma_start3A_66 = arith.constant 0 : i32
        %dma_start3A_67 = tpu.memref_slice %arg4[%mul3A_58, %dma_start3A_66] : memref<307200x128xf32, #tpu.memory_space<hbm>> -> memref<128x128xf32, #tpu.memory_space<hbm>>
        %dma_start3A_68 = arith.constant 0 : i32
        %dma_start3A_69 = tpu.memref_slice %arg4[%mul3A_58, %dma_start3A_68] : memref<307200x128xf32, #tpu.memory_space<hbm>> -> memref<128x128xf32, #tpu.memory_space<hbm>>
        tpu.enqueue_dma source(%arg7 : memref<128x128xf32, #tpu.memory_space<vmem>>) target(%dma_start3A_69 : memref<128x128xf32, #tpu.memory_space<hbm>>) target_semaphore(%run_scoped3A : memref<!tpu.dma_semaphore, #tpu.memory_space<semaphore_mem>>)
        %dma_wait3A_70 = arith.constant 0 : i32
        %dma_wait3A_71 = tpu.memref_slice %arg4[%mul3A_58, %dma_wait3A_70] : memref<307200x128xf32, #tpu.memory_space<hbm>> -> memref<128x128xf32, #tpu.memory_space<hbm>>
        %dma_wait3A_72 = arith.constant 0 : i32
        %dma_wait3A_73 = tpu.memref_slice %arg4[%mul3A_58, %dma_wait3A_72] : memref<307200x128xf32, #tpu.memory_space<hbm>> -> memref<128x128xf32, #tpu.memory_space<hbm>>
        tpu.wait_dma2 semaphore(%run_scoped3A : memref<!tpu.dma_semaphore, #tpu.memory_space<semaphore_mem>>) src(%arg7 : memref<128x128xf32, #tpu.memory_space<vmem>>) dst(%dma_wait3A_73 : memref<128x128xf32, #tpu.memory_space<hbm>>)
        tpu.yield
      }) : () -> ()
      %add3A_59 = arith.constant 2 : i32
      %add3A_60 = arith.addi %add3A_36, %add3A_59 : i32
      %lt3A_61 = arith.constant 75 : i32
      %lt3A_62 = arith.cmpi slt, %add3A_60, %lt3A_61 : i32
      %convert_element_type3A_63 = arith.extui %lt3A_62 : i1 to i32
      %cond3A_64 = arith.constant 0 : i32
      %cond3A_65 = arith.cmpi ne, %convert_element_type3A_63, %cond3A_64 : i32
      scf.if %cond3A_65 {
        %add3A_66 = arith.constant 2 : i32
        %add3A_67 = arith.addi %add3A_36, %add3A_66 : i32
        %dma_start3A_68 = arith.constant 0 : i32
        %dma_start3A_69 = tpu.memref_slice %arg5[%add3A_67, %dma_start3A_68] : memref<75x128xi32, #tpu.memory_space<vmem>> -> memref<1x128xi32, #tpu.memory_space<vmem>>
        %dma_start3A_70 = tpu.memref_squeeze %dma_start3A_69 : memref<1x128xi32, #tpu.memory_space<vmem>> -> memref<128xi32, #tpu.memory_space<vmem>>
        %dma_start3A_71 = arith.constant 0 : i32
        %dma_start3A_72 = arith.constant 0 : i32
        %dma_start3A_73 = tpu.memref_slice %arg2[%dma_start3A_71, %dma_start3A_72] : memref<10000x128xf32, #tpu.memory_space<hbm>> -> memref<10000x128xf32, #tpu.memory_space<hbm>>
        tpu.enqueue_indirect_dma source(%dma_start3A_73 : memref<10000x128xf32, #tpu.memory_space<hbm>>) target(%arg7 : memref<128x128xf32, #tpu.memory_space<vmem>>) offsets(%dma_start3A_70 : memref<128xi32, #tpu.memory_space<vmem>>) semaphore(%arg9 : memref<!tpu.dma_semaphore, #tpu.memory_space<semaphore_mem>>)
      } else {
      }
    }
    %scan3A_20 = arith.constant 37 : i32
    %dma_wait3A = arith.constant 74 : i32
    %dma_wait3A_21 = arith.constant 0 : i32
    %dma_wait3A_22 = tpu.memref_slice %arg5[%dma_wait3A, %dma_wait3A_21] : memref<75x128xi32, #tpu.memory_space<vmem>> -> memref<1x128xi32, #tpu.memory_space<vmem>>
    %dma_wait3A_23 = tpu.memref_squeeze %dma_wait3A_22 : memref<1x128xi32, #tpu.memory_space<vmem>> -> memref<128xi32, #tpu.memory_space<vmem>>
    %dma_wait3A_24 = arith.constant 0 : i32
    %dma_wait3A_25 = arith.constant 0 : i32
    %dma_wait3A_26 = tpu.memref_slice %arg2[%dma_wait3A_24, %dma_wait3A_25] : memref<10000x128xf32, #tpu.memory_space<hbm>> -> memref<10000x128xf32, #tpu.memory_space<hbm>>
    tpu.wait_indirect_dma semaphore(%arg8 : memref<!tpu.dma_semaphore, #tpu.memory_space<semaphore_mem>>) src(%dma_wait3A_26 : memref<10000x128xf32, #tpu.memory_space<hbm>>) dst(%arg6 : memref<128x128xf32, #tpu.memory_space<vmem>>)
    %add3A_27 = arith.constant 75 : i32
    %add3A_28 = arith.addi %mul3A_2, %add3A_27 : i32
    %sub3A = arith.constant 1 : i32
    %sub3A_29 = arith.subi %add3A_28, %sub3A : i32
    %mul3A_30 = arith.constant 128 : i32
    %mul3A_31 = arith.muli %sub3A_29, %mul3A_30 : i32
    "tpu.region"() ({
      %run_scoped3A = tpu.sem_alloc : memref<!tpu.dma_semaphore, #tpu.memory_space<semaphore_mem>>
      %dma_start3A_32 = arith.constant 0 : i32
      %dma_start3A_33 = tpu.memref_slice %arg4[%mul3A_31, %dma_start3A_32] : memref<307200x128xf32, #tpu.memory_space<hbm>> -> memref<128x128xf32, #tpu.memory_space<hbm>>
      %dma_start3A_34 = arith.constant 0 : i32
      %dma_start3A_35 = tpu.memref_slice %arg4[%mul3A_31, %dma_start3A_34] : memref<307200x128xf32, #tpu.memory_space<hbm>> -> memref<128x128xf32, #tpu.memory_space<hbm>>
      tpu.enqueue_dma source(%arg6 : memref<128x128xf32, #tpu.memory_space<vmem>>) target(%dma_start3A_35 : memref<128x128xf32, #tpu.memory_space<hbm>>) target_semaphore(%run_scoped3A : memref<!tpu.dma_semaphore, #tpu.memory_space<semaphore_mem>>)
      %dma_wait3A_36 = arith.constant 0 : i32
      %dma_wait3A_37 = tpu.memref_slice %arg4[%mul3A_31, %dma_wait3A_36] : memref<307200x128xf32, #tpu.memory_space<hbm>> -> memref<128x128xf32, #tpu.memory_space<hbm>>
      %dma_wait3A_38 = arith.constant 0 : i32
      %dma_wait3A_39 = tpu.memref_slice %arg4[%mul3A_31, %dma_wait3A_38] : memref<307200x128xf32, #tpu.memory_space<hbm>> -> memref<128x128xf32, #tpu.memory_space<hbm>>
      tpu.wait_dma2 semaphore(%run_scoped3A : memref<!tpu.dma_semaphore, #tpu.memory_space<semaphore_mem>>) src(%arg6 : memref<128x128xf32, #tpu.memory_space<vmem>>) dst(%dma_wait3A_39 : memref<128x128xf32, #tpu.memory_space<hbm>>)
      tpu.yield
    }) : () -> ()
    return
  }
}

#map = affine_map<(d0, d1) -> (0, 0)>
#map1 = affine_map<(d0, d1) -> (0, 0, 0)>
module attributes {stable_mosaic.version = 14 : i64} {
  func.func @_gather_k(%arg0: i32, %arg1: i32, %arg2: memref<10000x128xf32, #tpu.memory_space<hbm>>, %arg3: memref<32x75x128xi32, #tpu.memory_space<hbm>>, %arg4: memref<307200x128xf32, #tpu.memory_space<hbm>>, %arg5: memref<75x128xi32, #tpu.memory_space<vmem>>, %arg6: memref<128x128xf32, #tpu.memory_space<vmem>>, %arg7: memref<128x128xf32, #tpu.memory_space<vmem>>, %arg8: memref<!tpu.dma_semaphore, #tpu.memory_space<semaphore_mem>>, %arg9: memref<!tpu.dma_semaphore, #tpu.memory_space<semaphore_mem>>, %arg10: memref<!tpu.dma_semaphore, #tpu.memory_space<semaphore_mem>>) attributes {dimension_semantics = [#tpu.dimension_semantics<core_parallel>, #tpu.dimension_semantics<subcore_parallel>], iteration_bounds = array<i64: 2, 16>, scalar_prefetch = 0 : i64, scratch_operands = 6 : i64, tpu.core_type = #tpu.core_type<sc_vector_subcore>, window_params = [{transform_indices = #map}, {transform_indices = #map1}, {transform_indices = #map}]} {
    %mul3A = arith.constant 2 : i32
    %mul3A_0 = arith.muli %arg1, %mul3A : i32
    %add3A = arith.addi %mul3A_0, %arg0 : i32
    %mul3A_1 = arith.constant 75 : i32
    %mul3A_2 = arith.muli %add3A, %mul3A_1 : i32
    "tpu.region"() ({
      %run_scoped3A = tpu.sem_alloc : memref<!tpu.dma_semaphore, #tpu.memory_space<semaphore_mem>>
      %dma_start3A_32 = arith.constant 0 : i32
      %dma_start3A_33 = arith.constant 0 : i32
      %dma_start3A_34 = tpu.memref_slice %arg3[%add3A, %dma_start3A_32, %dma_start3A_33] : memref<32x75x128xi32, #tpu.memory_space<hbm>> -> memref<1x75x128xi32, #tpu.memory_space<hbm>>
      %dma_start3A_35 = tpu.memref_squeeze %dma_start3A_34 : memref<1x75x128xi32, #tpu.memory_space<hbm>> -> memref<75x128xi32, #tpu.memory_space<hbm>>
      %dma_start3A_36 = arith.constant 0 : i32
      %dma_start3A_37 = arith.constant 0 : i32
      %dma_start3A_38 = tpu.memref_slice %arg3[%add3A, %dma_start3A_36, %dma_start3A_37] : memref<32x75x128xi32, #tpu.memory_space<hbm>> -> memref<1x75x128xi32, #tpu.memory_space<hbm>>
      %dma_start3A_39 = tpu.memref_squeeze %dma_start3A_38 : memref<1x75x128xi32, #tpu.memory_space<hbm>> -> memref<75x128xi32, #tpu.memory_space<hbm>>
      tpu.enqueue_dma source(%dma_start3A_39 : memref<75x128xi32, #tpu.memory_space<hbm>>) target(%arg5 : memref<75x128xi32, #tpu.memory_space<vmem>>) target_semaphore(%run_scoped3A : memref<!tpu.dma_semaphore, #tpu.memory_space<semaphore_mem>>)
      %dma_wait3A_40 = arith.constant 0 : i32
      %dma_wait3A_41 = arith.constant 0 : i32
      %dma_wait3A_42 = tpu.memref_slice %arg3[%add3A, %dma_wait3A_40, %dma_wait3A_41] : memref<32x75x128xi32, #tpu.memory_space<hbm>> -> memref<1x75x128xi32, #tpu.memory_space<hbm>>
      %dma_wait3A_43 = tpu.memref_squeeze %dma_wait3A_42 : memref<1x75x128xi32, #tpu.memory_space<hbm>> -> memref<75x128xi32, #tpu.memory_space<hbm>>
      %dma_wait3A_44 = arith.constant 0 : i32
      %dma_wait3A_45 = arith.constant 0 : i32
      %dma_wait3A_46 = tpu.memref_slice %arg3[%add3A, %dma_wait3A_44, %dma_wait3A_45] : memref<32x75x128xi32, #tpu.memory_space<hbm>> -> memref<1x75x128xi32, #tpu.memory_space<hbm>>
      %dma_wait3A_47 = tpu.memref_squeeze %dma_wait3A_46 : memref<1x75x128xi32, #tpu.memory_space<hbm>> -> memref<75x128xi32, #tpu.memory_space<hbm>>
      tpu.wait_dma2 semaphore(%run_scoped3A : memref<!tpu.dma_semaphore, #tpu.memory_space<semaphore_mem>>) src(%dma_wait3A_47 : memref<75x128xi32, #tpu.memory_space<hbm>>) dst(%arg5 : memref<75x128xi32, #tpu.memory_space<vmem>>)
      tpu.yield
    }) : () -> ()
    %dma_start3A = arith.constant 0 : i32
    %dma_start3A_3 = arith.constant 0 : i32
    %dma_start3A_4 = tpu.memref_slice %arg5[%dma_start3A, %dma_start3A_3] : memref<75x128xi32, #tpu.memory_space<vmem>> -> memref<1x128xi32, #tpu.memory_space<vmem>>
    %dma_start3A_5 = tpu.memref_squeeze %dma_start3A_4 : memref<1x128xi32, #tpu.memory_space<vmem>> -> memref<128xi32, #tpu.memory_space<vmem>>
    %dma_start3A_6 = arith.constant 0 : i32
    %dma_start3A_7 = arith.constant 0 : i32
    %dma_start3A_8 = tpu.memref_slice %arg2[%dma_start3A_6, %dma_start3A_7] : memref<10000x128xf32, #tpu.memory_space<hbm>> -> memref<10000x128xf32, #tpu.memory_space<hbm>>
    tpu.enqueue_indirect_dma source(%dma_start3A_8 : memref<10000x128xf32, #tpu.memory_space<hbm>>) target(%arg6 : memref<128x128xf32, #tpu.memory_space<vmem>>) offsets(%dma_start3A_5 : memref<128xi32, #tpu.memory_space<vmem>>) semaphore(%arg8 : memref<!tpu.dma_semaphore, #tpu.memory_space<semaphore_mem>>)
    %dma_start3A_9 = arith.constant 1 : i32
    %dma_start3A_10 = arith.constant 0 : i32
    %dma_start3A_11 = tpu.memref_slice %arg5[%dma_start3A_9, %dma_start3A_10] : memref<75x128xi32, #tpu.memory_space<vmem>> -> memref<1x128xi32, #tpu.memory_space<vmem>>
    %dma_start3A_12 = tpu.memref_squeeze %dma_start3A_11 : memref<1x128xi32, #tpu.memory_space<vmem>> -> memref<128xi32, #tpu.memory_space<vmem>>
    %dma_start3A_13 = arith.constant 0 : i32
    %dma_start3A_14 = arith.constant 0 : i32
    %dma_start3A_15 = tpu.memref_slice %arg2[%dma_start3A_13, %dma_start3A_14] : memref<10000x128xf32, #tpu.memory_space<hbm>> -> memref<10000x128xf32, #tpu.memory_space<hbm>>
    tpu.enqueue_indirect_dma source(%dma_start3A_15 : memref<10000x128xf32, #tpu.memory_space<hbm>>) target(%arg7 : memref<128x128xf32, #tpu.memory_space<vmem>>) offsets(%dma_start3A_12 : memref<128xi32, #tpu.memory_space<vmem>>) semaphore(%arg9 : memref<!tpu.dma_semaphore, #tpu.memory_space<semaphore_mem>>)
    %scan3A = arith.constant 0 : i32
    %scan3A_16 = arith.constant 0 : i32
    %scan3A_17 = arith.constant 37 : i32
    %scan3A_18 = arith.addi %scan3A_16, %scan3A_17 : i32
    %scan3A_19 = arith.constant 1 : i32
    scf.for %scan3A_32 = %scan3A_16 to %scan3A_18 step %scan3A_19  : i32 {
      %mul3A_33 = arith.constant 2 : i32
      %mul3A_34 = arith.muli %mul3A_33, %scan3A_32 : i32
      %add3A_35 = arith.constant 1 : i32
      %add3A_36 = arith.addi %mul3A_34, %add3A_35 : i32
      %dma_wait3A_37 = arith.constant 0 : i32
      %dma_wait3A_38 = tpu.memref_slice %arg5[%mul3A_34, %dma_wait3A_37] : memref<75x128xi32, #tpu.memory_space<vmem>> -> memref<1x128xi32, #tpu.memory_space<vmem>>
      %dma_wait3A_39 = tpu.memref_squeeze %dma_wait3A_38 : memref<1x128xi32, #tpu.memory_space<vmem>> -> memref<128xi32, #tpu.memory_space<vmem>>
      %dma_wait3A_40 = arith.constant 0 : i32
      %dma_wait3A_41 = arith.constant 0 : i32
      %dma_wait3A_42 = tpu.memref_slice %arg2[%dma_wait3A_40, %dma_wait3A_41] : memref<10000x128xf32, #tpu.memory_space<hbm>> -> memref<10000x128xf32, #tpu.memory_space<hbm>>
      tpu.wait_indirect_dma semaphore(%arg8 : memref<!tpu.dma_semaphore, #tpu.memory_space<semaphore_mem>>) src(%dma_wait3A_42 : memref<10000x128xf32, #tpu.memory_space<hbm>>) dst(%arg6 : memref<128x128xf32, #tpu.memory_space<vmem>>)
      %add3A_43 = arith.addi %mul3A_2, %mul3A_34 : i32
      %mul3A_44 = arith.constant 128 : i32
      %mul3A_45 = arith.muli %add3A_43, %mul3A_44 : i32
      "tpu.region"() ({
        %run_scoped3A = tpu.sem_alloc : memref<!tpu.dma_semaphore, #tpu.memory_space<semaphore_mem>>
        %dma_start3A_66 = arith.constant 0 : i32
        %dma_start3A_67 = tpu.memref_slice %arg4[%mul3A_45, %dma_start3A_66] : memref<307200x128xf32, #tpu.memory_space<hbm>> -> memref<128x128xf32, #tpu.memory_space<hbm>>
        %dma_start3A_68 = arith.constant 0 : i32
        %dma_start3A_69 = tpu.memref_slice %arg4[%mul3A_45, %dma_start3A_68] : memref<307200x128xf32, #tpu.memory_space<hbm>> -> memref<128x128xf32, #tpu.memory_space<hbm>>
        tpu.enqueue_dma source(%arg6 : memref<128x128xf32, #tpu.memory_space<vmem>>) target(%dma_start3A_69 : memref<128x128xf32, #tpu.memory_space<hbm>>) target_semaphore(%run_scoped3A : memref<!tpu.dma_semaphore, #tpu.memory_space<semaphore_mem>>)
        %dma_wait3A_70 = arith.constant 0 : i32
        %dma_wait3A_71 = tpu.memref_slice %arg4[%mul3A_45, %dma_wait3A_70] : memref<307200x128xf32, #tpu.memory_space<hbm>> -> memref<128x128xf32, #tpu.memory_space<hbm>>
        %dma_wait3A_72 = arith.constant 0 : i32
        %dma_wait3A_73 = tpu.memref_slice %arg4[%mul3A_45, %dma_wait3A_72] : memref<307200x128xf32, #tpu.memory_space<hbm>> -> memref<128x128xf32, #tpu.memory_space<hbm>>
        tpu.wait_dma2 semaphore(%run_scoped3A : memref<!tpu.dma_semaphore, #tpu.memory_space<semaphore_mem>>) src(%arg6 : memref<128x128xf32, #tpu.memory_space<vmem>>) dst(%dma_wait3A_73 : memref<128x128xf32, #tpu.memory_space<hbm>>)
        tpu.yield
      }) : () -> ()
      %add3A_46 = arith.constant 2 : i32
      %add3A_47 = arith.addi %mul3A_34, %add3A_46 : i32
      %lt3A = arith.constant 75 : i32
      %lt3A_48 = arith.cmpi slt, %add3A_47, %lt3A : i32
      %convert_element_type3A = arith.extui %lt3A_48 : i1 to i32
      %cond3A = arith.constant 0 : i32
      %cond3A_49 = arith.cmpi ne, %convert_element_type3A, %cond3A : i32
      scf.if %cond3A_49 {
        %add3A_66 = arith.constant 2 : i32
        %add3A_67 = arith.addi %mul3A_34, %add3A_66 : i32
        %dma_start3A_68 = arith.constant 0 : i32
        %dma_start3A_69 = tpu.memref_slice %arg5[%add3A_67, %dma_start3A_68] : memref<75x128xi32, #tpu.memory_space<vmem>> -> memref<1x128xi32, #tpu.memory_space<vmem>>
        %dma_start3A_70 = tpu.memref_squeeze %dma_start3A_69 : memref<1x128xi32, #tpu.memory_space<vmem>> -> memref<128xi32, #tpu.memory_space<vmem>>
        %dma_start3A_71 = arith.constant 0 : i32
        %dma_start3A_72 = arith.constant 0 : i32
        %dma_start3A_73 = tpu.memref_slice %arg2[%dma_start3A_71, %dma_start3A_72] : memref<10000x128xf32, #tpu.memory_space<hbm>> -> memref<10000x128xf32, #tpu.memory_space<hbm>>
        tpu.enqueue_indirect_dma source(%dma_start3A_73 : memref<10000x128xf32, #tpu.memory_space<hbm>>) target(%arg6 : memref<128x128xf32, #tpu.memory_space<vmem>>) offsets(%dma_start3A_70 : memref<128xi32, #tpu.memory_space<vmem>>) semaphore(%arg8 : memref<!tpu.dma_semaphore, #tpu.memory_space<semaphore_mem>>)
      } else {
      }
      %dma_wait3A_50 = arith.constant 0 : i32
      %dma_wait3A_51 = tpu.memref_slice %arg5[%add3A_36, %dma_wait3A_50] : memref<75x128xi32, #tpu.memory_space<vmem>> -> memref<1x128xi32, #tpu.memory_space<vmem>>
      %dma_wait3A_52 = tpu.memref_squeeze %dma_wait3A_51 : memref<1x128xi32, #tpu.memory_space<vmem>> -> memref<128xi32, #tpu.memory_space<vmem>>
      %dma_wait3A_53 = arith.constant 0 : i32
      %dma_wait3A_54 = arith.constant 0 : i32
      %dma_wait3A_55 = tpu.memref_slice %arg2[%dma_wait3A_53, %dma_wait3A_54] : memref<10000x128xf32, #tpu.memory_space<hbm>> -> memref<10000x128xf32, #tpu.memory_space<hbm>>
      tpu.wait_indirect_dma semaphore(%arg9 : memref<!tpu.dma_semaphore, #tpu.memory_space<semaphore_mem>>) src(%dma_wait3A_55 : memref<10000x128xf32, #tpu.memory_space<hbm>>) dst(%arg7 : memref<128x128xf32, #tpu.memory_space<vmem>>)
      %add3A_56 = arith.addi %mul3A_2, %add3A_36 : i32
      %mul3A_57 = arith.constant 128 : i32
      %mul3A_58 = arith.muli %add3A_56, %mul3A_57 : i32
      "tpu.region"() ({
        %run_scoped3A = tpu.sem_alloc : memref<!tpu.dma_semaphore, #tpu.memory_space<semaphore_mem>>
        %dma_start3A_66 = arith.constant 0 : i32
        %dma_start3A_67 = tpu.memref_slice %arg4[%mul3A_58, %dma_start3A_66] : memref<307200x128xf32, #tpu.memory_space<hbm>> -> memref<128x128xf32, #tpu.memory_space<hbm>>
        %dma_start3A_68 = arith.constant 0 : i32
        %dma_start3A_69 = tpu.memref_slice %arg4[%mul3A_58, %dma_start3A_68] : memref<307200x128xf32, #tpu.memory_space<hbm>> -> memref<128x128xf32, #tpu.memory_space<hbm>>
        tpu.enqueue_dma source(%arg7 : memref<128x128xf32, #tpu.memory_space<vmem>>) target(%dma_start3A_69 : memref<128x128xf32, #tpu.memory_space<hbm>>) target_semaphore(%run_scoped3A : memref<!tpu.dma_semaphore, #tpu.memory_space<semaphore_mem>>)
        %dma_wait3A_70 = arith.constant 0 : i32
        %dma_wait3A_71 = tpu.memref_slice %arg4[%mul3A_58, %dma_wait3A_70] : memref<307200x128xf32, #tpu.memory_space<hbm>> -> memref<128x128xf32, #tpu.memory_space<hbm>>
        %dma_wait3A_72 = arith.constant 0 : i32
        %dma_wait3A_73 = tpu.memref_slice %arg4[%mul3A_58, %dma_wait3A_72] : memref<307200x128xf32, #tpu.memory_space<hbm>> -> memref<128x128xf32, #tpu.memory_space<hbm>>
        tpu.wait_dma2 semaphore(%run_scoped3A : memref<!tpu.dma_semaphore, #tpu.memory_space<semaphore_mem>>) src(%arg7 : memref<128x128xf32, #tpu.memory_space<vmem>>) dst(%dma_wait3A_73 : memref<128x128xf32, #tpu.memory_space<hbm>>)
        tpu.yield
      }) : () -> ()
      %add3A_59 = arith.constant 2 : i32
      %add3A_60 = arith.addi %add3A_36, %add3A_59 : i32
      %lt3A_61 = arith.constant 75 : i32
      %lt3A_62 = arith.cmpi slt, %add3A_60, %lt3A_61 : i32
      %convert_element_type3A_63 = arith.extui %lt3A_62 : i1 to i32
      %cond3A_64 = arith.constant 0 : i32
      %cond3A_65 = arith.cmpi ne, %convert_element_type3A_63, %cond3A_64 : i32
      scf.if %cond3A_65 {
        %add3A_66 = arith.constant 2 : i32
        %add3A_67 = arith.addi %add3A_36, %add3A_66 : i32
        %dma_start3A_68 = arith.constant 0 : i32
        %dma_start3A_69 = tpu.memref_slice %arg5[%add3A_67, %dma_start3A_68] : memref<75x128xi32, #tpu.memory_space<vmem>> -> memref<1x128xi32, #tpu.memory_space<vmem>>
        %dma_start3A_70 = tpu.memref_squeeze %dma_start3A_69 : memref<1x128xi32, #tpu.memory_space<vmem>> -> memref<128xi32, #tpu.memory_space<vmem>>
        %dma_start3A_71 = arith.constant 0 : i32
        %dma_start3A_72 = arith.constant 0 : i32
        %dma_start3A_73 = tpu.memref_slice %arg2[%dma_start3A_71, %dma_start3A_72] : memref<10000x128xf32, #tpu.memory_space<hbm>> -> memref<10000x128xf32, #tpu.memory_space<hbm>>
        tpu.enqueue_indirect_dma source(%dma_start3A_73 : memref<10000x128xf32, #tpu.memory_space<hbm>>) target(%arg7 : memref<128x128xf32, #tpu.memory_space<vmem>>) offsets(%dma_start3A_70 : memref<128xi32, #tpu.memory_space<vmem>>) semaphore(%arg9 : memref<!tpu.dma_semaphore, #tpu.memory_space<semaphore_mem>>)
      } else {
      }
    }
    %scan3A_20 = arith.constant 37 : i32
    %dma_wait3A = arith.constant 74 : i32
    %dma_wait3A_21 = arith.constant 0 : i32
    %dma_wait3A_22 = tpu.memref_slice %arg5[%dma_wait3A, %dma_wait3A_21] : memref<75x128xi32, #tpu.memory_space<vmem>> -> memref<1x128xi32, #tpu.memory_space<vmem>>
    %dma_wait3A_23 = tpu.memref_squeeze %dma_wait3A_22 : memref<1x128xi32, #tpu.memory_space<vmem>> -> memref<128xi32, #tpu.memory_space<vmem>>
    %dma_wait3A_24 = arith.constant 0 : i32
    %dma_wait3A_25 = arith.constant 0 : i32
    %dma_wait3A_26 = tpu.memref_slice %arg2[%dma_wait3A_24, %dma_wait3A_25] : memref<10000x128xf32, #tpu.memory_space<hbm>> -> memref<10000x128xf32, #tpu.memory_space<hbm>>
    tpu.wait_indirect_dma semaphore(%arg8 : memref<!tpu.dma_semaphore, #tpu.memory_space<semaphore_mem>>) src(%dma_wait3A_26 : memref<10000x128xf32, #tpu.memory_space<hbm>>) dst(%arg6 : memref<128x128xf32, #tpu.memory_space<vmem>>)
    %add3A_27 = arith.constant 75 : i32
    %add3A_28 = arith.addi %mul3A_2, %add3A_27 : i32
    %sub3A = arith.constant 1 : i32
    %sub3A_29 = arith.subi %add3A_28, %sub3A : i32
    %mul3A_30 = arith.constant 128 : i32
    %mul3A_31 = arith.muli %sub3A_29, %mul3A_30 : i32
    "tpu.region"() ({
      %run_scoped3A = tpu.sem_alloc : memref<!tpu.dma_semaphore, #tpu.memory_space<semaphore_mem>>
      %dma_start3A_32 = arith.constant 0 : i32
      %dma_start3A_33 = tpu.memref_slice %arg4[%mul3A_31, %dma_start3A_32] : memref<307200x128xf32, #tpu.memory_space<hbm>> -> memref<128x128xf32, #tpu.memory_space<hbm>>
      %dma_start3A_34 = arith.constant 0 : i32
      %dma_start3A_35 = tpu.memref_slice %arg4[%mul3A_31, %dma_start3A_34] : memref<307200x128xf32, #tpu.memory_space<hbm>> -> memref<128x128xf32, #tpu.memory_space<hbm>>
      tpu.enqueue_dma source(%arg6 : memref<128x128xf32, #tpu.memory_space<vmem>>) target(%dma_start3A_35 : memref<128x128xf32, #tpu.memory_space<hbm>>) target_semaphore(%run_scoped3A : memref<!tpu.dma_semaphore, #tpu.memory_space<semaphore_mem>>)
      %dma_wait3A_36 = arith.constant 0 : i32
      %dma_wait3A_37 = tpu.memref_slice %arg4[%mul3A_31, %dma_wait3A_36] : memref<307200x128xf32, #tpu.memory_space<hbm>> -> memref<128x128xf32, #tpu.memory_space<hbm>>
      %dma_wait3A_38 = arith.constant 0 : i32
      %dma_wait3A_39 = tpu.memref_slice %arg4[%mul3A_31, %dma_wait3A_38] : memref<307200x128xf32, #tpu.memory_space<hbm>> -> memref<128x128xf32, #tpu.memory_space<hbm>>
      tpu.wait_dma2 semaphore(%run_scoped3A : memref<!tpu.dma_semaphore, #tpu.memory_space<semaphore_mem>>) src(%arg6 : memref<128x128xf32, #tpu.memory_space<vmem>>) dst(%dma_wait3A_39 : memref<128x128xf32, #tpu.memory_space<hbm>>)
      tpu.yield
    }) : () -> ()
    return
  }
}

#map = affine_map<(d0, d1) -> (0, 0)>
#map1 = affine_map<(d0, d1) -> (0, 0, 0)>
module attributes {stable_mosaic.version = 14 : i64} {
  func.func @_scatter_k(%arg0: i32, %arg1: i32, %arg2: memref<307200x128xf32, #tpu.memory_space<hbm>>, %arg3: memref<32x75x128xi32, #tpu.memory_space<hbm>>, %arg4: memref<10112x128xf32, #tpu.memory_space<hbm>>, %arg5: memref<2x10112x128xf32, #tpu.memory_space<hbm>>, %arg6: memref<75x128xi32, #tpu.memory_space<vmem>>, %arg7: memref<128x128xf32, #tpu.memory_space<vmem>>, %arg8: memref<128x128xf32, #tpu.memory_space<vmem>>, %arg9: memref<10112x128xf32, #tpu.memory_space<vmem_shared>>, %arg10: memref<!tpu.dma_semaphore, #tpu.memory_space<semaphore_mem>>, %arg11: memref<!tpu.dma_semaphore, #tpu.memory_space<semaphore_mem>>) attributes {dimension_semantics = [#tpu.dimension_semantics<core_parallel>, #tpu.dimension_semantics<subcore_parallel>], iteration_bounds = array<i64: 2, 16>, scalar_prefetch = 0 : i64, scratch_operands = 6 : i64, tpu.core_type = #tpu.core_type<sc_vector_subcore>, window_params = [{transform_indices = #map}, {transform_indices = #map1}, {transform_indices = #map}, {transform_indices = #map1}]} {
    %mul3A = arith.constant 2 : i32
    %mul3A_0 = arith.muli %arg1, %mul3A : i32
    %add3A = arith.addi %mul3A_0, %arg0 : i32
    %mul3A_1 = arith.constant 75 : i32
    %mul3A_2 = arith.muli %add3A, %mul3A_1 : i32
    %mul3A_3 = arith.constant 632 : i32
    %mul3A_4 = arith.muli %arg1, %mul3A_3 : i32
    %mul3A_5 = arith.constant 632 : i32
    %mul3A_6 = arith.muli %arg1, %mul3A_5 : i32
    "tpu.region"() ({
      %run_scoped3A_39 = tpu.sem_alloc : memref<!tpu.dma_semaphore, #tpu.memory_space<semaphore_mem>>
      %dma_start3A_40 = arith.constant 0 : i32
      %dma_start3A_41 = tpu.memref_slice %arg9[%mul3A_6, %dma_start3A_40] : memref<10112x128xf32, #tpu.memory_space<vmem_shared>> -> memref<632x128xf32, #tpu.memory_space<vmem_shared>>
      %dma_start3A_42 = arith.constant 0 : i32
      %dma_start3A_43 = tpu.memref_slice %arg4[%mul3A_4, %dma_start3A_42] : memref<10112x128xf32, #tpu.memory_space<hbm>> -> memref<632x128xf32, #tpu.memory_space<hbm>>
      tpu.enqueue_dma source(%dma_start3A_43 : memref<632x128xf32, #tpu.memory_space<hbm>>) target(%dma_start3A_41 : memref<632x128xf32, #tpu.memory_space<vmem_shared>>) target_semaphore(%run_scoped3A_39 : memref<!tpu.dma_semaphore, #tpu.memory_space<semaphore_mem>>)
      %dma_wait3A_44 = arith.constant 0 : i32
      %dma_wait3A_45 = tpu.memref_slice %arg9[%mul3A_6, %dma_wait3A_44] : memref<10112x128xf32, #tpu.memory_space<vmem_shared>> -> memref<632x128xf32, #tpu.memory_space<vmem_shared>>
      %dma_wait3A_46 = arith.constant 0 : i32
      %dma_wait3A_47 = tpu.memref_slice %arg4[%mul3A_4, %dma_wait3A_46] : memref<10112x128xf32, #tpu.memory_space<hbm>> -> memref<632x128xf32, #tpu.memory_space<hbm>>
      tpu.wait_dma2 semaphore(%run_scoped3A_39 : memref<!tpu.dma_semaphore, #tpu.memory_space<semaphore_mem>>) src(%dma_wait3A_47 : memref<632x128xf32, #tpu.memory_space<hbm>>) dst(%dma_wait3A_45 : memref<632x128xf32, #tpu.memory_space<vmem_shared>>)
      tpu.yield
    }) : () -> ()
    "tpu.region"() ({
      %run_scoped3A_39 = tpu.sem_alloc : memref<!tpu.dma_semaphore, #tpu.memory_space<semaphore_mem>>
      %dma_start3A_40 = arith.constant 0 : i32
      %dma_start3A_41 = arith.constant 0 : i32
      %dma_start3A_42 = tpu.memref_slice %arg3[%add3A, %dma_start3A_40, %dma_start3A_41] : memref<32x75x128xi32, #tpu.memory_space<hbm>> -> memref<1x75x128xi32, #tpu.memory_space<hbm>>
      %dma_start3A_43 = tpu.memref_squeeze %dma_start3A_42 : memref<1x75x128xi32, #tpu.memory_space<hbm>> -> memref<75x128xi32, #tpu.memory_space<hbm>>
      %dma_start3A_44 = arith.constant 0 : i32
      %dma_start3A_45 = arith.constant 0 : i32
      %dma_start3A_46 = tpu.memref_slice %arg3[%add3A, %dma_start3A_44, %dma_start3A_45] : memref<32x75x128xi32, #tpu.memory_space<hbm>> -> memref<1x75x128xi32, #tpu.memory_space<hbm>>
      %dma_start3A_47 = tpu.memref_squeeze %dma_start3A_46 : memref<1x75x128xi32, #tpu.memory_space<hbm>> -> memref<75x128xi32, #tpu.memory_space<hbm>>
      tpu.enqueue_dma source(%dma_start3A_47 : memref<75x128xi32, #tpu.memory_space<hbm>>) target(%arg6 : memref<75x128xi32, #tpu.memory_space<vmem>>) target_semaphore(%run_scoped3A_39 : memref<!tpu.dma_semaphore, #tpu.memory_space<semaphore_mem>>)
      %dma_wait3A_48 = arith.constant 0 : i32
      %dma_wait3A_49 = arith.constant 0 : i32
      %dma_wait3A_50 = tpu.memref_slice %arg3[%add3A, %dma_wait3A_48, %dma_wait3A_49] : memref<32x75x128xi32, #tpu.memory_space<hbm>> -> memref<1x75x128xi32, #tpu.memory_space<hbm>>
      %dma_wait3A_51 = tpu.memref_squeeze %dma_wait3A_50 : memref<1x75x128xi32, #tpu.memory_space<hbm>> -> memref<75x128xi32, #tpu.memory_space<hbm>>
      %dma_wait3A_52 = arith.constant 0 : i32
      %dma_wait3A_53 = arith.constant 0 : i32
      %dma_wait3A_54 = tpu.memref_slice %arg3[%add3A, %dma_wait3A_52, %dma_wait3A_53] : memref<32x75x128xi32, #tpu.memory_space<hbm>> -> memref<1x75x128xi32, #tpu.memory_space<hbm>>
      %dma_wait3A_55 = tpu.memref_squeeze %dma_wait3A_54 : memref<1x75x128xi32, #tpu.memory_space<hbm>> -> memref<75x128xi32, #tpu.memory_space<hbm>>
      tpu.wait_dma2 semaphore(%run_scoped3A_39 : memref<!tpu.dma_semaphore, #tpu.memory_space<semaphore_mem>>) src(%dma_wait3A_55 : memref<75x128xi32, #tpu.memory_space<hbm>>) dst(%arg6 : memref<75x128xi32, #tpu.memory_space<vmem>>)
      tpu.yield
    }) : () -> ()
    %barrier3A = arith.constant 0 : index
    tpu.barrier barrier_id(%barrier3A)
    %add3A_7 = arith.constant 0 : i32
    %add3A_8 = arith.addi %mul3A_2, %add3A_7 : i32
    %mul3A_9 = arith.constant 128 : i32
    %mul3A_10 = arith.muli %add3A_8, %mul3A_9 : i32
    %dma_start3A = arith.constant 0 : i32
    %dma_start3A_11 = tpu.memref_slice %arg2[%mul3A_10, %dma_start3A] : memref<307200x128xf32, #tpu.memory_space<hbm>> -> memref<128x128xf32, #tpu.memory_space<hbm>>
    %dma_start3A_12 = arith.constant 0 : i32
    %dma_start3A_13 = tpu.memref_slice %arg2[%mul3A_10, %dma_start3A_12] : memref<307200x128xf32, #tpu.memory_space<hbm>> -> memref<128x128xf32, #tpu.memory_space<hbm>>
    tpu.enqueue_dma source(%dma_start3A_13 : memref<128x128xf32, #tpu.memory_space<hbm>>) target(%arg7 : memref<128x128xf32, #tpu.memory_space<vmem>>) target_semaphore(%arg10 : memref<!tpu.dma_semaphore, #tpu.memory_space<semaphore_mem>>)
    %add3A_14 = arith.constant 1 : i32
    %add3A_15 = arith.addi %mul3A_2, %add3A_14 : i32
    %mul3A_16 = arith.constant 128 : i32
    %mul3A_17 = arith.muli %add3A_15, %mul3A_16 : i32
    %dma_start3A_18 = arith.constant 0 : i32
    %dma_start3A_19 = tpu.memref_slice %arg2[%mul3A_17, %dma_start3A_18] : memref<307200x128xf32, #tpu.memory_space<hbm>> -> memref<128x128xf32, #tpu.memory_space<hbm>>
    %dma_start3A_20 = arith.constant 0 : i32
    %dma_start3A_21 = tpu.memref_slice %arg2[%mul3A_17, %dma_start3A_20] : memref<307200x128xf32, #tpu.memory_space<hbm>> -> memref<128x128xf32, #tpu.memory_space<hbm>>
    tpu.enqueue_dma source(%dma_start3A_21 : memref<128x128xf32, #tpu.memory_space<hbm>>) target(%arg8 : memref<128x128xf32, #tpu.memory_space<vmem>>) target_semaphore(%arg11 : memref<!tpu.dma_semaphore, #tpu.memory_space<semaphore_mem>>)
    %scan3A = arith.constant 0 : i32
    %scan3A_22 = arith.constant 0 : i32
    %scan3A_23 = arith.constant 37 : i32
    %scan3A_24 = arith.addi %scan3A_22, %scan3A_23 : i32
    %scan3A_25 = arith.constant 1 : i32
    scf.for %scan3A_39 = %scan3A_22 to %scan3A_24 step %scan3A_25  : i32 {
      %mul3A_40 = arith.constant 2 : i32
      %mul3A_41 = arith.muli %mul3A_40, %scan3A_39 : i32
      %add3A_42 = arith.constant 1 : i32
      %add3A_43 = arith.addi %mul3A_41, %add3A_42 : i32
      %add3A_44 = arith.addi %mul3A_2, %mul3A_41 : i32
      %mul3A_45 = arith.constant 128 : i32
      %mul3A_46 = arith.muli %add3A_44, %mul3A_45 : i32
      %dma_wait3A_47 = arith.constant 0 : i32
      %dma_wait3A_48 = tpu.memref_slice %arg2[%mul3A_46, %dma_wait3A_47] : memref<307200x128xf32, #tpu.memory_space<hbm>> -> memref<128x128xf32, #tpu.memory_space<hbm>>
      %dma_wait3A_49 = arith.constant 0 : i32
      %dma_wait3A_50 = tpu.memref_slice %arg2[%mul3A_46, %dma_wait3A_49] : memref<307200x128xf32, #tpu.memory_space<hbm>> -> memref<128x128xf32, #tpu.memory_space<hbm>>
      tpu.wait_dma2 semaphore(%arg10 : memref<!tpu.dma_semaphore, #tpu.memory_space<semaphore_mem>>) src(%dma_wait3A_50 : memref<128x128xf32, #tpu.memory_space<hbm>>) dst(%arg7 : memref<128x128xf32, #tpu.memory_space<vmem>>)
      "tpu.region"() ({
        %run_scoped3A_69 = tpu.sem_alloc : memref<!tpu.dma_semaphore, #tpu.memory_space<semaphore_mem>>
        %dma_start3A_70 = arith.constant 0 : i32
        %dma_start3A_71 = tpu.memref_slice %arg6[%mul3A_41, %dma_start3A_70] : memref<75x128xi32, #tpu.memory_space<vmem>> -> memref<1x128xi32, #tpu.memory_space<vmem>>
        %dma_start3A_72 = tpu.memref_squeeze %dma_start3A_71 : memref<1x128xi32, #tpu.memory_space<vmem>> -> memref<128xi32, #tpu.memory_space<vmem>>
        %dma_start3A_73 = arith.constant 0 : i32
        %dma_start3A_74 = arith.constant 0 : i32
        %dma_start3A_75 = tpu.memref_slice %arg9[%dma_start3A_73, %dma_start3A_74] : memref<10112x128xf32, #tpu.memory_space<vmem_shared>> -> memref<10112x128xf32, #tpu.memory_space<vmem_shared>>
        tpu.enqueue_indirect_dma source(%arg7 : memref<128x128xf32, #tpu.memory_space<vmem>>) target(%dma_start3A_75 : memref<10112x128xf32, #tpu.memory_space<vmem_shared>>) offsets(%dma_start3A_72 : memref<128xi32, #tpu.memory_space<vmem>>) semaphore(%run_scoped3A_69 : memref<!tpu.dma_semaphore, #tpu.memory_space<semaphore_mem>>) {add = true}
        %dma_wait3A_76 = arith.constant 0 : i32
        %dma_wait3A_77 = tpu.memref_slice %arg6[%mul3A_41, %dma_wait3A_76] : memref<75x128xi32, #tpu.memory_space<vmem>> -> memref<1x128xi32, #tpu.memory_space<vmem>>
        %dma_wait3A_78 = tpu.memref_squeeze %dma_wait3A_77 : memref<1x128xi32, #tpu.memory_space<vmem>> -> memref<128xi32, #tpu.memory_space<vmem>>
        %dma_wait3A_79 = arith.constant 0 : i32
        %dma_wait3A_80 = arith.constant 0 : i32
        %dma_wait3A_81 = tpu.memref_slice %arg9[%dma_wait3A_79, %dma_wait3A_80] : memref<10112x128xf32, #tpu.memory_space<vmem_shared>> -> memref<10112x128xf32, #tpu.memory_space<vmem_shared>>
        tpu.wait_indirect_dma semaphore(%run_scoped3A_69 : memref<!tpu.dma_semaphore, #tpu.memory_space<semaphore_mem>>) src(%arg7 : memref<128x128xf32, #tpu.memory_space<vmem>>) dst(%dma_wait3A_81 : memref<10112x128xf32, #tpu.memory_space<vmem_shared>>)
        tpu.yield
      }) : () -> ()
      %add3A_51 = arith.constant 2 : i32
      %add3A_52 = arith.addi %mul3A_41, %add3A_51 : i32
      %lt3A = arith.constant 75 : i32
      %lt3A_53 = arith.cmpi slt, %add3A_52, %lt3A : i32
      %convert_element_type3A = arith.extui %lt3A_53 : i1 to i32
      %cond3A = arith.constant 0 : i32
      %cond3A_54 = arith.cmpi ne, %convert_element_type3A, %cond3A : i32
      scf.if %cond3A_54 {
        %add3A_69 = arith.constant 2 : i32
        %add3A_70 = arith.addi %mul3A_41, %add3A_69 : i32
        %add3A_71 = arith.addi %mul3A_2, %add3A_70 : i32
        %mul3A_72 = arith.constant 128 : i32
        %mul3A_73 = arith.muli %add3A_71, %mul3A_72 : i32
        %dma_start3A_74 = arith.constant 0 : i32
        %dma_start3A_75 = tpu.memref_slice %arg2[%mul3A_73, %dma_start3A_74] : memref<307200x128xf32, #tpu.memory_space<hbm>> -> memref<128x128xf32, #tpu.memory_space<hbm>>
        %dma_start3A_76 = arith.constant 0 : i32
        %dma_start3A_77 = tpu.memref_slice %arg2[%mul3A_73, %dma_start3A_76] : memref<307200x128xf32, #tpu.memory_space<hbm>> -> memref<128x128xf32, #tpu.memory_space<hbm>>
        tpu.enqueue_dma source(%dma_start3A_77 : memref<128x128xf32, #tpu.memory_space<hbm>>) target(%arg7 : memref<128x128xf32, #tpu.memory_space<vmem>>) target_semaphore(%arg10 : memref<!tpu.dma_semaphore, #tpu.memory_space<semaphore_mem>>)
      } else {
      }
      %add3A_55 = arith.addi %mul3A_2, %add3A_43 : i32
      %mul3A_56 = arith.constant 128 : i32
      %mul3A_57 = arith.muli %add3A_55, %mul3A_56 : i32
      %dma_wait3A_58 = arith.constant 0 : i32
      %dma_wait3A_59 = tpu.memref_slice %arg2[%mul3A_57, %dma_wait3A_58] : memref<307200x128xf32, #tpu.memory_space<hbm>> -> memref<128x128xf32, #tpu.memory_space<hbm>>
      %dma_wait3A_60 = arith.constant 0 : i32
      %dma_wait3A_61 = tpu.memref_slice %arg2[%mul3A_57, %dma_wait3A_60] : memref<307200x128xf32, #tpu.memory_space<hbm>> -> memref<128x128xf32, #tpu.memory_space<hbm>>
      tpu.wait_dma2 semaphore(%arg11 : memref<!tpu.dma_semaphore, #tpu.memory_space<semaphore_mem>>) src(%dma_wait3A_61 : memref<128x128xf32, #tpu.memory_space<hbm>>) dst(%arg8 : memref<128x128xf32, #tpu.memory_space<vmem>>)
      "tpu.region"() ({
        %run_scoped3A_69 = tpu.sem_alloc : memref<!tpu.dma_semaphore, #tpu.memory_space<semaphore_mem>>
        %dma_start3A_70 = arith.constant 0 : i32
        %dma_start3A_71 = tpu.memref_slice %arg6[%add3A_43, %dma_start3A_70] : memref<75x128xi32, #tpu.memory_space<vmem>> -> memref<1x128xi32, #tpu.memory_space<vmem>>
        %dma_start3A_72 = tpu.memref_squeeze %dma_start3A_71 : memref<1x128xi32, #tpu.memory_space<vmem>> -> memref<128xi32, #tpu.memory_space<vmem>>
        %dma_start3A_73 = arith.constant 0 : i32
        %dma_start3A_74 = arith.constant 0 : i32
        %dma_start3A_75 = tpu.memref_slice %arg9[%dma_start3A_73, %dma_start3A_74] : memref<10112x128xf32, #tpu.memory_space<vmem_shared>> -> memref<10112x128xf32, #tpu.memory_space<vmem_shared>>
        tpu.enqueue_indirect_dma source(%arg8 : memref<128x128xf32, #tpu.memory_space<vmem>>) target(%dma_start3A_75 : memref<10112x128xf32, #tpu.memory_space<vmem_shared>>) offsets(%dma_start3A_72 : memref<128xi32, #tpu.memory_space<vmem>>) semaphore(%run_scoped3A_69 : memref<!tpu.dma_semaphore, #tpu.memory_space<semaphore_mem>>) {add = true}
        %dma_wait3A_76 = arith.constant 0 : i32
        %dma_wait3A_77 = tpu.memref_slice %arg6[%add3A_43, %dma_wait3A_76] : memref<75x128xi32, #tpu.memory_space<vmem>> -> memref<1x128xi32, #tpu.memory_space<vmem>>
        %dma_wait3A_78 = tpu.memref_squeeze %dma_wait3A_77 : memref<1x128xi32, #tpu.memory_space<vmem>> -> memref<128xi32, #tpu.memory_space<vmem>>
        %dma_wait3A_79 = arith.constant 0 : i32
        %dma_wait3A_80 = arith.constant 0 : i32
        %dma_wait3A_81 = tpu.memref_slice %arg9[%dma_wait3A_79, %dma_wait3A_80] : memref<10112x128xf32, #tpu.memory_space<vmem_shared>> -> memref<10112x128xf32, #tpu.memory_space<vmem_shared>>
        tpu.wait_indirect_dma semaphore(%run_scoped3A_69 : memref<!tpu.dma_semaphore, #tpu.memory_space<semaphore_mem>>) src(%arg8 : memref<128x128xf32, #tpu.memory_space<vmem>>) dst(%dma_wait3A_81 : memref<10112x128xf32, #tpu.memory_space<vmem_shared>>)
        tpu.yield
      }) : () -> ()
      %add3A_62 = arith.constant 2 : i32
      %add3A_63 = arith.addi %add3A_43, %add3A_62 : i32
      %lt3A_64 = arith.constant 75 : i32
      %lt3A_65 = arith.cmpi slt, %add3A_63, %lt3A_64 : i32
      %convert_element_type3A_66 = arith.extui %lt3A_65 : i1 to i32
      %cond3A_67 = arith.constant 0 : i32
      %cond3A_68 = arith.cmpi ne, %convert_element_type3A_66, %cond3A_67 : i32
      scf.if %cond3A_68 {
        %add3A_69 = arith.constant 2 : i32
        %add3A_70 = arith.addi %add3A_43, %add3A_69 : i32
        %add3A_71 = arith.addi %mul3A_2, %add3A_70 : i32
        %mul3A_72 = arith.constant 128 : i32
        %mul3A_73 = arith.muli %add3A_71, %mul3A_72 : i32
        %dma_start3A_74 = arith.constant 0 : i32
        %dma_start3A_75 = tpu.memref_slice %arg2[%mul3A_73, %dma_start3A_74] : memref<307200x128xf32, #tpu.memory_space<hbm>> -> memref<128x128xf32, #tpu.memory_space<hbm>>
        %dma_start3A_76 = arith.constant 0 : i32
        %dma_start3A_77 = tpu.memref_slice %arg2[%mul3A_73, %dma_start3A_76] : memref<307200x128xf32, #tpu.memory_space<hbm>> -> memref<128x128xf32, #tpu.memory_space<hbm>>
        tpu.enqueue_dma source(%dma_start3A_77 : memref<128x128xf32, #tpu.memory_space<hbm>>) target(%arg8 : memref<128x128xf32, #tpu.memory_space<vmem>>) target_semaphore(%arg11 : memref<!tpu.dma_semaphore, #tpu.memory_space<semaphore_mem>>)
      } else {
      }
    }
    %scan3A_26 = arith.constant 37 : i32
    %add3A_27 = arith.constant 74 : i32
    %add3A_28 = arith.addi %mul3A_2, %add3A_27 : i32
    %mul3A_29 = arith.constant 128 : i32
    %mul3A_30 = arith.muli %add3A_28, %mul3A_29 : i32
    %dma_wait3A = arith.constant 0 : i32
    %dma_wait3A_31 = tpu.memref_slice %arg2[%mul3A_30, %dma_wait3A] : memref<307200x128xf32, #tpu.memory_space<hbm>> -> memref<128x128xf32, #tpu.memory_space<hbm>>
    %dma_wait3A_32 = arith.constant 0 : i32
    %dma_wait3A_33 = tpu.memref_slice %arg2[%mul3A_30, %dma_wait3A_32] : memref<307200x128xf32, #tpu.memory_space<hbm>> -> memref<128x128xf32, #tpu.memory_space<hbm>>
    tpu.wait_dma2 semaphore(%arg10 : memref<!tpu.dma_semaphore, #tpu.memory_space<semaphore_mem>>) src(%dma_wait3A_33 : memref<128x128xf32, #tpu.memory_space<hbm>>) dst(%arg7 : memref<128x128xf32, #tpu.memory_space<vmem>>)
    %run_scoped3A = arith.constant 74 : i32
    "tpu.region"() ({
      %run_scoped3A_39 = tpu.sem_alloc : memref<!tpu.dma_semaphore, #tpu.memory_space<semaphore_mem>>
      %dma_start3A_40 = arith.constant 0 : i32
      %dma_start3A_41 = tpu.memref_slice %arg6[%run_scoped3A, %dma_start3A_40] : memref<75x128xi32, #tpu.memory_space<vmem>> -> memref<1x128xi32, #tpu.memory_space<vmem>>
      %dma_start3A_42 = tpu.memref_squeeze %dma_start3A_41 : memref<1x128xi32, #tpu.memory_space<vmem>> -> memref<128xi32, #tpu.memory_space<vmem>>
      %dma_start3A_43 = arith.constant 0 : i32
      %dma_start3A_44 = arith.constant 0 : i32
      %dma_start3A_45 = tpu.memref_slice %arg9[%dma_start3A_43, %dma_start3A_44] : memref<10112x128xf32, #tpu.memory_space<vmem_shared>> -> memref<10112x128xf32, #tpu.memory_space<vmem_shared>>
      tpu.enqueue_indirect_dma source(%arg7 : memref<128x128xf32, #tpu.memory_space<vmem>>) target(%dma_start3A_45 : memref<10112x128xf32, #tpu.memory_space<vmem_shared>>) offsets(%dma_start3A_42 : memref<128xi32, #tpu.memory_space<vmem>>) semaphore(%run_scoped3A_39 : memref<!tpu.dma_semaphore, #tpu.memory_space<semaphore_mem>>) {add = true}
      %dma_wait3A_46 = arith.constant 0 : i32
      %dma_wait3A_47 = tpu.memref_slice %arg6[%run_scoped3A, %dma_wait3A_46] : memref<75x128xi32, #tpu.memory_space<vmem>> -> memref<1x128xi32, #tpu.memory_space<vmem>>
      %dma_wait3A_48 = tpu.memref_squeeze %dma_wait3A_47 : memref<1x128xi32, #tpu.memory_space<vmem>> -> memref<128xi32, #tpu.memory_space<vmem>>
      %dma_wait3A_49 = arith.constant 0 : i32
      %dma_wait3A_50 = arith.constant 0 : i32
      %dma_wait3A_51 = tpu.memref_slice %arg9[%dma_wait3A_49, %dma_wait3A_50] : memref<10112x128xf32, #tpu.memory_space<vmem_shared>> -> memref<10112x128xf32, #tpu.memory_space<vmem_shared>>
      tpu.wait_indirect_dma semaphore(%run_scoped3A_39 : memref<!tpu.dma_semaphore, #tpu.memory_space<semaphore_mem>>) src(%arg7 : memref<128x128xf32, #tpu.memory_space<vmem>>) dst(%dma_wait3A_51 : memref<10112x128xf32, #tpu.memory_space<vmem_shared>>)
      tpu.yield
    }) : () -> ()
    %barrier3A_34 = arith.constant 0 : index
    tpu.barrier barrier_id(%barrier3A_34)
    %mul3A_35 = arith.constant 632 : i32
    %mul3A_36 = arith.muli %arg1, %mul3A_35 : i32
    %mul3A_37 = arith.constant 632 : i32
    %mul3A_38 = arith.muli %arg1, %mul3A_37 : i32
    "tpu.region"() ({
      %run_scoped3A_39 = tpu.sem_alloc : memref<!tpu.dma_semaphore, #tpu.memory_space<semaphore_mem>>
      %dma_start3A_40 = arith.constant 0 : i32
      %dma_start3A_41 = tpu.memref_slice %arg5[%arg0, %mul3A_38, %dma_start3A_40] : memref<2x10112x128xf32, #tpu.memory_space<hbm>> -> memref<1x632x128xf32, #tpu.memory_space<hbm>>
      %dma_start3A_42 = tpu.memref_squeeze %dma_start3A_41 : memref<1x632x128xf32, #tpu.memory_space<hbm>> -> memref<632x128xf32, #tpu.memory_space<hbm>>
      %dma_start3A_43 = arith.constant 0 : i32
      %dma_start3A_44 = tpu.memref_slice %arg9[%mul3A_36, %dma_start3A_43] : memref<10112x128xf32, #tpu.memory_space<vmem_shared>> -> memref<632x128xf32, #tpu.memory_space<vmem_shared>>
      tpu.enqueue_dma source(%dma_start3A_44 : memref<632x128xf32, #tpu.memory_space<vmem_shared>>) target(%dma_start3A_42 : memref<632x128xf32, #tpu.memory_space<hbm>>) target_semaphore(%run_scoped3A_39 : memref<!tpu.dma_semaphore, #tpu.memory_space<semaphore_mem>>)
      %dma_wait3A_45 = arith.constant 0 : i32
      %dma_wait3A_46 = tpu.memref_slice %arg5[%arg0, %mul3A_38, %dma_wait3A_45] : memref<2x10112x128xf32, #tpu.memory_space<hbm>> -> memref<1x632x128xf32, #tpu.memory_space<hbm>>
      %dma_wait3A_47 = tpu.memref_squeeze %dma_wait3A_46 : memref<1x632x128xf32, #tpu.memory_space<hbm>> -> memref<632x128xf32, #tpu.memory_space<hbm>>
      %dma_wait3A_48 = arith.constant 0 : i32
      %dma_wait3A_49 = tpu.memref_slice %arg9[%mul3A_36, %dma_wait3A_48] : memref<10112x128xf32, #tpu.memory_space<vmem_shared>> -> memref<632x128xf32, #tpu.memory_space<vmem_shared>>
      tpu.wait_dma2 semaphore(%run_scoped3A_39 : memref<!tpu.dma_semaphore, #tpu.memory_space<semaphore_mem>>) src(%dma_wait3A_49 : memref<632x128xf32, #tpu.memory_space<vmem_shared>>) dst(%dma_wait3A_47 : memref<632x128xf32, #tpu.memory_space<hbm>>)
      tpu.yield
    }) : () -> ()
    return
  }
}

#map = affine_map<(d0, d1) -> (0, 0)>
#map1 = affine_map<(d0, d1) -> (0, 0, 0)>
module attributes {stable_mosaic.version = 14 : i64} {
  func.func @_gather_k(%arg0: i32, %arg1: i32, %arg2: memref<10000x128xf32, #tpu.memory_space<hbm>>, %arg3: memref<32x75x128xi32, #tpu.memory_space<hbm>>, %arg4: memref<307200x128xf32, #tpu.memory_space<hbm>>, %arg5: memref<75x128xi32, #tpu.memory_space<vmem>>, %arg6: memref<128x128xf32, #tpu.memory_space<vmem>>, %arg7: memref<128x128xf32, #tpu.memory_space<vmem>>, %arg8: memref<!tpu.dma_semaphore, #tpu.memory_space<semaphore_mem>>, %arg9: memref<!tpu.dma_semaphore, #tpu.memory_space<semaphore_mem>>, %arg10: memref<!tpu.dma_semaphore, #tpu.memory_space<semaphore_mem>>) attributes {dimension_semantics = [#tpu.dimension_semantics<core_parallel>, #tpu.dimension_semantics<subcore_parallel>], iteration_bounds = array<i64: 2, 16>, scalar_prefetch = 0 : i64, scratch_operands = 6 : i64, tpu.core_type = #tpu.core_type<sc_vector_subcore>, window_params = [{transform_indices = #map}, {transform_indices = #map1}, {transform_indices = #map}]} {
    %mul3A = arith.constant 2 : i32
    %mul3A_0 = arith.muli %arg1, %mul3A : i32
    %add3A = arith.addi %mul3A_0, %arg0 : i32
    %mul3A_1 = arith.constant 75 : i32
    %mul3A_2 = arith.muli %add3A, %mul3A_1 : i32
    "tpu.region"() ({
      %run_scoped3A = tpu.sem_alloc : memref<!tpu.dma_semaphore, #tpu.memory_space<semaphore_mem>>
      %dma_start3A_32 = arith.constant 0 : i32
      %dma_start3A_33 = arith.constant 0 : i32
      %dma_start3A_34 = tpu.memref_slice %arg3[%add3A, %dma_start3A_32, %dma_start3A_33] : memref<32x75x128xi32, #tpu.memory_space<hbm>> -> memref<1x75x128xi32, #tpu.memory_space<hbm>>
      %dma_start3A_35 = tpu.memref_squeeze %dma_start3A_34 : memref<1x75x128xi32, #tpu.memory_space<hbm>> -> memref<75x128xi32, #tpu.memory_space<hbm>>
      %dma_start3A_36 = arith.constant 0 : i32
      %dma_start3A_37 = arith.constant 0 : i32
      %dma_start3A_38 = tpu.memref_slice %arg3[%add3A, %dma_start3A_36, %dma_start3A_37] : memref<32x75x128xi32, #tpu.memory_space<hbm>> -> memref<1x75x128xi32, #tpu.memory_space<hbm>>
      %dma_start3A_39 = tpu.memref_squeeze %dma_start3A_38 : memref<1x75x128xi32, #tpu.memory_space<hbm>> -> memref<75x128xi32, #tpu.memory_space<hbm>>
      tpu.enqueue_dma source(%dma_start3A_39 : memref<75x128xi32, #tpu.memory_space<hbm>>) target(%arg5 : memref<75x128xi32, #tpu.memory_space<vmem>>) target_semaphore(%run_scoped3A : memref<!tpu.dma_semaphore, #tpu.memory_space<semaphore_mem>>)
      %dma_wait3A_40 = arith.constant 0 : i32
      %dma_wait3A_41 = arith.constant 0 : i32
      %dma_wait3A_42 = tpu.memref_slice %arg3[%add3A, %dma_wait3A_40, %dma_wait3A_41] : memref<32x75x128xi32, #tpu.memory_space<hbm>> -> memref<1x75x128xi32, #tpu.memory_space<hbm>>
      %dma_wait3A_43 = tpu.memref_squeeze %dma_wait3A_42 : memref<1x75x128xi32, #tpu.memory_space<hbm>> -> memref<75x128xi32, #tpu.memory_space<hbm>>
      %dma_wait3A_44 = arith.constant 0 : i32
      %dma_wait3A_45 = arith.constant 0 : i32
      %dma_wait3A_46 = tpu.memref_slice %arg3[%add3A, %dma_wait3A_44, %dma_wait3A_45] : memref<32x75x128xi32, #tpu.memory_space<hbm>> -> memref<1x75x128xi32, #tpu.memory_space<hbm>>
      %dma_wait3A_47 = tpu.memref_squeeze %dma_wait3A_46 : memref<1x75x128xi32, #tpu.memory_space<hbm>> -> memref<75x128xi32, #tpu.memory_space<hbm>>
      tpu.wait_dma2 semaphore(%run_scoped3A : memref<!tpu.dma_semaphore, #tpu.memory_space<semaphore_mem>>) src(%dma_wait3A_47 : memref<75x128xi32, #tpu.memory_space<hbm>>) dst(%arg5 : memref<75x128xi32, #tpu.memory_space<vmem>>)
      tpu.yield
    }) : () -> ()
    %dma_start3A = arith.constant 0 : i32
    %dma_start3A_3 = arith.constant 0 : i32
    %dma_start3A_4 = tpu.memref_slice %arg5[%dma_start3A, %dma_start3A_3] : memref<75x128xi32, #tpu.memory_space<vmem>> -> memref<1x128xi32, #tpu.memory_space<vmem>>
    %dma_start3A_5 = tpu.memref_squeeze %dma_start3A_4 : memref<1x128xi32, #tpu.memory_space<vmem>> -> memref<128xi32, #tpu.memory_space<vmem>>
    %dma_start3A_6 = arith.constant 0 : i32
    %dma_start3A_7 = arith.constant 0 : i32
    %dma_start3A_8 = tpu.memref_slice %arg2[%dma_start3A_6, %dma_start3A_7] : memref<10000x128xf32, #tpu.memory_space<hbm>> -> memref<10000x128xf32, #tpu.memory_space<hbm>>
    tpu.enqueue_indirect_dma source(%dma_start3A_8 : memref<10000x128xf32, #tpu.memory_space<hbm>>) target(%arg6 : memref<128x128xf32, #tpu.memory_space<vmem>>) offsets(%dma_start3A_5 : memref<128xi32, #tpu.memory_space<vmem>>) semaphore(%arg8 : memref<!tpu.dma_semaphore, #tpu.memory_space<semaphore_mem>>)
    %dma_start3A_9 = arith.constant 1 : i32
    %dma_start3A_10 = arith.constant 0 : i32
    %dma_start3A_11 = tpu.memref_slice %arg5[%dma_start3A_9, %dma_start3A_10] : memref<75x128xi32, #tpu.memory_space<vmem>> -> memref<1x128xi32, #tpu.memory_space<vmem>>
    %dma_start3A_12 = tpu.memref_squeeze %dma_start3A_11 : memref<1x128xi32, #tpu.memory_space<vmem>> -> memref<128xi32, #tpu.memory_space<vmem>>
    %dma_start3A_13 = arith.constant 0 : i32
    %dma_start3A_14 = arith.constant 0 : i32
    %dma_start3A_15 = tpu.memref_slice %arg2[%dma_start3A_13, %dma_start3A_14] : memref<10000x128xf32, #tpu.memory_space<hbm>> -> memref<10000x128xf32, #tpu.memory_space<hbm>>
    tpu.enqueue_indirect_dma source(%dma_start3A_15 : memref<10000x128xf32, #tpu.memory_space<hbm>>) target(%arg7 : memref<128x128xf32, #tpu.memory_space<vmem>>) offsets(%dma_start3A_12 : memref<128xi32, #tpu.memory_space<vmem>>) semaphore(%arg9 : memref<!tpu.dma_semaphore, #tpu.memory_space<semaphore_mem>>)
    %scan3A = arith.constant 0 : i32
    %scan3A_16 = arith.constant 0 : i32
    %scan3A_17 = arith.constant 37 : i32
    %scan3A_18 = arith.addi %scan3A_16, %scan3A_17 : i32
    %scan3A_19 = arith.constant 1 : i32
    scf.for %scan3A_32 = %scan3A_16 to %scan3A_18 step %scan3A_19  : i32 {
      %mul3A_33 = arith.constant 2 : i32
      %mul3A_34 = arith.muli %mul3A_33, %scan3A_32 : i32
      %add3A_35 = arith.constant 1 : i32
      %add3A_36 = arith.addi %mul3A_34, %add3A_35 : i32
      %dma_wait3A_37 = arith.constant 0 : i32
      %dma_wait3A_38 = tpu.memref_slice %arg5[%mul3A_34, %dma_wait3A_37] : memref<75x128xi32, #tpu.memory_space<vmem>> -> memref<1x128xi32, #tpu.memory_space<vmem>>
      %dma_wait3A_39 = tpu.memref_squeeze %dma_wait3A_38 : memref<1x128xi32, #tpu.memory_space<vmem>> -> memref<128xi32, #tpu.memory_space<vmem>>
      %dma_wait3A_40 = arith.constant 0 : i32
      %dma_wait3A_41 = arith.constant 0 : i32
      %dma_wait3A_42 = tpu.memref_slice %arg2[%dma_wait3A_40, %dma_wait3A_41] : memref<10000x128xf32, #tpu.memory_space<hbm>> -> memref<10000x128xf32, #tpu.memory_space<hbm>>
      tpu.wait_indirect_dma semaphore(%arg8 : memref<!tpu.dma_semaphore, #tpu.memory_space<semaphore_mem>>) src(%dma_wait3A_42 : memref<10000x128xf32, #tpu.memory_space<hbm>>) dst(%arg6 : memref<128x128xf32, #tpu.memory_space<vmem>>)
      %add3A_43 = arith.addi %mul3A_2, %mul3A_34 : i32
      %mul3A_44 = arith.constant 128 : i32
      %mul3A_45 = arith.muli %add3A_43, %mul3A_44 : i32
      "tpu.region"() ({
        %run_scoped3A = tpu.sem_alloc : memref<!tpu.dma_semaphore, #tpu.memory_space<semaphore_mem>>
        %dma_start3A_66 = arith.constant 0 : i32
        %dma_start3A_67 = tpu.memref_slice %arg4[%mul3A_45, %dma_start3A_66] : memref<307200x128xf32, #tpu.memory_space<hbm>> -> memref<128x128xf32, #tpu.memory_space<hbm>>
        %dma_start3A_68 = arith.constant 0 : i32
        %dma_start3A_69 = tpu.memref_slice %arg4[%mul3A_45, %dma_start3A_68] : memref<307200x128xf32, #tpu.memory_space<hbm>> -> memref<128x128xf32, #tpu.memory_space<hbm>>
        tpu.enqueue_dma source(%arg6 : memref<128x128xf32, #tpu.memory_space<vmem>>) target(%dma_start3A_69 : memref<128x128xf32, #tpu.memory_space<hbm>>) target_semaphore(%run_scoped3A : memref<!tpu.dma_semaphore, #tpu.memory_space<semaphore_mem>>)
        %dma_wait3A_70 = arith.constant 0 : i32
        %dma_wait3A_71 = tpu.memref_slice %arg4[%mul3A_45, %dma_wait3A_70] : memref<307200x128xf32, #tpu.memory_space<hbm>> -> memref<128x128xf32, #tpu.memory_space<hbm>>
        %dma_wait3A_72 = arith.constant 0 : i32
        %dma_wait3A_73 = tpu.memref_slice %arg4[%mul3A_45, %dma_wait3A_72] : memref<307200x128xf32, #tpu.memory_space<hbm>> -> memref<128x128xf32, #tpu.memory_space<hbm>>
        tpu.wait_dma2 semaphore(%run_scoped3A : memref<!tpu.dma_semaphore, #tpu.memory_space<semaphore_mem>>) src(%arg6 : memref<128x128xf32, #tpu.memory_space<vmem>>) dst(%dma_wait3A_73 : memref<128x128xf32, #tpu.memory_space<hbm>>)
        tpu.yield
      }) : () -> ()
      %add3A_46 = arith.constant 2 : i32
      %add3A_47 = arith.addi %mul3A_34, %add3A_46 : i32
      %lt3A = arith.constant 75 : i32
      %lt3A_48 = arith.cmpi slt, %add3A_47, %lt3A : i32
      %convert_element_type3A = arith.extui %lt3A_48 : i1 to i32
      %cond3A = arith.constant 0 : i32
      %cond3A_49 = arith.cmpi ne, %convert_element_type3A, %cond3A : i32
      scf.if %cond3A_49 {
        %add3A_66 = arith.constant 2 : i32
        %add3A_67 = arith.addi %mul3A_34, %add3A_66 : i32
        %dma_start3A_68 = arith.constant 0 : i32
        %dma_start3A_69 = tpu.memref_slice %arg5[%add3A_67, %dma_start3A_68] : memref<75x128xi32, #tpu.memory_space<vmem>> -> memref<1x128xi32, #tpu.memory_space<vmem>>
        %dma_start3A_70 = tpu.memref_squeeze %dma_start3A_69 : memref<1x128xi32, #tpu.memory_space<vmem>> -> memref<128xi32, #tpu.memory_space<vmem>>
        %dma_start3A_71 = arith.constant 0 : i32
        %dma_start3A_72 = arith.constant 0 : i32
        %dma_start3A_73 = tpu.memref_slice %arg2[%dma_start3A_71, %dma_start3A_72] : memref<10000x128xf32, #tpu.memory_space<hbm>> -> memref<10000x128xf32, #tpu.memory_space<hbm>>
        tpu.enqueue_indirect_dma source(%dma_start3A_73 : memref<10000x128xf32, #tpu.memory_space<hbm>>) target(%arg6 : memref<128x128xf32, #tpu.memory_space<vmem>>) offsets(%dma_start3A_70 : memref<128xi32, #tpu.memory_space<vmem>>) semaphore(%arg8 : memref<!tpu.dma_semaphore, #tpu.memory_space<semaphore_mem>>)
      } else {
      }
      %dma_wait3A_50 = arith.constant 0 : i32
      %dma_wait3A_51 = tpu.memref_slice %arg5[%add3A_36, %dma_wait3A_50] : memref<75x128xi32, #tpu.memory_space<vmem>> -> memref<1x128xi32, #tpu.memory_space<vmem>>
      %dma_wait3A_52 = tpu.memref_squeeze %dma_wait3A_51 : memref<1x128xi32, #tpu.memory_space<vmem>> -> memref<128xi32, #tpu.memory_space<vmem>>
      %dma_wait3A_53 = arith.constant 0 : i32
      %dma_wait3A_54 = arith.constant 0 : i32
      %dma_wait3A_55 = tpu.memref_slice %arg2[%dma_wait3A_53, %dma_wait3A_54] : memref<10000x128xf32, #tpu.memory_space<hbm>> -> memref<10000x128xf32, #tpu.memory_space<hbm>>
      tpu.wait_indirect_dma semaphore(%arg9 : memref<!tpu.dma_semaphore, #tpu.memory_space<semaphore_mem>>) src(%dma_wait3A_55 : memref<10000x128xf32, #tpu.memory_space<hbm>>) dst(%arg7 : memref<128x128xf32, #tpu.memory_space<vmem>>)
      %add3A_56 = arith.addi %mul3A_2, %add3A_36 : i32
      %mul3A_57 = arith.constant 128 : i32
      %mul3A_58 = arith.muli %add3A_56, %mul3A_57 : i32
      "tpu.region"() ({
        %run_scoped3A = tpu.sem_alloc : memref<!tpu.dma_semaphore, #tpu.memory_space<semaphore_mem>>
        %dma_start3A_66 = arith.constant 0 : i32
        %dma_start3A_67 = tpu.memref_slice %arg4[%mul3A_58, %dma_start3A_66] : memref<307200x128xf32, #tpu.memory_space<hbm>> -> memref<128x128xf32, #tpu.memory_space<hbm>>
        %dma_start3A_68 = arith.constant 0 : i32
        %dma_start3A_69 = tpu.memref_slice %arg4[%mul3A_58, %dma_start3A_68] : memref<307200x128xf32, #tpu.memory_space<hbm>> -> memref<128x128xf32, #tpu.memory_space<hbm>>
        tpu.enqueue_dma source(%arg7 : memref<128x128xf32, #tpu.memory_space<vmem>>) target(%dma_start3A_69 : memref<128x128xf32, #tpu.memory_space<hbm>>) target_semaphore(%run_scoped3A : memref<!tpu.dma_semaphore, #tpu.memory_space<semaphore_mem>>)
        %dma_wait3A_70 = arith.constant 0 : i32
        %dma_wait3A_71 = tpu.memref_slice %arg4[%mul3A_58, %dma_wait3A_70] : memref<307200x128xf32, #tpu.memory_space<hbm>> -> memref<128x128xf32, #tpu.memory_space<hbm>>
        %dma_wait3A_72 = arith.constant 0 : i32
        %dma_wait3A_73 = tpu.memref_slice %arg4[%mul3A_58, %dma_wait3A_72] : memref<307200x128xf32, #tpu.memory_space<hbm>> -> memref<128x128xf32, #tpu.memory_space<hbm>>
        tpu.wait_dma2 semaphore(%run_scoped3A : memref<!tpu.dma_semaphore, #tpu.memory_space<semaphore_mem>>) src(%arg7 : memref<128x128xf32, #tpu.memory_space<vmem>>) dst(%dma_wait3A_73 : memref<128x128xf32, #tpu.memory_space<hbm>>)
        tpu.yield
      }) : () -> ()
      %add3A_59 = arith.constant 2 : i32
      %add3A_60 = arith.addi %add3A_36, %add3A_59 : i32
      %lt3A_61 = arith.constant 75 : i32
      %lt3A_62 = arith.cmpi slt, %add3A_60, %lt3A_61 : i32
      %convert_element_type3A_63 = arith.extui %lt3A_62 : i1 to i32
      %cond3A_64 = arith.constant 0 : i32
      %cond3A_65 = arith.cmpi ne, %convert_element_type3A_63, %cond3A_64 : i32
      scf.if %cond3A_65 {
        %add3A_66 = arith.constant 2 : i32
        %add3A_67 = arith.addi %add3A_36, %add3A_66 : i32
        %dma_start3A_68 = arith.constant 0 : i32
        %dma_start3A_69 = tpu.memref_slice %arg5[%add3A_67, %dma_start3A_68] : memref<75x128xi32, #tpu.memory_space<vmem>> -> memref<1x128xi32, #tpu.memory_space<vmem>>
        %dma_start3A_70 = tpu.memref_squeeze %dma_start3A_69 : memref<1x128xi32, #tpu.memory_space<vmem>> -> memref<128xi32, #tpu.memory_space<vmem>>
        %dma_start3A_71 = arith.constant 0 : i32
        %dma_start3A_72 = arith.constant 0 : i32
        %dma_start3A_73 = tpu.memref_slice %arg2[%dma_start3A_71, %dma_start3A_72] : memref<10000x128xf32, #tpu.memory_space<hbm>> -> memref<10000x128xf32, #tpu.memory_space<hbm>>
        tpu.enqueue_indirect_dma source(%dma_start3A_73 : memref<10000x128xf32, #tpu.memory_space<hbm>>) target(%arg7 : memref<128x128xf32, #tpu.memory_space<vmem>>) offsets(%dma_start3A_70 : memref<128xi32, #tpu.memory_space<vmem>>) semaphore(%arg9 : memref<!tpu.dma_semaphore, #tpu.memory_space<semaphore_mem>>)
      } else {
      }
    }
    %scan3A_20 = arith.constant 37 : i32
    %dma_wait3A = arith.constant 74 : i32
    %dma_wait3A_21 = arith.constant 0 : i32
    %dma_wait3A_22 = tpu.memref_slice %arg5[%dma_wait3A, %dma_wait3A_21] : memref<75x128xi32, #tpu.memory_space<vmem>> -> memref<1x128xi32, #tpu.memory_space<vmem>>
    %dma_wait3A_23 = tpu.memref_squeeze %dma_wait3A_22 : memref<1x128xi32, #tpu.memory_space<vmem>> -> memref<128xi32, #tpu.memory_space<vmem>>
    %dma_wait3A_24 = arith.constant 0 : i32
    %dma_wait3A_25 = arith.constant 0 : i32
    %dma_wait3A_26 = tpu.memref_slice %arg2[%dma_wait3A_24, %dma_wait3A_25] : memref<10000x128xf32, #tpu.memory_space<hbm>> -> memref<10000x128xf32, #tpu.memory_space<hbm>>
    tpu.wait_indirect_dma semaphore(%arg8 : memref<!tpu.dma_semaphore, #tpu.memory_space<semaphore_mem>>) src(%dma_wait3A_26 : memref<10000x128xf32, #tpu.memory_space<hbm>>) dst(%arg6 : memref<128x128xf32, #tpu.memory_space<vmem>>)
    %add3A_27 = arith.constant 75 : i32
    %add3A_28 = arith.addi %mul3A_2, %add3A_27 : i32
    %sub3A = arith.constant 1 : i32
    %sub3A_29 = arith.subi %add3A_28, %sub3A : i32
    %mul3A_30 = arith.constant 128 : i32
    %mul3A_31 = arith.muli %sub3A_29, %mul3A_30 : i32
    "tpu.region"() ({
      %run_scoped3A = tpu.sem_alloc : memref<!tpu.dma_semaphore, #tpu.memory_space<semaphore_mem>>
      %dma_start3A_32 = arith.constant 0 : i32
      %dma_start3A_33 = tpu.memref_slice %arg4[%mul3A_31, %dma_start3A_32] : memref<307200x128xf32, #tpu.memory_space<hbm>> -> memref<128x128xf32, #tpu.memory_space<hbm>>
      %dma_start3A_34 = arith.constant 0 : i32
      %dma_start3A_35 = tpu.memref_slice %arg4[%mul3A_31, %dma_start3A_34] : memref<307200x128xf32, #tpu.memory_space<hbm>> -> memref<128x128xf32, #tpu.memory_space<hbm>>
      tpu.enqueue_dma source(%arg6 : memref<128x128xf32, #tpu.memory_space<vmem>>) target(%dma_start3A_35 : memref<128x128xf32, #tpu.memory_space<hbm>>) target_semaphore(%run_scoped3A : memref<!tpu.dma_semaphore, #tpu.memory_space<semaphore_mem>>)
      %dma_wait3A_36 = arith.constant 0 : i32
      %dma_wait3A_37 = tpu.memref_slice %arg4[%mul3A_31, %dma_wait3A_36] : memref<307200x128xf32, #tpu.memory_space<hbm>> -> memref<128x128xf32, #tpu.memory_space<hbm>>
      %dma_wait3A_38 = arith.constant 0 : i32
      %dma_wait3A_39 = tpu.memref_slice %arg4[%mul3A_31, %dma_wait3A_38] : memref<307200x128xf32, #tpu.memory_space<hbm>> -> memref<128x128xf32, #tpu.memory_space<hbm>>
      tpu.wait_dma2 semaphore(%run_scoped3A : memref<!tpu.dma_semaphore, #tpu.memory_space<semaphore_mem>>) src(%arg6 : memref<128x128xf32, #tpu.memory_space<vmem>>) dst(%dma_wait3A_39 : memref<128x128xf32, #tpu.memory_space<hbm>>)
      tpu.yield
    }) : () -> ()
    return
  }
}

#map = affine_map<(d0, d1) -> (0, 0)>
#map1 = affine_map<(d0, d1) -> (0, 0, 0)>
module attributes {stable_mosaic.version = 14 : i64} {
  func.func @_gather_k(%arg0: i32, %arg1: i32, %arg2: memref<10000x128xf32, #tpu.memory_space<hbm>>, %arg3: memref<32x75x128xi32, #tpu.memory_space<hbm>>, %arg4: memref<307200x128xf32, #tpu.memory_space<hbm>>, %arg5: memref<75x128xi32, #tpu.memory_space<vmem>>, %arg6: memref<128x128xf32, #tpu.memory_space<vmem>>, %arg7: memref<128x128xf32, #tpu.memory_space<vmem>>, %arg8: memref<!tpu.dma_semaphore, #tpu.memory_space<semaphore_mem>>, %arg9: memref<!tpu.dma_semaphore, #tpu.memory_space<semaphore_mem>>, %arg10: memref<!tpu.dma_semaphore, #tpu.memory_space<semaphore_mem>>) attributes {dimension_semantics = [#tpu.dimension_semantics<core_parallel>, #tpu.dimension_semantics<subcore_parallel>], iteration_bounds = array<i64: 2, 16>, scalar_prefetch = 0 : i64, scratch_operands = 6 : i64, tpu.core_type = #tpu.core_type<sc_vector_subcore>, window_params = [{transform_indices = #map}, {transform_indices = #map1}, {transform_indices = #map}]} {
    %mul3A = arith.constant 2 : i32
    %mul3A_0 = arith.muli %arg1, %mul3A : i32
    %add3A = arith.addi %mul3A_0, %arg0 : i32
    %mul3A_1 = arith.constant 75 : i32
    %mul3A_2 = arith.muli %add3A, %mul3A_1 : i32
    "tpu.region"() ({
      %run_scoped3A = tpu.sem_alloc : memref<!tpu.dma_semaphore, #tpu.memory_space<semaphore_mem>>
      %dma_start3A_32 = arith.constant 0 : i32
      %dma_start3A_33 = arith.constant 0 : i32
      %dma_start3A_34 = tpu.memref_slice %arg3[%add3A, %dma_start3A_32, %dma_start3A_33] : memref<32x75x128xi32, #tpu.memory_space<hbm>> -> memref<1x75x128xi32, #tpu.memory_space<hbm>>
      %dma_start3A_35 = tpu.memref_squeeze %dma_start3A_34 : memref<1x75x128xi32, #tpu.memory_space<hbm>> -> memref<75x128xi32, #tpu.memory_space<hbm>>
      %dma_start3A_36 = arith.constant 0 : i32
      %dma_start3A_37 = arith.constant 0 : i32
      %dma_start3A_38 = tpu.memref_slice %arg3[%add3A, %dma_start3A_36, %dma_start3A_37] : memref<32x75x128xi32, #tpu.memory_space<hbm>> -> memref<1x75x128xi32, #tpu.memory_space<hbm>>
      %dma_start3A_39 = tpu.memref_squeeze %dma_start3A_38 : memref<1x75x128xi32, #tpu.memory_space<hbm>> -> memref<75x128xi32, #tpu.memory_space<hbm>>
      tpu.enqueue_dma source(%dma_start3A_39 : memref<75x128xi32, #tpu.memory_space<hbm>>) target(%arg5 : memref<75x128xi32, #tpu.memory_space<vmem>>) target_semaphore(%run_scoped3A : memref<!tpu.dma_semaphore, #tpu.memory_space<semaphore_mem>>)
      %dma_wait3A_40 = arith.constant 0 : i32
      %dma_wait3A_41 = arith.constant 0 : i32
      %dma_wait3A_42 = tpu.memref_slice %arg3[%add3A, %dma_wait3A_40, %dma_wait3A_41] : memref<32x75x128xi32, #tpu.memory_space<hbm>> -> memref<1x75x128xi32, #tpu.memory_space<hbm>>
      %dma_wait3A_43 = tpu.memref_squeeze %dma_wait3A_42 : memref<1x75x128xi32, #tpu.memory_space<hbm>> -> memref<75x128xi32, #tpu.memory_space<hbm>>
      %dma_wait3A_44 = arith.constant 0 : i32
      %dma_wait3A_45 = arith.constant 0 : i32
      %dma_wait3A_46 = tpu.memref_slice %arg3[%add3A, %dma_wait3A_44, %dma_wait3A_45] : memref<32x75x128xi32, #tpu.memory_space<hbm>> -> memref<1x75x128xi32, #tpu.memory_space<hbm>>
      %dma_wait3A_47 = tpu.memref_squeeze %dma_wait3A_46 : memref<1x75x128xi32, #tpu.memory_space<hbm>> -> memref<75x128xi32, #tpu.memory_space<hbm>>
      tpu.wait_dma2 semaphore(%run_scoped3A : memref<!tpu.dma_semaphore, #tpu.memory_space<semaphore_mem>>) src(%dma_wait3A_47 : memref<75x128xi32, #tpu.memory_space<hbm>>) dst(%arg5 : memref<75x128xi32, #tpu.memory_space<vmem>>)
      tpu.yield
    }) : () -> ()
    %dma_start3A = arith.constant 0 : i32
    %dma_start3A_3 = arith.constant 0 : i32
    %dma_start3A_4 = tpu.memref_slice %arg5[%dma_start3A, %dma_start3A_3] : memref<75x128xi32, #tpu.memory_space<vmem>> -> memref<1x128xi32, #tpu.memory_space<vmem>>
    %dma_start3A_5 = tpu.memref_squeeze %dma_start3A_4 : memref<1x128xi32, #tpu.memory_space<vmem>> -> memref<128xi32, #tpu.memory_space<vmem>>
    %dma_start3A_6 = arith.constant 0 : i32
    %dma_start3A_7 = arith.constant 0 : i32
    %dma_start3A_8 = tpu.memref_slice %arg2[%dma_start3A_6, %dma_start3A_7] : memref<10000x128xf32, #tpu.memory_space<hbm>> -> memref<10000x128xf32, #tpu.memory_space<hbm>>
    tpu.enqueue_indirect_dma source(%dma_start3A_8 : memref<10000x128xf32, #tpu.memory_space<hbm>>) target(%arg6 : memref<128x128xf32, #tpu.memory_space<vmem>>) offsets(%dma_start3A_5 : memref<128xi32, #tpu.memory_space<vmem>>) semaphore(%arg8 : memref<!tpu.dma_semaphore, #tpu.memory_space<semaphore_mem>>)
    %dma_start3A_9 = arith.constant 1 : i32
    %dma_start3A_10 = arith.constant 0 : i32
    %dma_start3A_11 = tpu.memref_slice %arg5[%dma_start3A_9, %dma_start3A_10] : memref<75x128xi32, #tpu.memory_space<vmem>> -> memref<1x128xi32, #tpu.memory_space<vmem>>
    %dma_start3A_12 = tpu.memref_squeeze %dma_start3A_11 : memref<1x128xi32, #tpu.memory_space<vmem>> -> memref<128xi32, #tpu.memory_space<vmem>>
    %dma_start3A_13 = arith.constant 0 : i32
    %dma_start3A_14 = arith.constant 0 : i32
    %dma_start3A_15 = tpu.memref_slice %arg2[%dma_start3A_13, %dma_start3A_14] : memref<10000x128xf32, #tpu.memory_space<hbm>> -> memref<10000x128xf32, #tpu.memory_space<hbm>>
    tpu.enqueue_indirect_dma source(%dma_start3A_15 : memref<10000x128xf32, #tpu.memory_space<hbm>>) target(%arg7 : memref<128x128xf32, #tpu.memory_space<vmem>>) offsets(%dma_start3A_12 : memref<128xi32, #tpu.memory_space<vmem>>) semaphore(%arg9 : memref<!tpu.dma_semaphore, #tpu.memory_space<semaphore_mem>>)
    %scan3A = arith.constant 0 : i32
    %scan3A_16 = arith.constant 0 : i32
    %scan3A_17 = arith.constant 37 : i32
    %scan3A_18 = arith.addi %scan3A_16, %scan3A_17 : i32
    %scan3A_19 = arith.constant 1 : i32
    scf.for %scan3A_32 = %scan3A_16 to %scan3A_18 step %scan3A_19  : i32 {
      %mul3A_33 = arith.constant 2 : i32
      %mul3A_34 = arith.muli %mul3A_33, %scan3A_32 : i32
      %add3A_35 = arith.constant 1 : i32
      %add3A_36 = arith.addi %mul3A_34, %add3A_35 : i32
      %dma_wait3A_37 = arith.constant 0 : i32
      %dma_wait3A_38 = tpu.memref_slice %arg5[%mul3A_34, %dma_wait3A_37] : memref<75x128xi32, #tpu.memory_space<vmem>> -> memref<1x128xi32, #tpu.memory_space<vmem>>
      %dma_wait3A_39 = tpu.memref_squeeze %dma_wait3A_38 : memref<1x128xi32, #tpu.memory_space<vmem>> -> memref<128xi32, #tpu.memory_space<vmem>>
      %dma_wait3A_40 = arith.constant 0 : i32
      %dma_wait3A_41 = arith.constant 0 : i32
      %dma_wait3A_42 = tpu.memref_slice %arg2[%dma_wait3A_40, %dma_wait3A_41] : memref<10000x128xf32, #tpu.memory_space<hbm>> -> memref<10000x128xf32, #tpu.memory_space<hbm>>
      tpu.wait_indirect_dma semaphore(%arg8 : memref<!tpu.dma_semaphore, #tpu.memory_space<semaphore_mem>>) src(%dma_wait3A_42 : memref<10000x128xf32, #tpu.memory_space<hbm>>) dst(%arg6 : memref<128x128xf32, #tpu.memory_space<vmem>>)
      %add3A_43 = arith.addi %mul3A_2, %mul3A_34 : i32
      %mul3A_44 = arith.constant 128 : i32
      %mul3A_45 = arith.muli %add3A_43, %mul3A_44 : i32
      "tpu.region"() ({
        %run_scoped3A = tpu.sem_alloc : memref<!tpu.dma_semaphore, #tpu.memory_space<semaphore_mem>>
        %dma_start3A_66 = arith.constant 0 : i32
        %dma_start3A_67 = tpu.memref_slice %arg4[%mul3A_45, %dma_start3A_66] : memref<307200x128xf32, #tpu.memory_space<hbm>> -> memref<128x128xf32, #tpu.memory_space<hbm>>
        %dma_start3A_68 = arith.constant 0 : i32
        %dma_start3A_69 = tpu.memref_slice %arg4[%mul3A_45, %dma_start3A_68] : memref<307200x128xf32, #tpu.memory_space<hbm>> -> memref<128x128xf32, #tpu.memory_space<hbm>>
        tpu.enqueue_dma source(%arg6 : memref<128x128xf32, #tpu.memory_space<vmem>>) target(%dma_start3A_69 : memref<128x128xf32, #tpu.memory_space<hbm>>) target_semaphore(%run_scoped3A : memref<!tpu.dma_semaphore, #tpu.memory_space<semaphore_mem>>)
        %dma_wait3A_70 = arith.constant 0 : i32
        %dma_wait3A_71 = tpu.memref_slice %arg4[%mul3A_45, %dma_wait3A_70] : memref<307200x128xf32, #tpu.memory_space<hbm>> -> memref<128x128xf32, #tpu.memory_space<hbm>>
        %dma_wait3A_72 = arith.constant 0 : i32
        %dma_wait3A_73 = tpu.memref_slice %arg4[%mul3A_45, %dma_wait3A_72] : memref<307200x128xf32, #tpu.memory_space<hbm>> -> memref<128x128xf32, #tpu.memory_space<hbm>>
        tpu.wait_dma2 semaphore(%run_scoped3A : memref<!tpu.dma_semaphore, #tpu.memory_space<semaphore_mem>>) src(%arg6 : memref<128x128xf32, #tpu.memory_space<vmem>>) dst(%dma_wait3A_73 : memref<128x128xf32, #tpu.memory_space<hbm>>)
        tpu.yield
      }) : () -> ()
      %add3A_46 = arith.constant 2 : i32
      %add3A_47 = arith.addi %mul3A_34, %add3A_46 : i32
      %lt3A = arith.constant 75 : i32
      %lt3A_48 = arith.cmpi slt, %add3A_47, %lt3A : i32
      %convert_element_type3A = arith.extui %lt3A_48 : i1 to i32
      %cond3A = arith.constant 0 : i32
      %cond3A_49 = arith.cmpi ne, %convert_element_type3A, %cond3A : i32
      scf.if %cond3A_49 {
        %add3A_66 = arith.constant 2 : i32
        %add3A_67 = arith.addi %mul3A_34, %add3A_66 : i32
        %dma_start3A_68 = arith.constant 0 : i32
        %dma_start3A_69 = tpu.memref_slice %arg5[%add3A_67, %dma_start3A_68] : memref<75x128xi32, #tpu.memory_space<vmem>> -> memref<1x128xi32, #tpu.memory_space<vmem>>
        %dma_start3A_70 = tpu.memref_squeeze %dma_start3A_69 : memref<1x128xi32, #tpu.memory_space<vmem>> -> memref<128xi32, #tpu.memory_space<vmem>>
        %dma_start3A_71 = arith.constant 0 : i32
        %dma_start3A_72 = arith.constant 0 : i32
        %dma_start3A_73 = tpu.memref_slice %arg2[%dma_start3A_71, %dma_start3A_72] : memref<10000x128xf32, #tpu.memory_space<hbm>> -> memref<10000x128xf32, #tpu.memory_space<hbm>>
        tpu.enqueue_indirect_dma source(%dma_start3A_73 : memref<10000x128xf32, #tpu.memory_space<hbm>>) target(%arg6 : memref<128x128xf32, #tpu.memory_space<vmem>>) offsets(%dma_start3A_70 : memref<128xi32, #tpu.memory_space<vmem>>) semaphore(%arg8 : memref<!tpu.dma_semaphore, #tpu.memory_space<semaphore_mem>>)
      } else {
      }
      %dma_wait3A_50 = arith.constant 0 : i32
      %dma_wait3A_51 = tpu.memref_slice %arg5[%add3A_36, %dma_wait3A_50] : memref<75x128xi32, #tpu.memory_space<vmem>> -> memref<1x128xi32, #tpu.memory_space<vmem>>
      %dma_wait3A_52 = tpu.memref_squeeze %dma_wait3A_51 : memref<1x128xi32, #tpu.memory_space<vmem>> -> memref<128xi32, #tpu.memory_space<vmem>>
      %dma_wait3A_53 = arith.constant 0 : i32
      %dma_wait3A_54 = arith.constant 0 : i32
      %dma_wait3A_55 = tpu.memref_slice %arg2[%dma_wait3A_53, %dma_wait3A_54] : memref<10000x128xf32, #tpu.memory_space<hbm>> -> memref<10000x128xf32, #tpu.memory_space<hbm>>
      tpu.wait_indirect_dma semaphore(%arg9 : memref<!tpu.dma_semaphore, #tpu.memory_space<semaphore_mem>>) src(%dma_wait3A_55 : memref<10000x128xf32, #tpu.memory_space<hbm>>) dst(%arg7 : memref<128x128xf32, #tpu.memory_space<vmem>>)
      %add3A_56 = arith.addi %mul3A_2, %add3A_36 : i32
      %mul3A_57 = arith.constant 128 : i32
      %mul3A_58 = arith.muli %add3A_56, %mul3A_57 : i32
      "tpu.region"() ({
        %run_scoped3A = tpu.sem_alloc : memref<!tpu.dma_semaphore, #tpu.memory_space<semaphore_mem>>
        %dma_start3A_66 = arith.constant 0 : i32
        %dma_start3A_67 = tpu.memref_slice %arg4[%mul3A_58, %dma_start3A_66] : memref<307200x128xf32, #tpu.memory_space<hbm>> -> memref<128x128xf32, #tpu.memory_space<hbm>>
        %dma_start3A_68 = arith.constant 0 : i32
        %dma_start3A_69 = tpu.memref_slice %arg4[%mul3A_58, %dma_start3A_68] : memref<307200x128xf32, #tpu.memory_space<hbm>> -> memref<128x128xf32, #tpu.memory_space<hbm>>
        tpu.enqueue_dma source(%arg7 : memref<128x128xf32, #tpu.memory_space<vmem>>) target(%dma_start3A_69 : memref<128x128xf32, #tpu.memory_space<hbm>>) target_semaphore(%run_scoped3A : memref<!tpu.dma_semaphore, #tpu.memory_space<semaphore_mem>>)
        %dma_wait3A_70 = arith.constant 0 : i32
        %dma_wait3A_71 = tpu.memref_slice %arg4[%mul3A_58, %dma_wait3A_70] : memref<307200x128xf32, #tpu.memory_space<hbm>> -> memref<128x128xf32, #tpu.memory_space<hbm>>
        %dma_wait3A_72 = arith.constant 0 : i32
        %dma_wait3A_73 = tpu.memref_slice %arg4[%mul3A_58, %dma_wait3A_72] : memref<307200x128xf32, #tpu.memory_space<hbm>> -> memref<128x128xf32, #tpu.memory_space<hbm>>
        tpu.wait_dma2 semaphore(%run_scoped3A : memref<!tpu.dma_semaphore, #tpu.memory_space<semaphore_mem>>) src(%arg7 : memref<128x128xf32, #tpu.memory_space<vmem>>) dst(%dma_wait3A_73 : memref<128x128xf32, #tpu.memory_space<hbm>>)
        tpu.yield
      }) : () -> ()
      %add3A_59 = arith.constant 2 : i32
      %add3A_60 = arith.addi %add3A_36, %add3A_59 : i32
      %lt3A_61 = arith.constant 75 : i32
      %lt3A_62 = arith.cmpi slt, %add3A_60, %lt3A_61 : i32
      %convert_element_type3A_63 = arith.extui %lt3A_62 : i1 to i32
      %cond3A_64 = arith.constant 0 : i32
      %cond3A_65 = arith.cmpi ne, %convert_element_type3A_63, %cond3A_64 : i32
      scf.if %cond3A_65 {
        %add3A_66 = arith.constant 2 : i32
        %add3A_67 = arith.addi %add3A_36, %add3A_66 : i32
        %dma_start3A_68 = arith.constant 0 : i32
        %dma_start3A_69 = tpu.memref_slice %arg5[%add3A_67, %dma_start3A_68] : memref<75x128xi32, #tpu.memory_space<vmem>> -> memref<1x128xi32, #tpu.memory_space<vmem>>
        %dma_start3A_70 = tpu.memref_squeeze %dma_start3A_69 : memref<1x128xi32, #tpu.memory_space<vmem>> -> memref<128xi32, #tpu.memory_space<vmem>>
        %dma_start3A_71 = arith.constant 0 : i32
        %dma_start3A_72 = arith.constant 0 : i32
        %dma_start3A_73 = tpu.memref_slice %arg2[%dma_start3A_71, %dma_start3A_72] : memref<10000x128xf32, #tpu.memory_space<hbm>> -> memref<10000x128xf32, #tpu.memory_space<hbm>>
        tpu.enqueue_indirect_dma source(%dma_start3A_73 : memref<10000x128xf32, #tpu.memory_space<hbm>>) target(%arg7 : memref<128x128xf32, #tpu.memory_space<vmem>>) offsets(%dma_start3A_70 : memref<128xi32, #tpu.memory_space<vmem>>) semaphore(%arg9 : memref<!tpu.dma_semaphore, #tpu.memory_space<semaphore_mem>>)
      } else {
      }
    }
    %scan3A_20 = arith.constant 37 : i32
    %dma_wait3A = arith.constant 74 : i32
    %dma_wait3A_21 = arith.constant 0 : i32
    %dma_wait3A_22 = tpu.memref_slice %arg5[%dma_wait3A, %dma_wait3A_21] : memref<75x128xi32, #tpu.memory_space<vmem>> -> memref<1x128xi32, #tpu.memory_space<vmem>>
    %dma_wait3A_23 = tpu.memref_squeeze %dma_wait3A_22 : memref<1x128xi32, #tpu.memory_space<vmem>> -> memref<128xi32, #tpu.memory_space<vmem>>
    %dma_wait3A_24 = arith.constant 0 : i32
    %dma_wait3A_25 = arith.constant 0 : i32
    %dma_wait3A_26 = tpu.memref_slice %arg2[%dma_wait3A_24, %dma_wait3A_25] : memref<10000x128xf32, #tpu.memory_space<hbm>> -> memref<10000x128xf32, #tpu.memory_space<hbm>>
    tpu.wait_indirect_dma semaphore(%arg8 : memref<!tpu.dma_semaphore, #tpu.memory_space<semaphore_mem>>) src(%dma_wait3A_26 : memref<10000x128xf32, #tpu.memory_space<hbm>>) dst(%arg6 : memref<128x128xf32, #tpu.memory_space<vmem>>)
    %add3A_27 = arith.constant 75 : i32
    %add3A_28 = arith.addi %mul3A_2, %add3A_27 : i32
    %sub3A = arith.constant 1 : i32
    %sub3A_29 = arith.subi %add3A_28, %sub3A : i32
    %mul3A_30 = arith.constant 128 : i32
    %mul3A_31 = arith.muli %sub3A_29, %mul3A_30 : i32
    "tpu.region"() ({
      %run_scoped3A = tpu.sem_alloc : memref<!tpu.dma_semaphore, #tpu.memory_space<semaphore_mem>>
      %dma_start3A_32 = arith.constant 0 : i32
      %dma_start3A_33 = tpu.memref_slice %arg4[%mul3A_31, %dma_start3A_32] : memref<307200x128xf32, #tpu.memory_space<hbm>> -> memref<128x128xf32, #tpu.memory_space<hbm>>
      %dma_start3A_34 = arith.constant 0 : i32
      %dma_start3A_35 = tpu.memref_slice %arg4[%mul3A_31, %dma_start3A_34] : memref<307200x128xf32, #tpu.memory_space<hbm>> -> memref<128x128xf32, #tpu.memory_space<hbm>>
      tpu.enqueue_dma source(%arg6 : memref<128x128xf32, #tpu.memory_space<vmem>>) target(%dma_start3A_35 : memref<128x128xf32, #tpu.memory_space<hbm>>) target_semaphore(%run_scoped3A : memref<!tpu.dma_semaphore, #tpu.memory_space<semaphore_mem>>)
      %dma_wait3A_36 = arith.constant 0 : i32
      %dma_wait3A_37 = tpu.memref_slice %arg4[%mul3A_31, %dma_wait3A_36] : memref<307200x128xf32, #tpu.memory_space<hbm>> -> memref<128x128xf32, #tpu.memory_space<hbm>>
      %dma_wait3A_38 = arith.constant 0 : i32
      %dma_wait3A_39 = tpu.memref_slice %arg4[%mul3A_31, %dma_wait3A_38] : memref<307200x128xf32, #tpu.memory_space<hbm>> -> memref<128x128xf32, #tpu.memory_space<hbm>>
      tpu.wait_dma2 semaphore(%run_scoped3A : memref<!tpu.dma_semaphore, #tpu.memory_space<semaphore_mem>>) src(%arg6 : memref<128x128xf32, #tpu.memory_space<vmem>>) dst(%dma_wait3A_39 : memref<128x128xf32, #tpu.memory_space<hbm>>)
      tpu.yield
    }) : () -> ()
    return
  }
}

#map = affine_map<(d0, d1) -> (0, 0)>
#map1 = affine_map<(d0, d1) -> (0, 0, 0)>
module attributes {stable_mosaic.version = 14 : i64} {
  func.func @_scatter_k(%arg0: i32, %arg1: i32, %arg2: memref<307200x128xf32, #tpu.memory_space<hbm>>, %arg3: memref<32x75x128xi32, #tpu.memory_space<hbm>>, %arg4: memref<10112x128xf32, #tpu.memory_space<hbm>>, %arg5: memref<2x10112x128xf32, #tpu.memory_space<hbm>>, %arg6: memref<75x128xi32, #tpu.memory_space<vmem>>, %arg7: memref<128x128xf32, #tpu.memory_space<vmem>>, %arg8: memref<128x128xf32, #tpu.memory_space<vmem>>, %arg9: memref<10112x128xf32, #tpu.memory_space<vmem_shared>>, %arg10: memref<!tpu.dma_semaphore, #tpu.memory_space<semaphore_mem>>, %arg11: memref<!tpu.dma_semaphore, #tpu.memory_space<semaphore_mem>>) attributes {dimension_semantics = [#tpu.dimension_semantics<core_parallel>, #tpu.dimension_semantics<subcore_parallel>], iteration_bounds = array<i64: 2, 16>, scalar_prefetch = 0 : i64, scratch_operands = 6 : i64, tpu.core_type = #tpu.core_type<sc_vector_subcore>, window_params = [{transform_indices = #map}, {transform_indices = #map1}, {transform_indices = #map}, {transform_indices = #map1}]} {
    %mul3A = arith.constant 2 : i32
    %mul3A_0 = arith.muli %arg1, %mul3A : i32
    %add3A = arith.addi %mul3A_0, %arg0 : i32
    %mul3A_1 = arith.constant 75 : i32
    %mul3A_2 = arith.muli %add3A, %mul3A_1 : i32
    %mul3A_3 = arith.constant 632 : i32
    %mul3A_4 = arith.muli %arg1, %mul3A_3 : i32
    %mul3A_5 = arith.constant 632 : i32
    %mul3A_6 = arith.muli %arg1, %mul3A_5 : i32
    "tpu.region"() ({
      %run_scoped3A_39 = tpu.sem_alloc : memref<!tpu.dma_semaphore, #tpu.memory_space<semaphore_mem>>
      %dma_start3A_40 = arith.constant 0 : i32
      %dma_start3A_41 = tpu.memref_slice %arg9[%mul3A_6, %dma_start3A_40] : memref<10112x128xf32, #tpu.memory_space<vmem_shared>> -> memref<632x128xf32, #tpu.memory_space<vmem_shared>>
      %dma_start3A_42 = arith.constant 0 : i32
      %dma_start3A_43 = tpu.memref_slice %arg4[%mul3A_4, %dma_start3A_42] : memref<10112x128xf32, #tpu.memory_space<hbm>> -> memref<632x128xf32, #tpu.memory_space<hbm>>
      tpu.enqueue_dma source(%dma_start3A_43 : memref<632x128xf32, #tpu.memory_space<hbm>>) target(%dma_start3A_41 : memref<632x128xf32, #tpu.memory_space<vmem_shared>>) target_semaphore(%run_scoped3A_39 : memref<!tpu.dma_semaphore, #tpu.memory_space<semaphore_mem>>)
      %dma_wait3A_44 = arith.constant 0 : i32
      %dma_wait3A_45 = tpu.memref_slice %arg9[%mul3A_6, %dma_wait3A_44] : memref<10112x128xf32, #tpu.memory_space<vmem_shared>> -> memref<632x128xf32, #tpu.memory_space<vmem_shared>>
      %dma_wait3A_46 = arith.constant 0 : i32
      %dma_wait3A_47 = tpu.memref_slice %arg4[%mul3A_4, %dma_wait3A_46] : memref<10112x128xf32, #tpu.memory_space<hbm>> -> memref<632x128xf32, #tpu.memory_space<hbm>>
      tpu.wait_dma2 semaphore(%run_scoped3A_39 : memref<!tpu.dma_semaphore, #tpu.memory_space<semaphore_mem>>) src(%dma_wait3A_47 : memref<632x128xf32, #tpu.memory_space<hbm>>) dst(%dma_wait3A_45 : memref<632x128xf32, #tpu.memory_space<vmem_shared>>)
      tpu.yield
    }) : () -> ()
    "tpu.region"() ({
      %run_scoped3A_39 = tpu.sem_alloc : memref<!tpu.dma_semaphore, #tpu.memory_space<semaphore_mem>>
      %dma_start3A_40 = arith.constant 0 : i32
      %dma_start3A_41 = arith.constant 0 : i32
      %dma_start3A_42 = tpu.memref_slice %arg3[%add3A, %dma_start3A_40, %dma_start3A_41] : memref<32x75x128xi32, #tpu.memory_space<hbm>> -> memref<1x75x128xi32, #tpu.memory_space<hbm>>
      %dma_start3A_43 = tpu.memref_squeeze %dma_start3A_42 : memref<1x75x128xi32, #tpu.memory_space<hbm>> -> memref<75x128xi32, #tpu.memory_space<hbm>>
      %dma_start3A_44 = arith.constant 0 : i32
      %dma_start3A_45 = arith.constant 0 : i32
      %dma_start3A_46 = tpu.memref_slice %arg3[%add3A, %dma_start3A_44, %dma_start3A_45] : memref<32x75x128xi32, #tpu.memory_space<hbm>> -> memref<1x75x128xi32, #tpu.memory_space<hbm>>
      %dma_start3A_47 = tpu.memref_squeeze %dma_start3A_46 : memref<1x75x128xi32, #tpu.memory_space<hbm>> -> memref<75x128xi32, #tpu.memory_space<hbm>>
      tpu.enqueue_dma source(%dma_start3A_47 : memref<75x128xi32, #tpu.memory_space<hbm>>) target(%arg6 : memref<75x128xi32, #tpu.memory_space<vmem>>) target_semaphore(%run_scoped3A_39 : memref<!tpu.dma_semaphore, #tpu.memory_space<semaphore_mem>>)
      %dma_wait3A_48 = arith.constant 0 : i32
      %dma_wait3A_49 = arith.constant 0 : i32
      %dma_wait3A_50 = tpu.memref_slice %arg3[%add3A, %dma_wait3A_48, %dma_wait3A_49] : memref<32x75x128xi32, #tpu.memory_space<hbm>> -> memref<1x75x128xi32, #tpu.memory_space<hbm>>
      %dma_wait3A_51 = tpu.memref_squeeze %dma_wait3A_50 : memref<1x75x128xi32, #tpu.memory_space<hbm>> -> memref<75x128xi32, #tpu.memory_space<hbm>>
      %dma_wait3A_52 = arith.constant 0 : i32
      %dma_wait3A_53 = arith.constant 0 : i32
      %dma_wait3A_54 = tpu.memref_slice %arg3[%add3A, %dma_wait3A_52, %dma_wait3A_53] : memref<32x75x128xi32, #tpu.memory_space<hbm>> -> memref<1x75x128xi32, #tpu.memory_space<hbm>>
      %dma_wait3A_55 = tpu.memref_squeeze %dma_wait3A_54 : memref<1x75x128xi32, #tpu.memory_space<hbm>> -> memref<75x128xi32, #tpu.memory_space<hbm>>
      tpu.wait_dma2 semaphore(%run_scoped3A_39 : memref<!tpu.dma_semaphore, #tpu.memory_space<semaphore_mem>>) src(%dma_wait3A_55 : memref<75x128xi32, #tpu.memory_space<hbm>>) dst(%arg6 : memref<75x128xi32, #tpu.memory_space<vmem>>)
      tpu.yield
    }) : () -> ()
    %barrier3A = arith.constant 0 : index
    tpu.barrier barrier_id(%barrier3A)
    %add3A_7 = arith.constant 0 : i32
    %add3A_8 = arith.addi %mul3A_2, %add3A_7 : i32
    %mul3A_9 = arith.constant 128 : i32
    %mul3A_10 = arith.muli %add3A_8, %mul3A_9 : i32
    %dma_start3A = arith.constant 0 : i32
    %dma_start3A_11 = tpu.memref_slice %arg2[%mul3A_10, %dma_start3A] : memref<307200x128xf32, #tpu.memory_space<hbm>> -> memref<128x128xf32, #tpu.memory_space<hbm>>
    %dma_start3A_12 = arith.constant 0 : i32
    %dma_start3A_13 = tpu.memref_slice %arg2[%mul3A_10, %dma_start3A_12] : memref<307200x128xf32, #tpu.memory_space<hbm>> -> memref<128x128xf32, #tpu.memory_space<hbm>>
    tpu.enqueue_dma source(%dma_start3A_13 : memref<128x128xf32, #tpu.memory_space<hbm>>) target(%arg7 : memref<128x128xf32, #tpu.memory_space<vmem>>) target_semaphore(%arg10 : memref<!tpu.dma_semaphore, #tpu.memory_space<semaphore_mem>>)
    %add3A_14 = arith.constant 1 : i32
    %add3A_15 = arith.addi %mul3A_2, %add3A_14 : i32
    %mul3A_16 = arith.constant 128 : i32
    %mul3A_17 = arith.muli %add3A_15, %mul3A_16 : i32
    %dma_start3A_18 = arith.constant 0 : i32
    %dma_start3A_19 = tpu.memref_slice %arg2[%mul3A_17, %dma_start3A_18] : memref<307200x128xf32, #tpu.memory_space<hbm>> -> memref<128x128xf32, #tpu.memory_space<hbm>>
    %dma_start3A_20 = arith.constant 0 : i32
    %dma_start3A_21 = tpu.memref_slice %arg2[%mul3A_17, %dma_start3A_20] : memref<307200x128xf32, #tpu.memory_space<hbm>> -> memref<128x128xf32, #tpu.memory_space<hbm>>
    tpu.enqueue_dma source(%dma_start3A_21 : memref<128x128xf32, #tpu.memory_space<hbm>>) target(%arg8 : memref<128x128xf32, #tpu.memory_space<vmem>>) target_semaphore(%arg11 : memref<!tpu.dma_semaphore, #tpu.memory_space<semaphore_mem>>)
    %scan3A = arith.constant 0 : i32
    %scan3A_22 = arith.constant 0 : i32
    %scan3A_23 = arith.constant 37 : i32
    %scan3A_24 = arith.addi %scan3A_22, %scan3A_23 : i32
    %scan3A_25 = arith.constant 1 : i32
    scf.for %scan3A_39 = %scan3A_22 to %scan3A_24 step %scan3A_25  : i32 {
      %mul3A_40 = arith.constant 2 : i32
      %mul3A_41 = arith.muli %mul3A_40, %scan3A_39 : i32
      %add3A_42 = arith.constant 1 : i32
      %add3A_43 = arith.addi %mul3A_41, %add3A_42 : i32
      %add3A_44 = arith.addi %mul3A_2, %mul3A_41 : i32
      %mul3A_45 = arith.constant 128 : i32
      %mul3A_46 = arith.muli %add3A_44, %mul3A_45 : i32
      %dma_wait3A_47 = arith.constant 0 : i32
      %dma_wait3A_48 = tpu.memref_slice %arg2[%mul3A_46, %dma_wait3A_47] : memref<307200x128xf32, #tpu.memory_space<hbm>> -> memref<128x128xf32, #tpu.memory_space<hbm>>
      %dma_wait3A_49 = arith.constant 0 : i32
      %dma_wait3A_50 = tpu.memref_slice %arg2[%mul3A_46, %dma_wait3A_49] : memref<307200x128xf32, #tpu.memory_space<hbm>> -> memref<128x128xf32, #tpu.memory_space<hbm>>
      tpu.wait_dma2 semaphore(%arg10 : memref<!tpu.dma_semaphore, #tpu.memory_space<semaphore_mem>>) src(%dma_wait3A_50 : memref<128x128xf32, #tpu.memory_space<hbm>>) dst(%arg7 : memref<128x128xf32, #tpu.memory_space<vmem>>)
      "tpu.region"() ({
        %run_scoped3A_69 = tpu.sem_alloc : memref<!tpu.dma_semaphore, #tpu.memory_space<semaphore_mem>>
        %dma_start3A_70 = arith.constant 0 : i32
        %dma_start3A_71 = tpu.memref_slice %arg6[%mul3A_41, %dma_start3A_70] : memref<75x128xi32, #tpu.memory_space<vmem>> -> memref<1x128xi32, #tpu.memory_space<vmem>>
        %dma_start3A_72 = tpu.memref_squeeze %dma_start3A_71 : memref<1x128xi32, #tpu.memory_space<vmem>> -> memref<128xi32, #tpu.memory_space<vmem>>
        %dma_start3A_73 = arith.constant 0 : i32
        %dma_start3A_74 = arith.constant 0 : i32
        %dma_start3A_75 = tpu.memref_slice %arg9[%dma_start3A_73, %dma_start3A_74] : memref<10112x128xf32, #tpu.memory_space<vmem_shared>> -> memref<10112x128xf32, #tpu.memory_space<vmem_shared>>
        tpu.enqueue_indirect_dma source(%arg7 : memref<128x128xf32, #tpu.memory_space<vmem>>) target(%dma_start3A_75 : memref<10112x128xf32, #tpu.memory_space<vmem_shared>>) offsets(%dma_start3A_72 : memref<128xi32, #tpu.memory_space<vmem>>) semaphore(%run_scoped3A_69 : memref<!tpu.dma_semaphore, #tpu.memory_space<semaphore_mem>>) {add = true}
        %dma_wait3A_76 = arith.constant 0 : i32
        %dma_wait3A_77 = tpu.memref_slice %arg6[%mul3A_41, %dma_wait3A_76] : memref<75x128xi32, #tpu.memory_space<vmem>> -> memref<1x128xi32, #tpu.memory_space<vmem>>
        %dma_wait3A_78 = tpu.memref_squeeze %dma_wait3A_77 : memref<1x128xi32, #tpu.memory_space<vmem>> -> memref<128xi32, #tpu.memory_space<vmem>>
        %dma_wait3A_79 = arith.constant 0 : i32
        %dma_wait3A_80 = arith.constant 0 : i32
        %dma_wait3A_81 = tpu.memref_slice %arg9[%dma_wait3A_79, %dma_wait3A_80] : memref<10112x128xf32, #tpu.memory_space<vmem_shared>> -> memref<10112x128xf32, #tpu.memory_space<vmem_shared>>
        tpu.wait_indirect_dma semaphore(%run_scoped3A_69 : memref<!tpu.dma_semaphore, #tpu.memory_space<semaphore_mem>>) src(%arg7 : memref<128x128xf32, #tpu.memory_space<vmem>>) dst(%dma_wait3A_81 : memref<10112x128xf32, #tpu.memory_space<vmem_shared>>)
        tpu.yield
      }) : () -> ()
      %add3A_51 = arith.constant 2 : i32
      %add3A_52 = arith.addi %mul3A_41, %add3A_51 : i32
      %lt3A = arith.constant 75 : i32
      %lt3A_53 = arith.cmpi slt, %add3A_52, %lt3A : i32
      %convert_element_type3A = arith.extui %lt3A_53 : i1 to i32
      %cond3A = arith.constant 0 : i32
      %cond3A_54 = arith.cmpi ne, %convert_element_type3A, %cond3A : i32
      scf.if %cond3A_54 {
        %add3A_69 = arith.constant 2 : i32
        %add3A_70 = arith.addi %mul3A_41, %add3A_69 : i32
        %add3A_71 = arith.addi %mul3A_2, %add3A_70 : i32
        %mul3A_72 = arith.constant 128 : i32
        %mul3A_73 = arith.muli %add3A_71, %mul3A_72 : i32
        %dma_start3A_74 = arith.constant 0 : i32
        %dma_start3A_75 = tpu.memref_slice %arg2[%mul3A_73, %dma_start3A_74] : memref<307200x128xf32, #tpu.memory_space<hbm>> -> memref<128x128xf32, #tpu.memory_space<hbm>>
        %dma_start3A_76 = arith.constant 0 : i32
        %dma_start3A_77 = tpu.memref_slice %arg2[%mul3A_73, %dma_start3A_76] : memref<307200x128xf32, #tpu.memory_space<hbm>> -> memref<128x128xf32, #tpu.memory_space<hbm>>
        tpu.enqueue_dma source(%dma_start3A_77 : memref<128x128xf32, #tpu.memory_space<hbm>>) target(%arg7 : memref<128x128xf32, #tpu.memory_space<vmem>>) target_semaphore(%arg10 : memref<!tpu.dma_semaphore, #tpu.memory_space<semaphore_mem>>)
      } else {
      }
      %add3A_55 = arith.addi %mul3A_2, %add3A_43 : i32
      %mul3A_56 = arith.constant 128 : i32
      %mul3A_57 = arith.muli %add3A_55, %mul3A_56 : i32
      %dma_wait3A_58 = arith.constant 0 : i32
      %dma_wait3A_59 = tpu.memref_slice %arg2[%mul3A_57, %dma_wait3A_58] : memref<307200x128xf32, #tpu.memory_space<hbm>> -> memref<128x128xf32, #tpu.memory_space<hbm>>
      %dma_wait3A_60 = arith.constant 0 : i32
      %dma_wait3A_61 = tpu.memref_slice %arg2[%mul3A_57, %dma_wait3A_60] : memref<307200x128xf32, #tpu.memory_space<hbm>> -> memref<128x128xf32, #tpu.memory_space<hbm>>
      tpu.wait_dma2 semaphore(%arg11 : memref<!tpu.dma_semaphore, #tpu.memory_space<semaphore_mem>>) src(%dma_wait3A_61 : memref<128x128xf32, #tpu.memory_space<hbm>>) dst(%arg8 : memref<128x128xf32, #tpu.memory_space<vmem>>)
      "tpu.region"() ({
        %run_scoped3A_69 = tpu.sem_alloc : memref<!tpu.dma_semaphore, #tpu.memory_space<semaphore_mem>>
        %dma_start3A_70 = arith.constant 0 : i32
        %dma_start3A_71 = tpu.memref_slice %arg6[%add3A_43, %dma_start3A_70] : memref<75x128xi32, #tpu.memory_space<vmem>> -> memref<1x128xi32, #tpu.memory_space<vmem>>
        %dma_start3A_72 = tpu.memref_squeeze %dma_start3A_71 : memref<1x128xi32, #tpu.memory_space<vmem>> -> memref<128xi32, #tpu.memory_space<vmem>>
        %dma_start3A_73 = arith.constant 0 : i32
        %dma_start3A_74 = arith.constant 0 : i32
        %dma_start3A_75 = tpu.memref_slice %arg9[%dma_start3A_73, %dma_start3A_74] : memref<10112x128xf32, #tpu.memory_space<vmem_shared>> -> memref<10112x128xf32, #tpu.memory_space<vmem_shared>>
        tpu.enqueue_indirect_dma source(%arg8 : memref<128x128xf32, #tpu.memory_space<vmem>>) target(%dma_start3A_75 : memref<10112x128xf32, #tpu.memory_space<vmem_shared>>) offsets(%dma_start3A_72 : memref<128xi32, #tpu.memory_space<vmem>>) semaphore(%run_scoped3A_69 : memref<!tpu.dma_semaphore, #tpu.memory_space<semaphore_mem>>) {add = true}
        %dma_wait3A_76 = arith.constant 0 : i32
        %dma_wait3A_77 = tpu.memref_slice %arg6[%add3A_43, %dma_wait3A_76] : memref<75x128xi32, #tpu.memory_space<vmem>> -> memref<1x128xi32, #tpu.memory_space<vmem>>
        %dma_wait3A_78 = tpu.memref_squeeze %dma_wait3A_77 : memref<1x128xi32, #tpu.memory_space<vmem>> -> memref<128xi32, #tpu.memory_space<vmem>>
        %dma_wait3A_79 = arith.constant 0 : i32
        %dma_wait3A_80 = arith.constant 0 : i32
        %dma_wait3A_81 = tpu.memref_slice %arg9[%dma_wait3A_79, %dma_wait3A_80] : memref<10112x128xf32, #tpu.memory_space<vmem_shared>> -> memref<10112x128xf32, #tpu.memory_space<vmem_shared>>
        tpu.wait_indirect_dma semaphore(%run_scoped3A_69 : memref<!tpu.dma_semaphore, #tpu.memory_space<semaphore_mem>>) src(%arg8 : memref<128x128xf32, #tpu.memory_space<vmem>>) dst(%dma_wait3A_81 : memref<10112x128xf32, #tpu.memory_space<vmem_shared>>)
        tpu.yield
      }) : () -> ()
      %add3A_62 = arith.constant 2 : i32
      %add3A_63 = arith.addi %add3A_43, %add3A_62 : i32
      %lt3A_64 = arith.constant 75 : i32
      %lt3A_65 = arith.cmpi slt, %add3A_63, %lt3A_64 : i32
      %convert_element_type3A_66 = arith.extui %lt3A_65 : i1 to i32
      %cond3A_67 = arith.constant 0 : i32
      %cond3A_68 = arith.cmpi ne, %convert_element_type3A_66, %cond3A_67 : i32
      scf.if %cond3A_68 {
        %add3A_69 = arith.constant 2 : i32
        %add3A_70 = arith.addi %add3A_43, %add3A_69 : i32
        %add3A_71 = arith.addi %mul3A_2, %add3A_70 : i32
        %mul3A_72 = arith.constant 128 : i32
        %mul3A_73 = arith.muli %add3A_71, %mul3A_72 : i32
        %dma_start3A_74 = arith.constant 0 : i32
        %dma_start3A_75 = tpu.memref_slice %arg2[%mul3A_73, %dma_start3A_74] : memref<307200x128xf32, #tpu.memory_space<hbm>> -> memref<128x128xf32, #tpu.memory_space<hbm>>
        %dma_start3A_76 = arith.constant 0 : i32
        %dma_start3A_77 = tpu.memref_slice %arg2[%mul3A_73, %dma_start3A_76] : memref<307200x128xf32, #tpu.memory_space<hbm>> -> memref<128x128xf32, #tpu.memory_space<hbm>>
        tpu.enqueue_dma source(%dma_start3A_77 : memref<128x128xf32, #tpu.memory_space<hbm>>) target(%arg8 : memref<128x128xf32, #tpu.memory_space<vmem>>) target_semaphore(%arg11 : memref<!tpu.dma_semaphore, #tpu.memory_space<semaphore_mem>>)
      } else {
      }
    }
    %scan3A_26 = arith.constant 37 : i32
    %add3A_27 = arith.constant 74 : i32
    %add3A_28 = arith.addi %mul3A_2, %add3A_27 : i32
    %mul3A_29 = arith.constant 128 : i32
    %mul3A_30 = arith.muli %add3A_28, %mul3A_29 : i32
    %dma_wait3A = arith.constant 0 : i32
    %dma_wait3A_31 = tpu.memref_slice %arg2[%mul3A_30, %dma_wait3A] : memref<307200x128xf32, #tpu.memory_space<hbm>> -> memref<128x128xf32, #tpu.memory_space<hbm>>
    %dma_wait3A_32 = arith.constant 0 : i32
    %dma_wait3A_33 = tpu.memref_slice %arg2[%mul3A_30, %dma_wait3A_32] : memref<307200x128xf32, #tpu.memory_space<hbm>> -> memref<128x128xf32, #tpu.memory_space<hbm>>
    tpu.wait_dma2 semaphore(%arg10 : memref<!tpu.dma_semaphore, #tpu.memory_space<semaphore_mem>>) src(%dma_wait3A_33 : memref<128x128xf32, #tpu.memory_space<hbm>>) dst(%arg7 : memref<128x128xf32, #tpu.memory_space<vmem>>)
    %run_scoped3A = arith.constant 74 : i32
    "tpu.region"() ({
      %run_scoped3A_39 = tpu.sem_alloc : memref<!tpu.dma_semaphore, #tpu.memory_space<semaphore_mem>>
      %dma_start3A_40 = arith.constant 0 : i32
      %dma_start3A_41 = tpu.memref_slice %arg6[%run_scoped3A, %dma_start3A_40] : memref<75x128xi32, #tpu.memory_space<vmem>> -> memref<1x128xi32, #tpu.memory_space<vmem>>
      %dma_start3A_42 = tpu.memref_squeeze %dma_start3A_41 : memref<1x128xi32, #tpu.memory_space<vmem>> -> memref<128xi32, #tpu.memory_space<vmem>>
      %dma_start3A_43 = arith.constant 0 : i32
      %dma_start3A_44 = arith.constant 0 : i32
      %dma_start3A_45 = tpu.memref_slice %arg9[%dma_start3A_43, %dma_start3A_44] : memref<10112x128xf32, #tpu.memory_space<vmem_shared>> -> memref<10112x128xf32, #tpu.memory_space<vmem_shared>>
      tpu.enqueue_indirect_dma source(%arg7 : memref<128x128xf32, #tpu.memory_space<vmem>>) target(%dma_start3A_45 : memref<10112x128xf32, #tpu.memory_space<vmem_shared>>) offsets(%dma_start3A_42 : memref<128xi32, #tpu.memory_space<vmem>>) semaphore(%run_scoped3A_39 : memref<!tpu.dma_semaphore, #tpu.memory_space<semaphore_mem>>) {add = true}
      %dma_wait3A_46 = arith.constant 0 : i32
      %dma_wait3A_47 = tpu.memref_slice %arg6[%run_scoped3A, %dma_wait3A_46] : memref<75x128xi32, #tpu.memory_space<vmem>> -> memref<1x128xi32, #tpu.memory_space<vmem>>
      %dma_wait3A_48 = tpu.memref_squeeze %dma_wait3A_47 : memref<1x128xi32, #tpu.memory_space<vmem>> -> memref<128xi32, #tpu.memory_space<vmem>>
      %dma_wait3A_49 = arith.constant 0 : i32
      %dma_wait3A_50 = arith.constant 0 : i32
      %dma_wait3A_51 = tpu.memref_slice %arg9[%dma_wait3A_49, %dma_wait3A_50] : memref<10112x128xf32, #tpu.memory_space<vmem_shared>> -> memref<10112x128xf32, #tpu.memory_space<vmem_shared>>
      tpu.wait_indirect_dma semaphore(%run_scoped3A_39 : memref<!tpu.dma_semaphore, #tpu.memory_space<semaphore_mem>>) src(%arg7 : memref<128x128xf32, #tpu.memory_space<vmem>>) dst(%dma_wait3A_51 : memref<10112x128xf32, #tpu.memory_space<vmem_shared>>)
      tpu.yield
    }) : () -> ()
    %barrier3A_34 = arith.constant 0 : index
    tpu.barrier barrier_id(%barrier3A_34)
    %mul3A_35 = arith.constant 632 : i32
    %mul3A_36 = arith.muli %arg1, %mul3A_35 : i32
    %mul3A_37 = arith.constant 632 : i32
    %mul3A_38 = arith.muli %arg1, %mul3A_37 : i32
    "tpu.region"() ({
      %run_scoped3A_39 = tpu.sem_alloc : memref<!tpu.dma_semaphore, #tpu.memory_space<semaphore_mem>>
      %dma_start3A_40 = arith.constant 0 : i32
      %dma_start3A_41 = tpu.memref_slice %arg5[%arg0, %mul3A_38, %dma_start3A_40] : memref<2x10112x128xf32, #tpu.memory_space<hbm>> -> memref<1x632x128xf32, #tpu.memory_space<hbm>>
      %dma_start3A_42 = tpu.memref_squeeze %dma_start3A_41 : memref<1x632x128xf32, #tpu.memory_space<hbm>> -> memref<632x128xf32, #tpu.memory_space<hbm>>
      %dma_start3A_43 = arith.constant 0 : i32
      %dma_start3A_44 = tpu.memref_slice %arg9[%mul3A_36, %dma_start3A_43] : memref<10112x128xf32, #tpu.memory_space<vmem_shared>> -> memref<632x128xf32, #tpu.memory_space<vmem_shared>>
      tpu.enqueue_dma source(%dma_start3A_44 : memref<632x128xf32, #tpu.memory_space<vmem_shared>>) target(%dma_start3A_42 : memref<632x128xf32, #tpu.memory_space<hbm>>) target_semaphore(%run_scoped3A_39 : memref<!tpu.dma_semaphore, #tpu.memory_space<semaphore_mem>>)
      %dma_wait3A_45 = arith.constant 0 : i32
      %dma_wait3A_46 = tpu.memref_slice %arg5[%arg0, %mul3A_38, %dma_wait3A_45] : memref<2x10112x128xf32, #tpu.memory_space<hbm>> -> memref<1x632x128xf32, #tpu.memory_space<hbm>>
      %dma_wait3A_47 = tpu.memref_squeeze %dma_wait3A_46 : memref<1x632x128xf32, #tpu.memory_space<hbm>> -> memref<632x128xf32, #tpu.memory_space<hbm>>
      %dma_wait3A_48 = arith.constant 0 : i32
      %dma_wait3A_49 = tpu.memref_slice %arg9[%mul3A_36, %dma_wait3A_48] : memref<10112x128xf32, #tpu.memory_space<vmem_shared>> -> memref<632x128xf32, #tpu.memory_space<vmem_shared>>
      tpu.wait_dma2 semaphore(%run_scoped3A_39 : memref<!tpu.dma_semaphore, #tpu.memory_space<semaphore_mem>>) src(%dma_wait3A_49 : memref<632x128xf32, #tpu.memory_space<vmem_shared>>) dst(%dma_wait3A_47 : memref<632x128xf32, #tpu.memory_space<hbm>>)
      tpu.yield
    }) : () -> ()
    return
  }
}

#map = affine_map<(d0, d1) -> (0, 0)>
#map1 = affine_map<(d0, d1) -> (0, 0, 0)>
module attributes {stable_mosaic.version = 14 : i64} {
  func.func @_scatter_k(%arg0: i32, %arg1: i32, %arg2: memref<307200x128xf32, #tpu.memory_space<hbm>>, %arg3: memref<32x75x128xi32, #tpu.memory_space<hbm>>, %arg4: memref<10112x128xf32, #tpu.memory_space<hbm>>, %arg5: memref<2x10112x128xf32, #tpu.memory_space<hbm>>, %arg6: memref<75x128xi32, #tpu.memory_space<vmem>>, %arg7: memref<128x128xf32, #tpu.memory_space<vmem>>, %arg8: memref<128x128xf32, #tpu.memory_space<vmem>>, %arg9: memref<10112x128xf32, #tpu.memory_space<vmem_shared>>, %arg10: memref<!tpu.dma_semaphore, #tpu.memory_space<semaphore_mem>>, %arg11: memref<!tpu.dma_semaphore, #tpu.memory_space<semaphore_mem>>) attributes {dimension_semantics = [#tpu.dimension_semantics<core_parallel>, #tpu.dimension_semantics<subcore_parallel>], iteration_bounds = array<i64: 2, 16>, scalar_prefetch = 0 : i64, scratch_operands = 6 : i64, tpu.core_type = #tpu.core_type<sc_vector_subcore>, window_params = [{transform_indices = #map}, {transform_indices = #map1}, {transform_indices = #map}, {transform_indices = #map1}]} {
    %mul3A = arith.constant 2 : i32
    %mul3A_0 = arith.muli %arg1, %mul3A : i32
    %add3A = arith.addi %mul3A_0, %arg0 : i32
    %mul3A_1 = arith.constant 75 : i32
    %mul3A_2 = arith.muli %add3A, %mul3A_1 : i32
    %mul3A_3 = arith.constant 632 : i32
    %mul3A_4 = arith.muli %arg1, %mul3A_3 : i32
    %mul3A_5 = arith.constant 632 : i32
    %mul3A_6 = arith.muli %arg1, %mul3A_5 : i32
    "tpu.region"() ({
      %run_scoped3A_39 = tpu.sem_alloc : memref<!tpu.dma_semaphore, #tpu.memory_space<semaphore_mem>>
      %dma_start3A_40 = arith.constant 0 : i32
      %dma_start3A_41 = tpu.memref_slice %arg9[%mul3A_6, %dma_start3A_40] : memref<10112x128xf32, #tpu.memory_space<vmem_shared>> -> memref<632x128xf32, #tpu.memory_space<vmem_shared>>
      %dma_start3A_42 = arith.constant 0 : i32
      %dma_start3A_43 = tpu.memref_slice %arg4[%mul3A_4, %dma_start3A_42] : memref<10112x128xf32, #tpu.memory_space<hbm>> -> memref<632x128xf32, #tpu.memory_space<hbm>>
      tpu.enqueue_dma source(%dma_start3A_43 : memref<632x128xf32, #tpu.memory_space<hbm>>) target(%dma_start3A_41 : memref<632x128xf32, #tpu.memory_space<vmem_shared>>) target_semaphore(%run_scoped3A_39 : memref<!tpu.dma_semaphore, #tpu.memory_space<semaphore_mem>>)
      %dma_wait3A_44 = arith.constant 0 : i32
      %dma_wait3A_45 = tpu.memref_slice %arg9[%mul3A_6, %dma_wait3A_44] : memref<10112x128xf32, #tpu.memory_space<vmem_shared>> -> memref<632x128xf32, #tpu.memory_space<vmem_shared>>
      %dma_wait3A_46 = arith.constant 0 : i32
      %dma_wait3A_47 = tpu.memref_slice %arg4[%mul3A_4, %dma_wait3A_46] : memref<10112x128xf32, #tpu.memory_space<hbm>> -> memref<632x128xf32, #tpu.memory_space<hbm>>
      tpu.wait_dma2 semaphore(%run_scoped3A_39 : memref<!tpu.dma_semaphore, #tpu.memory_space<semaphore_mem>>) src(%dma_wait3A_47 : memref<632x128xf32, #tpu.memory_space<hbm>>) dst(%dma_wait3A_45 : memref<632x128xf32, #tpu.memory_space<vmem_shared>>)
      tpu.yield
    }) : () -> ()
    "tpu.region"() ({
      %run_scoped3A_39 = tpu.sem_alloc : memref<!tpu.dma_semaphore, #tpu.memory_space<semaphore_mem>>
      %dma_start3A_40 = arith.constant 0 : i32
      %dma_start3A_41 = arith.constant 0 : i32
      %dma_start3A_42 = tpu.memref_slice %arg3[%add3A, %dma_start3A_40, %dma_start3A_41] : memref<32x75x128xi32, #tpu.memory_space<hbm>> -> memref<1x75x128xi32, #tpu.memory_space<hbm>>
      %dma_start3A_43 = tpu.memref_squeeze %dma_start3A_42 : memref<1x75x128xi32, #tpu.memory_space<hbm>> -> memref<75x128xi32, #tpu.memory_space<hbm>>
      %dma_start3A_44 = arith.constant 0 : i32
      %dma_start3A_45 = arith.constant 0 : i32
      %dma_start3A_46 = tpu.memref_slice %arg3[%add3A, %dma_start3A_44, %dma_start3A_45] : memref<32x75x128xi32, #tpu.memory_space<hbm>> -> memref<1x75x128xi32, #tpu.memory_space<hbm>>
      %dma_start3A_47 = tpu.memref_squeeze %dma_start3A_46 : memref<1x75x128xi32, #tpu.memory_space<hbm>> -> memref<75x128xi32, #tpu.memory_space<hbm>>
      tpu.enqueue_dma source(%dma_start3A_47 : memref<75x128xi32, #tpu.memory_space<hbm>>) target(%arg6 : memref<75x128xi32, #tpu.memory_space<vmem>>) target_semaphore(%run_scoped3A_39 : memref<!tpu.dma_semaphore, #tpu.memory_space<semaphore_mem>>)
      %dma_wait3A_48 = arith.constant 0 : i32
      %dma_wait3A_49 = arith.constant 0 : i32
      %dma_wait3A_50 = tpu.memref_slice %arg3[%add3A, %dma_wait3A_48, %dma_wait3A_49] : memref<32x75x128xi32, #tpu.memory_space<hbm>> -> memref<1x75x128xi32, #tpu.memory_space<hbm>>
      %dma_wait3A_51 = tpu.memref_squeeze %dma_wait3A_50 : memref<1x75x128xi32, #tpu.memory_space<hbm>> -> memref<75x128xi32, #tpu.memory_space<hbm>>
      %dma_wait3A_52 = arith.constant 0 : i32
      %dma_wait3A_53 = arith.constant 0 : i32
      %dma_wait3A_54 = tpu.memref_slice %arg3[%add3A, %dma_wait3A_52, %dma_wait3A_53] : memref<32x75x128xi32, #tpu.memory_space<hbm>> -> memref<1x75x128xi32, #tpu.memory_space<hbm>>
      %dma_wait3A_55 = tpu.memref_squeeze %dma_wait3A_54 : memref<1x75x128xi32, #tpu.memory_space<hbm>> -> memref<75x128xi32, #tpu.memory_space<hbm>>
      tpu.wait_dma2 semaphore(%run_scoped3A_39 : memref<!tpu.dma_semaphore, #tpu.memory_space<semaphore_mem>>) src(%dma_wait3A_55 : memref<75x128xi32, #tpu.memory_space<hbm>>) dst(%arg6 : memref<75x128xi32, #tpu.memory_space<vmem>>)
      tpu.yield
    }) : () -> ()
    %barrier3A = arith.constant 0 : index
    tpu.barrier barrier_id(%barrier3A)
    %add3A_7 = arith.constant 0 : i32
    %add3A_8 = arith.addi %mul3A_2, %add3A_7 : i32
    %mul3A_9 = arith.constant 128 : i32
    %mul3A_10 = arith.muli %add3A_8, %mul3A_9 : i32
    %dma_start3A = arith.constant 0 : i32
    %dma_start3A_11 = tpu.memref_slice %arg2[%mul3A_10, %dma_start3A] : memref<307200x128xf32, #tpu.memory_space<hbm>> -> memref<128x128xf32, #tpu.memory_space<hbm>>
    %dma_start3A_12 = arith.constant 0 : i32
    %dma_start3A_13 = tpu.memref_slice %arg2[%mul3A_10, %dma_start3A_12] : memref<307200x128xf32, #tpu.memory_space<hbm>> -> memref<128x128xf32, #tpu.memory_space<hbm>>
    tpu.enqueue_dma source(%dma_start3A_13 : memref<128x128xf32, #tpu.memory_space<hbm>>) target(%arg7 : memref<128x128xf32, #tpu.memory_space<vmem>>) target_semaphore(%arg10 : memref<!tpu.dma_semaphore, #tpu.memory_space<semaphore_mem>>)
    %add3A_14 = arith.constant 1 : i32
    %add3A_15 = arith.addi %mul3A_2, %add3A_14 : i32
    %mul3A_16 = arith.constant 128 : i32
    %mul3A_17 = arith.muli %add3A_15, %mul3A_16 : i32
    %dma_start3A_18 = arith.constant 0 : i32
    %dma_start3A_19 = tpu.memref_slice %arg2[%mul3A_17, %dma_start3A_18] : memref<307200x128xf32, #tpu.memory_space<hbm>> -> memref<128x128xf32, #tpu.memory_space<hbm>>
    %dma_start3A_20 = arith.constant 0 : i32
    %dma_start3A_21 = tpu.memref_slice %arg2[%mul3A_17, %dma_start3A_20] : memref<307200x128xf32, #tpu.memory_space<hbm>> -> memref<128x128xf32, #tpu.memory_space<hbm>>
    tpu.enqueue_dma source(%dma_start3A_21 : memref<128x128xf32, #tpu.memory_space<hbm>>) target(%arg8 : memref<128x128xf32, #tpu.memory_space<vmem>>) target_semaphore(%arg11 : memref<!tpu.dma_semaphore, #tpu.memory_space<semaphore_mem>>)
    %scan3A = arith.constant 0 : i32
    %scan3A_22 = arith.constant 0 : i32
    %scan3A_23 = arith.constant 37 : i32
    %scan3A_24 = arith.addi %scan3A_22, %scan3A_23 : i32
    %scan3A_25 = arith.constant 1 : i32
    scf.for %scan3A_39 = %scan3A_22 to %scan3A_24 step %scan3A_25  : i32 {
      %mul3A_40 = arith.constant 2 : i32
      %mul3A_41 = arith.muli %mul3A_40, %scan3A_39 : i32
      %add3A_42 = arith.constant 1 : i32
      %add3A_43 = arith.addi %mul3A_41, %add3A_42 : i32
      %add3A_44 = arith.addi %mul3A_2, %mul3A_41 : i32
      %mul3A_45 = arith.constant 128 : i32
      %mul3A_46 = arith.muli %add3A_44, %mul3A_45 : i32
      %dma_wait3A_47 = arith.constant 0 : i32
      %dma_wait3A_48 = tpu.memref_slice %arg2[%mul3A_46, %dma_wait3A_47] : memref<307200x128xf32, #tpu.memory_space<hbm>> -> memref<128x128xf32, #tpu.memory_space<hbm>>
      %dma_wait3A_49 = arith.constant 0 : i32
      %dma_wait3A_50 = tpu.memref_slice %arg2[%mul3A_46, %dma_wait3A_49] : memref<307200x128xf32, #tpu.memory_space<hbm>> -> memref<128x128xf32, #tpu.memory_space<hbm>>
      tpu.wait_dma2 semaphore(%arg10 : memref<!tpu.dma_semaphore, #tpu.memory_space<semaphore_mem>>) src(%dma_wait3A_50 : memref<128x128xf32, #tpu.memory_space<hbm>>) dst(%arg7 : memref<128x128xf32, #tpu.memory_space<vmem>>)
      "tpu.region"() ({
        %run_scoped3A_69 = tpu.sem_alloc : memref<!tpu.dma_semaphore, #tpu.memory_space<semaphore_mem>>
        %dma_start3A_70 = arith.constant 0 : i32
        %dma_start3A_71 = tpu.memref_slice %arg6[%mul3A_41, %dma_start3A_70] : memref<75x128xi32, #tpu.memory_space<vmem>> -> memref<1x128xi32, #tpu.memory_space<vmem>>
        %dma_start3A_72 = tpu.memref_squeeze %dma_start3A_71 : memref<1x128xi32, #tpu.memory_space<vmem>> -> memref<128xi32, #tpu.memory_space<vmem>>
        %dma_start3A_73 = arith.constant 0 : i32
        %dma_start3A_74 = arith.constant 0 : i32
        %dma_start3A_75 = tpu.memref_slice %arg9[%dma_start3A_73, %dma_start3A_74] : memref<10112x128xf32, #tpu.memory_space<vmem_shared>> -> memref<10112x128xf32, #tpu.memory_space<vmem_shared>>
        tpu.enqueue_indirect_dma source(%arg7 : memref<128x128xf32, #tpu.memory_space<vmem>>) target(%dma_start3A_75 : memref<10112x128xf32, #tpu.memory_space<vmem_shared>>) offsets(%dma_start3A_72 : memref<128xi32, #tpu.memory_space<vmem>>) semaphore(%run_scoped3A_69 : memref<!tpu.dma_semaphore, #tpu.memory_space<semaphore_mem>>) {add = true}
        %dma_wait3A_76 = arith.constant 0 : i32
        %dma_wait3A_77 = tpu.memref_slice %arg6[%mul3A_41, %dma_wait3A_76] : memref<75x128xi32, #tpu.memory_space<vmem>> -> memref<1x128xi32, #tpu.memory_space<vmem>>
        %dma_wait3A_78 = tpu.memref_squeeze %dma_wait3A_77 : memref<1x128xi32, #tpu.memory_space<vmem>> -> memref<128xi32, #tpu.memory_space<vmem>>
        %dma_wait3A_79 = arith.constant 0 : i32
        %dma_wait3A_80 = arith.constant 0 : i32
        %dma_wait3A_81 = tpu.memref_slice %arg9[%dma_wait3A_79, %dma_wait3A_80] : memref<10112x128xf32, #tpu.memory_space<vmem_shared>> -> memref<10112x128xf32, #tpu.memory_space<vmem_shared>>
        tpu.wait_indirect_dma semaphore(%run_scoped3A_69 : memref<!tpu.dma_semaphore, #tpu.memory_space<semaphore_mem>>) src(%arg7 : memref<128x128xf32, #tpu.memory_space<vmem>>) dst(%dma_wait3A_81 : memref<10112x128xf32, #tpu.memory_space<vmem_shared>>)
        tpu.yield
      }) : () -> ()
      %add3A_51 = arith.constant 2 : i32
      %add3A_52 = arith.addi %mul3A_41, %add3A_51 : i32
      %lt3A = arith.constant 75 : i32
      %lt3A_53 = arith.cmpi slt, %add3A_52, %lt3A : i32
      %convert_element_type3A = arith.extui %lt3A_53 : i1 to i32
      %cond3A = arith.constant 0 : i32
      %cond3A_54 = arith.cmpi ne, %convert_element_type3A, %cond3A : i32
      scf.if %cond3A_54 {
        %add3A_69 = arith.constant 2 : i32
        %add3A_70 = arith.addi %mul3A_41, %add3A_69 : i32
        %add3A_71 = arith.addi %mul3A_2, %add3A_70 : i32
        %mul3A_72 = arith.constant 128 : i32
        %mul3A_73 = arith.muli %add3A_71, %mul3A_72 : i32
        %dma_start3A_74 = arith.constant 0 : i32
        %dma_start3A_75 = tpu.memref_slice %arg2[%mul3A_73, %dma_start3A_74] : memref<307200x128xf32, #tpu.memory_space<hbm>> -> memref<128x128xf32, #tpu.memory_space<hbm>>
        %dma_start3A_76 = arith.constant 0 : i32
        %dma_start3A_77 = tpu.memref_slice %arg2[%mul3A_73, %dma_start3A_76] : memref<307200x128xf32, #tpu.memory_space<hbm>> -> memref<128x128xf32, #tpu.memory_space<hbm>>
        tpu.enqueue_dma source(%dma_start3A_77 : memref<128x128xf32, #tpu.memory_space<hbm>>) target(%arg7 : memref<128x128xf32, #tpu.memory_space<vmem>>) target_semaphore(%arg10 : memref<!tpu.dma_semaphore, #tpu.memory_space<semaphore_mem>>)
      } else {
      }
      %add3A_55 = arith.addi %mul3A_2, %add3A_43 : i32
      %mul3A_56 = arith.constant 128 : i32
      %mul3A_57 = arith.muli %add3A_55, %mul3A_56 : i32
      %dma_wait3A_58 = arith.constant 0 : i32
      %dma_wait3A_59 = tpu.memref_slice %arg2[%mul3A_57, %dma_wait3A_58] : memref<307200x128xf32, #tpu.memory_space<hbm>> -> memref<128x128xf32, #tpu.memory_space<hbm>>
      %dma_wait3A_60 = arith.constant 0 : i32
      %dma_wait3A_61 = tpu.memref_slice %arg2[%mul3A_57, %dma_wait3A_60] : memref<307200x128xf32, #tpu.memory_space<hbm>> -> memref<128x128xf32, #tpu.memory_space<hbm>>
      tpu.wait_dma2 semaphore(%arg11 : memref<!tpu.dma_semaphore, #tpu.memory_space<semaphore_mem>>) src(%dma_wait3A_61 : memref<128x128xf32, #tpu.memory_space<hbm>>) dst(%arg8 : memref<128x128xf32, #tpu.memory_space<vmem>>)
      "tpu.region"() ({
        %run_scoped3A_69 = tpu.sem_alloc : memref<!tpu.dma_semaphore, #tpu.memory_space<semaphore_mem>>
        %dma_start3A_70 = arith.constant 0 : i32
        %dma_start3A_71 = tpu.memref_slice %arg6[%add3A_43, %dma_start3A_70] : memref<75x128xi32, #tpu.memory_space<vmem>> -> memref<1x128xi32, #tpu.memory_space<vmem>>
        %dma_start3A_72 = tpu.memref_squeeze %dma_start3A_71 : memref<1x128xi32, #tpu.memory_space<vmem>> -> memref<128xi32, #tpu.memory_space<vmem>>
        %dma_start3A_73 = arith.constant 0 : i32
        %dma_start3A_74 = arith.constant 0 : i32
        %dma_start3A_75 = tpu.memref_slice %arg9[%dma_start3A_73, %dma_start3A_74] : memref<10112x128xf32, #tpu.memory_space<vmem_shared>> -> memref<10112x128xf32, #tpu.memory_space<vmem_shared>>
        tpu.enqueue_indirect_dma source(%arg8 : memref<128x128xf32, #tpu.memory_space<vmem>>) target(%dma_start3A_75 : memref<10112x128xf32, #tpu.memory_space<vmem_shared>>) offsets(%dma_start3A_72 : memref<128xi32, #tpu.memory_space<vmem>>) semaphore(%run_scoped3A_69 : memref<!tpu.dma_semaphore, #tpu.memory_space<semaphore_mem>>) {add = true}
        %dma_wait3A_76 = arith.constant 0 : i32
        %dma_wait3A_77 = tpu.memref_slice %arg6[%add3A_43, %dma_wait3A_76] : memref<75x128xi32, #tpu.memory_space<vmem>> -> memref<1x128xi32, #tpu.memory_space<vmem>>
        %dma_wait3A_78 = tpu.memref_squeeze %dma_wait3A_77 : memref<1x128xi32, #tpu.memory_space<vmem>> -> memref<128xi32, #tpu.memory_space<vmem>>
        %dma_wait3A_79 = arith.constant 0 : i32
        %dma_wait3A_80 = arith.constant 0 : i32
        %dma_wait3A_81 = tpu.memref_slice %arg9[%dma_wait3A_79, %dma_wait3A_80] : memref<10112x128xf32, #tpu.memory_space<vmem_shared>> -> memref<10112x128xf32, #tpu.memory_space<vmem_shared>>
        tpu.wait_indirect_dma semaphore(%run_scoped3A_69 : memref<!tpu.dma_semaphore, #tpu.memory_space<semaphore_mem>>) src(%arg8 : memref<128x128xf32, #tpu.memory_space<vmem>>) dst(%dma_wait3A_81 : memref<10112x128xf32, #tpu.memory_space<vmem_shared>>)
        tpu.yield
      }) : () -> ()
      %add3A_62 = arith.constant 2 : i32
      %add3A_63 = arith.addi %add3A_43, %add3A_62 : i32
      %lt3A_64 = arith.constant 75 : i32
      %lt3A_65 = arith.cmpi slt, %add3A_63, %lt3A_64 : i32
      %convert_element_type3A_66 = arith.extui %lt3A_65 : i1 to i32
      %cond3A_67 = arith.constant 0 : i32
      %cond3A_68 = arith.cmpi ne, %convert_element_type3A_66, %cond3A_67 : i32
      scf.if %cond3A_68 {
        %add3A_69 = arith.constant 2 : i32
        %add3A_70 = arith.addi %add3A_43, %add3A_69 : i32
        %add3A_71 = arith.addi %mul3A_2, %add3A_70 : i32
        %mul3A_72 = arith.constant 128 : i32
        %mul3A_73 = arith.muli %add3A_71, %mul3A_72 : i32
        %dma_start3A_74 = arith.constant 0 : i32
        %dma_start3A_75 = tpu.memref_slice %arg2[%mul3A_73, %dma_start3A_74] : memref<307200x128xf32, #tpu.memory_space<hbm>> -> memref<128x128xf32, #tpu.memory_space<hbm>>
        %dma_start3A_76 = arith.constant 0 : i32
        %dma_start3A_77 = tpu.memref_slice %arg2[%mul3A_73, %dma_start3A_76] : memref<307200x128xf32, #tpu.memory_space<hbm>> -> memref<128x128xf32, #tpu.memory_space<hbm>>
        tpu.enqueue_dma source(%dma_start3A_77 : memref<128x128xf32, #tpu.memory_space<hbm>>) target(%arg8 : memref<128x128xf32, #tpu.memory_space<vmem>>) target_semaphore(%arg11 : memref<!tpu.dma_semaphore, #tpu.memory_space<semaphore_mem>>)
      } else {
      }
    }
    %scan3A_26 = arith.constant 37 : i32
    %add3A_27 = arith.constant 74 : i32
    %add3A_28 = arith.addi %mul3A_2, %add3A_27 : i32
    %mul3A_29 = arith.constant 128 : i32
    %mul3A_30 = arith.muli %add3A_28, %mul3A_29 : i32
    %dma_wait3A = arith.constant 0 : i32
    %dma_wait3A_31 = tpu.memref_slice %arg2[%mul3A_30, %dma_wait3A] : memref<307200x128xf32, #tpu.memory_space<hbm>> -> memref<128x128xf32, #tpu.memory_space<hbm>>
    %dma_wait3A_32 = arith.constant 0 : i32
    %dma_wait3A_33 = tpu.memref_slice %arg2[%mul3A_30, %dma_wait3A_32] : memref<307200x128xf32, #tpu.memory_space<hbm>> -> memref<128x128xf32, #tpu.memory_space<hbm>>
    tpu.wait_dma2 semaphore(%arg10 : memref<!tpu.dma_semaphore, #tpu.memory_space<semaphore_mem>>) src(%dma_wait3A_33 : memref<128x128xf32, #tpu.memory_space<hbm>>) dst(%arg7 : memref<128x128xf32, #tpu.memory_space<vmem>>)
    %run_scoped3A = arith.constant 74 : i32
    "tpu.region"() ({
      %run_scoped3A_39 = tpu.sem_alloc : memref<!tpu.dma_semaphore, #tpu.memory_space<semaphore_mem>>
      %dma_start3A_40 = arith.constant 0 : i32
      %dma_start3A_41 = tpu.memref_slice %arg6[%run_scoped3A, %dma_start3A_40] : memref<75x128xi32, #tpu.memory_space<vmem>> -> memref<1x128xi32, #tpu.memory_space<vmem>>
      %dma_start3A_42 = tpu.memref_squeeze %dma_start3A_41 : memref<1x128xi32, #tpu.memory_space<vmem>> -> memref<128xi32, #tpu.memory_space<vmem>>
      %dma_start3A_43 = arith.constant 0 : i32
      %dma_start3A_44 = arith.constant 0 : i32
      %dma_start3A_45 = tpu.memref_slice %arg9[%dma_start3A_43, %dma_start3A_44] : memref<10112x128xf32, #tpu.memory_space<vmem_shared>> -> memref<10112x128xf32, #tpu.memory_space<vmem_shared>>
      tpu.enqueue_indirect_dma source(%arg7 : memref<128x128xf32, #tpu.memory_space<vmem>>) target(%dma_start3A_45 : memref<10112x128xf32, #tpu.memory_space<vmem_shared>>) offsets(%dma_start3A_42 : memref<128xi32, #tpu.memory_space<vmem>>) semaphore(%run_scoped3A_39 : memref<!tpu.dma_semaphore, #tpu.memory_space<semaphore_mem>>) {add = true}
      %dma_wait3A_46 = arith.constant 0 : i32
      %dma_wait3A_47 = tpu.memref_slice %arg6[%run_scoped3A, %dma_wait3A_46] : memref<75x128xi32, #tpu.memory_space<vmem>> -> memref<1x128xi32, #tpu.memory_space<vmem>>
      %dma_wait3A_48 = tpu.memref_squeeze %dma_wait3A_47 : memref<1x128xi32, #tpu.memory_space<vmem>> -> memref<128xi32, #tpu.memory_space<vmem>>
      %dma_wait3A_49 = arith.constant 0 : i32
      %dma_wait3A_50 = arith.constant 0 : i32
      %dma_wait3A_51 = tpu.memref_slice %arg9[%dma_wait3A_49, %dma_wait3A_50] : memref<10112x128xf32, #tpu.memory_space<vmem_shared>> -> memref<10112x128xf32, #tpu.memory_space<vmem_shared>>
      tpu.wait_indirect_dma semaphore(%run_scoped3A_39 : memref<!tpu.dma_semaphore, #tpu.memory_space<semaphore_mem>>) src(%arg7 : memref<128x128xf32, #tpu.memory_space<vmem>>) dst(%dma_wait3A_51 : memref<10112x128xf32, #tpu.memory_space<vmem_shared>>)
      tpu.yield
    }) : () -> ()
    %barrier3A_34 = arith.constant 0 : index
    tpu.barrier barrier_id(%barrier3A_34)
    %mul3A_35 = arith.constant 632 : i32
    %mul3A_36 = arith.muli %arg1, %mul3A_35 : i32
    %mul3A_37 = arith.constant 632 : i32
    %mul3A_38 = arith.muli %arg1, %mul3A_37 : i32
    "tpu.region"() ({
      %run_scoped3A_39 = tpu.sem_alloc : memref<!tpu.dma_semaphore, #tpu.memory_space<semaphore_mem>>
      %dma_start3A_40 = arith.constant 0 : i32
      %dma_start3A_41 = tpu.memref_slice %arg5[%arg0, %mul3A_38, %dma_start3A_40] : memref<2x10112x128xf32, #tpu.memory_space<hbm>> -> memref<1x632x128xf32, #tpu.memory_space<hbm>>
      %dma_start3A_42 = tpu.memref_squeeze %dma_start3A_41 : memref<1x632x128xf32, #tpu.memory_space<hbm>> -> memref<632x128xf32, #tpu.memory_space<hbm>>
      %dma_start3A_43 = arith.constant 0 : i32
      %dma_start3A_44 = tpu.memref_slice %arg9[%mul3A_36, %dma_start3A_43] : memref<10112x128xf32, #tpu.memory_space<vmem_shared>> -> memref<632x128xf32, #tpu.memory_space<vmem_shared>>
      tpu.enqueue_dma source(%dma_start3A_44 : memref<632x128xf32, #tpu.memory_space<vmem_shared>>) target(%dma_start3A_42 : memref<632x128xf32, #tpu.memory_space<hbm>>) target_semaphore(%run_scoped3A_39 : memref<!tpu.dma_semaphore, #tpu.memory_space<semaphore_mem>>)
      %dma_wait3A_45 = arith.constant 0 : i32
      %dma_wait3A_46 = tpu.memref_slice %arg5[%arg0, %mul3A_38, %dma_wait3A_45] : memref<2x10112x128xf32, #tpu.memory_space<hbm>> -> memref<1x632x128xf32, #tpu.memory_space<hbm>>
      %dma_wait3A_47 = tpu.memref_squeeze %dma_wait3A_46 : memref<1x632x128xf32, #tpu.memory_space<hbm>> -> memref<632x128xf32, #tpu.memory_space<hbm>>
      %dma_wait3A_48 = arith.constant 0 : i32
      %dma_wait3A_49 = tpu.memref_slice %arg9[%mul3A_36, %dma_wait3A_48] : memref<10112x128xf32, #tpu.memory_space<vmem_shared>> -> memref<632x128xf32, #tpu.memory_space<vmem_shared>>
      tpu.wait_dma2 semaphore(%run_scoped3A_39 : memref<!tpu.dma_semaphore, #tpu.memory_space<semaphore_mem>>) src(%dma_wait3A_49 : memref<632x128xf32, #tpu.memory_space<vmem_shared>>) dst(%dma_wait3A_47 : memref<632x128xf32, #tpu.memory_space<hbm>>)
      tpu.yield
    }) : () -> ()
    return
  }
}

module attributes {stable_mosaic.version = 14 : i64} {
  func.func @_mlp_body(%arg0: i32, %arg1: memref<600x256xf32, #tpu.memory_space<vmem>>, %arg2: memref<1x256x256xf32, #tpu.memory_space<vmem>>, %arg3: memref<1x1x256xf32, #tpu.memory_space<vmem>>, %arg4: memref<1x256x256xf32, #tpu.memory_space<vmem>>, %arg5: memref<1x1x256xf32, #tpu.memory_space<vmem>>, %arg6: memref<600x256xf32, #tpu.memory_space<vmem>>) attributes {dimension_semantics = [#tpu.dimension_semantics<arbitrary>], iteration_bounds = array<i64: 256>, scalar_prefetch = 0 : i64, scratch_operands = 0 : i64, tpu.core_type = #tpu.core_type<tc>, window_params = [{transform_indices = @transform_0, window_bounds = array<i64: 600, 256>}, {transform_indices = @transform_1, window_bounds = array<i64: 1, 256, 256>}, {transform_indices = @transform_2, window_bounds = array<i64: 1, 1, 256>}, {transform_indices = @transform_3, window_bounds = array<i64: 1, 256, 256>}, {transform_indices = @transform_4, window_bounds = array<i64: 1, 1, 256>}, {transform_indices = @transform_5, window_bounds = array<i64: 600, 256>}]} {
    %get3A = arith.constant 0 : index
    %get3A_0 = arith.constant 0 : index
    %get3A_1 = vector.load %arg1[%get3A, %get3A_0] : memref<600x256xf32, #tpu.memory_space<vmem>>, vector<600x256xf32>
    %get3A_2 = arith.constant 0 : index
    %get3A_3 = arith.constant 0 : index
    %get3A_4 = arith.constant 0 : index
    %get3A_5 = vector.load %arg2[%get3A_2, %get3A_3, %get3A_4] : memref<1x256x256xf32, #tpu.memory_space<vmem>>, vector<1x256x256xf32>
    %get3A_6 = vector.shape_cast %get3A_5 : vector<1x256x256xf32> to vector<256x256xf32>
    %dot_general3A = arith.constant dense<0.000000e+00> : vector<600x256xf32>
    %dot_general3A_7 = tpu.matmul %get3A_1, %get3A_6, %dot_general3A {dimension_numbers = #tpu.dot_dimension_numbers<[1], [0], [0], [1], [0, 0, 1, 1], [], []>, transpose_lhs_hint = false} : vector<600x256xf32>, vector<256x256xf32>, vector<600x256xf32> -> vector<600x256xf32>
    %get3A_8 = arith.constant 0 : index
    %get3A_9 = arith.constant 0 : index
    %get3A_10 = arith.constant 0 : index
    %get3A_11 = vector.load %arg3[%get3A_8, %get3A_9, %get3A_10] : memref<1x1x256xf32, #tpu.memory_space<vmem>>, vector<1x1x256xf32>
    %get3A_12 = vector.shape_cast %get3A_11 : vector<1x1x256xf32> to vector<1x256xf32>
    %add3A = vector.broadcast %get3A_12 : vector<1x256xf32> to vector<600x256xf32>
    %add3A_13 = arith.addf %dot_general3A_7, %add3A : vector<600x256xf32>
    %max3A = arith.constant 0.000000e+00 : f32
    %max3A_14 = vector.broadcast %max3A : f32 to vector<600x256xf32>
    %max3A_15 = arith.maximumf %add3A_13, %max3A_14 : vector<600x256xf32>
    %abs3A = math.absf %add3A_13 : vector<600x256xf32>
    %neg3A = arith.constant 0.000000e+00 : f32
    %neg3A_16 = vector.broadcast %neg3A : f32 to vector<600x256xf32>
    %neg3A_17 = arith.subf %neg3A_16, %abs3A : vector<600x256xf32>
    %exp3A = math.exp %neg3A_17 : vector<600x256xf32>
    %log1p3A = math.log1p %exp3A : vector<600x256xf32>
    %add3A_18 = arith.addf %max3A_15, %log1p3A : vector<600x256xf32>
    %tanh3A = math.tanh %add3A_18 : vector<600x256xf32>
    %mul3A = arith.mulf %add3A_13, %tanh3A : vector<600x256xf32>
    %get3A_19 = arith.constant 0 : index
    %get3A_20 = arith.constant 0 : index
    %get3A_21 = arith.constant 0 : index
    %get3A_22 = vector.load %arg4[%get3A_19, %get3A_20, %get3A_21] : memref<1x256x256xf32, #tpu.memory_space<vmem>>, vector<1x256x256xf32>
    %get3A_23 = vector.shape_cast %get3A_22 : vector<1x256x256xf32> to vector<256x256xf32>
    %dot_general3A_24 = arith.constant dense<0.000000e+00> : vector<600x256xf32>
    %dot_general3A_25 = tpu.matmul %mul3A, %get3A_23, %dot_general3A_24 {dimension_numbers = #tpu.dot_dimension_numbers<[1], [0], [0], [1], [0, 0, 1, 1], [], []>, transpose_lhs_hint = false} : vector<600x256xf32>, vector<256x256xf32>, vector<600x256xf32> -> vector<600x256xf32>
    %add3A_26 = arith.addf %get3A_1, %dot_general3A_25 : vector<600x256xf32>
    %get3A_27 = arith.constant 0 : index
    %get3A_28 = arith.constant 0 : index
    %get3A_29 = arith.constant 0 : index
    %get3A_30 = vector.load %arg5[%get3A_27, %get3A_28, %get3A_29] : memref<1x1x256xf32, #tpu.memory_space<vmem>>, vector<1x1x256xf32>
    %get3A_31 = vector.shape_cast %get3A_30 : vector<1x1x256xf32> to vector<1x256xf32>
    %add3A_32 = vector.broadcast %get3A_31 : vector<1x256xf32> to vector<600x256xf32>
    %add3A_33 = arith.addf %add3A_26, %add3A_32 : vector<600x256xf32>
    %swap3A = arith.constant 0 : index
    %swap3A_34 = arith.constant 0 : index
    %swap3A_35 = vector.load %arg6[%swap3A, %swap3A_34] : memref<600x256xf32, #tpu.memory_space<vmem>>, vector<600x256xf32>
    tpu.vector_store %arg6[%swap3A, %swap3A_34], %add3A_33 {strides = array<i32>} : memref<600x256xf32, #tpu.memory_space<vmem>>, vector<600x256xf32>,
    return
  }
  func.func @transform_0(%arg0: i32) -> (i32, i32) {
    %c0_i32 = arith.constant 0 : i32
    %c0_i32_0 = arith.constant 0 : i32
    return %arg0, %c0_i32 : i32, i32
  }
  func.func @transform_1(%arg0: i32) -> (i32, i32, i32) {
    %add3A = arith.constant 256 : i32
    %add3A_0 = arith.addi %arg0, %add3A : i32
    %jit3A = arith.constant 250 : i32
    %div3A = arith.divsi %add3A_0, %jit3A : i32
    %sign3A = arith.constant 0 : i32
    %sign3A_1 = arith.cmpi sgt, %add3A_0, %sign3A : i32
    %sign3A_2 = arith.extui %sign3A_1 : i1 to i32
    %sign3A_3 = arith.constant 0 : i32
    %sign3A_4 = arith.cmpi slt, %add3A_0, %sign3A_3 : i32
    %sign3A_5 = arith.extui %sign3A_4 : i1 to i32
    %sign3A_6 = arith.subi %sign3A_2, %sign3A_5 : i32
    %sign3A_7 = arith.constant 0 : i32
    %sign3A_8 = arith.cmpi sgt, %jit3A, %sign3A_7 : i32
    %sign3A_9 = arith.extui %sign3A_8 : i1 to i32
    %sign3A_10 = arith.constant 0 : i32
    %sign3A_11 = arith.cmpi slt, %jit3A, %sign3A_10 : i32
    %sign3A_12 = arith.extui %sign3A_11 : i1 to i32
    %sign3A_13 = arith.subi %sign3A_9, %sign3A_12 : i32
    %ne3A = arith.cmpi ne, %sign3A_6, %sign3A_13 : i32
    %rem3A = arith.remsi %add3A_0, %jit3A : i32
    %ne3A_14 = arith.constant 0 : i32
    %ne3A_15 = arith.cmpi ne, %rem3A, %ne3A_14 : i32
    %and3A = arith.andi %ne3A, %ne3A_15 : i1
    %sub3A = arith.constant 1 : i32
    %sub3A_16 = arith.subi %div3A, %sub3A : i32
    %select_n3A = arith.select %and3A, %sub3A_16, %div3A : i32
    %min3A = arith.constant 2 : i32
    %min3A_17 = arith.minsi %select_n3A, %min3A : i32
    %c0_i32 = arith.constant 0 : i32
    %c0_i32_18 = arith.constant 0 : i32
    %c0_i32_19 = arith.constant 0 : i32
    return %min3A_17, %c0_i32, %c0_i32_18 : i32, i32, i32
  }
  func.func @transform_2(%arg0: i32) -> (i32, i32, i32) {
    %add3A = arith.constant 256 : i32
    %add3A_0 = arith.addi %arg0, %add3A : i32
    %jit3A = arith.constant 250 : i32
    %div3A = arith.divsi %add3A_0, %jit3A : i32
    %sign3A = arith.constant 0 : i32
    %sign3A_1 = arith.cmpi sgt, %add3A_0, %sign3A : i32
    %sign3A_2 = arith.extui %sign3A_1 : i1 to i32
    %sign3A_3 = arith.constant 0 : i32
    %sign3A_4 = arith.cmpi slt, %add3A_0, %sign3A_3 : i32
    %sign3A_5 = arith.extui %sign3A_4 : i1 to i32
    %sign3A_6 = arith.subi %sign3A_2, %sign3A_5 : i32
    %sign3A_7 = arith.constant 0 : i32
    %sign3A_8 = arith.cmpi sgt, %jit3A, %sign3A_7 : i32
    %sign3A_9 = arith.extui %sign3A_8 : i1 to i32
    %sign3A_10 = arith.constant 0 : i32
    %sign3A_11 = arith.cmpi slt, %jit3A, %sign3A_10 : i32
    %sign3A_12 = arith.extui %sign3A_11 : i1 to i32
    %sign3A_13 = arith.subi %sign3A_9, %sign3A_12 : i32
    %ne3A = arith.cmpi ne, %sign3A_6, %sign3A_13 : i32
    %rem3A = arith.remsi %add3A_0, %jit3A : i32
    %ne3A_14 = arith.constant 0 : i32
    %ne3A_15 = arith.cmpi ne, %rem3A, %ne3A_14 : i32
    %and3A = arith.andi %ne3A, %ne3A_15 : i1
    %sub3A = arith.constant 1 : i32
    %sub3A_16 = arith.subi %div3A, %sub3A : i32
    %select_n3A = arith.select %and3A, %sub3A_16, %div3A : i32
    %min3A = arith.constant 2 : i32
    %min3A_17 = arith.minsi %select_n3A, %min3A : i32
    %c0_i32 = arith.constant 0 : i32
    %c0_i32_18 = arith.constant 0 : i32
    %c0_i32_19 = arith.constant 0 : i32
    return %min3A_17, %c0_i32, %c0_i32_18 : i32, i32, i32
  }
  func.func @transform_3(%arg0: i32) -> (i32, i32, i32) {
    %add3A = arith.constant 256 : i32
    %add3A_0 = arith.addi %arg0, %add3A : i32
    %jit3A = arith.constant 250 : i32
    %div3A = arith.divsi %add3A_0, %jit3A : i32
    %sign3A = arith.constant 0 : i32
    %sign3A_1 = arith.cmpi sgt, %add3A_0, %sign3A : i32
    %sign3A_2 = arith.extui %sign3A_1 : i1 to i32
    %sign3A_3 = arith.constant 0 : i32
    %sign3A_4 = arith.cmpi slt, %add3A_0, %sign3A_3 : i32
    %sign3A_5 = arith.extui %sign3A_4 : i1 to i32
    %sign3A_6 = arith.subi %sign3A_2, %sign3A_5 : i32
    %sign3A_7 = arith.constant 0 : i32
    %sign3A_8 = arith.cmpi sgt, %jit3A, %sign3A_7 : i32
    %sign3A_9 = arith.extui %sign3A_8 : i1 to i32
    %sign3A_10 = arith.constant 0 : i32
    %sign3A_11 = arith.cmpi slt, %jit3A, %sign3A_10 : i32
    %sign3A_12 = arith.extui %sign3A_11 : i1 to i32
    %sign3A_13 = arith.subi %sign3A_9, %sign3A_12 : i32
    %ne3A = arith.cmpi ne, %sign3A_6, %sign3A_13 : i32
    %rem3A = arith.remsi %add3A_0, %jit3A : i32
    %ne3A_14 = arith.constant 0 : i32
    %ne3A_15 = arith.cmpi ne, %rem3A, %ne3A_14 : i32
    %and3A = arith.andi %ne3A, %ne3A_15 : i1
    %sub3A = arith.constant 1 : i32
    %sub3A_16 = arith.subi %div3A, %sub3A : i32
    %select_n3A = arith.select %and3A, %sub3A_16, %div3A : i32
    %min3A = arith.constant 2 : i32
    %min3A_17 = arith.minsi %select_n3A, %min3A : i32
    %c0_i32 = arith.constant 0 : i32
    %c0_i32_18 = arith.constant 0 : i32
    %c0_i32_19 = arith.constant 0 : i32
    return %min3A_17, %c0_i32, %c0_i32_18 : i32, i32, i32
  }
  func.func @transform_4(%arg0: i32) -> (i32, i32, i32) {
    %add3A = arith.constant 256 : i32
    %add3A_0 = arith.addi %arg0, %add3A : i32
    %jit3A = arith.constant 250 : i32
    %div3A = arith.divsi %add3A_0, %jit3A : i32
    %sign3A = arith.constant 0 : i32
    %sign3A_1 = arith.cmpi sgt, %add3A_0, %sign3A : i32
    %sign3A_2 = arith.extui %sign3A_1 : i1 to i32
    %sign3A_3 = arith.constant 0 : i32
    %sign3A_4 = arith.cmpi slt, %add3A_0, %sign3A_3 : i32
    %sign3A_5 = arith.extui %sign3A_4 : i1 to i32
    %sign3A_6 = arith.subi %sign3A_2, %sign3A_5 : i32
    %sign3A_7 = arith.constant 0 : i32
    %sign3A_8 = arith.cmpi sgt, %jit3A, %sign3A_7 : i32
    %sign3A_9 = arith.extui %sign3A_8 : i1 to i32
    %sign3A_10 = arith.constant 0 : i32
    %sign3A_11 = arith.cmpi slt, %jit3A, %sign3A_10 : i32
    %sign3A_12 = arith.extui %sign3A_11 : i1 to i32
    %sign3A_13 = arith.subi %sign3A_9, %sign3A_12 : i32
    %ne3A = arith.cmpi ne, %sign3A_6, %sign3A_13 : i32
    %rem3A = arith.remsi %add3A_0, %jit3A : i32
    %ne3A_14 = arith.constant 0 : i32
    %ne3A_15 = arith.cmpi ne, %rem3A, %ne3A_14 : i32
    %and3A = arith.andi %ne3A, %ne3A_15 : i1
    %sub3A = arith.constant 1 : i32
    %sub3A_16 = arith.subi %div3A, %sub3A : i32
    %select_n3A = arith.select %and3A, %sub3A_16, %div3A : i32
    %min3A = arith.constant 2 : i32
    %min3A_17 = arith.minsi %select_n3A, %min3A : i32
    %c0_i32 = arith.constant 0 : i32
    %c0_i32_18 = arith.constant 0 : i32
    %c0_i32_19 = arith.constant 0 : i32
    return %min3A_17, %c0_i32, %c0_i32_18 : i32, i32, i32
  }
  func.func @transform_5(%arg0: i32) -> (i32, i32) {
    %c0_i32 = arith.constant 0 : i32
    %c0_i32_0 = arith.constant 0 : i32
    return %arg0, %c0_i32 : i32, i32
  }
}

module attributes {stable_mosaic.version = 14 : i64} {
  func.func @_mlp_body(%arg0: i32, %arg1: memref<600x256xf32, #tpu.memory_space<vmem>>, %arg2: memref<1x256x256xf32, #tpu.memory_space<vmem>>, %arg3: memref<1x1x256xf32, #tpu.memory_space<vmem>>, %arg4: memref<1x256x256xf32, #tpu.memory_space<vmem>>, %arg5: memref<1x1x256xf32, #tpu.memory_space<vmem>>, %arg6: memref<600x256xf32, #tpu.memory_space<vmem>>) attributes {dimension_semantics = [#tpu.dimension_semantics<arbitrary>], iteration_bounds = array<i64: 256>, scalar_prefetch = 0 : i64, scratch_operands = 0 : i64, tpu.core_type = #tpu.core_type<tc>, window_params = [{transform_indices = @transform_0, window_bounds = array<i64: 600, 256>}, {transform_indices = @transform_1, window_bounds = array<i64: 1, 256, 256>}, {transform_indices = @transform_2, window_bounds = array<i64: 1, 1, 256>}, {transform_indices = @transform_3, window_bounds = array<i64: 1, 256, 256>}, {transform_indices = @transform_4, window_bounds = array<i64: 1, 1, 256>}, {transform_indices = @transform_5, window_bounds = array<i64: 600, 256>}]} {
    %get3A = arith.constant 0 : index
    %get3A_0 = arith.constant 0 : index
    %get3A_1 = vector.load %arg1[%get3A, %get3A_0] : memref<600x256xf32, #tpu.memory_space<vmem>>, vector<600x256xf32>
    %get3A_2 = arith.constant 0 : index
    %get3A_3 = arith.constant 0 : index
    %get3A_4 = arith.constant 0 : index
    %get3A_5 = vector.load %arg2[%get3A_2, %get3A_3, %get3A_4] : memref<1x256x256xf32, #tpu.memory_space<vmem>>, vector<1x256x256xf32>
    %get3A_6 = vector.shape_cast %get3A_5 : vector<1x256x256xf32> to vector<256x256xf32>
    %dot_general3A = arith.constant dense<0.000000e+00> : vector<600x256xf32>
    %dot_general3A_7 = tpu.matmul %get3A_1, %get3A_6, %dot_general3A {dimension_numbers = #tpu.dot_dimension_numbers<[1], [0], [0], [1], [0, 0, 1, 1], [], []>, transpose_lhs_hint = false} : vector<600x256xf32>, vector<256x256xf32>, vector<600x256xf32> -> vector<600x256xf32>
    %get3A_8 = arith.constant 0 : index
    %get3A_9 = arith.constant 0 : index
    %get3A_10 = arith.constant 0 : index
    %get3A_11 = vector.load %arg3[%get3A_8, %get3A_9, %get3A_10] : memref<1x1x256xf32, #tpu.memory_space<vmem>>, vector<1x1x256xf32>
    %get3A_12 = vector.shape_cast %get3A_11 : vector<1x1x256xf32> to vector<1x256xf32>
    %add3A = vector.broadcast %get3A_12 : vector<1x256xf32> to vector<600x256xf32>
    %add3A_13 = arith.addf %dot_general3A_7, %add3A : vector<600x256xf32>
    %max3A = arith.constant 0.000000e+00 : f32
    %max3A_14 = vector.broadcast %max3A : f32 to vector<600x256xf32>
    %max3A_15 = arith.maximumf %add3A_13, %max3A_14 : vector<600x256xf32>
    %abs3A = math.absf %add3A_13 : vector<600x256xf32>
    %neg3A = arith.constant 0.000000e+00 : f32
    %neg3A_16 = vector.broadcast %neg3A : f32 to vector<600x256xf32>
    %neg3A_17 = arith.subf %neg3A_16, %abs3A : vector<600x256xf32>
    %exp3A = math.exp %neg3A_17 : vector<600x256xf32>
    %log1p3A = math.log1p %exp3A : vector<600x256xf32>
    %add3A_18 = arith.addf %max3A_15, %log1p3A : vector<600x256xf32>
    %tanh3A = math.tanh %add3A_18 : vector<600x256xf32>
    %mul3A = arith.mulf %add3A_13, %tanh3A : vector<600x256xf32>
    %get3A_19 = arith.constant 0 : index
    %get3A_20 = arith.constant 0 : index
    %get3A_21 = arith.constant 0 : index
    %get3A_22 = vector.load %arg4[%get3A_19, %get3A_20, %get3A_21] : memref<1x256x256xf32, #tpu.memory_space<vmem>>, vector<1x256x256xf32>
    %get3A_23 = vector.shape_cast %get3A_22 : vector<1x256x256xf32> to vector<256x256xf32>
    %dot_general3A_24 = arith.constant dense<0.000000e+00> : vector<600x256xf32>
    %dot_general3A_25 = tpu.matmul %mul3A, %get3A_23, %dot_general3A_24 {dimension_numbers = #tpu.dot_dimension_numbers<[1], [0], [0], [1], [0, 0, 1, 1], [], []>, transpose_lhs_hint = false} : vector<600x256xf32>, vector<256x256xf32>, vector<600x256xf32> -> vector<600x256xf32>
    %add3A_26 = arith.addf %get3A_1, %dot_general3A_25 : vector<600x256xf32>
    %get3A_27 = arith.constant 0 : index
    %get3A_28 = arith.constant 0 : index
    %get3A_29 = arith.constant 0 : index
    %get3A_30 = vector.load %arg5[%get3A_27, %get3A_28, %get3A_29] : memref<1x1x256xf32, #tpu.memory_space<vmem>>, vector<1x1x256xf32>
    %get3A_31 = vector.shape_cast %get3A_30 : vector<1x1x256xf32> to vector<1x256xf32>
    %add3A_32 = vector.broadcast %get3A_31 : vector<1x256xf32> to vector<600x256xf32>
    %add3A_33 = arith.addf %add3A_26, %add3A_32 : vector<600x256xf32>
    %swap3A = arith.constant 0 : index
    %swap3A_34 = arith.constant 0 : index
    %swap3A_35 = vector.load %arg6[%swap3A, %swap3A_34] : memref<600x256xf32, #tpu.memory_space<vmem>>, vector<600x256xf32>
    tpu.vector_store %arg6[%swap3A, %swap3A_34], %add3A_33 {strides = array<i32>} : memref<600x256xf32, #tpu.memory_space<vmem>>, vector<600x256xf32>,
    return
  }
  func.func @transform_0(%arg0: i32) -> (i32, i32) {
    %c0_i32 = arith.constant 0 : i32
    %c0_i32_0 = arith.constant 0 : i32
    return %arg0, %c0_i32 : i32, i32
  }
  func.func @transform_1(%arg0: i32) -> (i32, i32, i32) {
    %add3A = arith.constant 0 : i32
    %add3A_0 = arith.addi %arg0, %add3A : i32
    %jit3A = arith.constant 250 : i32
    %div3A = arith.divsi %add3A_0, %jit3A : i32
    %sign3A = arith.constant 0 : i32
    %sign3A_1 = arith.cmpi sgt, %add3A_0, %sign3A : i32
    %sign3A_2 = arith.extui %sign3A_1 : i1 to i32
    %sign3A_3 = arith.constant 0 : i32
    %sign3A_4 = arith.cmpi slt, %add3A_0, %sign3A_3 : i32
    %sign3A_5 = arith.extui %sign3A_4 : i1 to i32
    %sign3A_6 = arith.subi %sign3A_2, %sign3A_5 : i32
    %sign3A_7 = arith.constant 0 : i32
    %sign3A_8 = arith.cmpi sgt, %jit3A, %sign3A_7 : i32
    %sign3A_9 = arith.extui %sign3A_8 : i1 to i32
    %sign3A_10 = arith.constant 0 : i32
    %sign3A_11 = arith.cmpi slt, %jit3A, %sign3A_10 : i32
    %sign3A_12 = arith.extui %sign3A_11 : i1 to i32
    %sign3A_13 = arith.subi %sign3A_9, %sign3A_12 : i32
    %ne3A = arith.cmpi ne, %sign3A_6, %sign3A_13 : i32
    %rem3A = arith.remsi %add3A_0, %jit3A : i32
    %ne3A_14 = arith.constant 0 : i32
    %ne3A_15 = arith.cmpi ne, %rem3A, %ne3A_14 : i32
    %and3A = arith.andi %ne3A, %ne3A_15 : i1
    %sub3A = arith.constant 1 : i32
    %sub3A_16 = arith.subi %div3A, %sub3A : i32
    %select_n3A = arith.select %and3A, %sub3A_16, %div3A : i32
    %min3A = arith.constant 2 : i32
    %min3A_17 = arith.minsi %select_n3A, %min3A : i32
    %c0_i32 = arith.constant 0 : i32
    %c0_i32_18 = arith.constant 0 : i32
    %c0_i32_19 = arith.constant 0 : i32
    return %min3A_17, %c0_i32, %c0_i32_18 : i32, i32, i32
  }
  func.func @transform_2(%arg0: i32) -> (i32, i32, i32) {
    %add3A = arith.constant 0 : i32
    %add3A_0 = arith.addi %arg0, %add3A : i32
    %jit3A = arith.constant 250 : i32
    %div3A = arith.divsi %add3A_0, %jit3A : i32
    %sign3A = arith.constant 0 : i32
    %sign3A_1 = arith.cmpi sgt, %add3A_0, %sign3A : i32
    %sign3A_2 = arith.extui %sign3A_1 : i1 to i32
    %sign3A_3 = arith.constant 0 : i32
    %sign3A_4 = arith.cmpi slt, %add3A_0, %sign3A_3 : i32
    %sign3A_5 = arith.extui %sign3A_4 : i1 to i32
    %sign3A_6 = arith.subi %sign3A_2, %sign3A_5 : i32
    %sign3A_7 = arith.constant 0 : i32
    %sign3A_8 = arith.cmpi sgt, %jit3A, %sign3A_7 : i32
    %sign3A_9 = arith.extui %sign3A_8 : i1 to i32
    %sign3A_10 = arith.constant 0 : i32
    %sign3A_11 = arith.cmpi slt, %jit3A, %sign3A_10 : i32
    %sign3A_12 = arith.extui %sign3A_11 : i1 to i32
    %sign3A_13 = arith.subi %sign3A_9, %sign3A_12 : i32
    %ne3A = arith.cmpi ne, %sign3A_6, %sign3A_13 : i32
    %rem3A = arith.remsi %add3A_0, %jit3A : i32
    %ne3A_14 = arith.constant 0 : i32
    %ne3A_15 = arith.cmpi ne, %rem3A, %ne3A_14 : i32
    %and3A = arith.andi %ne3A, %ne3A_15 : i1
    %sub3A = arith.constant 1 : i32
    %sub3A_16 = arith.subi %div3A, %sub3A : i32
    %select_n3A = arith.select %and3A, %sub3A_16, %div3A : i32
    %min3A = arith.constant 2 : i32
    %min3A_17 = arith.minsi %select_n3A, %min3A : i32
    %c0_i32 = arith.constant 0 : i32
    %c0_i32_18 = arith.constant 0 : i32
    %c0_i32_19 = arith.constant 0 : i32
    return %min3A_17, %c0_i32, %c0_i32_18 : i32, i32, i32
  }
  func.func @transform_3(%arg0: i32) -> (i32, i32, i32) {
    %add3A = arith.constant 0 : i32
    %add3A_0 = arith.addi %arg0, %add3A : i32
    %jit3A = arith.constant 250 : i32
    %div3A = arith.divsi %add3A_0, %jit3A : i32
    %sign3A = arith.constant 0 : i32
    %sign3A_1 = arith.cmpi sgt, %add3A_0, %sign3A : i32
    %sign3A_2 = arith.extui %sign3A_1 : i1 to i32
    %sign3A_3 = arith.constant 0 : i32
    %sign3A_4 = arith.cmpi slt, %add3A_0, %sign3A_3 : i32
    %sign3A_5 = arith.extui %sign3A_4 : i1 to i32
    %sign3A_6 = arith.subi %sign3A_2, %sign3A_5 : i32
    %sign3A_7 = arith.constant 0 : i32
    %sign3A_8 = arith.cmpi sgt, %jit3A, %sign3A_7 : i32
    %sign3A_9 = arith.extui %sign3A_8 : i1 to i32
    %sign3A_10 = arith.constant 0 : i32
    %sign3A_11 = arith.cmpi slt, %jit3A, %sign3A_10 : i32
    %sign3A_12 = arith.extui %sign3A_11 : i1 to i32
    %sign3A_13 = arith.subi %sign3A_9, %sign3A_12 : i32
    %ne3A = arith.cmpi ne, %sign3A_6, %sign3A_13 : i32
    %rem3A = arith.remsi %add3A_0, %jit3A : i32
    %ne3A_14 = arith.constant 0 : i32
    %ne3A_15 = arith.cmpi ne, %rem3A, %ne3A_14 : i32
    %and3A = arith.andi %ne3A, %ne3A_15 : i1
    %sub3A = arith.constant 1 : i32
    %sub3A_16 = arith.subi %div3A, %sub3A : i32
    %select_n3A = arith.select %and3A, %sub3A_16, %div3A : i32
    %min3A = arith.constant 2 : i32
    %min3A_17 = arith.minsi %select_n3A, %min3A : i32
    %c0_i32 = arith.constant 0 : i32
    %c0_i32_18 = arith.constant 0 : i32
    %c0_i32_19 = arith.constant 0 : i32
    return %min3A_17, %c0_i32, %c0_i32_18 : i32, i32, i32
  }
  func.func @transform_4(%arg0: i32) -> (i32, i32, i32) {
    %add3A = arith.constant 0 : i32
    %add3A_0 = arith.addi %arg0, %add3A : i32
    %jit3A = arith.constant 250 : i32
    %div3A = arith.divsi %add3A_0, %jit3A : i32
    %sign3A = arith.constant 0 : i32
    %sign3A_1 = arith.cmpi sgt, %add3A_0, %sign3A : i32
    %sign3A_2 = arith.extui %sign3A_1 : i1 to i32
    %sign3A_3 = arith.constant 0 : i32
    %sign3A_4 = arith.cmpi slt, %add3A_0, %sign3A_3 : i32
    %sign3A_5 = arith.extui %sign3A_4 : i1 to i32
    %sign3A_6 = arith.subi %sign3A_2, %sign3A_5 : i32
    %sign3A_7 = arith.constant 0 : i32
    %sign3A_8 = arith.cmpi sgt, %jit3A, %sign3A_7 : i32
    %sign3A_9 = arith.extui %sign3A_8 : i1 to i32
    %sign3A_10 = arith.constant 0 : i32
    %sign3A_11 = arith.cmpi slt, %jit3A, %sign3A_10 : i32
    %sign3A_12 = arith.extui %sign3A_11 : i1 to i32
    %sign3A_13 = arith.subi %sign3A_9, %sign3A_12 : i32
    %ne3A = arith.cmpi ne, %sign3A_6, %sign3A_13 : i32
    %rem3A = arith.remsi %add3A_0, %jit3A : i32
    %ne3A_14 = arith.constant 0 : i32
    %ne3A_15 = arith.cmpi ne, %rem3A, %ne3A_14 : i32
    %and3A = arith.andi %ne3A, %ne3A_15 : i1
    %sub3A = arith.constant 1 : i32
    %sub3A_16 = arith.subi %div3A, %sub3A : i32
    %select_n3A = arith.select %and3A, %sub3A_16, %div3A : i32
    %min3A = arith.constant 2 : i32
    %min3A_17 = arith.minsi %select_n3A, %min3A : i32
    %c0_i32 = arith.constant 0 : i32
    %c0_i32_18 = arith.constant 0 : i32
    %c0_i32_19 = arith.constant 0 : i32
    return %min3A_17, %c0_i32, %c0_i32_18 : i32, i32, i32
  }
  func.func @transform_5(%arg0: i32) -> (i32, i32) {
    %c0_i32 = arith.constant 0 : i32
    %c0_i32_0 = arith.constant 0 : i32
    return %arg0, %c0_i32 : i32, i32
  }
}

module attributes {stable_mosaic.version = 14 : i64} {
  func.func @_upd_body(%arg0: i32, %arg1: memref<1x1000x128xf32, #tpu.memory_space<vmem>>, %arg2: memref<1x1000x128xf32, #tpu.memory_space<vmem>>, %arg3: memref<1x1000x128xf32, #tpu.memory_space<vmem>>, %arg4: memref<1x1000x128xf32, #tpu.memory_space<vmem>>, %arg5: memref<1000x128xf32, #tpu.memory_space<vmem>>, %arg6: memref<128x256xf32, #tpu.memory_space<vmem>>, %arg7: memref<128x256xf32, #tpu.memory_space<vmem>>, %arg8: memref<1x256xf32, #tpu.memory_space<vmem>>, %arg9: memref<256x128xf32, #tpu.memory_space<vmem>>, %arg10: memref<1x128xf32, #tpu.memory_space<vmem>>, %arg11: memref<1000x128xf32, #tpu.memory_space<vmem>>) attributes {dimension_semantics = [#tpu.dimension_semantics<arbitrary>], iteration_bounds = array<i64: 10>, scalar_prefetch = 0 : i64, scratch_operands = 0 : i64, tpu.core_type = #tpu.core_type<tc>, window_params = [{transform_indices = @transform_0, window_bounds = array<i64: 1, 1000, 128>}, {transform_indices = @transform_1, window_bounds = array<i64: 1, 1000, 128>}, {transform_indices = @transform_2, window_bounds = array<i64: 1, 1000, 128>}, {transform_indices = @transform_3, window_bounds = array<i64: 1, 1000, 128>}, {transform_indices = @transform_4, window_bounds = array<i64: 1000, 128>}, {pipeline_mode = #tpu.pipeline_mode<synchronous>, transform_indices = @transform_5, window_bounds = array<i64: 128, 256>}, {pipeline_mode = #tpu.pipeline_mode<synchronous>, transform_indices = @transform_6, window_bounds = array<i64: 128, 256>}, {pipeline_mode = #tpu.pipeline_mode<synchronous>, transform_indices = @transform_7, window_bounds = array<i64: 1, 256>}, {pipeline_mode = #tpu.pipeline_mode<synchronous>, transform_indices = @transform_8, window_bounds = array<i64: 256, 128>}, {pipeline_mode = #tpu.pipeline_mode<synchronous>, transform_indices = @transform_9, window_bounds = array<i64: 1, 128>}, {transform_indices = @transform_10, window_bounds = array<i64: 1000, 128>}]} {
    %get3A = arith.constant 0 : index
    %get3A_0 = arith.constant 0 : index
    %get3A_1 = arith.constant 0 : index
    %get3A_2 = vector.load %arg1[%get3A, %get3A_0, %get3A_1] : memref<1x1000x128xf32, #tpu.memory_space<vmem>>, vector<1x1000x128xf32>
    %get3A_3 = vector.shape_cast %get3A_2 : vector<1x1000x128xf32> to vector<1000x128xf32>
    %get3A_4 = arith.constant 0 : index
    %get3A_5 = arith.constant 0 : index
    %get3A_6 = arith.constant 0 : index
    %get3A_7 = vector.load %arg2[%get3A_4, %get3A_5, %get3A_6] : memref<1x1000x128xf32, #tpu.memory_space<vmem>>, vector<1x1000x128xf32>
    %get3A_8 = vector.shape_cast %get3A_7 : vector<1x1000x128xf32> to vector<1000x128xf32>
    %add3A = arith.addf %get3A_3, %get3A_8 : vector<1000x128xf32>
    %get3A_9 = arith.constant 0 : index
    %get3A_10 = arith.constant 0 : index
    %get3A_11 = arith.constant 0 : index
    %get3A_12 = vector.load %arg3[%get3A_9, %get3A_10, %get3A_11] : memref<1x1000x128xf32, #tpu.memory_space<vmem>>, vector<1x1000x128xf32>
    %get3A_13 = vector.shape_cast %get3A_12 : vector<1x1000x128xf32> to vector<1000x128xf32>
    %add3A_14 = arith.addf %add3A, %get3A_13 : vector<1000x128xf32>
    %get3A_15 = arith.constant 0 : index
    %get3A_16 = arith.constant 0 : index
    %get3A_17 = arith.constant 0 : index
    %get3A_18 = vector.load %arg4[%get3A_15, %get3A_16, %get3A_17] : memref<1x1000x128xf32, #tpu.memory_space<vmem>>, vector<1x1000x128xf32>
    %get3A_19 = vector.shape_cast %get3A_18 : vector<1x1000x128xf32> to vector<1000x128xf32>
    %add3A_20 = arith.addf %add3A_14, %get3A_19 : vector<1000x128xf32>
    %get3A_21 = arith.constant 0 : index
    %get3A_22 = arith.constant 0 : index
    %get3A_23 = vector.load %arg5[%get3A_21, %get3A_22] : memref<1000x128xf32, #tpu.memory_space<vmem>>, vector<1000x128xf32>
    %get3A_24 = arith.constant 0 : index
    %get3A_25 = arith.constant 0 : index
    %get3A_26 = vector.load %arg6[%get3A_24, %get3A_25] : memref<128x256xf32, #tpu.memory_space<vmem>>, vector<128x256xf32>
    %dot_general3A = arith.constant dense<0.000000e+00> : vector<1000x256xf32>
    %dot_general3A_27 = tpu.matmul %add3A_20, %get3A_26, %dot_general3A {dimension_numbers = #tpu.dot_dimension_numbers<[1], [0], [0], [1], [0, 0, 1, 1], [], []>, transpose_lhs_hint = false} : vector<1000x128xf32>, vector<128x256xf32>, vector<1000x256xf32> -> vector<1000x256xf32>
    %get3A_28 = arith.constant 0 : index
    %get3A_29 = arith.constant 0 : index
    %get3A_30 = vector.load %arg7[%get3A_28, %get3A_29] : memref<128x256xf32, #tpu.memory_space<vmem>>, vector<128x256xf32>
    %dot_general3A_31 = arith.constant dense<0.000000e+00> : vector<1000x256xf32>
    %dot_general3A_32 = tpu.matmul %get3A_23, %get3A_30, %dot_general3A_31 {dimension_numbers = #tpu.dot_dimension_numbers<[1], [0], [0], [1], [0, 0, 1, 1], [], []>, transpose_lhs_hint = false} : vector<1000x128xf32>, vector<128x256xf32>, vector<1000x256xf32> -> vector<1000x256xf32>
    %add3A_33 = arith.addf %dot_general3A_27, %dot_general3A_32 : vector<1000x256xf32>
    %get3A_34 = arith.constant 0 : index
    %get3A_35 = arith.constant 0 : index
    %get3A_36 = vector.load %arg8[%get3A_34, %get3A_35] : memref<1x256xf32, #tpu.memory_space<vmem>>, vector<1x256xf32>
    %add3A_37 = vector.broadcast %get3A_36 : vector<1x256xf32> to vector<1000x256xf32>
    %add3A_38 = arith.addf %add3A_33, %add3A_37 : vector<1000x256xf32>
    %max3A = arith.constant 0.000000e+00 : f32
    %max3A_39 = vector.broadcast %max3A : f32 to vector<1000x256xf32>
    %max3A_40 = arith.maximumf %add3A_38, %max3A_39 : vector<1000x256xf32>
    %abs3A = math.absf %add3A_38 : vector<1000x256xf32>
    %neg3A = arith.constant 0.000000e+00 : f32
    %neg3A_41 = vector.broadcast %neg3A : f32 to vector<1000x256xf32>
    %neg3A_42 = arith.subf %neg3A_41, %abs3A : vector<1000x256xf32>
    %exp3A = math.exp %neg3A_42 : vector<1000x256xf32>
    %log1p3A = math.log1p %exp3A : vector<1000x256xf32>
    %add3A_43 = arith.addf %max3A_40, %log1p3A : vector<1000x256xf32>
    %tanh3A = math.tanh %add3A_43 : vector<1000x256xf32>
    %mul3A = arith.mulf %add3A_38, %tanh3A : vector<1000x256xf32>
    %get3A_44 = arith.constant 0 : index
    %get3A_45 = arith.constant 0 : index
    %get3A_46 = vector.load %arg9[%get3A_44, %get3A_45] : memref<256x128xf32, #tpu.memory_space<vmem>>, vector<256x128xf32>
    %dot_general3A_47 = arith.constant dense<0.000000e+00> : vector<1000x128xf32>
    %dot_general3A_48 = tpu.matmul %mul3A, %get3A_46, %dot_general3A_47 {dimension_numbers = #tpu.dot_dimension_numbers<[1], [0], [0], [1], [0, 0, 1, 1], [], []>, transpose_lhs_hint = false} : vector<1000x256xf32>, vector<256x128xf32>, vector<1000x128xf32> -> vector<1000x128xf32>
    %add3A_49 = arith.addf %get3A_23, %dot_general3A_48 : vector<1000x128xf32>
    %get3A_50 = arith.constant 0 : index
    %get3A_51 = arith.constant 0 : index
    %get3A_52 = vector.load %arg10[%get3A_50, %get3A_51] : memref<1x128xf32, #tpu.memory_space<vmem>>, vector<1x128xf32>
    %add3A_53 = vector.broadcast %get3A_52 : vector<1x128xf32> to vector<1000x128xf32>
    %add3A_54 = arith.addf %add3A_49, %add3A_53 : vector<1000x128xf32>
    %swap3A = arith.constant 0 : index
    %swap3A_55 = arith.constant 0 : index
    %swap3A_56 = vector.load %arg11[%swap3A, %swap3A_55] : memref<1000x128xf32, #tpu.memory_space<vmem>>, vector<1000x128xf32>
    tpu.vector_store %arg11[%swap3A, %swap3A_55], %add3A_54 {strides = array<i32>} : memref<1000x128xf32, #tpu.memory_space<vmem>>, vector<1000x128xf32>,
    return
  }
  func.func @transform_0(%arg0: i32) -> (i32, i32, i32) {
    %c0_i32 = arith.constant 0 : i32
    %c0_i32_0 = arith.constant 0 : i32
    %c0_i32_1 = arith.constant 0 : i32
    return %c0_i32, %arg0, %c0_i32_0 : i32, i32, i32
  }
  func.func @transform_1(%arg0: i32) -> (i32, i32, i32) {
    %c1_i32 = arith.constant 1 : i32
    %c0_i32 = arith.constant 0 : i32
    %c0_i32_0 = arith.constant 0 : i32
    return %c1_i32, %arg0, %c0_i32 : i32, i32, i32
  }
  func.func @transform_2(%arg0: i32) -> (i32, i32, i32) {
    %c0_i32 = arith.constant 0 : i32
    %c0_i32_0 = arith.constant 0 : i32
    %c0_i32_1 = arith.constant 0 : i32
    return %c0_i32, %arg0, %c0_i32_0 : i32, i32, i32
  }
  func.func @transform_3(%arg0: i32) -> (i32, i32, i32) {
    %c1_i32 = arith.constant 1 : i32
    %c0_i32 = arith.constant 0 : i32
    %c0_i32_0 = arith.constant 0 : i32
    return %c1_i32, %arg0, %c0_i32 : i32, i32, i32
  }
  func.func @transform_4(%arg0: i32) -> (i32, i32) {
    %c0_i32 = arith.constant 0 : i32
    %c0_i32_0 = arith.constant 0 : i32
    return %arg0, %c0_i32 : i32, i32
  }
  func.func @transform_5(%arg0: i32) -> (i32, i32) {
    %c0_i32 = arith.constant 0 : i32
    %c0_i32_0 = arith.constant 0 : i32
    %c0_i32_1 = arith.constant 0 : i32
    return %c0_i32, %c0_i32_0 : i32, i32
  }
  func.func @transform_6(%arg0: i32) -> (i32, i32) {
    %c0_i32 = arith.constant 0 : i32
    %c0_i32_0 = arith.constant 0 : i32
    %c0_i32_1 = arith.constant 0 : i32
    return %c0_i32, %c0_i32_0 : i32, i32
  }
  func.func @transform_7(%arg0: i32) -> (i32, i32) {
    %c0_i32 = arith.constant 0 : i32
    %c0_i32_0 = arith.constant 0 : i32
    %c0_i32_1 = arith.constant 0 : i32
    return %c0_i32, %c0_i32_0 : i32, i32
  }
  func.func @transform_8(%arg0: i32) -> (i32, i32) {
    %c0_i32 = arith.constant 0 : i32
    %c0_i32_0 = arith.constant 0 : i32
    %c0_i32_1 = arith.constant 0 : i32
    return %c0_i32, %c0_i32_0 : i32, i32
  }
  func.func @transform_9(%arg0: i32) -> (i32, i32) {
    %c0_i32 = arith.constant 0 : i32
    %c0_i32_0 = arith.constant 0 : i32
    %c0_i32_1 = arith.constant 0 : i32
    return %c0_i32, %c0_i32_0 : i32, i32
  }
  func.func @transform_10(%arg0: i32) -> (i32, i32) {
    %c0_i32 = arith.constant 0 : i32
    %c0_i32_0 = arith.constant 0 : i32
    return %arg0, %c0_i32 : i32, i32
  }
}

module attributes {stable_mosaic.version = 14 : i64} {
  func.func @_upd_body(%arg0: i32, %arg1: memref<1x1000x128xf32, #tpu.memory_space<vmem>>, %arg2: memref<1x1000x128xf32, #tpu.memory_space<vmem>>, %arg3: memref<1x1000x128xf32, #tpu.memory_space<vmem>>, %arg4: memref<1x1000x128xf32, #tpu.memory_space<vmem>>, %arg5: memref<1000x128xf32, #tpu.memory_space<vmem>>, %arg6: memref<128x256xf32, #tpu.memory_space<vmem>>, %arg7: memref<128x256xf32, #tpu.memory_space<vmem>>, %arg8: memref<1x256xf32, #tpu.memory_space<vmem>>, %arg9: memref<256x128xf32, #tpu.memory_space<vmem>>, %arg10: memref<1x128xf32, #tpu.memory_space<vmem>>, %arg11: memref<1000x128xf32, #tpu.memory_space<vmem>>) attributes {dimension_semantics = [#tpu.dimension_semantics<arbitrary>], iteration_bounds = array<i64: 10>, scalar_prefetch = 0 : i64, scratch_operands = 0 : i64, tpu.core_type = #tpu.core_type<tc>, window_params = [{transform_indices = @transform_0, window_bounds = array<i64: 1, 1000, 128>}, {transform_indices = @transform_1, window_bounds = array<i64: 1, 1000, 128>}, {transform_indices = @transform_2, window_bounds = array<i64: 1, 1000, 128>}, {transform_indices = @transform_3, window_bounds = array<i64: 1, 1000, 128>}, {transform_indices = @transform_4, window_bounds = array<i64: 1000, 128>}, {pipeline_mode = #tpu.pipeline_mode<synchronous>, transform_indices = @transform_5, window_bounds = array<i64: 128, 256>}, {pipeline_mode = #tpu.pipeline_mode<synchronous>, transform_indices = @transform_6, window_bounds = array<i64: 128, 256>}, {pipeline_mode = #tpu.pipeline_mode<synchronous>, transform_indices = @transform_7, window_bounds = array<i64: 1, 256>}, {pipeline_mode = #tpu.pipeline_mode<synchronous>, transform_indices = @transform_8, window_bounds = array<i64: 256, 128>}, {pipeline_mode = #tpu.pipeline_mode<synchronous>, transform_indices = @transform_9, window_bounds = array<i64: 1, 128>}, {transform_indices = @transform_10, window_bounds = array<i64: 1000, 128>}]} {
    %get3A = arith.constant 0 : index
    %get3A_0 = arith.constant 0 : index
    %get3A_1 = arith.constant 0 : index
    %get3A_2 = vector.load %arg1[%get3A, %get3A_0, %get3A_1] : memref<1x1000x128xf32, #tpu.memory_space<vmem>>, vector<1x1000x128xf32>
    %get3A_3 = vector.shape_cast %get3A_2 : vector<1x1000x128xf32> to vector<1000x128xf32>
    %get3A_4 = arith.constant 0 : index
    %get3A_5 = arith.constant 0 : index
    %get3A_6 = arith.constant 0 : index
    %get3A_7 = vector.load %arg2[%get3A_4, %get3A_5, %get3A_6] : memref<1x1000x128xf32, #tpu.memory_space<vmem>>, vector<1x1000x128xf32>
    %get3A_8 = vector.shape_cast %get3A_7 : vector<1x1000x128xf32> to vector<1000x128xf32>
    %add3A = arith.addf %get3A_3, %get3A_8 : vector<1000x128xf32>
    %get3A_9 = arith.constant 0 : index
    %get3A_10 = arith.constant 0 : index
    %get3A_11 = arith.constant 0 : index
    %get3A_12 = vector.load %arg3[%get3A_9, %get3A_10, %get3A_11] : memref<1x1000x128xf32, #tpu.memory_space<vmem>>, vector<1x1000x128xf32>
    %get3A_13 = vector.shape_cast %get3A_12 : vector<1x1000x128xf32> to vector<1000x128xf32>
    %add3A_14 = arith.addf %add3A, %get3A_13 : vector<1000x128xf32>
    %get3A_15 = arith.constant 0 : index
    %get3A_16 = arith.constant 0 : index
    %get3A_17 = arith.constant 0 : index
    %get3A_18 = vector.load %arg4[%get3A_15, %get3A_16, %get3A_17] : memref<1x1000x128xf32, #tpu.memory_space<vmem>>, vector<1x1000x128xf32>
    %get3A_19 = vector.shape_cast %get3A_18 : vector<1x1000x128xf32> to vector<1000x128xf32>
    %add3A_20 = arith.addf %add3A_14, %get3A_19 : vector<1000x128xf32>
    %get3A_21 = arith.constant 0 : index
    %get3A_22 = arith.constant 0 : index
    %get3A_23 = vector.load %arg5[%get3A_21, %get3A_22] : memref<1000x128xf32, #tpu.memory_space<vmem>>, vector<1000x128xf32>
    %get3A_24 = arith.constant 0 : index
    %get3A_25 = arith.constant 0 : index
    %get3A_26 = vector.load %arg6[%get3A_24, %get3A_25] : memref<128x256xf32, #tpu.memory_space<vmem>>, vector<128x256xf32>
    %dot_general3A = arith.constant dense<0.000000e+00> : vector<1000x256xf32>
    %dot_general3A_27 = tpu.matmul %add3A_20, %get3A_26, %dot_general3A {dimension_numbers = #tpu.dot_dimension_numbers<[1], [0], [0], [1], [0, 0, 1, 1], [], []>, transpose_lhs_hint = false} : vector<1000x128xf32>, vector<128x256xf32>, vector<1000x256xf32> -> vector<1000x256xf32>
    %get3A_28 = arith.constant 0 : index
    %get3A_29 = arith.constant 0 : index
    %get3A_30 = vector.load %arg7[%get3A_28, %get3A_29] : memref<128x256xf32, #tpu.memory_space<vmem>>, vector<128x256xf32>
    %dot_general3A_31 = arith.constant dense<0.000000e+00> : vector<1000x256xf32>
    %dot_general3A_32 = tpu.matmul %get3A_23, %get3A_30, %dot_general3A_31 {dimension_numbers = #tpu.dot_dimension_numbers<[1], [0], [0], [1], [0, 0, 1, 1], [], []>, transpose_lhs_hint = false} : vector<1000x128xf32>, vector<128x256xf32>, vector<1000x256xf32> -> vector<1000x256xf32>
    %add3A_33 = arith.addf %dot_general3A_27, %dot_general3A_32 : vector<1000x256xf32>
    %get3A_34 = arith.constant 0 : index
    %get3A_35 = arith.constant 0 : index
    %get3A_36 = vector.load %arg8[%get3A_34, %get3A_35] : memref<1x256xf32, #tpu.memory_space<vmem>>, vector<1x256xf32>
    %add3A_37 = vector.broadcast %get3A_36 : vector<1x256xf32> to vector<1000x256xf32>
    %add3A_38 = arith.addf %add3A_33, %add3A_37 : vector<1000x256xf32>
    %max3A = arith.constant 0.000000e+00 : f32
    %max3A_39 = vector.broadcast %max3A : f32 to vector<1000x256xf32>
    %max3A_40 = arith.maximumf %add3A_38, %max3A_39 : vector<1000x256xf32>
    %abs3A = math.absf %add3A_38 : vector<1000x256xf32>
    %neg3A = arith.constant 0.000000e+00 : f32
    %neg3A_41 = vector.broadcast %neg3A : f32 to vector<1000x256xf32>
    %neg3A_42 = arith.subf %neg3A_41, %abs3A : vector<1000x256xf32>
    %exp3A = math.exp %neg3A_42 : vector<1000x256xf32>
    %log1p3A = math.log1p %exp3A : vector<1000x256xf32>
    %add3A_43 = arith.addf %max3A_40, %log1p3A : vector<1000x256xf32>
    %tanh3A = math.tanh %add3A_43 : vector<1000x256xf32>
    %mul3A = arith.mulf %add3A_38, %tanh3A : vector<1000x256xf32>
    %get3A_44 = arith.constant 0 : index
    %get3A_45 = arith.constant 0 : index
    %get3A_46 = vector.load %arg9[%get3A_44, %get3A_45] : memref<256x128xf32, #tpu.memory_space<vmem>>, vector<256x128xf32>
    %dot_general3A_47 = arith.constant dense<0.000000e+00> : vector<1000x128xf32>
    %dot_general3A_48 = tpu.matmul %mul3A, %get3A_46, %dot_general3A_47 {dimension_numbers = #tpu.dot_dimension_numbers<[1], [0], [0], [1], [0, 0, 1, 1], [], []>, transpose_lhs_hint = false} : vector<1000x256xf32>, vector<256x128xf32>, vector<1000x128xf32> -> vector<1000x128xf32>
    %add3A_49 = arith.addf %get3A_23, %dot_general3A_48 : vector<1000x128xf32>
    %get3A_50 = arith.constant 0 : index
    %get3A_51 = arith.constant 0 : index
    %get3A_52 = vector.load %arg10[%get3A_50, %get3A_51] : memref<1x128xf32, #tpu.memory_space<vmem>>, vector<1x128xf32>
    %add3A_53 = vector.broadcast %get3A_52 : vector<1x128xf32> to vector<1000x128xf32>
    %add3A_54 = arith.addf %add3A_49, %add3A_53 : vector<1000x128xf32>
    %swap3A = arith.constant 0 : index
    %swap3A_55 = arith.constant 0 : index
    %swap3A_56 = vector.load %arg11[%swap3A, %swap3A_55] : memref<1000x128xf32, #tpu.memory_space<vmem>>, vector<1000x128xf32>
    tpu.vector_store %arg11[%swap3A, %swap3A_55], %add3A_54 {strides = array<i32>} : memref<1000x128xf32, #tpu.memory_space<vmem>>, vector<1000x128xf32>,
    return
  }
  func.func @transform_0(%arg0: i32) -> (i32, i32, i32) {
    %c0_i32 = arith.constant 0 : i32
    %c0_i32_0 = arith.constant 0 : i32
    %c0_i32_1 = arith.constant 0 : i32
    return %c0_i32, %arg0, %c0_i32_0 : i32, i32, i32
  }
  func.func @transform_1(%arg0: i32) -> (i32, i32, i32) {
    %c1_i32 = arith.constant 1 : i32
    %c0_i32 = arith.constant 0 : i32
    %c0_i32_0 = arith.constant 0 : i32
    return %c1_i32, %arg0, %c0_i32 : i32, i32, i32
  }
  func.func @transform_2(%arg0: i32) -> (i32, i32, i32) {
    %c0_i32 = arith.constant 0 : i32
    %c0_i32_0 = arith.constant 0 : i32
    %c0_i32_1 = arith.constant 0 : i32
    return %c0_i32, %arg0, %c0_i32_0 : i32, i32, i32
  }
  func.func @transform_3(%arg0: i32) -> (i32, i32, i32) {
    %c1_i32 = arith.constant 1 : i32
    %c0_i32 = arith.constant 0 : i32
    %c0_i32_0 = arith.constant 0 : i32
    return %c1_i32, %arg0, %c0_i32 : i32, i32, i32
  }
  func.func @transform_4(%arg0: i32) -> (i32, i32) {
    %c0_i32 = arith.constant 0 : i32
    %c0_i32_0 = arith.constant 0 : i32
    return %arg0, %c0_i32 : i32, i32
  }
  func.func @transform_5(%arg0: i32) -> (i32, i32) {
    %c0_i32 = arith.constant 0 : i32
    %c0_i32_0 = arith.constant 0 : i32
    %c0_i32_1 = arith.constant 0 : i32
    return %c0_i32, %c0_i32_0 : i32, i32
  }
  func.func @transform_6(%arg0: i32) -> (i32, i32) {
    %c0_i32 = arith.constant 0 : i32
    %c0_i32_0 = arith.constant 0 : i32
    %c0_i32_1 = arith.constant 0 : i32
    return %c0_i32, %c0_i32_0 : i32, i32
  }
  func.func @transform_7(%arg0: i32) -> (i32, i32) {
    %c0_i32 = arith.constant 0 : i32
    %c0_i32_0 = arith.constant 0 : i32
    %c0_i32_1 = arith.constant 0 : i32
    return %c0_i32, %c0_i32_0 : i32, i32
  }
  func.func @transform_8(%arg0: i32) -> (i32, i32) {
    %c0_i32 = arith.constant 0 : i32
    %c0_i32_0 = arith.constant 0 : i32
    %c0_i32_1 = arith.constant 0 : i32
    return %c0_i32, %c0_i32_0 : i32, i32
  }
  func.func @transform_9(%arg0: i32) -> (i32, i32) {
    %c0_i32 = arith.constant 0 : i32
    %c0_i32_0 = arith.constant 0 : i32
    %c0_i32_1 = arith.constant 0 : i32
    return %c0_i32, %c0_i32_0 : i32, i32
  }
  func.func @transform_10(%arg0: i32) -> (i32, i32) {
    %c0_i32 = arith.constant 0 : i32
    %c0_i32_0 = arith.constant 0 : i32
    return %arg0, %c0_i32 : i32, i32
  }
}

</mosaic_0001>

<sc_bundles>
// kernel: kernel.16.cloned.1.call-start
scs
__scs_entry_jumppad:
0x0: {  	(pc) =	sbr.rel $0x88, $3  }
0x1: {  	(tag) =	ssettag $0x0;
	lr =	simm.s32 $0x1  }
0x2: {  	[smem:$0x3F8D] =	sst lr;
	_ =	strace $0xD0000000  }
0x3: {  	_ = 	snop  }
0x4: {  	_ = 	snop  }
0x5: {  	_ = 	snop  }
0x6: {  	_ = 	snop  }
0x7: {  	_ = 	snop  }
__scs_overlays_trampoline_lowered:
0x8: {  	[smem:$0x3F9C] =	sst s0  }
0x9: {  	[smem:$0x3F9D] =	sst s1  }
0xa: {  	[smem:$0x3F9E] =	sst s2  }
0xb: {  	[smem:$0x3F9F] =	sst s3  }
0xc: {  	[smem:$0x3FA0] =	sst s4  }
0xd: {  	[smem:$0x3FA1] =	sst s5  }
0xe: {  	[smem:$0x3FA2] =	sst s6  }
0xf: {  	[smem:$0x3FA3] =	sst s7  }
0x10: {  	[smem:$0x3FA4] =	sst s8  }
0x11: {  	[smem:$0x3FA5] =	sst s9;
	s0 =	simm.s32 @!p0 $0x0  }
0x12: {  	s1 =	sld [smem:$0x3F8B];
	s0 =	simm.s32 @p0 $0x1  }
0x13: {  	[smem:$0x3FA6] =	sst s0;
	s0 =	simm.s32 @!p1 $0x0  }
0x14: {  	s2 =	sld [smem:$0x3F8A];
	s0 =	simm.s32 @p1 $0x1  }
0x15: {  	[smem:$0x3FA7] =	sst s0;
	s0 =	simm.s32 @!p2 $0x0  }
0x16: {  	s3 =	sld [smem:$0x3FDB];
	s0 =	simm.s32 @p2 $0x1  }
0x17: {  	s4 =	simm.s32 $0x1BF5;
	[smem:$0x3FA9] =	sst s0  }
0x18: {  	s0 =	sld [smem:$0x3F8C];
	_ =	swait.ge [sflag:s4], $0x0  }
0x19: {  	s7 =	sld [smem:$0x3F8D]  }
0x1a: {  	s8 =	sadd.s32 $0xFFFFE003, lr  }
0x1b: {  	s9 =	sadd.s32 $0xFFFFFEF7, lr;
	s5 =	simm.s32 $0xFFFFFFFF;
	p2 =	slt.u32 s8, $0xFFFFF086  }
0x1c: {  	p1 =	slt.u32 s9, $0xF7A;
	s5 =	simm.s32 @!p2 $0x0  }
0x1d: {  	s5 =	simm.s32 @p1 $0x1;
	p0 =	seq.s32 s7, s2  }
0x1e: {  	s7 =	smul.u32 @!p0 $0xF7A, s2;
	p2 =	seq.s32 @!p0 s5, $0x0  }
0x1f: {  	s9 =	smul.u32 $0xF7A, s1;
	s8 =	simm.s32 @!p0 $0x1BF5;
	p2 =	por !p2, p0  }
0x20: {  	[sflag:s8] =	ssyncset.s32 @!p0 $0xFFFFF086;
	s6 =	sadd.s32 @!p0 s3, s7;
	s7 =	simm.s32 @!p0 $0x108  }
0x21: {  	s3 =	sadd.s32 s3, s9;
	s6 =	sadd.s32 @!p0 $0x88, s6;
	s7 =	simm.s32 @p2 $0x1082  }
0x22: {  	[simem:s7], [sflag:s8] =	dma.local @!p0 [hbm:s6], $0xF7A  }
0x23: {  	s9 =	sor.u32 $0xD0000000, s2;
	s6 =	simm.s32 $0x108;
	_ =	swait.ge @!p0 [sflag:s8], $0x0  }
0x24: {  	s3 =	sadd.s32 $0x88, s3;
	s6 =	simm.s32 @!p1 $0x1082;
	[sflag:s4] =	ssyncset.s32 $0xFFFFF086  }
0x25: {  	[simem:s6], [sflag:s4] =	dma.local [hbm:s3], $0xF7A  }
0x26: {  	[smem:$0x3F8D] =	sst s1;
	(tag) =	ssettag s2;
	_ =	strace s9  }
0x27: {  	s1 =	sld [smem:$0x3F9D]  }
0x28: {  	s2 =	sld [smem:$0x3F9E]  }
0x29: {  	s4 =	sld [smem:$0x3FA0]  }
0x2a: {  	p0 =	seq.s32 s5, $0x0;
	s5 =	sld [smem:$0x3FA1]  }
0x2b: {  	s6 =	sld [smem:$0x3FA2]  }
0x2c: {  	s7 =	sld [smem:$0x3FA3]  }
0x2d: {  	s3 =	simm.s32 $0x108;
	s8 =	sld [smem:$0x3FA4]  }
0x2e: {  	s3 =	simm.s32 @!p0 $0x1082;
	s9 =	sld [smem:$0x3FA5]  }
0x2f: {  	lr =	sadd.s32 s0, s3;
	s0 =	sld [smem:$0x3F9C]  }
0x30: {  	s3 =	sld [smem:$0x3F9F]  }
0x31: {  	[smem:$0x3FA8] =	sst s10  }
0x32: {  	s10 =	sld [smem:$0x3FA6];
	_ =	sdelay $0x3  }
0x33: {  	p0 =	seq.s32 s10, $0x1;
	s10 =	sld [smem:$0x3FA8];
	_ =	sdelay $0x3  }
0x34: {  	[smem:$0x3FA8] =	sst s10  }
0x35: {  	s10 =	sld [smem:$0x3FA7];
	_ =	sdelay $0x3  }
0x36: {  	p1 =	seq.s32 s10, $0x1;
	s10 =	sld [smem:$0x3FA8];
	_ =	sdelay $0x3  }
0x37: {  	[smem:$0x3FA8] =	sst s10  }
0x38: {  	s10 =	sld [smem:$0x3FA9]  }
0x39: {  	_ = 	snop;
	(pc) =	sbr.ind lr, $3  }
0x3a: {  	_ = 	snop  }
0x3b: {  	_ = 	snop  }
0x3c: {  	p2 =	seq.s32 s10, $0x1;
	s10 =	sld [smem:$0x3FA8]  }
0x3d: {  	_ =	shalt  }
0x3e: {  	_ =	shalt  }
0x3f: {  	_ =	shalt  }
0x40: {  	_ =	shalt  }
0x41: {  	_ =	shalt  }
0x42: {  	_ =	shalt  }
0x43: {  	_ =	shalt  }
0x44: {  	_ =	shalt  }
0x45: {  	_ =	shalt  }
0x46: {  	_ =	shalt  }
0x47: {  	_ =	shalt  }
0x48: {  	_ =	shalt  }
0x49: {  	_ =	shalt  }
0x4a: {  	_ =	shalt  }
0x4b: {  	_ =	shalt  }
0x4c: {  	_ =	shalt  }
0x4d: {  	_ =	shalt  }
0x4e: {  	_ =	shalt  }
0x4f: {  	_ =	shalt  }
0x50: {  	_ =	shalt  }
0x51: {  	_ =	shalt  }
0x52: {  	_ =	shalt  }
0x53: {  	_ =	shalt  }
0x54: {  	_ =	shalt  }
0x55: {  	_ =	shalt  }
0x56: {  	_ =	shalt  }
0x57: {  	_ =	shalt  }
0x58: {  	_ =	shalt  }
0x59: {  	_ =	shalt  }
0x5a: {  	_ =	shalt  }
0x5b: {  	_ =	shalt  }
0x5c: {  	_ =	shalt  }
0x5d: {  	_ =	shalt  }
0x5e: {  	_ =	shalt  }
0x5f: {  	_ =	shalt  }
0x60: {  	_ =	shalt  }
0x61: {  	_ =	shalt  }
0x62: {  	_ =	shalt  }
0x63: {  	_ =	shalt  }
0x64: {  	_ =	shalt  }
0x65: {  	_ =	shalt  }
0x66: {  	_ =	shalt  }
0x67: {  	_ =	shalt  }
0x68: {  	_ =	shalt  }
0x69: {  	_ =	shalt  }
0x6a: {  	_ =	shalt  }
0x6b: {  	_ =	shalt  }
0x6c: {  	_ =	shalt  }
0x6d: {  	_ =	shalt  }
0x6e: {  	_ =	shalt  }
0x6f: {  	_ =	shalt  }
0x70: {  	_ =	shalt  }
0x71: {  	_ =	shalt  }
0x72: {  	_ =	shalt  }
0x73: {  	_ =	shalt  }
0x74: {  	_ =	shalt  }
0x75: {  	_ =	shalt  }
0x76: {  	_ =	shalt  }
0x77: {  	_ =	shalt  }
0x78: {  	_ =	shalt  }
0x79: {  	_ =	shalt  }
0x7a: {  	_ =	shalt  }
0x7b: {  	_ =	shalt  }
0x7c: {  	_ =	shalt  }
0x7d: {  	_ =	shalt  }
0x7e: {  	_ =	shalt  }
0x7f: {  	_ =	shalt  }
0x80: {  	_ =	shalt  }
0x81: {  	_ =	shalt  }
0x82: {  	_ =	shalt  }
0x83: {  	_ =	shalt  }
0x84: {  	_ =	shalt  }
0x85: {  	_ =	shalt  }
0x86: {  	_ =	shalt  }
0x87: {  	_ =	shalt  }
.Lfunc_end0:
.L_simem_size_0:
called_computation_lowered:
.L_overlay_start_0:
0x88: {  	s2 =	sld [smem:$0x3FD9]  }
0x89: {  	s3 =	sld [smem:$0x3FFE];
	_ =	sdelay $0x1  }
0x8a: {  	s1 =	srdreg.scid  }
0x8b: {  	s0 =	sand.u32 $0x1, s1  }
0x8c: {  	s17 =	sshll.u32 s0, $0xA;
	s2 =	sadd.s32 s3, s2  }
0x8d: {  	s2 =	sadd.s32 s2, s17  }
0x8e: {  	[smem:$0x3FB4] =	sst s2  }
0x8f: {  	_ = 	snop  }
0x90: {  	s18 =	sld [smem:$0x3FC9];
	(tm) =	ssettm $0x1  }
0x91: {  	s19 =	sld [smem:$0x3FFB];
	_ =	sdelay $0x3  }
0x92: {  	_ =	strace s19  }
0x93: {  	s2 =	sld [smem:$0x3FFC];
	_ =	sdelay $0x3  }
0x94: {  	_ =	strace s2  }
0x95: {  	s2 =	sld [smem:$0x3FFD];
	_ =	sdelay $0x3  }
0x96: {  	_ =	strace s2  }
0x97: {  	_ =	strace $0x8FFFFFFF  }
0x98: {  	s20 =	sld [smem:$0x3FDB];
	_ =	sdelay $0x1  }
0x99: {  	s4 =	simm.s32 $_scs_section_size  }
0x9a: {  	s5 =	simm.s32 $_size__tile_overlayer_lowered;
	s6 =	simm.s32 $_tile_overlayer_lowered  }
0x9b: {  	s7 =	simm.s32 $0x1BFF;
	s21 =	sshll.u32 s6, $0x1;
	s4 =	sadd.s32 s4, s20  }
0x9c: {  	s22 =	simm.s32 $0x0;
	s5 =	sshll.u32 s5, $0x1;
	s6 =	sadd.s32 s21, s4  }
0x9d: {  	[timem:s22], [sflag:s7] =	dma.local [hbm:s6], s5  }
0x9e: {  	_ =	swait.ge [sflag:s7], s5  }
0x9f: {  	s5 =	ssub.s32 $0x0, s5;
	[sflag:s7] =	ssyncset.done $0x0  }
0xa0: {  	[sflag:s7] =	ssyncadd.s32 s5;
	_ =	sdelay $0x1  }
0xa1: {  	s23 =	simm.s32 $0x1B8B  }
0xa2: {  	_ =	swait.ge [sflag:s23], $0x1  }
0xa3: {  	[sflag:s23] =	ssyncset.done $0x0  }
0xa4: {  	[sflag:s23] =	ssyncadd.s32 $0xFFFFFFFF  }
0xa5: {  	s5 =	sld [smem:$0x0]  }
0xa6: {  	s6 =	sand.u32 $0xFFFFFFFE, s1  }
0xa7: {  	p0 =	sne.s32 s1, s6  }
0xa8: {  	s6 =	sshll.u32 @p0 s6, $0xE  }
0xa9: {  	s6 =	sadd.s32 @p0 $0x11B8D, s6;
	s7 =	sshll.u32 @p0 s5, $0x11  }
0xaa: {  	s6 =	sor.u32 @p0 s7, s6  }
0xab: {  	[sflag:s6] =	ssyncadd.remote.s32 @p0 $0x1;
	_ =	sdelay $0x1  }
0xac: {  	s6 =	simm.s32 @p0 $0x1B8D  }
0xad: {  	_ =	swait.eq @p0 [sflag:s6], $0x1  }
0xae: {  	[sflag:s6] =	ssyncadd.s32 @p0 $0xFFFFFFFF  }
0xaf: {  	s7 =	sshll.u32 @!p0 s1, $0xE  }
0xb0: {  	s7 =	sor.u32 @!p0 $0x4000, s7;
	s6 =	simm.s32 @!p0 $0x1B8D  }
0xb1: {  	s5 =	sshll.u32 @!p0 s5, $0x11;
	s7 =	sadd.s32 @!p0 $0x11B8D, s7;
	_ =	swait.eq @!p0 [sflag:s6], $0x1  }
0xb2: {  	s5 =	sor.u32 @!p0 s5, s7;
	[sflag:s6] =	ssyncadd.s32 @!p0 $0xFFFFFFFF  }
0xb3: {  	s25 =	simm.s32 $0x1B8E;
	s24 =	sld [smem:$0x3FFE];
	[sflag:s5] =	ssyncadd.remote.s32 @!p0 $0x1  }
0xb4: {  	s26 =	simm.s32 $execute0_lowered;
	[smem:$0x3FD2] =	sst s25  }
0xb5: {  	s6 =	sshll.u32 s26, $0x1;
	_ =	strace $0x80000049;
	[dreg:$0x1] =	wrdreg $0xFFFFFFFF  }
0xb6: {  	s28 =	simm.s32 $_size_execute0_lowered;
	s4 =	sadd.s32 s4, s6;
	[dreg:$0x0] =	wrdreg $0x0  }
0xb7: {  	s6 =	sshll.u32 s28, $0x1;
	[dreg:$0x2] =	wrdreg s4  }
0xb8: {  	[dreg:$0x3] =	wrdreg s6  }
0xb9: {  	[dreg:$0x4] =	wrdreg $0xC0  }
0xba: {  	_ =	task [dreg:s22], $0x5FFFF  }
0xbb: {  	[dreg:$0x1] =	wrdreg $0xFFFFFFFF  }
0xbc: {  	[dreg:$0x0] =	wrdreg $0x60  }
0xbd: {  	[dreg:$0x2] =	wrdreg s18  }
0xbe: {  	[dreg:$0x3] =	wrdreg s24  }
0xbf: {  	[dreg:$0x4] =	wrdreg $0x9  }
0xc0: {  	_ =	task.clear_ibuf [dreg:s22], $0x5FFFF;
	_ =	strace $0x90000049  }
0xc1: {  	s29 =	simm.s32 $0x9;
	_ =	strace $0x8000004B  }
0xc2: {  	_ =	swait.ge [sflag:s29], $0x1  }
0xc3: {  	[sflag:s29] =	ssyncadd.s32 $0xFFFFFFFF  }
0xc4: {  	_ =	strace $0x9000004B  }
0xc5: {  	_ =	sfence  }
0xc6: {  	s30 =	sld [smem:$0x0];
	_ =	sdelay $0x2  }
0xc7: {  	s31 =	sshll.u32 s1, $0xD;
	s1 =	sshrl.u32 s1, $0x2  }
0xc8: {  	s4 =	sand.u32 $0x4000, s31;
	s1 =	sadd.s32 s1, s30  }
0xc9: {  	s0 =	sor.u32 s4, s0;
	s1 =	sshll.u32 s1, $0x11  }
0xca: {  	s0 =	sor.u32 s1, s0  }
0xcb: {  	s0 =	sadd.s32 $0x8F2B, s0  }
0xcc: {  	[sflag:s0] =	ssyncadd.remote.s32 $0x1  }
0xcd: {  	_ =	sfence.sel $0xFFFF  }
0xce: {  	[dreg:$0x0] =	wrdreg $0xFFFFFFFF;
	(pc) =	sbr.abs _section_cstart, $3  }
0xcf: {  	[dreg:$0x1] =	wrdreg $0xFFFFFFFF  }
0xd0: {  	_ =	task.clear_ibuf [dreg:s22], $0x2FFFF;
	_ =	strace $0x9FFFFFFF  }
0xd1: {  	(tm) =	ssettm $0x7FFFFFFF  }
tec
execute0_lowered:
.L_overlay_start_1:
0x0: {  	(tag) =	ssettag $0x1  }
0x1: {  	s2 =	rddreg [dreg:$0x0]  }
0x2: {  	s1 =	srdreg.scid;
	s0 =	stileid.u32  }
0x3: {  	s4 =	rddreg [dreg:$0x1];
	s3 =	simm.s32 $0x0;
	s14 =	simm.s32 $0x6800  }
0x4: {  	s15 =	simm.s32 $0x1;
	s16 =	simm.s32 $0x2;
	s11 =	smul.u32 $0x96, s0  }
0x5: {  	s17 =	simm.s32 $0x2500;
	s8 =	sand.u32 $0x1, s1;
	s31 =	smul.u32 $0x4B000, s0  }
0x6: {  	s18 =	simm.s32 $0x0;
	s5 =	sshll.u32 s0, $0x1;
	s12 =	smul.u32 $0x4B, s8  }
0x7: {  	s1 =	rddreg [dreg:$0x2];
	s5 =	sor.u32 s8, s5;
	s13 =	smul.u32 $0x25800, s8  }
0x8: {  	[smem:$0x7FF] =	sst s3;
	s7 =	ssub.s32 $0x2, s8;
	s6 =	smul.u32 $0x500, s5  }
0x9: {  	s10 =	sadd.s32 $0x4CC600, s4;
	s9 =	smul.u32 $0x12C000, s5;
	s26 =	sshrl.u32 s7, $0x1  }
0xa: {  	_ =	strace $0x8000004A;
	s29 =	smul.u32 $0x25800, s5;
	s7 =	ssub.s32 s7, s26  }
0xb: {  	s30 =	sadd.s32 s12, s11;
	s12 =	simm.s32 $0x80;
	s6 =	sadd.s32 s6, s4  }
0xc: {  	s9 =	sshrl.u32 s9, $0x3;
	s11 =	sshll.u32 s30, $0xB;
	s4 =	sadd.s32 $0x4C2600, s6  }
0xd: {  	s28 =	sadd.s32 s10, s9;
	s6 =	smax.u32 s7, $0x1;
	s9 =	sadd.s32 s10, s29  }
0xe: {  	s11 =	sadd.s32 s10, s11;
	s10 =	sadd.s32 s31, s10;
	s5 =	sadd.s32 $0x25000, s28  }
0xf: {  	s7 =	sadd.s32 $0x24000, s9;
	s8 =	sadd.s32 $0x24800, s9;
	s9 =	sadd.s32 $0x800, s11  }
0x10: {  	s10 =	sadd.s32 s13, s10;
	s11 =	simm.s32 $0x3;
	s13 =	simm.s32 $0x2800  }
.LBB2_1:
0x11: {  	[tilespmem:s3], [sflag:$0x3] =	stream.linear.gather [hbm4b:s4+s3], $0x2580, $0x38;
	[tilespmem:$0xA800] =	vst v63  }
0x12: {  	_ =	swait.ge [sflag:s11], $0x2580  }
0x13: {  	[sflag:s11] =	ssyncset.done $0x0  }
0x14: {  	[sflag:s11] =	ssyncadd.s32 $0xFFFFDA80  }
0x15: {  	[tilespmem:s13], [sflag:$0x1] =	stream.indirect.gather [hbm4b:s2+s12], $0x80, s3, s12, $0xb8;
	[tilespmem:$0xA800] =	vst v63  }
0x16: {  	_ = 	snop  }
0x17: {  	[tilespmem:s14], [sflag:$0x2] =	stream.indirect.gather [hbm4b:s2+s12], $0x80, s12, s12, $0xb8;
	[tilespmem:$0xA800] =	vst v63  }
0x18: {  	_ =	swait.ge [sflag:s15], $0x4000  }
0x19: {  	[sflag:s15] =	ssyncset.done $0x0  }
0x1a: {  	s19 =	sadd.s32 $0x0, s10;
	[sflag:s15] =	ssyncadd.s32 $0xFFFFC000  }
0x1b: {  	[hbm4b:s19+s3] =	stream.linear.scatter [tilespmem:s13], [sflag:$0x3], $0x4000, $0x38;
	[tilespmem:$0xA800] =	vst v63  }
0x1c: {  	_ =	swait.ge [sflag:s11], $0x4000  }
0x1d: {  	[sflag:s11] =	ssyncset.done $0x0  }
0x1e: {  	s30 =	simm.s32 $0x100;
	[sflag:s11] =	ssyncadd.s32 $0xFFFFC000  }
0x1f: {  	[tilespmem:s13], [sflag:$0x1] =	stream.indirect.gather [hbm4b:s2+s12], $0x80, s30, s12, $0xb8;
	[tilespmem:$0xA800] =	vst v63  }
0x20: {  	_ =	swait.ge [sflag:s16], $0x4000  }
0x21: {  	[sflag:s16] =	ssyncset.done $0x0  }
0x22: {  	s31 =	sadd.s32 $0x0, s9;
	[sflag:s16] =	ssyncadd.s32 $0xFFFFC000  }
0x23: {  	[hbm4b:s31+s3] =	stream.linear.scatter [tilespmem:s14], [sflag:$0x3], $0x4000, $0x38;
	[tilespmem:$0xA800] =	vst v63  }
0x24: {  	_ =	swait.ge [sflag:s11], $0x4000  }
0x25: {  	s20 =	simm.s32 $0x1000;
	[sflag:s11] =	ssyncset.done $0x0  }
0x26: {  	s21 =	simm.s32 $0x280;
	s19 =	simm.s32 $0x180;
	[sflag:s11] =	ssyncadd.s32 $0xFFFFC000  }
.LBB2_2:
0x27: {  	[tilespmem:s14], [sflag:$0x2] =	stream.indirect.gather [hbm4b:s2+s12], $0x80, s19, s12, $0xb8;
	[tilespmem:$0xA800] =	vst v63  }
0x28: {  	s22 =	smov.u32 s20;
	s19 =	smov.u32 s21  }
0x29: {  	p0 =	sne.s32 s20, $0x23000;
	s20 =	sadd.s32 $0x1000, s20;
	_ =	swait.ge [sflag:s15], $0x4000  }
0x2a: {  	[sflag:s15] =	ssyncset.done $0x0  }
0x2b: {  	s23 =	sadd.s32 s22, s10;
	[sflag:s15] =	ssyncadd.s32 $0xFFFFC000  }
0x2c: {  	[hbm4b:s23+s3] =	stream.linear.scatter [tilespmem:s13], [sflag:$0x3], $0x4000, $0x38;
	[tilespmem:$0xA800] =	vst v63  }
0x2d: {  	_ =	swait.ge [sflag:s11], $0x4000  }
0x2e: {  	[sflag:s11] =	ssyncset.done $0x0  }
0x2f: {  	s23 =	sadd.s32 $0xFFFFFF80, s21;
	[sflag:s11] =	ssyncadd.s32 $0xFFFFC000  }
0x30: {  	[tilespmem:s13], [sflag:$0x1] =	stream.indirect.gather [hbm4b:s2+s12], $0x80, s23, s12, $0xb8;
	[tilespmem:$0xA800] =	vst v63  }
0x31: {  	_ =	swait.ge [sflag:s16], $0x4000  }
0x32: {  	[sflag:s16] =	ssyncset.done $0x0  }
.Ltmp0:
0x33: {  	s22 =	sadd.s32 s22, s9;
	[sflag:s16] =	ssyncadd.s32 $0xFFFFC000;
	(pc) =	sbr.rel @p0 .LBB2_2-.Ltmp0, $4  }
0x34: {  	[hbm4b:s22+s3] =	stream.linear.scatter [tilespmem:s14], [sflag:$0x3], $0x4000, $0x38;
	[tilespmem:$0xA800] =	vst v63  }
0x35: {  	_ =	swait.ge [sflag:s11], $0x4000  }
0x36: {  	[sflag:s11] =	ssyncset.done $0x0  }
0x37: {  	s21 =	sadd.s32 $0x100, s21;
	[sflag:s11] =	ssyncadd.s32 $0xFFFFC000  }
0x38: {  	[tilespmem:s14], [sflag:$0x2] =	stream.indirect.gather [hbm4b:s2+s12], $0x80, s19, s12, $0xb8;
	[tilespmem:$0xA800] =	vst v63  }
0x39: {  	_ =	swait.ge [sflag:s15], $0x4000  }
0x3a: {  	[sflag:s15] =	ssyncset.done $0x0  }
0x3b: {  	[sflag:s15] =	ssyncadd.s32 $0xFFFFC000  }
0x3c: {  	[hbm4b:s7+s3] =	stream.linear.scatter [tilespmem:s13], [sflag:$0x3], $0x4000, $0x38;
	[tilespmem:$0xA800] =	vst v63  }
0x3d: {  	_ =	swait.ge [sflag:s11], $0x4000  }
0x3e: {  	[sflag:s11] =	ssyncset.done $0x0  }
0x3f: {  	[sflag:s11] =	ssyncadd.s32 $0xFFFFC000  }
0x40: {  	[tilespmem:s13], [sflag:$0x1] =	stream.indirect.gather [hbm4b:s2+s12], $0x80, s17, s12, $0xb8;
	[tilespmem:$0xA800] =	vst v63  }
0x41: {  	_ =	swait.ge [sflag:s16], $0x4000  }
0x42: {  	[sflag:s16] =	ssyncset.done $0x0  }
0x43: {  	[sflag:s16] =	ssyncadd.s32 $0xFFFFC000  }
0x44: {  	[hbm4b:s8+s3] =	stream.linear.scatter [tilespmem:s14], [sflag:$0x3], $0x4000, $0x38;
	[tilespmem:$0xA800] =	vst v63  }
0x45: {  	_ =	swait.ge [sflag:s11], $0x4000  }
0x46: {  	[sflag:s11] =	ssyncset.done $0x0  }
0x47: {  	[sflag:s11] =	ssyncadd.s32 $0xFFFFC000  }
0x48: {  	s18 =	sadd.s32 $0x1, s18;
	_ =	swait.ge [sflag:s15], $0x4000  }
0x49: {  	p0 =	sne.s32 s18, s6;
	[sflag:s15] =	ssyncset.done $0x0  }
.Ltmp1:
0x4a: {  	[sflag:s15] =	ssyncadd.s32 $0xFFFFC000;
	(pc) =	sbr.rel @p0 .LBB2_1-.Ltmp1, $4  }
0x4b: {  	[hbm4b:s5+s3] =	stream.linear.scatter [tilespmem:s13], [sflag:$0x3], $0x4000, $0x38;
	[tilespmem:$0xA800] =	vst v63  }
0x4c: {  	_ =	swait.ge [sflag:s11], $0x4000  }
0x4d: {  	[sflag:s11] =	ssyncset.done $0x0  }
0x4e: {  	[sflag:s11] =	ssyncadd.s32 $0xFFFFC000  }
0x4f: {  	_ =	sfence.sel $0x180000  }
0x50: {  	[bflag:$0x0] =	sbarrier.arrive $0xFFFF  }
0x51: {  	p0 =	sne.s32 s0, $0x0;
	_ =	strace $0x9000004A  }
0x52: {  	s0 =	sadd.s32 @!p0 $0x100000, s1;
	[bflag:$0x2] =	sbarrier.arrive $0xFFFF  }
0x53: {  	[sflag:s0] =	ssyncadd.tile.s32 @!p0 $0x1;
	_ =	shalt  }
.Lfunc_end2:
_tile_overlayer_lowered:
.L_overlay_start_2:
0x54: {  	(tag) =	ssettag $0x2  }
0x55: {  	s0 =	rddreg [dreg:$0x0];
	s2 =	stileid.u32  }
0x56: {  	s1 =	rddreg [dreg:$0x1];
	p0 =	sne.s32 s2, $0x0  }
0x57: {  	s3 =	rddreg [dreg:$0x2];
	[bflag:$0x3] =	sbarrier.arrive $0xFFFF;
	s2 =	simm.s32 @!p0 $0x1C03  }
0x58: {  	[timem:s3], [sflag:s2] =	dma.local @!p0 [hbm:s0], s1  }
0x59: {  	s0 =	simm.s32 @!p0 $0x3  }
0x5a: {  	_ =	swait.ge @!p0 [sflag:s0], s1  }
0x5b: {  	s1 =	ssub.s32 @!p0 $0x0, s1;
	[sflag:s0] =	ssyncset.done @!p0 $0x0  }
0x5c: {  	[sflag:s0] =	ssyncadd.s32 @!p0 s1  }
0x5d: {  	[bflag:$0x3] =	sbarrier.arrive $0xFFFF  }
0x5e: {  	_ =	shalt  }

// kernel: kernel.19.cloned.1.call-start
scs
__scs_entry_jumppad:
0x0: {  	(pc) =	sbr.rel $0x88, $3  }
0x1: {  	(tag) =	ssettag $0x0;
	lr =	simm.s32 $0x1  }
0x2: {  	[smem:$0x3F8D] =	sst lr;
	_ =	strace $0xD0000000  }
0x3: {  	_ = 	snop  }
0x4: {  	_ = 	snop  }
0x5: {  	_ = 	snop  }
0x6: {  	_ = 	snop  }
0x7: {  	_ = 	snop  }
__scs_overlays_trampoline_lowered:
0x8: {  	[smem:$0x3F9C] =	sst s0  }
0x9: {  	[smem:$0x3F9D] =	sst s1  }
0xa: {  	[smem:$0x3F9E] =	sst s2  }
0xb: {  	[smem:$0x3F9F] =	sst s3  }
0xc: {  	[smem:$0x3FA0] =	sst s4  }
0xd: {  	[smem:$0x3FA1] =	sst s5  }
0xe: {  	[smem:$0x3FA2] =	sst s6  }
0xf: {  	[smem:$0x3FA3] =	sst s7  }
0x10: {  	[smem:$0x3FA4] =	sst s8  }
0x11: {  	[smem:$0x3FA5] =	sst s9;
	s0 =	simm.s32 @!p0 $0x0  }
0x12: {  	s1 =	sld [smem:$0x3F8B];
	s0 =	simm.s32 @p0 $0x1  }
0x13: {  	[smem:$0x3FA6] =	sst s0;
	s0 =	simm.s32 @!p1 $0x0  }
0x14: {  	s2 =	sld [smem:$0x3F8A];
	s0 =	simm.s32 @p1 $0x1  }
0x15: {  	[smem:$0x3FA7] =	sst s0;
	s0 =	simm.s32 @!p2 $0x0  }
0x16: {  	s3 =	sld [smem:$0x3FDB];
	s0 =	simm.s32 @p2 $0x1  }
0x17: {  	s4 =	simm.s32 $0x1BF5;
	[smem:$0x3FA9] =	sst s0  }
0x18: {  	s0 =	sld [smem:$0x3F8C];
	_ =	swait.ge [sflag:s4], $0x0  }
0x19: {  	s7 =	sld [smem:$0x3F8D]  }
0x1a: {  	s8 =	sadd.s32 $0xFFFFE003, lr  }
0x1b: {  	s9 =	sadd.s32 $0xFFFFFEF7, lr;
	s5 =	simm.s32 $0xFFFFFFFF;
	p2 =	slt.u32 s8, $0xFFFFF086  }
0x1c: {  	p1 =	slt.u32 s9, $0xF7A;
	s5 =	simm.s32 @!p2 $0x0  }
0x1d: {  	s5 =	simm.s32 @p1 $0x1;
	p0 =	seq.s32 s7, s2  }
0x1e: {  	s7 =	smul.u32 @!p0 $0xF7A, s2;
	p2 =	seq.s32 @!p0 s5, $0x0  }
0x1f: {  	s9 =	smul.u32 $0xF7A, s1;
	s8 =	simm.s32 @!p0 $0x1BF5;
	p2 =	por !p2, p0  }
0x20: {  	[sflag:s8] =	ssyncset.s32 @!p0 $0xFFFFF086;
	s6 =	sadd.s32 @!p0 s3, s7;
	s7 =	simm.s32 @!p0 $0x108  }
0x21: {  	s3 =	sadd.s32 s3, s9;
	s6 =	sadd.s32 @!p0 $0x88, s6;
	s7 =	simm.s32 @p2 $0x1082  }
0x22: {  	[simem:s7], [sflag:s8] =	dma.local @!p0 [hbm:s6], $0xF7A  }
0x23: {  	s9 =	sor.u32 $0xD0000000, s2;
	s6 =	simm.s32 $0x108;
	_ =	swait.ge @!p0 [sflag:s8], $0x0  }
0x24: {  	s3 =	sadd.s32 $0x88, s3;
	s6 =	simm.s32 @!p1 $0x1082;
	[sflag:s4] =	ssyncset.s32 $0xFFFFF086  }
0x25: {  	[simem:s6], [sflag:s4] =	dma.local [hbm:s3], $0xF7A  }
0x26: {  	[smem:$0x3F8D] =	sst s1;
	(tag) =	ssettag s2;
	_ =	strace s9  }
0x27: {  	s1 =	sld [smem:$0x3F9D]  }
0x28: {  	s2 =	sld [smem:$0x3F9E]  }
0x29: {  	s4 =	sld [smem:$0x3FA0]  }
0x2a: {  	p0 =	seq.s32 s5, $0x0;
	s5 =	sld [smem:$0x3FA1]  }
0x2b: {  	s6 =	sld [smem:$0x3FA2]  }
0x2c: {  	s7 =	sld [smem:$0x3FA3]  }
0x2d: {  	s3 =	simm.s32 $0x108;
	s8 =	sld [smem:$0x3FA4]  }
0x2e: {  	s3 =	simm.s32 @!p0 $0x1082;
	s9 =	sld [smem:$0x3FA5]  }
0x2f: {  	lr =	sadd.s32 s0, s3;
	s0 =	sld [smem:$0x3F9C]  }
0x30: {  	s3 =	sld [smem:$0x3F9F]  }
0x31: {  	[smem:$0x3FA8] =	sst s10  }
0x32: {  	s10 =	sld [smem:$0x3FA6];
	_ =	sdelay $0x3  }
0x33: {  	p0 =	seq.s32 s10, $0x1;
	s10 =	sld [smem:$0x3FA8];
	_ =	sdelay $0x3  }
0x34: {  	[smem:$0x3FA8] =	sst s10  }
0x35: {  	s10 =	sld [smem:$0x3FA7];
	_ =	sdelay $0x3  }
0x36: {  	p1 =	seq.s32 s10, $0x1;
	s10 =	sld [smem:$0x3FA8];
	_ =	sdelay $0x3  }
0x37: {  	[smem:$0x3FA8] =	sst s10  }
0x38: {  	s10 =	sld [smem:$0x3FA9]  }
0x39: {  	_ = 	snop;
	(pc) =	sbr.ind lr, $3  }
0x3a: {  	_ = 	snop  }
0x3b: {  	_ = 	snop  }
0x3c: {  	p2 =	seq.s32 s10, $0x1;
	s10 =	sld [smem:$0x3FA8]  }
0x3d: {  	_ =	shalt  }
0x3e: {  	_ =	shalt  }
0x3f: {  	_ =	shalt  }
0x40: {  	_ =	shalt  }
0x41: {  	_ =	shalt  }
0x42: {  	_ =	shalt  }
0x43: {  	_ =	shalt  }
0x44: {  	_ =	shalt  }
0x45: {  	_ =	shalt  }
0x46: {  	_ =	shalt  }
0x47: {  	_ =	shalt  }
0x48: {  	_ =	shalt  }
0x49: {  	_ =	shalt  }
0x4a: {  	_ =	shalt  }
0x4b: {  	_ =	shalt  }
0x4c: {  	_ =	shalt  }
0x4d: {  	_ =	shalt  }
0x4e: {  	_ =	shalt  }
0x4f: {  	_ =	shalt  }
0x50: {  	_ =	shalt  }
0x51: {  	_ =	shalt  }
0x52: {  	_ =	shalt  }
0x53: {  	_ =	shalt  }
0x54: {  	_ =	shalt  }
0x55: {  	_ =	shalt  }
0x56: {  	_ =	shalt  }
0x57: {  	_ =	shalt  }
0x58: {  	_ =	shalt  }
0x59: {  	_ =	shalt  }
0x5a: {  	_ =	shalt  }
0x5b: {  	_ =	shalt  }
0x5c: {  	_ =	shalt  }
0x5d: {  	_ =	shalt  }
0x5e: {  	_ =	shalt  }
0x5f: {  	_ =	shalt  }
0x60: {  	_ =	shalt  }
0x61: {  	_ =	shalt  }
0x62: {  	_ =	shalt  }
0x63: {  	_ =	shalt  }
0x64: {  	_ =	shalt  }
0x65: {  	_ =	shalt  }
0x66: {  	_ =	shalt  }
0x67: {  	_ =	shalt  }
0x68: {  	_ =	shalt  }
0x69: {  	_ =	shalt  }
0x6a: {  	_ =	shalt  }
0x6b: {  	_ =	shalt  }
0x6c: {  	_ =	shalt  }
0x6d: {  	_ =	shalt  }
0x6e: {  	_ =	shalt  }
0x6f: {  	_ =	shalt  }
0x70: {  	_ =	shalt  }
0x71: {  	_ =	shalt  }
0x72: {  	_ =	shalt  }
0x73: {  	_ =	shalt  }
0x74: {  	_ =	shalt  }
0x75: {  	_ =	shalt  }
0x76: {  	_ =	shalt  }
0x77: {  	_ =	shalt  }
0x78: {  	_ =	shalt  }
0x79: {  	_ =	shalt  }
0x7a: {  	_ =	shalt  }
0x7b: {  	_ =	shalt  }
0x7c: {  	_ =	shalt  }
0x7d: {  	_ =	shalt  }
0x7e: {  	_ =	shalt  }
0x7f: {  	_ =	shalt  }
0x80: {  	_ =	shalt  }
0x81: {  	_ =	shalt  }
0x82: {  	_ =	shalt  }
0x83: {  	_ =	shalt  }
0x84: {  	_ =	shalt  }
0x85: {  	_ =	shalt  }
0x86: {  	_ =	shalt  }
0x87: {  	_ =	shalt  }
.Lfunc_end0:
.L_simem_size_0:
called_computation.1_lowered:
.L_overlay_start_0:
0x88: {  	s2 =	sld [smem:$0x3FD9]  }
0x89: {  	s3 =	sld [smem:$0x3FFE];
	_ =	sdelay $0x1  }
0x8a: {  	s1 =	srdreg.scid  }
0x8b: {  	s0 =	sand.u32 $0x1, s1  }
0x8c: {  	s17 =	sshll.u32 s0, $0xA;
	s2 =	sadd.s32 s3, s2  }
0x8d: {  	s2 =	sadd.s32 s2, s17  }
0x8e: {  	[smem:$0x3FB4] =	sst s2  }
0x8f: {  	_ = 	snop  }
0x90: {  	s2 =	sld [smem:$0x3FC9];
	(tm) =	ssettm $0x1  }
0x91: {  	s18 =	sld [smem:$0x3FFB];
	_ =	sdelay $0x3  }
0x92: {  	_ =	strace s18  }
0x93: {  	s3 =	sld [smem:$0x3FFC];
	_ =	sdelay $0x3  }
0x94: {  	_ =	strace s3  }
0x95: {  	s3 =	sld [smem:$0x3FFD];
	_ =	sdelay $0x3  }
0x96: {  	_ =	strace s3  }
0x97: {  	_ =	strace $0x8FFFFFFF  }
0x98: {  	s19 =	sld [smem:$0x3FDB];
	_ =	sdelay $0x1  }
0x99: {  	s4 =	simm.s32 $_scs_section_size  }
0x9a: {  	s5 =	simm.s32 $_size__tile_overlayer_lowered;
	s6 =	simm.s32 $_tile_overlayer_lowered  }
0x9b: {  	s22 =	simm.s32 $0x1BFF;
	s21 =	sshll.u32 s6, $0x1;
	s3 =	sadd.s32 s4, s19  }
0x9c: {  	s7 =	simm.s32 $0x0;
	s20 =	sshll.u32 s5, $0x1;
	s5 =	sadd.s32 s21, s3  }
0x9d: {  	[timem:s7], [sflag:s22] =	dma.local [hbm:s5], s20  }
0x9e: {  	_ =	swait.ge [sflag:s22], s20  }
0x9f: {  	s4 =	ssub.s32 $0x0, s20;
	[sflag:s22] =	ssyncset.done $0x0  }
0xa0: {  	[sflag:s22] =	ssyncadd.s32 s4;
	_ =	sdelay $0x1  }
0xa1: {  	s23 =	simm.s32 $0x1B8B  }
0xa2: {  	_ =	swait.ge [sflag:s23], $0x1  }
0xa3: {  	[sflag:s23] =	ssyncset.done $0x0  }
0xa4: {  	s25 =	simm.s32 $0x1B8E;
	s24 =	sld [smem:$0x3FFE];
	[sflag:s23] =	ssyncadd.s32 $0xFFFFFFFF  }
0xa5: {  	s26 =	simm.s32 $execute0_lowered;
	[smem:$0x3FD2] =	sst s25  }
0xa6: {  	s5 =	sshll.u32 s26, $0x1;
	_ =	strace $0x80000046;
	[dreg:$0x1] =	wrdreg $0xFFFFFFFF  }
0xa7: {  	s28 =	simm.s32 $_size_execute0_lowered;
	s3 =	sadd.s32 s3, s5;
	[dreg:$0x0] =	wrdreg $0x0  }
0xa8: {  	s5 =	sshll.u32 s28, $0x1;
	[dreg:$0x2] =	wrdreg s3  }
0xa9: {  	[dreg:$0x3] =	wrdreg s5  }
0xaa: {  	[dreg:$0x4] =	wrdreg $0xC0  }
0xab: {  	_ =	task [dreg:s7], $0x5FFFF  }
0xac: {  	[dreg:$0x1] =	wrdreg $0xFFFFFFFF  }
0xad: {  	[dreg:$0x0] =	wrdreg $0x60  }
0xae: {  	[dreg:$0x2] =	wrdreg s2  }
0xaf: {  	[dreg:$0x3] =	wrdreg s24  }
0xb0: {  	[dreg:$0x4] =	wrdreg $0xA  }
0xb1: {  	_ =	task.clear_ibuf [dreg:s7], $0x5FFFF;
	_ =	strace $0x90000046  }
0xb2: {  	s29 =	simm.s32 $0xA;
	_ =	strace $0x80000048  }
0xb3: {  	_ =	swait.ge [sflag:s29], $0x1  }
0xb4: {  	[sflag:s29] =	ssyncadd.s32 $0xFFFFFFFF  }
0xb5: {  	_ =	strace $0x90000048  }
0xb6: {  	_ =	sfence  }
0xb7: {  	s30 =	sld [smem:$0x0];
	_ =	sdelay $0x2  }
0xb8: {  	s31 =	sshll.u32 s1, $0xD;
	s1 =	sshrl.u32 s1, $0x2  }
0xb9: {  	s3 =	sand.u32 $0x4000, s31;
	s1 =	sadd.s32 s1, s30  }
0xba: {  	s0 =	sor.u32 s3, s0;
	s1 =	sshll.u32 s1, $0x11  }
0xbb: {  	s0 =	sor.u32 s1, s0  }
0xbc: {  	s0 =	sadd.s32 $0x8F2B, s0  }
0xbd: {  	[sflag:s0] =	ssyncadd.remote.s32 $0x1  }
0xbe: {  	_ =	sfence.sel $0xFFFF  }
0xbf: {  	[dreg:$0x0] =	wrdreg $0xFFFFFFFF;
	(pc) =	sbr.abs _section_cstart, $3  }
0xc0: {  	[dreg:$0x1] =	wrdreg $0xFFFFFFFF  }
0xc1: {  	_ =	task.clear_ibuf [dreg:s7], $0x2FFFF;
	_ =	strace $0x9FFFFFFF  }
0xc2: {  	(tm) =	ssettm $0x7FFFFFFF  }
0xc3: {  	_ =	shalt  }
tec
execute0_lowered:
.L_overlay_start_1:
0x0: {  	(tag) =	ssettag $0x1  }
0x1: {  	s2 =	rddreg [dreg:$0x0]  }
0x2: {  	s1 =	srdreg.scid;
	s0 =	stileid.u32  }
0x3: {  	s4 =	rddreg [dreg:$0x1];
	s3 =	simm.s32 $0x0;
	s14 =	simm.s32 $0x6800  }
0x4: {  	s15 =	simm.s32 $0x1;
	s16 =	simm.s32 $0x2;
	s11 =	smul.u32 $0x96, s0  }
0x5: {  	s17 =	simm.s32 $0x2500;
	s8 =	sand.u32 $0x1, s1;
	s31 =	smul.u32 $0x4B000, s0  }
0x6: {  	s18 =	simm.s32 $0x0;
	s5 =	sshll.u32 s0, $0x1;
	s12 =	smul.u32 $0x4B, s8  }
0x7: {  	s1 =	rddreg [dreg:$0x2];
	s5 =	sor.u32 s8, s5;
	s13 =	smul.u32 $0x25800, s8  }
0x8: {  	[smem:$0x7FF] =	sst s3;
	s7 =	ssub.s32 $0x2, s8;
	s6 =	smul.u32 $0x500, s5  }
0x9: {  	s10 =	sadd.s32 $0x12600, s4;
	s9 =	smul.u32 $0x12C000, s5;
	s26 =	sshrl.u32 s7, $0x1  }
0xa: {  	_ =	strace $0x80000047;
	s29 =	smul.u32 $0x25800, s5;
	s7 =	ssub.s32 s7, s26  }
0xb: {  	s30 =	sadd.s32 s12, s11;
	s12 =	simm.s32 $0x80;
	s6 =	sadd.s32 s6, s4  }
0xc: {  	s9 =	sshrl.u32 s9, $0x3;
	s11 =	sshll.u32 s30, $0xB;
	s4 =	sadd.s32 $0x8600, s6  }
0xd: {  	s28 =	sadd.s32 s10, s9;
	s6 =	smax.u32 s7, $0x1;
	s9 =	sadd.s32 s10, s29  }
0xe: {  	s11 =	sadd.s32 s10, s11;
	s10 =	sadd.s32 s31, s10;
	s5 =	sadd.s32 $0x25000, s28  }
0xf: {  	s7 =	sadd.s32 $0x24000, s9;
	s8 =	sadd.s32 $0x24800, s9;
	s9 =	sadd.s32 $0x800, s11  }
0x10: {  	s10 =	sadd.s32 s13, s10;
	s11 =	simm.s32 $0x3;
	s13 =	simm.s32 $0x2800  }
.LBB2_1:
0x11: {  	[tilespmem:s3], [sflag:$0x3] =	stream.linear.gather [hbm4b:s4+s3], $0x2580, $0x38;
	[tilespmem:$0xA800] =	vst v63  }
0x12: {  	_ =	swait.ge [sflag:s11], $0x2580  }
0x13: {  	[sflag:s11] =	ssyncset.done $0x0  }
0x14: {  	[sflag:s11] =	ssyncadd.s32 $0xFFFFDA80  }
0x15: {  	[tilespmem:s13], [sflag:$0x1] =	stream.indirect.gather [hbm4b:s2+s12], $0x80, s3, s12, $0xb8;
	[tilespmem:$0xA800] =	vst v63  }
0x16: {  	_ = 	snop  }
0x17: {  	[tilespmem:s14], [sflag:$0x2] =	stream.indirect.gather [hbm4b:s2+s12], $0x80, s12, s12, $0xb8;
	[tilespmem:$0xA800] =	vst v63  }
0x18: {  	_ =	swait.ge [sflag:s15], $0x4000  }
0x19: {  	[sflag:s15] =	ssyncset.done $0x0  }
0x1a: {  	s19 =	sadd.s32 $0x0, s10;
	[sflag:s15] =	ssyncadd.s32 $0xFFFFC000  }
0x1b: {  	[hbm4b:s19+s3] =	stream.linear.scatter [tilespmem:s13], [sflag:$0x3], $0x4000, $0x38;
	[tilespmem:$0xA800] =	vst v63  }
0x1c: {  	_ =	swait.ge [sflag:s11], $0x4000  }
0x1d: {  	[sflag:s11] =	ssyncset.done $0x0  }
0x1e: {  	s30 =	simm.s32 $0x100;
	[sflag:s11] =	ssyncadd.s32 $0xFFFFC000  }
0x1f: {  	[tilespmem:s13], [sflag:$0x1] =	stream.indirect.gather [hbm4b:s2+s12], $0x80, s30, s12, $0xb8;
	[tilespmem:$0xA800] =	vst v63  }
0x20: {  	_ =	swait.ge [sflag:s16], $0x4000  }
0x21: {  	[sflag:s16] =	ssyncset.done $0x0  }
0x22: {  	s31 =	sadd.s32 $0x0, s9;
	[sflag:s16] =	ssyncadd.s32 $0xFFFFC000  }
0x23: {  	[hbm4b:s31+s3] =	stream.linear.scatter [tilespmem:s14], [sflag:$0x3], $0x4000, $0x38;
	[tilespmem:$0xA800] =	vst v63  }
0x24: {  	_ =	swait.ge [sflag:s11], $0x4000  }
0x25: {  	s20 =	simm.s32 $0x1000;
	[sflag:s11] =	ssyncset.done $0x0  }
0x26: {  	s21 =	simm.s32 $0x280;
	s19 =	simm.s32 $0x180;
	[sflag:s11] =	ssyncadd.s32 $0xFFFFC000  }
.LBB2_2:
0x27: {  	[tilespmem:s14], [sflag:$0x2] =	stream.indirect.gather [hbm4b:s2+s12], $0x80, s19, s12, $0xb8;
	[tilespmem:$0xA800] =	vst v63  }
0x28: {  	s22 =	smov.u32 s20;
	s19 =	smov.u32 s21  }
0x29: {  	p0 =	sne.s32 s20, $0x23000;
	s20 =	sadd.s32 $0x1000, s20;
	_ =	swait.ge [sflag:s15], $0x4000  }
0x2a: {  	[sflag:s15] =	ssyncset.done $0x0  }
0x2b: {  	s23 =	sadd.s32 s22, s10;
	[sflag:s15] =	ssyncadd.s32 $0xFFFFC000  }
0x2c: {  	[hbm4b:s23+s3] =	stream.linear.scatter [tilespmem:s13], [sflag:$0x3], $0x4000, $0x38;
	[tilespmem:$0xA800] =	vst v63  }
0x2d: {  	_ =	swait.ge [sflag:s11], $0x4000  }
0x2e: {  	[sflag:s11] =	ssyncset.done $0x0  }
0x2f: {  	s23 =	sadd.s32 $0xFFFFFF80, s21;
	[sflag:s11] =	ssyncadd.s32 $0xFFFFC000  }
0x30: {  	[tilespmem:s13], [sflag:$0x1] =	stream.indirect.gather [hbm4b:s2+s12], $0x80, s23, s12, $0xb8;
	[tilespmem:$0xA800] =	vst v63  }
0x31: {  	_ =	swait.ge [sflag:s16], $0x4000  }
0x32: {  	[sflag:s16] =	ssyncset.done $0x0  }
.Ltmp0:
0x33: {  	s22 =	sadd.s32 s22, s9;
	[sflag:s16] =	ssyncadd.s32 $0xFFFFC000;
	(pc) =	sbr.rel @p0 .LBB2_2-.Ltmp0, $4  }
0x34: {  	[hbm4b:s22+s3] =	stream.linear.scatter [tilespmem:s14], [sflag:$0x3], $0x4000, $0x38;
	[tilespmem:$0xA800] =	vst v63  }
0x35: {  	_ =	swait.ge [sflag:s11], $0x4000  }
0x36: {  	[sflag:s11] =	ssyncset.done $0x0  }
0x37: {  	s21 =	sadd.s32 $0x100, s21;
	[sflag:s11] =	ssyncadd.s32 $0xFFFFC000  }
0x38: {  	[tilespmem:s14], [sflag:$0x2] =	stream.indirect.gather [hbm4b:s2+s12], $0x80, s19, s12, $0xb8;
	[tilespmem:$0xA800] =	vst v63  }
0x39: {  	_ =	swait.ge [sflag:s15], $0x4000  }
0x3a: {  	[sflag:s15] =	ssyncset.done $0x0  }
0x3b: {  	[sflag:s15] =	ssyncadd.s32 $0xFFFFC000  }
0x3c: {  	[hbm4b:s7+s3] =	stream.linear.scatter [tilespmem:s13], [sflag:$0x3], $0x4000, $0x38;
	[tilespmem:$0xA800] =	vst v63  }
0x3d: {  	_ =	swait.ge [sflag:s11], $0x4000  }
0x3e: {  	[sflag:s11] =	ssyncset.done $0x0  }
0x3f: {  	[sflag:s11] =	ssyncadd.s32 $0xFFFFC000  }
0x40: {  	[tilespmem:s13], [sflag:$0x1] =	stream.indirect.gather [hbm4b:s2+s12], $0x80, s17, s12, $0xb8;
	[tilespmem:$0xA800] =	vst v63  }
0x41: {  	_ =	swait.ge [sflag:s16], $0x4000  }
0x42: {  	[sflag:s16] =	ssyncset.done $0x0  }
0x43: {  	[sflag:s16] =	ssyncadd.s32 $0xFFFFC000  }
0x44: {  	[hbm4b:s8+s3] =	stream.linear.scatter [tilespmem:s14], [sflag:$0x3], $0x4000, $0x38;
	[tilespmem:$0xA800] =	vst v63  }
0x45: {  	_ =	swait.ge [sflag:s11], $0x4000  }
0x46: {  	[sflag:s11] =	ssyncset.done $0x0  }
0x47: {  	[sflag:s11] =	ssyncadd.s32 $0xFFFFC000  }
0x48: {  	s18 =	sadd.s32 $0x1, s18;
	_ =	swait.ge [sflag:s15], $0x4000  }
0x49: {  	p0 =	sne.s32 s18, s6;
	[sflag:s15] =	ssyncset.done $0x0  }
.Ltmp1:
0x4a: {  	[sflag:s15] =	ssyncadd.s32 $0xFFFFC000;
	(pc) =	sbr.rel @p0 .LBB2_1-.Ltmp1, $4  }
0x4b: {  	[hbm4b:s5+s3] =	stream.linear.scatter [tilespmem:s13], [sflag:$0x3], $0x4000, $0x38;
	[tilespmem:$0xA800] =	vst v63  }
0x4c: {  	_ =	swait.ge [sflag:s11], $0x4000  }
0x4d: {  	[sflag:s11] =	ssyncset.done $0x0  }
0x4e: {  	[sflag:s11] =	ssyncadd.s32 $0xFFFFC000  }
0x4f: {  	_ =	sfence.sel $0x180000  }
0x50: {  	[bflag:$0x0] =	sbarrier.arrive $0xFFFF  }
0x51: {  	p0 =	sne.s32 s0, $0x0;
	_ =	strace $0x90000047  }
0x52: {  	s0 =	sadd.s32 @!p0 $0x100000, s1;
	[bflag:$0x2] =	sbarrier.arrive $0xFFFF  }
0x53: {  	[sflag:s0] =	ssyncadd.tile.s32 @!p0 $0x1;
	_ =	shalt  }
.Lfunc_end2:
_tile_overlayer_lowered:
.L_overlay_start_2:
0x54: {  	(tag) =	ssettag $0x2  }
0x55: {  	s0 =	rddreg [dreg:$0x0];
	s2 =	stileid.u32  }
0x56: {  	s1 =	rddreg [dreg:$0x1];
	p0 =	sne.s32 s2, $0x0  }
0x57: {  	s3 =	rddreg [dreg:$0x2];
	[bflag:$0x3] =	sbarrier.arrive $0xFFFF;
	s2 =	simm.s32 @!p0 $0x1C03  }
0x58: {  	[timem:s3], [sflag:s2] =	dma.local @!p0 [hbm:s0], s1  }
0x59: {  	s0 =	simm.s32 @!p0 $0x3  }
0x5a: {  	_ =	swait.ge @!p0 [sflag:s0], s1  }
0x5b: {  	s1 =	ssub.s32 @!p0 $0x0, s1;
	[sflag:s0] =	ssyncset.done @!p0 $0x0  }
0x5c: {  	[sflag:s0] =	ssyncadd.s32 @!p0 s1  }
0x5d: {  	[bflag:$0x3] =	sbarrier.arrive $0xFFFF  }
0x5e: {  	_ =	shalt  }

// kernel: kernel.22.cloned.1.call-start
scs
__scs_entry_jumppad:
0x0: {  	(pc) =	sbr.rel $0x88, $3  }
0x1: {  	(tag) =	ssettag $0x0;
	lr =	simm.s32 $0x1  }
0x2: {  	[smem:$0x3F8D] =	sst lr;
	_ =	strace $0xD0000000  }
0x3: {  	_ = 	snop  }
0x4: {  	_ = 	snop  }
0x5: {  	_ = 	snop  }
0x6: {  	_ = 	snop  }
0x7: {  	_ = 	snop  }
__scs_overlays_trampoline_lowered:
0x8: {  	[smem:$0x3F9C] =	sst s0  }
0x9: {  	[smem:$0x3F9D] =	sst s1  }
0xa: {  	[smem:$0x3F9E] =	sst s2  }
0xb: {  	[smem:$0x3F9F] =	sst s3  }
0xc: {  	[smem:$0x3FA0] =	sst s4  }
0xd: {  	[smem:$0x3FA1] =	sst s5  }
0xe: {  	[smem:$0x3FA2] =	sst s6  }
0xf: {  	[smem:$0x3FA3] =	sst s7  }
0x10: {  	[smem:$0x3FA4] =	sst s8  }
0x11: {  	[smem:$0x3FA5] =	sst s9;
	s0 =	simm.s32 @!p0 $0x0  }
0x12: {  	s1 =	sld [smem:$0x3F8B];
	s0 =	simm.s32 @p0 $0x1  }
0x13: {  	[smem:$0x3FA6] =	sst s0;
	s0 =	simm.s32 @!p1 $0x0  }
0x14: {  	s2 =	sld [smem:$0x3F8A];
	s0 =	simm.s32 @p1 $0x1  }
0x15: {  	[smem:$0x3FA7] =	sst s0;
	s0 =	simm.s32 @!p2 $0x0  }
0x16: {  	s3 =	sld [smem:$0x3FDB];
	s0 =	simm.s32 @p2 $0x1  }
0x17: {  	s4 =	simm.s32 $0x1BF5;
	[smem:$0x3FA9] =	sst s0  }
0x18: {  	s0 =	sld [smem:$0x3F8C];
	_ =	swait.ge [sflag:s4], $0x0  }
0x19: {  	s7 =	sld [smem:$0x3F8D]  }
0x1a: {  	s8 =	sadd.s32 $0xFFFFE003, lr  }
0x1b: {  	s9 =	sadd.s32 $0xFFFFFEF7, lr;
	s5 =	simm.s32 $0xFFFFFFFF;
	p2 =	slt.u32 s8, $0xFFFFF086  }
0x1c: {  	p1 =	slt.u32 s9, $0xF7A;
	s5 =	simm.s32 @!p2 $0x0  }
0x1d: {  	s5 =	simm.s32 @p1 $0x1;
	p0 =	seq.s32 s7, s2  }
0x1e: {  	s7 =	smul.u32 @!p0 $0xF7A, s2;
	p2 =	seq.s32 @!p0 s5, $0x0  }
0x1f: {  	s9 =	smul.u32 $0xF7A, s1;
	s8 =	simm.s32 @!p0 $0x1BF5;
	p2 =	por !p2, p0  }
0x20: {  	[sflag:s8] =	ssyncset.s32 @!p0 $0xFFFFF086;
	s6 =	sadd.s32 @!p0 s3, s7;
	s7 =	simm.s32 @!p0 $0x108  }
0x21: {  	s3 =	sadd.s32 s3, s9;
	s6 =	sadd.s32 @!p0 $0x88, s6;
	s7 =	simm.s32 @p2 $0x1082  }
0x22: {  	[simem:s7], [sflag:s8] =	dma.local @!p0 [hbm:s6], $0xF7A  }
0x23: {  	s9 =	sor.u32 $0xD0000000, s2;
	s6 =	simm.s32 $0x108;
	_ =	swait.ge @!p0 [sflag:s8], $0x0  }
0x24: {  	s3 =	sadd.s32 $0x88, s3;
	s6 =	simm.s32 @!p1 $0x1082;
	[sflag:s4] =	ssyncset.s32 $0xFFFFF086  }
0x25: {  	[simem:s6], [sflag:s4] =	dma.local [hbm:s3], $0xF7A  }
0x26: {  	[smem:$0x3F8D] =	sst s1;
	(tag) =	ssettag s2;
	_ =	strace s9  }
0x27: {  	s1 =	sld [smem:$0x3F9D]  }
0x28: {  	s2 =	sld [smem:$0x3F9E]  }
0x29: {  	s4 =	sld [smem:$0x3FA0]  }
0x2a: {  	p0 =	seq.s32 s5, $0x0;
	s5 =	sld [smem:$0x3FA1]  }
0x2b: {  	s6 =	sld [smem:$0x3FA2]  }
0x2c: {  	s7 =	sld [smem:$0x3FA3]  }
0x2d: {  	s3 =	simm.s32 $0x108;
	s8 =	sld [smem:$0x3FA4]  }
0x2e: {  	s3 =	simm.s32 @!p0 $0x1082;
	s9 =	sld [smem:$0x3FA5]  }
0x2f: {  	lr =	sadd.s32 s0, s3;
	s0 =	sld [smem:$0x3F9C]  }
0x30: {  	s3 =	sld [smem:$0x3F9F]  }
0x31: {  	[smem:$0x3FA8] =	sst s10  }
0x32: {  	s10 =	sld [smem:$0x3FA6];
	_ =	sdelay $0x3  }
0x33: {  	p0 =	seq.s32 s10, $0x1;
	s10 =	sld [smem:$0x3FA8];
	_ =	sdelay $0x3  }
0x34: {  	[smem:$0x3FA8] =	sst s10  }
0x35: {  	s10 =	sld [smem:$0x3FA7];
	_ =	sdelay $0x3  }
0x36: {  	p1 =	seq.s32 s10, $0x1;
	s10 =	sld [smem:$0x3FA8];
	_ =	sdelay $0x3  }
0x37: {  	[smem:$0x3FA8] =	sst s10  }
0x38: {  	s10 =	sld [smem:$0x3FA9]  }
0x39: {  	_ = 	snop;
	(pc) =	sbr.ind lr, $3  }
0x3a: {  	_ = 	snop  }
0x3b: {  	_ = 	snop  }
0x3c: {  	p2 =	seq.s32 s10, $0x1;
	s10 =	sld [smem:$0x3FA8]  }
0x3d: {  	_ =	shalt  }
0x3e: {  	_ =	shalt  }
0x3f: {  	_ =	shalt  }
0x40: {  	_ =	shalt  }
0x41: {  	_ =	shalt  }
0x42: {  	_ =	shalt  }
0x43: {  	_ =	shalt  }
0x44: {  	_ =	shalt  }
0x45: {  	_ =	shalt  }
0x46: {  	_ =	shalt  }
0x47: {  	_ =	shalt  }
0x48: {  	_ =	shalt  }
0x49: {  	_ =	shalt  }
0x4a: {  	_ =	shalt  }
0x4b: {  	_ =	shalt  }
0x4c: {  	_ =	shalt  }
0x4d: {  	_ =	shalt  }
0x4e: {  	_ =	shalt  }
0x4f: {  	_ =	shalt  }
0x50: {  	_ =	shalt  }
0x51: {  	_ =	shalt  }
0x52: {  	_ =	shalt  }
0x53: {  	_ =	shalt  }
0x54: {  	_ =	shalt  }
0x55: {  	_ =	shalt  }
0x56: {  	_ =	shalt  }
0x57: {  	_ =	shalt  }
0x58: {  	_ =	shalt  }
0x59: {  	_ =	shalt  }
0x5a: {  	_ =	shalt  }
0x5b: {  	_ =	shalt  }
0x5c: {  	_ =	shalt  }
0x5d: {  	_ =	shalt  }
0x5e: {  	_ =	shalt  }
0x5f: {  	_ =	shalt  }
0x60: {  	_ =	shalt  }
0x61: {  	_ =	shalt  }
0x62: {  	_ =	shalt  }
0x63: {  	_ =	shalt  }
0x64: {  	_ =	shalt  }
0x65: {  	_ =	shalt  }
0x66: {  	_ =	shalt  }
0x67: {  	_ =	shalt  }
0x68: {  	_ =	shalt  }
0x69: {  	_ =	shalt  }
0x6a: {  	_ =	shalt  }
0x6b: {  	_ =	shalt  }
0x6c: {  	_ =	shalt  }
0x6d: {  	_ =	shalt  }
0x6e: {  	_ =	shalt  }
0x6f: {  	_ =	shalt  }
0x70: {  	_ =	shalt  }
0x71: {  	_ =	shalt  }
0x72: {  	_ =	shalt  }
0x73: {  	_ =	shalt  }
0x74: {  	_ =	shalt  }
0x75: {  	_ =	shalt  }
0x76: {  	_ =	shalt  }
0x77: {  	_ =	shalt  }
0x78: {  	_ =	shalt  }
0x79: {  	_ =	shalt  }
0x7a: {  	_ =	shalt  }
0x7b: {  	_ =	shalt  }
0x7c: {  	_ =	shalt  }
0x7d: {  	_ =	shalt  }
0x7e: {  	_ =	shalt  }
0x7f: {  	_ =	shalt  }
0x80: {  	_ =	shalt  }
0x81: {  	_ =	shalt  }
0x82: {  	_ =	shalt  }
0x83: {  	_ =	shalt  }
0x84: {  	_ =	shalt  }
0x85: {  	_ =	shalt  }
0x86: {  	_ =	shalt  }
0x87: {  	_ =	shalt  }
.Lfunc_end0:
.L_simem_size_0:
called_computation.2_lowered:
.L_overlay_start_0:
0x88: {  	s2 =	sld [smem:$0x3FD9]  }
0x89: {  	s3 =	sld [smem:$0x3FFE];
	_ =	sdelay $0x1  }
0x8a: {  	s1 =	srdreg.scid  }
0x8b: {  	s0 =	sand.u32 $0x1, s1  }
0x8c: {  	s17 =	sshll.u32 s0, $0xA;
	s2 =	sadd.s32 s3, s2  }
0x8d: {  	s2 =	sadd.s32 s2, s17  }
0x8e: {  	[smem:$0x3FB4] =	sst s2  }
0x8f: {  	_ = 	snop  }
0x90: {  	(tm) =	ssettm $0x1  }
0x91: {  	s18 =	sld [smem:$0x3FFB];
	_ =	sdelay $0x3  }
0x92: {  	_ =	strace s18  }
0x93: {  	s2 =	sld [smem:$0x3FFC];
	_ =	sdelay $0x3  }
0x94: {  	_ =	strace s2  }
0x95: {  	s2 =	sld [smem:$0x3FFD];
	_ =	sdelay $0x3  }
0x96: {  	_ =	strace s2  }
0x97: {  	_ =	strace $0x8FFFFFFF  }
0x98: {  	s19 =	sld [smem:$0x3FDB];
	_ =	sdelay $0x1  }
0x99: {  	s20 =	simm.s32 $_scs_section_size  }
0x9a: {  	s4 =	simm.s32 $_size__tile_overlayer_lowered;
	s5 =	simm.s32 $_tile_overlayer_lowered  }
0x9b: {  	s6 =	simm.s32 $0x1BFF;
	s21 =	sshll.u32 s5, $0x1;
	s3 =	sadd.s32 s20, s19  }
0x9c: {  	s22 =	simm.s32 $0x0;
	s4 =	sshll.u32 s4, $0x1;
	s5 =	sadd.s32 s21, s3  }
0x9d: {  	[timem:s22], [sflag:s6] =	dma.local [hbm:s5], s4  }
0x9e: {  	_ =	swait.ge [sflag:s6], s4  }
0x9f: {  	s4 =	ssub.s32 $0x0, s4;
	[sflag:s6] =	ssyncset.done $0x0  }
0xa0: {  	[sflag:s6] =	ssyncadd.s32 s4;
	_ =	sdelay $0x1  }
0xa1: {  	s23 =	simm.s32 $0x1B8B  }
0xa2: {  	_ =	swait.ge [sflag:s23], $0x1  }
0xa3: {  	[sflag:s23] =	ssyncset.done $0x0  }
0xa4: {  	[sflag:s23] =	ssyncadd.s32 $0xFFFFFFFF  }
0xa5: {  	s4 =	sld [smem:$0x0]  }
0xa6: {  	s5 =	sand.u32 $0xFFFFFFFE, s1  }
0xa7: {  	p0 =	sne.s32 s1, s5  }
0xa8: {  	s5 =	sshll.u32 @p0 s5, $0xE  }
0xa9: {  	s5 =	sadd.s32 @p0 $0x11B8D, s5;
	s6 =	sshll.u32 @p0 s4, $0x11  }
0xaa: {  	s5 =	sor.u32 @p0 s6, s5  }
0xab: {  	[sflag:s5] =	ssyncadd.remote.s32 @p0 $0x1;
	_ =	sdelay $0x1  }
0xac: {  	s5 =	simm.s32 @p0 $0x1B8D  }
0xad: {  	_ =	swait.eq @p0 [sflag:s5], $0x1  }
0xae: {  	[sflag:s5] =	ssyncadd.s32 @p0 $0xFFFFFFFF  }
0xaf: {  	s6 =	sshll.u32 @!p0 s1, $0xE  }
0xb0: {  	s6 =	sor.u32 @!p0 $0x4000, s6;
	s5 =	simm.s32 @!p0 $0x1B8D  }
0xb1: {  	s4 =	sshll.u32 @!p0 s4, $0x11;
	s6 =	sadd.s32 @!p0 $0x11B8D, s6;
	_ =	swait.eq @!p0 [sflag:s5], $0x1  }
0xb2: {  	s4 =	sor.u32 @!p0 s4, s6;
	[sflag:s5] =	ssyncadd.s32 @!p0 $0xFFFFFFFF  }
0xb3: {  	s25 =	simm.s32 $0x1B8E;
	s24 =	sld [smem:$0x3FFE];
	[sflag:s4] =	ssyncadd.remote.s32 @!p0 $0x1  }
0xb4: {  	s26 =	simm.s32 $execute0_lowered;
	[smem:$0x3FD2] =	sst s25  }
0xb5: {  	s5 =	sshll.u32 s26, $0x1;
	_ =	strace $0x8000004F;
	[dreg:$0x1] =	wrdreg $0xFFFFFFFF  }
0xb6: {  	s28 =	simm.s32 $_size_execute0_lowered;
	s3 =	sadd.s32 s3, s5;
	[dreg:$0x0] =	wrdreg $0x0  }
0xb7: {  	s5 =	sshll.u32 s28, $0x1;
	[dreg:$0x2] =	wrdreg s3  }
0xb8: {  	[dreg:$0x3] =	wrdreg s5  }
0xb9: {  	[dreg:$0x4] =	wrdreg $0xC0  }
0xba: {  	_ =	task [dreg:s22], $0x5FFFF  }
0xbb: {  	[dreg:$0x1] =	wrdreg $0xFFFFFFFF  }
0xbc: {  	[dreg:$0x0] =	wrdreg $0x60  }
0xbd: {  	[dreg:$0x2] =	wrdreg s24  }
0xbe: {  	[dreg:$0x3] =	wrdreg $0xA8000  }
0xbf: {  	[dreg:$0x4] =	wrdreg $0x9  }
0xc0: {  	_ =	task.clear_ibuf [dreg:s22], $0x5FFFF;
	_ =	strace $0x9000004F  }
0xc1: {  	s29 =	simm.s32 $0x9;
	_ =	strace $0x80000051  }
0xc2: {  	_ =	swait.ge [sflag:s29], $0x1  }
0xc3: {  	[sflag:s29] =	ssyncadd.s32 $0xFFFFFFFF  }
0xc4: {  	_ =	strace $0x90000051  }
0xc5: {  	_ =	sfence  }
0xc6: {  	s30 =	sld [smem:$0x0];
	_ =	sdelay $0x2  }
0xc7: {  	s31 =	sshll.u32 s1, $0xD;
	s1 =	sshrl.u32 s1, $0x2  }
0xc8: {  	s4 =	sand.u32 $0x4000, s31;
	s1 =	sadd.s32 s1, s30  }
0xc9: {  	s0 =	sor.u32 s4, s0;
	s1 =	sshll.u32 s1, $0x11  }
0xca: {  	s0 =	sor.u32 s1, s0  }
0xcb: {  	s0 =	sadd.s32 $0x8F2B, s0  }
0xcc: {  	[sflag:s0] =	ssyncadd.remote.s32 $0x1  }
0xcd: {  	_ =	sfence.sel $0xFFFF  }
0xce: {  	[dreg:$0x0] =	wrdreg $0xFFFFFFFF;
	(pc) =	sbr.abs _section_cstart, $3  }
0xcf: {  	[dreg:$0x1] =	wrdreg $0xFFFFFFFF  }
0xd0: {  	_ =	task.clear_ibuf [dreg:s22], $0x2FFFF;
	_ =	strace $0x9FFFFFFF  }
0xd1: {  	(tm) =	ssettm $0x7FFFFFFF  }
tec
execute0_lowered:
.L_overlay_start_1:
0x0: {  	(tag) =	ssettag $0x1  }
0x1: {  	s1 =	srdreg.scid;
	s5 =	rddreg [dreg:$0x0]  }
0x2: {  	s0 =	stileid.u32;
	s2 =	rddreg [dreg:$0x1]  }
0x3: {  	s3 =	simm.s32 $0x0;
	s16 =	simm.s32 $0x2800;
	s17 =	simm.s32 $0x6800  }
0x4: {  	s18 =	simm.s32 $0x1;
	s19 =	simm.s32 $0x80;
	s8 =	smul.u32 $0x13C00, s0  }
0x5: {  	s4 =	sand.u32 $0x1, s1;
	s1 =	rddreg [dreg:$0x2];
	s12 =	smul.u32 $0x4F000, s0  }
0x6: {  	s20 =	sshll.u32 s0, $0x1;
	[smem:$0x7FF] =	sst s3;
	s25 =	smul.u32 $0x96, s0  }
0x7: {  	s10 =	sadd.s32 $0xE42A00, s5;
	s26 =	sshll.u32 s0, $0x6;
	s9 =	smul.u32 $0x13C000, s4  }
0x8: {  	s6 =	sor.u32 s4, s20;
	_ =	strace $0x80000050;
	s28 =	smul.u32 $0x4B, s4  }
0x9: {  	s21 =	ssub.s32 $0x2, s4;
	s20 =	simm.s32 $0x2;
	s7 =	smul.u32 $0x500, s6  }
0xa: {  	s11 =	sshrl.u32 s8, $0x3;
	s22 =	sshrl.u32 s21, $0x1;
	s23 =	smul.u32 $0x12C000, s6  }
0xb: {  	s24 =	sshrl.u32 s12, $0x2;
	s29 =	smul.u32 $0x25800, s6;
	s11 =	sadd.s32 s11, s5  }
0xc: {  	s8 =	sadd.s32 s8, s9;
	s14 =	ssub.s32 s21, s22;
	s15 =	sadd.s32 s24, s2  }
0xd: {  	s9 =	sadd.s32 s28, s25;
	s21 =	simm.s32 $0x2400;
	s22 =	simm.s32 $0x2480  }
0xe: {  	s24 =	simm.s32 $0x0;
	s7 =	sadd.s32 s7, s5;
	s8 =	sshrl.u32 s8, $0x3  }
0xf: {  	s4 =	sadd.s32 $0x12600, s11;
	s30 =	sshll.u32 s9, $0xB;
	s13 =	sadd.s32 s8, s5  }
0x10: {  	s5 =	sor.u32 $0x1C03, s26;
	s6 =	sadd.s32 $0x4C2600, s7;
	s8 =	sshrl.u32 s23, $0x3  }
0x11: {  	s7 =	sadd.s32 s10, s29;
	s31 =	sadd.s32 s30, s10;
	s23 =	simm.s32 $0x2500  }
0x12: {  	s8 =	sadd.s32 s10, s8;
	s9 =	sadd.s32 $0x88E00, s13;
	s10 =	smax.u32 s14, $0x1  }
0x13: {  	s11 =	sadd.s32 $0x25000, s7;
	s12 =	sadd.s32 $0x1800, s31;
	s13 =	sadd.s32 $0x1000, s31  }
0x14: {  	s14 =	sshrl.u32 s15, $0x3;
	s15 =	simm.s32 $0x3;
	s8 =	sadd.s32 $0x800, s8  }
.LBB2_1:
0x15: {  	[spmem:s14], [sflag:s5] =	dma.local [hbm:s4], $0x2780  }
0x16: {  	_ =	swait.ge [sflag:s15], $0x2780  }
0x17: {  	[sflag:s15] =	ssyncset.done $0x0  }
0x18: {  	[sflag:s15] =	ssyncadd.s32 $0xFFFFD880  }
0x19: {  	[tilespmem:s3], [sflag:$0x3] =	stream.linear.gather [hbm4b:s6+s3], $0x2580, $0x38;
	[tilespmem:$0x1E400] =	vst v63  }
0x1a: {  	_ =	swait.ge [sflag:s15], $0x2580  }
0x1b: {  	[sflag:s15] =	ssyncset.done $0x0  }
0x1c: {  	[sflag:s15] =	ssyncadd.s32 $0xFFFFDA80  }
0x1d: {  	[bflag:$0x0] =	sbarrier.arrive $0xFFFF  }
0x1e: {  	[tilespmem:s16], [sflag:$0x1] =	stream.linear.gather [hbm4b:s7+s3], $0x4000, $0x38;
	[tilespmem:$0x1E400] =	vst v63  }
0x1f: {  	_ = 	snop  }
0x20: {  	[tilespmem:s17], [sflag:$0x2] =	stream.linear.gather [hbm4b:s8+s3], $0x4000, $0x38;
	[tilespmem:$0x1E400] =	vst v63  }
0x21: {  	_ =	swait.ge [sflag:s18], $0x4000  }
0x22: {  	[sflag:s18] =	ssyncset.done $0x0  }
0x23: {  	s25 =	simm.s32 $0x0;
	[sflag:s18] =	ssyncadd.s32 $0xFFFFC000  }
0x24: {  	[spmem:s2] =	stream.indirect.scatter.add.f32 [tilespmem:s16], [sflag:$0x3], $0x80, s25, s19, $0xb8;
	[tilespmem:$0x1E400] =	vst v63  }
0x25: {  	_ =	swait.ge [sflag:s15], $0x4000  }
0x26: {  	[sflag:s15] =	ssyncset.done $0x0  }
0x27: {  	s31 =	sadd.s32 $0x0, s13;
	[sflag:s15] =	ssyncadd.s32 $0xFFFFC000  }
0x28: {  	[tilespmem:s16], [sflag:$0x1] =	stream.linear.gather [hbm4b:s31+s3], $0x4000, $0x38;
	[tilespmem:$0x1E400] =	vst v63  }
0x29: {  	_ =	swait.ge [sflag:s20], $0x4000  }
0x2a: {  	[sflag:s20] =	ssyncset.done $0x0  }
0x2b: {  	[sflag:s20] =	ssyncadd.s32 $0xFFFFC000  }
0x2c: {  	[spmem:s2] =	stream.indirect.scatter.add.f32 [tilespmem:s17], [sflag:$0x3], $0x80, s19, s19, $0xb8;
	[tilespmem:$0x1E400] =	vst v63  }
0x2d: {  	_ =	swait.ge [sflag:s15], $0x4000  }
0x2e: {  	s28 =	sadd.s32 $0x0, s12;
	[sflag:s15] =	ssyncset.done $0x0  }
0x2f: {  	s26 =	simm.s32 $0x180;
	s25 =	simm.s32 $0x1000;
	[sflag:s15] =	ssyncadd.s32 $0xFFFFC000  }
.LBB2_2:
0x30: {  	[tilespmem:s17], [sflag:$0x2] =	stream.linear.gather [hbm4b:s28+s3], $0x4000, $0x38;
	[tilespmem:$0x1E400] =	vst v63  }
0x31: {  	s28 =	smov.u32 s25  }
0x32: {  	p0 =	sne.s32 s25, $0x23000;
	s25 =	sadd.s32 $0x1000, s25;
	_ =	swait.ge [sflag:s18], $0x4000  }
0x33: {  	[sflag:s18] =	ssyncset.done $0x0  }
0x34: {  	s29 =	sadd.s32 $0xFFFFFF80, s26;
	[sflag:s18] =	ssyncadd.s32 $0xFFFFC000  }
0x35: {  	[spmem:s2] =	stream.indirect.scatter.add.f32 [tilespmem:s16], [sflag:$0x3], $0x80, s29, s19, $0xb8;
	[tilespmem:$0x1E400] =	vst v63  }
0x36: {  	_ =	swait.ge [sflag:s15], $0x4000  }
0x37: {  	[sflag:s15] =	ssyncset.done $0x0  }
0x38: {  	s29 =	sadd.s32 s28, s13;
	[sflag:s15] =	ssyncadd.s32 $0xFFFFC000  }
0x39: {  	[tilespmem:s16], [sflag:$0x1] =	stream.linear.gather [hbm4b:s29+s3], $0x4000, $0x38;
	[tilespmem:$0x1E400] =	vst v63  }
0x3a: {  	_ =	swait.ge [sflag:s20], $0x4000  }
0x3b: {  	[sflag:s20] =	ssyncset.done $0x0  }
.Ltmp0:
0x3c: {  	[sflag:s20] =	ssyncadd.s32 $0xFFFFC000;
	(pc) =	sbr.rel @p0 .LBB2_2-.Ltmp0, $4  }
0x3d: {  	[spmem:s2] =	stream.indirect.scatter.add.f32 [tilespmem:s17], [sflag:$0x3], $0x80, s26, s19, $0xb8;
	[tilespmem:$0x1E400] =	vst v63  }
0x3e: {  	_ =	swait.ge [sflag:s15], $0x4000  }
0x3f: {  	[sflag:s15] =	ssyncset.done $0x0  }
0x40: {  	s28 =	sadd.s32 s28, s12;
	s26 =	sadd.s32 $0x100, s26;
	[sflag:s15] =	ssyncadd.s32 $0xFFFFC000  }
0x41: {  	[tilespmem:s17], [sflag:$0x2] =	stream.linear.gather [hbm4b:s28+s3], $0x4000, $0x38;
	[tilespmem:$0x1E400] =	vst v63  }
0x42: {  	_ =	swait.ge [sflag:s18], $0x4000  }
0x43: {  	[sflag:s18] =	ssyncset.done $0x0  }
0x44: {  	[sflag:s18] =	ssyncadd.s32 $0xFFFFC000  }
0x45: {  	[spmem:s2] =	stream.indirect.scatter.add.f32 [tilespmem:s16], [sflag:$0x3], $0x80, s21, s19, $0xb8;
	[tilespmem:$0x1E400] =	vst v63  }
0x46: {  	_ =	swait.ge [sflag:s15], $0x4000  }
0x47: {  	[sflag:s15] =	ssyncset.done $0x0  }
0x48: {  	[sflag:s15] =	ssyncadd.s32 $0xFFFFC000  }
0x49: {  	[tilespmem:s16], [sflag:$0x1] =	stream.linear.gather [hbm4b:s11+s3], $0x4000, $0x38;
	[tilespmem:$0x1E400] =	vst v63  }
0x4a: {  	_ =	swait.ge [sflag:s20], $0x4000  }
0x4b: {  	[sflag:s20] =	ssyncset.done $0x0  }
0x4c: {  	[sflag:s20] =	ssyncadd.s32 $0xFFFFC000  }
0x4d: {  	[spmem:s2] =	stream.indirect.scatter.add.f32 [tilespmem:s17], [sflag:$0x3], $0x80, s22, s19, $0xb8;
	[tilespmem:$0x1E400] =	vst v63  }
0x4e: {  	_ =	swait.ge [sflag:s15], $0x4000  }
0x4f: {  	[sflag:s15] =	ssyncset.done $0x0  }
0x50: {  	[sflag:s15] =	ssyncadd.s32 $0xFFFFC000  }
0x51: {  	_ =	swait.ge [sflag:s18], $0x4000  }
0x52: {  	[sflag:s18] =	ssyncset.done $0x0  }
0x53: {  	[sflag:s18] =	ssyncadd.s32 $0xFFFFC000  }
0x54: {  	[spmem:s2] =	stream.indirect.scatter.add.f32 [tilespmem:s16], [sflag:$0x3], $0x80, s23, s19, $0xb8;
	[tilespmem:$0x1E400] =	vst v63  }
0x55: {  	_ =	swait.ge [sflag:s15], $0x4000  }
0x56: {  	s24 =	sadd.s32 $0x1, s24;
	[sflag:s15] =	ssyncset.done $0x0  }
0x57: {  	p0 =	sne.s32 s24, s10;
	[sflag:s15] =	ssyncadd.s32 $0xFFFFC000  }
.Ltmp1:
0x58: {  	[bflag:$0x0] =	sbarrier.arrive $0xFFFF;
	(pc) =	sbr.rel @p0 .LBB2_1-.Ltmp1, $4  }
0x59: {  	[hbm:s9], [sflag:s5] =	dma.local [spmem:s14], $0x2780  }
0x5a: {  	_ =	swait.ge [sflag:s15], $0x2780  }
0x5b: {  	[sflag:s15] =	ssyncset.done $0x0  }
0x5c: {  	[sflag:s15] =	ssyncadd.s32 $0xFFFFD880  }
0x5d: {  	_ =	sfence.sel $0x180000  }
0x5e: {  	[bflag:$0x0] =	sbarrier.arrive $0xFFFF  }
0x5f: {  	p0 =	sne.s32 s0, $0x0;
	_ =	strace $0x90000050  }
0x60: {  	s0 =	sadd.s32 @!p0 $0x100000, s1;
	[bflag:$0x2] =	sbarrier.arrive $0xFFFF  }
0x61: {  	[sflag:s0] =	ssyncadd.tile.s32 @!p0 $0x1;
	_ =	shalt  }
.Lfunc_end2:
_tile_overlayer_lowered:
.L_overlay_start_2:
0x62: {  	(tag) =	ssettag $0x2  }
0x63: {  	s0 =	rddreg [dreg:$0x0];
	s2 =	stileid.u32  }
0x64: {  	s1 =	rddreg [dreg:$0x1];
	p0 =	sne.s32 s2, $0x0  }
0x65: {  	s3 =	rddreg [dreg:$0x2];
	[bflag:$0x3] =	sbarrier.arrive $0xFFFF;
	s2 =	simm.s32 @!p0 $0x1C03  }
0x66: {  	[timem:s3], [sflag:s2] =	dma.local @!p0 [hbm:s0], s1  }
0x67: {  	s0 =	simm.s32 @!p0 $0x3  }
0x68: {  	_ =	swait.ge @!p0 [sflag:s0], s1  }
0x69: {  	s1 =	ssub.s32 @!p0 $0x0, s1;
	[sflag:s0] =	ssyncset.done @!p0 $0x0  }
0x6a: {  	[sflag:s0] =	ssyncadd.s32 @!p0 s1  }
0x6b: {  	[bflag:$0x3] =	sbarrier.arrive $0xFFFF  }
0x6c: {  	_ =	shalt  }

// kernel: kernel.25.cloned.1.call-start
scs
__scs_entry_jumppad:
0x0: {  	(pc) =	sbr.rel $0x88, $3  }
0x1: {  	(tag) =	ssettag $0x0;
	lr =	simm.s32 $0x1  }
0x2: {  	[smem:$0x3F8D] =	sst lr;
	_ =	strace $0xD0000000  }
0x3: {  	_ = 	snop  }
0x4: {  	_ = 	snop  }
0x5: {  	_ = 	snop  }
0x6: {  	_ = 	snop  }
0x7: {  	_ = 	snop  }
__scs_overlays_trampoline_lowered:
0x8: {  	[smem:$0x3F9C] =	sst s0  }
0x9: {  	[smem:$0x3F9D] =	sst s1  }
0xa: {  	[smem:$0x3F9E] =	sst s2  }
0xb: {  	[smem:$0x3F9F] =	sst s3  }
0xc: {  	[smem:$0x3FA0] =	sst s4  }
0xd: {  	[smem:$0x3FA1] =	sst s5  }
0xe: {  	[smem:$0x3FA2] =	sst s6  }
0xf: {  	[smem:$0x3FA3] =	sst s7  }
0x10: {  	[smem:$0x3FA4] =	sst s8  }
0x11: {  	[smem:$0x3FA5] =	sst s9;
	s0 =	simm.s32 @!p0 $0x0  }
0x12: {  	s1 =	sld [smem:$0x3F8B];
	s0 =	simm.s32 @p0 $0x1  }
0x13: {  	[smem:$0x3FA6] =	sst s0;
	s0 =	simm.s32 @!p1 $0x0  }
0x14: {  	s2 =	sld [smem:$0x3F8A];
	s0 =	simm.s32 @p1 $0x1  }
0x15: {  	[smem:$0x3FA7] =	sst s0;
	s0 =	simm.s32 @!p2 $0x0  }
0x16: {  	s3 =	sld [smem:$0x3FDB];
	s0 =	simm.s32 @p2 $0x1  }
0x17: {  	s4 =	simm.s32 $0x1BF5;
	[smem:$0x3FA9] =	sst s0  }
0x18: {  	s0 =	sld [smem:$0x3F8C];
	_ =	swait.ge [sflag:s4], $0x0  }
0x19: {  	s7 =	sld [smem:$0x3F8D]  }
0x1a: {  	s8 =	sadd.s32 $0xFFFFE003, lr  }
0x1b: {  	s9 =	sadd.s32 $0xFFFFFEF7, lr;
	s5 =	simm.s32 $0xFFFFFFFF;
	p2 =	slt.u32 s8, $0xFFFFF086  }
0x1c: {  	p1 =	slt.u32 s9, $0xF7A;
	s5 =	simm.s32 @!p2 $0x0  }
0x1d: {  	s5 =	simm.s32 @p1 $0x1;
	p0 =	seq.s32 s7, s2  }
0x1e: {  	s7 =	smul.u32 @!p0 $0xF7A, s2;
	p2 =	seq.s32 @!p0 s5, $0x0  }
0x1f: {  	s9 =	smul.u32 $0xF7A, s1;
	s8 =	simm.s32 @!p0 $0x1BF5;
	p2 =	por !p2, p0  }
0x20: {  	[sflag:s8] =	ssyncset.s32 @!p0 $0xFFFFF086;
	s6 =	sadd.s32 @!p0 s3, s7;
	s7 =	simm.s32 @!p0 $0x108  }
0x21: {  	s3 =	sadd.s32 s3, s9;
	s6 =	sadd.s32 @!p0 $0x88, s6;
	s7 =	simm.s32 @p2 $0x1082  }
0x22: {  	[simem:s7], [sflag:s8] =	dma.local @!p0 [hbm:s6], $0xF7A  }
0x23: {  	s9 =	sor.u32 $0xD0000000, s2;
	s6 =	simm.s32 $0x108;
	_ =	swait.ge @!p0 [sflag:s8], $0x0  }
0x24: {  	s3 =	sadd.s32 $0x88, s3;
	s6 =	simm.s32 @!p1 $0x1082;
	[sflag:s4] =	ssyncset.s32 $0xFFFFF086  }
0x25: {  	[simem:s6], [sflag:s4] =	dma.local [hbm:s3], $0xF7A  }
0x26: {  	[smem:$0x3F8D] =	sst s1;
	(tag) =	ssettag s2;
	_ =	strace s9  }
0x27: {  	s1 =	sld [smem:$0x3F9D]  }
0x28: {  	s2 =	sld [smem:$0x3F9E]  }
0x29: {  	s4 =	sld [smem:$0x3FA0]  }
0x2a: {  	p0 =	seq.s32 s5, $0x0;
	s5 =	sld [smem:$0x3FA1]  }
0x2b: {  	s6 =	sld [smem:$0x3FA2]  }
0x2c: {  	s7 =	sld [smem:$0x3FA3]  }
0x2d: {  	s3 =	simm.s32 $0x108;
	s8 =	sld [smem:$0x3FA4]  }
0x2e: {  	s3 =	simm.s32 @!p0 $0x1082;
	s9 =	sld [smem:$0x3FA5]  }
0x2f: {  	lr =	sadd.s32 s0, s3;
	s0 =	sld [smem:$0x3F9C]  }
0x30: {  	s3 =	sld [smem:$0x3F9F]  }
0x31: {  	[smem:$0x3FA8] =	sst s10  }
0x32: {  	s10 =	sld [smem:$0x3FA6];
	_ =	sdelay $0x3  }
0x33: {  	p0 =	seq.s32 s10, $0x1;
	s10 =	sld [smem:$0x3FA8];
	_ =	sdelay $0x3  }
0x34: {  	[smem:$0x3FA8] =	sst s10  }
0x35: {  	s10 =	sld [smem:$0x3FA7];
	_ =	sdelay $0x3  }
0x36: {  	p1 =	seq.s32 s10, $0x1;
	s10 =	sld [smem:$0x3FA8];
	_ =	sdelay $0x3  }
0x37: {  	[smem:$0x3FA8] =	sst s10  }
0x38: {  	s10 =	sld [smem:$0x3FA9]  }
0x39: {  	_ = 	snop;
	(pc) =	sbr.ind lr, $3  }
0x3a: {  	_ = 	snop  }
0x3b: {  	_ = 	snop  }
0x3c: {  	p2 =	seq.s32 s10, $0x1;
	s10 =	sld [smem:$0x3FA8]  }
0x3d: {  	_ =	shalt  }
0x3e: {  	_ =	shalt  }
0x3f: {  	_ =	shalt  }
0x40: {  	_ =	shalt  }
0x41: {  	_ =	shalt  }
0x42: {  	_ =	shalt  }
0x43: {  	_ =	shalt  }
0x44: {  	_ =	shalt  }
0x45: {  	_ =	shalt  }
0x46: {  	_ =	shalt  }
0x47: {  	_ =	shalt  }
0x48: {  	_ =	shalt  }
0x49: {  	_ =	shalt  }
0x4a: {  	_ =	shalt  }
0x4b: {  	_ =	shalt  }
0x4c: {  	_ =	shalt  }
0x4d: {  	_ =	shalt  }
0x4e: {  	_ =	shalt  }
0x4f: {  	_ =	shalt  }
0x50: {  	_ =	shalt  }
0x51: {  	_ =	shalt  }
0x52: {  	_ =	shalt  }
0x53: {  	_ =	shalt  }
0x54: {  	_ =	shalt  }
0x55: {  	_ =	shalt  }
0x56: {  	_ =	shalt  }
0x57: {  	_ =	shalt  }
0x58: {  	_ =	shalt  }
0x59: {  	_ =	shalt  }
0x5a: {  	_ =	shalt  }
0x5b: {  	_ =	shalt  }
0x5c: {  	_ =	shalt  }
0x5d: {  	_ =	shalt  }
0x5e: {  	_ =	shalt  }
0x5f: {  	_ =	shalt  }
0x60: {  	_ =	shalt  }
0x61: {  	_ =	shalt  }
0x62: {  	_ =	shalt  }
0x63: {  	_ =	shalt  }
0x64: {  	_ =	shalt  }
0x65: {  	_ =	shalt  }
0x66: {  	_ =	shalt  }
0x67: {  	_ =	shalt  }
0x68: {  	_ =	shalt  }
0x69: {  	_ =	shalt  }
0x6a: {  	_ =	shalt  }
0x6b: {  	_ =	shalt  }
0x6c: {  	_ =	shalt  }
0x6d: {  	_ =	shalt  }
0x6e: {  	_ =	shalt  }
0x6f: {  	_ =	shalt  }
0x70: {  	_ =	shalt  }
0x71: {  	_ =	shalt  }
0x72: {  	_ =	shalt  }
0x73: {  	_ =	shalt  }
0x74: {  	_ =	shalt  }
0x75: {  	_ =	shalt  }
0x76: {  	_ =	shalt  }
0x77: {  	_ =	shalt  }
0x78: {  	_ =	shalt  }
0x79: {  	_ =	shalt  }
0x7a: {  	_ =	shalt  }
0x7b: {  	_ =	shalt  }
0x7c: {  	_ =	shalt  }
0x7d: {  	_ =	shalt  }
0x7e: {  	_ =	shalt  }
0x7f: {  	_ =	shalt  }
0x80: {  	_ =	shalt  }
0x81: {  	_ =	shalt  }
0x82: {  	_ =	shalt  }
0x83: {  	_ =	shalt  }
0x84: {  	_ =	shalt  }
0x85: {  	_ =	shalt  }
0x86: {  	_ =	shalt  }
0x87: {  	_ =	shalt  }
.Lfunc_end0:
.L_simem_size_0:
called_computation.3_lowered:
.L_overlay_start_0:
0x88: {  	s2 =	sld [smem:$0x3FD9]  }
0x89: {  	s3 =	sld [smem:$0x3FFE];
	_ =	sdelay $0x1  }
0x8a: {  	s1 =	srdreg.scid  }
0x8b: {  	s0 =	sand.u32 $0x1, s1  }
0x8c: {  	s17 =	sshll.u32 s0, $0xA;
	s2 =	sadd.s32 s3, s2  }
0x8d: {  	s2 =	sadd.s32 s2, s17  }
0x8e: {  	[smem:$0x3FB4] =	sst s2  }
0x8f: {  	_ = 	snop  }
0x90: {  	(tm) =	ssettm $0x1  }
0x91: {  	s18 =	sld [smem:$0x3FFB];
	_ =	sdelay $0x3  }
0x92: {  	_ =	strace s18  }
0x93: {  	s2 =	sld [smem:$0x3FFC];
	_ =	sdelay $0x3  }
0x94: {  	_ =	strace s2  }
0x95: {  	s2 =	sld [smem:$0x3FFD];
	_ =	sdelay $0x3  }
0x96: {  	_ =	strace s2  }
0x97: {  	_ =	strace $0x8FFFFFFF  }
0x98: {  	s19 =	sld [smem:$0x3FDB];
	_ =	sdelay $0x1  }
0x99: {  	s20 =	simm.s32 $_scs_section_size  }
0x9a: {  	s4 =	simm.s32 $_size__tile_overlayer_lowered;
	s5 =	simm.s32 $_tile_overlayer_lowered  }
0x9b: {  	s6 =	simm.s32 $0x1BFF;
	s21 =	sshll.u32 s5, $0x1;
	s3 =	sadd.s32 s20, s19  }
0x9c: {  	s22 =	simm.s32 $0x0;
	s4 =	sshll.u32 s4, $0x1;
	s5 =	sadd.s32 s21, s3  }
0x9d: {  	[timem:s22], [sflag:s6] =	dma.local [hbm:s5], s4  }
0x9e: {  	_ =	swait.ge [sflag:s6], s4  }
0x9f: {  	s4 =	ssub.s32 $0x0, s4;
	[sflag:s6] =	ssyncset.done $0x0  }
0xa0: {  	[sflag:s6] =	ssyncadd.s32 s4;
	_ =	sdelay $0x1  }
0xa1: {  	s23 =	simm.s32 $0x1B8B  }
0xa2: {  	_ =	swait.ge [sflag:s23], $0x1  }
0xa3: {  	[sflag:s23] =	ssyncset.done $0x0  }
0xa4: {  	[sflag:s23] =	ssyncadd.s32 $0xFFFFFFFF  }
0xa5: {  	s4 =	sld [smem:$0x0]  }
0xa6: {  	s5 =	sand.u32 $0xFFFFFFFE, s1  }
0xa7: {  	p0 =	sne.s32 s1, s5  }
0xa8: {  	s5 =	sshll.u32 @p0 s5, $0xE  }
0xa9: {  	s5 =	sadd.s32 @p0 $0x11B8D, s5;
	s6 =	sshll.u32 @p0 s4, $0x11  }
0xaa: {  	s5 =	sor.u32 @p0 s6, s5  }
0xab: {  	[sflag:s5] =	ssyncadd.remote.s32 @p0 $0x1;
	_ =	sdelay $0x1  }
0xac: {  	s5 =	simm.s32 @p0 $0x1B8D  }
0xad: {  	_ =	swait.eq @p0 [sflag:s5], $0x1  }
0xae: {  	[sflag:s5] =	ssyncadd.s32 @p0 $0xFFFFFFFF  }
0xaf: {  	s6 =	sshll.u32 @!p0 s1, $0xE  }
0xb0: {  	s6 =	sor.u32 @!p0 $0x4000, s6;
	s5 =	simm.s32 @!p0 $0x1B8D  }
0xb1: {  	s4 =	sshll.u32 @!p0 s4, $0x11;
	s6 =	sadd.s32 @!p0 $0x11B8D, s6;
	_ =	swait.eq @!p0 [sflag:s5], $0x1  }
0xb2: {  	s4 =	sor.u32 @!p0 s4, s6;
	[sflag:s5] =	ssyncadd.s32 @!p0 $0xFFFFFFFF  }
0xb3: {  	s25 =	simm.s32 $0x1B8E;
	s24 =	sld [smem:$0x3FFE];
	[sflag:s4] =	ssyncadd.remote.s32 @!p0 $0x1  }
0xb4: {  	s26 =	simm.s32 $execute0_lowered;
	[smem:$0x3FD2] =	sst s25  }
0xb5: {  	s5 =	sshll.u32 s26, $0x1;
	_ =	strace $0x8000004C;
	[dreg:$0x1] =	wrdreg $0xFFFFFFFF  }
0xb6: {  	s28 =	simm.s32 $_size_execute0_lowered;
	s3 =	sadd.s32 s3, s5;
	[dreg:$0x0] =	wrdreg $0x0  }
0xb7: {  	s5 =	sshll.u32 s28, $0x1;
	[dreg:$0x2] =	wrdreg s3  }
0xb8: {  	[dreg:$0x3] =	wrdreg s5  }
0xb9: {  	[dreg:$0x4] =	wrdreg $0xC0  }
0xba: {  	_ =	task [dreg:s22], $0x5FFFF  }
0xbb: {  	[dreg:$0x1] =	wrdreg $0xFFFFFFFF  }
0xbc: {  	[dreg:$0x0] =	wrdreg $0x60  }
0xbd: {  	[dreg:$0x2] =	wrdreg s24  }
0xbe: {  	[dreg:$0x3] =	wrdreg $0xA8000  }
0xbf: {  	[dreg:$0x4] =	wrdreg $0xA  }
0xc0: {  	_ =	task.clear_ibuf [dreg:s22], $0x5FFFF;
	_ =	strace $0x9000004C  }
0xc1: {  	s29 =	simm.s32 $0xA;
	_ =	strace $0x8000004E  }
0xc2: {  	_ =	swait.ge [sflag:s29], $0x1  }
0xc3: {  	[sflag:s29] =	ssyncadd.s32 $0xFFFFFFFF  }
0xc4: {  	_ =	strace $0x9000004E  }
0xc5: {  	_ =	sfence  }
0xc6: {  	s30 =	sld [smem:$0x0];
	_ =	sdelay $0x2  }
0xc7: {  	s31 =	sshll.u32 s1, $0xD;
	s1 =	sshrl.u32 s1, $0x2  }
0xc8: {  	s4 =	sand.u32 $0x4000, s31;
	s1 =	sadd.s32 s1, s30  }
0xc9: {  	s0 =	sor.u32 s4, s0;
	s1 =	sshll.u32 s1, $0x11  }
0xca: {  	s0 =	sor.u32 s1, s0  }
0xcb: {  	s0 =	sadd.s32 $0x8F2B, s0  }
0xcc: {  	[sflag:s0] =	ssyncadd.remote.s32 $0x1  }
0xcd: {  	_ =	sfence.sel $0xFFFF  }
0xce: {  	[dreg:$0x0] =	wrdreg $0xFFFFFFFF;
	(pc) =	sbr.abs _section_cstart, $3  }
0xcf: {  	[dreg:$0x1] =	wrdreg $0xFFFFFFFF  }
0xd0: {  	_ =	task.clear_ibuf [dreg:s22], $0x2FFFF;
	_ =	strace $0x9FFFFFFF  }
0xd1: {  	(tm) =	ssettm $0x7FFFFFFF  }
tec
execute0_lowered:
.L_overlay_start_1:
0x0: {  	(tag) =	ssettag $0x1  }
0x1: {  	s1 =	srdreg.scid;
	s5 =	rddreg [dreg:$0x0]  }
0x2: {  	s0 =	stileid.u32;
	s2 =	rddreg [dreg:$0x1]  }
0x3: {  	s3 =	simm.s32 $0x0;
	s16 =	simm.s32 $0x2800;
	s17 =	simm.s32 $0x6800  }
0x4: {  	s18 =	simm.s32 $0x1;
	s19 =	simm.s32 $0x80;
	s8 =	smul.u32 $0x13C00, s0  }
0x5: {  	s4 =	sand.u32 $0x1, s1;
	s1 =	rddreg [dreg:$0x2];
	s12 =	smul.u32 $0x4F000, s0  }
0x6: {  	s20 =	sshll.u32 s0, $0x1;
	[smem:$0x7FF] =	sst s3;
	s25 =	smul.u32 $0x96, s0  }
0x7: {  	s10 =	sadd.s32 $0x992A00, s5;
	s26 =	sshll.u32 s0, $0x6;
	s9 =	smul.u32 $0x13C000, s4  }
0x8: {  	s6 =	sor.u32 s4, s20;
	_ =	strace $0x8000004D;
	s28 =	smul.u32 $0x4B, s4  }
0x9: {  	s21 =	ssub.s32 $0x2, s4;
	s20 =	simm.s32 $0x2;
	s7 =	smul.u32 $0x500, s6  }
0xa: {  	s11 =	sshrl.u32 s8, $0x3;
	s22 =	sshrl.u32 s21, $0x1;
	s23 =	smul.u32 $0x12C000, s6  }
0xb: {  	s24 =	sshrl.u32 s12, $0x2;
	s29 =	smul.u32 $0x25800, s6;
	s11 =	sadd.s32 s11, s5  }
0xc: {  	s8 =	sadd.s32 s8, s9;
	s14 =	ssub.s32 s21, s22;
	s15 =	sadd.s32 s24, s2  }
0xd: {  	s9 =	sadd.s32 s28, s25;
	s21 =	simm.s32 $0x2400;
	s22 =	simm.s32 $0x2480  }
0xe: {  	s24 =	simm.s32 $0x0;
	s7 =	sadd.s32 s7, s5;
	s8 =	sshrl.u32 s8, $0x3  }
0xf: {  	s4 =	sadd.s32 $0x12600, s11;
	s30 =	sshll.u32 s9, $0xB;
	s13 =	sadd.s32 s8, s5  }
0x10: {  	s5 =	sor.u32 $0x1C03, s26;
	s6 =	sadd.s32 $0x988A00, s7;
	s8 =	sshrl.u32 s23, $0x3  }
0x11: {  	s7 =	sadd.s32 s10, s29;
	s31 =	sadd.s32 s30, s10;
	s23 =	simm.s32 $0x2500  }
0x12: {  	s8 =	sadd.s32 s10, s8;
	s9 =	sadd.s32 $0x39E00, s13;
	s10 =	smax.u32 s14, $0x1  }
0x13: {  	s11 =	sadd.s32 $0x25000, s7;
	s12 =	sadd.s32 $0x1800, s31;
	s13 =	sadd.s32 $0x1000, s31  }
0x14: {  	s14 =	sshrl.u32 s15, $0x3;
	s15 =	simm.s32 $0x3;
	s8 =	sadd.s32 $0x800, s8  }
.LBB2_1:
0x15: {  	[spmem:s14], [sflag:s5] =	dma.local [hbm:s4], $0x2780  }
0x16: {  	_ =	swait.ge [sflag:s15], $0x2780  }
0x17: {  	[sflag:s15] =	ssyncset.done $0x0  }
0x18: {  	[sflag:s15] =	ssyncadd.s32 $0xFFFFD880  }
0x19: {  	[tilespmem:s3], [sflag:$0x3] =	stream.linear.gather [hbm4b:s6+s3], $0x2580, $0x38;
	[tilespmem:$0x1E400] =	vst v63  }
0x1a: {  	_ =	swait.ge [sflag:s15], $0x2580  }
0x1b: {  	[sflag:s15] =	ssyncset.done $0x0  }
0x1c: {  	[sflag:s15] =	ssyncadd.s32 $0xFFFFDA80  }
0x1d: {  	[bflag:$0x0] =	sbarrier.arrive $0xFFFF  }
0x1e: {  	[tilespmem:s16], [sflag:$0x1] =	stream.linear.gather [hbm4b:s7+s3], $0x4000, $0x38;
	[tilespmem:$0x1E400] =	vst v63  }
0x1f: {  	_ = 	snop  }
0x20: {  	[tilespmem:s17], [sflag:$0x2] =	stream.linear.gather [hbm4b:s8+s3], $0x4000, $0x38;
	[tilespmem:$0x1E400] =	vst v63  }
0x21: {  	_ =	swait.ge [sflag:s18], $0x4000  }
0x22: {  	[sflag:s18] =	ssyncset.done $0x0  }
0x23: {  	s25 =	simm.s32 $0x0;
	[sflag:s18] =	ssyncadd.s32 $0xFFFFC000  }
0x24: {  	[spmem:s2] =	stream.indirect.scatter.add.f32 [tilespmem:s16], [sflag:$0x3], $0x80, s25, s19, $0xb8;
	[tilespmem:$0x1E400] =	vst v63  }
0x25: {  	_ =	swait.ge [sflag:s15], $0x4000  }
0x26: {  	[sflag:s15] =	ssyncset.done $0x0  }
0x27: {  	s31 =	sadd.s32 $0x0, s13;
	[sflag:s15] =	ssyncadd.s32 $0xFFFFC000  }
0x28: {  	[tilespmem:s16], [sflag:$0x1] =	stream.linear.gather [hbm4b:s31+s3], $0x4000, $0x38;
	[tilespmem:$0x1E400] =	vst v63  }
0x29: {  	_ =	swait.ge [sflag:s20], $0x4000  }
0x2a: {  	[sflag:s20] =	ssyncset.done $0x0  }
0x2b: {  	[sflag:s20] =	ssyncadd.s32 $0xFFFFC000  }
0x2c: {  	[spmem:s2] =	stream.indirect.scatter.add.f32 [tilespmem:s17], [sflag:$0x3], $0x80, s19, s19, $0xb8;
	[tilespmem:$0x1E400] =	vst v63  }
0x2d: {  	_ =	swait.ge [sflag:s15], $0x4000  }
0x2e: {  	s28 =	sadd.s32 $0x0, s12;
	[sflag:s15] =	ssyncset.done $0x0  }
0x2f: {  	s26 =	simm.s32 $0x180;
	s25 =	simm.s32 $0x1000;
	[sflag:s15] =	ssyncadd.s32 $0xFFFFC000  }
.LBB2_2:
0x30: {  	[tilespmem:s17], [sflag:$0x2] =	stream.linear.gather [hbm4b:s28+s3], $0x4000, $0x38;
	[tilespmem:$0x1E400] =	vst v63  }
0x31: {  	s28 =	smov.u32 s25  }
0x32: {  	p0 =	sne.s32 s25, $0x23000;
	s25 =	sadd.s32 $0x1000, s25;
	_ =	swait.ge [sflag:s18], $0x4000  }
0x33: {  	[sflag:s18] =	ssyncset.done $0x0  }
0x34: {  	s29 =	sadd.s32 $0xFFFFFF80, s26;
	[sflag:s18] =	ssyncadd.s32 $0xFFFFC000  }
0x35: {  	[spmem:s2] =	stream.indirect.scatter.add.f32 [tilespmem:s16], [sflag:$0x3], $0x80, s29, s19, $0xb8;
	[tilespmem:$0x1E400] =	vst v63  }
0x36: {  	_ =	swait.ge [sflag:s15], $0x4000  }
0x37: {  	[sflag:s15] =	ssyncset.done $0x0  }
0x38: {  	s29 =	sadd.s32 s28, s13;
	[sflag:s15] =	ssyncadd.s32 $0xFFFFC000  }
0x39: {  	[tilespmem:s16], [sflag:$0x1] =	stream.linear.gather [hbm4b:s29+s3], $0x4000, $0x38;
	[tilespmem:$0x1E400] =	vst v63  }
0x3a: {  	_ =	swait.ge [sflag:s20], $0x4000  }
0x3b: {  	[sflag:s20] =	ssyncset.done $0x0  }
.Ltmp0:
0x3c: {  	[sflag:s20] =	ssyncadd.s32 $0xFFFFC000;
	(pc) =	sbr.rel @p0 .LBB2_2-.Ltmp0, $4  }
0x3d: {  	[spmem:s2] =	stream.indirect.scatter.add.f32 [tilespmem:s17], [sflag:$0x3], $0x80, s26, s19, $0xb8;
	[tilespmem:$0x1E400] =	vst v63  }
0x3e: {  	_ =	swait.ge [sflag:s15], $0x4000  }
0x3f: {  	[sflag:s15] =	ssyncset.done $0x0  }
0x40: {  	s28 =	sadd.s32 s28, s12;
	s26 =	sadd.s32 $0x100, s26;
	[sflag:s15] =	ssyncadd.s32 $0xFFFFC000  }
0x41: {  	[tilespmem:s17], [sflag:$0x2] =	stream.linear.gather [hbm4b:s28+s3], $0x4000, $0x38;
	[tilespmem:$0x1E400] =	vst v63  }
0x42: {  	_ =	swait.ge [sflag:s18], $0x4000  }
0x43: {  	[sflag:s18] =	ssyncset.done $0x0  }
0x44: {  	[sflag:s18] =	ssyncadd.s32 $0xFFFFC000  }
0x45: {  	[spmem:s2] =	stream.indirect.scatter.add.f32 [tilespmem:s16], [sflag:$0x3], $0x80, s21, s19, $0xb8;
	[tilespmem:$0x1E400] =	vst v63  }
0x46: {  	_ =	swait.ge [sflag:s15], $0x4000  }
0x47: {  	[sflag:s15] =	ssyncset.done $0x0  }
0x48: {  	[sflag:s15] =	ssyncadd.s32 $0xFFFFC000  }
0x49: {  	[tilespmem:s16], [sflag:$0x1] =	stream.linear.gather [hbm4b:s11+s3], $0x4000, $0x38;
	[tilespmem:$0x1E400] =	vst v63  }
0x4a: {  	_ =	swait.ge [sflag:s20], $0x4000  }
0x4b: {  	[sflag:s20] =	ssyncset.done $0x0  }
0x4c: {  	[sflag:s20] =	ssyncadd.s32 $0xFFFFC000  }
0x4d: {  	[spmem:s2] =	stream.indirect.scatter.add.f32 [tilespmem:s17], [sflag:$0x3], $0x80, s22, s19, $0xb8;
	[tilespmem:$0x1E400] =	vst v63  }
0x4e: {  	_ =	swait.ge [sflag:s15], $0x4000  }
0x4f: {  	[sflag:s15] =	ssyncset.done $0x0  }
0x50: {  	[sflag:s15] =	ssyncadd.s32 $0xFFFFC000  }
0x51: {  	_ =	swait.ge [sflag:s18], $0x4000  }
0x52: {  	[sflag:s18] =	ssyncset.done $0x0  }
0x53: {  	[sflag:s18] =	ssyncadd.s32 $0xFFFFC000  }
0x54: {  	[spmem:s2] =	stream.indirect.scatter.add.f32 [tilespmem:s16], [sflag:$0x3], $0x80, s23, s19, $0xb8;
	[tilespmem:$0x1E400] =	vst v63  }
0x55: {  	_ =	swait.ge [sflag:s15], $0x4000  }
0x56: {  	s24 =	sadd.s32 $0x1, s24;
	[sflag:s15] =	ssyncset.done $0x0  }
0x57: {  	p0 =	sne.s32 s24, s10;
	[sflag:s15] =	ssyncadd.s32 $0xFFFFC000  }
.Ltmp1:
0x58: {  	[bflag:$0x0] =	sbarrier.arrive $0xFFFF;
	(pc) =	sbr.rel @p0 .LBB2_1-.Ltmp1, $4  }
0x59: {  	[hbm:s9], [sflag:s5] =	dma.local [spmem:s14], $0x2780  }
0x5a: {  	_ =	swait.ge [sflag:s15], $0x2780  }
0x5b: {  	[sflag:s15] =	ssyncset.done $0x0  }
0x5c: {  	[sflag:s15] =	ssyncadd.s32 $0xFFFFD880  }
0x5d: {  	_ =	sfence.sel $0x180000  }
0x5e: {  	[bflag:$0x0] =	sbarrier.arrive $0xFFFF  }
0x5f: {  	p0 =	sne.s32 s0, $0x0;
	_ =	strace $0x9000004D  }
0x60: {  	s0 =	sadd.s32 @!p0 $0x100000, s1;
	[bflag:$0x2] =	sbarrier.arrive $0xFFFF  }
0x61: {  	[sflag:s0] =	ssyncadd.tile.s32 @!p0 $0x1;
	_ =	shalt  }
.Lfunc_end2:
_tile_overlayer_lowered:
.L_overlay_start_2:
0x62: {  	(tag) =	ssettag $0x2  }
0x63: {  	s0 =	rddreg [dreg:$0x0];
	s2 =	stileid.u32  }
0x64: {  	s1 =	rddreg [dreg:$0x1];
	p0 =	sne.s32 s2, $0x0  }
0x65: {  	s3 =	rddreg [dreg:$0x2];
	[bflag:$0x3] =	sbarrier.arrive $0xFFFF;
	s2 =	simm.s32 @!p0 $0x1C03  }
0x66: {  	[timem:s3], [sflag:s2] =	dma.local @!p0 [hbm:s0], s1  }
0x67: {  	s0 =	simm.s32 @!p0 $0x3  }
0x68: {  	_ =	swait.ge @!p0 [sflag:s0], s1  }
0x69: {  	s1 =	ssub.s32 @!p0 $0x0, s1;
	[sflag:s0] =	ssyncset.done @!p0 $0x0  }
0x6a: {  	[sflag:s0] =	ssyncadd.s32 @!p0 s1  }
0x6b: {  	[bflag:$0x3] =	sbarrier.arrive $0xFFFF  }
0x6c: {  	_ =	shalt  }

// kernel: kernel.28.cloned.1.call-start
scs
__scs_entry_jumppad:
0x0: {  	(pc) =	sbr.rel $0x88, $3  }
0x1: {  	(tag) =	ssettag $0x0;
	lr =	simm.s32 $0x1  }
0x2: {  	[smem:$0x3F8D] =	sst lr;
	_ =	strace $0xD0000000  }
0x3: {  	_ = 	snop  }
0x4: {  	_ = 	snop  }
0x5: {  	_ = 	snop  }
0x6: {  	_ = 	snop  }
0x7: {  	_ = 	snop  }
__scs_overlays_trampoline_lowered:
0x8: {  	[smem:$0x3F9C] =	sst s0  }
0x9: {  	[smem:$0x3F9D] =	sst s1  }
0xa: {  	[smem:$0x3F9E] =	sst s2  }
0xb: {  	[smem:$0x3F9F] =	sst s3  }
0xc: {  	[smem:$0x3FA0] =	sst s4  }
0xd: {  	[smem:$0x3FA1] =	sst s5  }
0xe: {  	[smem:$0x3FA2] =	sst s6  }
0xf: {  	[smem:$0x3FA3] =	sst s7  }
0x10: {  	[smem:$0x3FA4] =	sst s8  }
0x11: {  	[smem:$0x3FA5] =	sst s9;
	s0 =	simm.s32 @!p0 $0x0  }
0x12: {  	s1 =	sld [smem:$0x3F8B];
	s0 =	simm.s32 @p0 $0x1  }
0x13: {  	[smem:$0x3FA6] =	sst s0;
	s0 =	simm.s32 @!p1 $0x0  }
0x14: {  	s2 =	sld [smem:$0x3F8A];
	s0 =	simm.s32 @p1 $0x1  }
0x15: {  	[smem:$0x3FA7] =	sst s0;
	s0 =	simm.s32 @!p2 $0x0  }
0x16: {  	s3 =	sld [smem:$0x3FDB];
	s0 =	simm.s32 @p2 $0x1  }
0x17: {  	s4 =	simm.s32 $0x1BF5;
	[smem:$0x3FA9] =	sst s0  }
0x18: {  	s0 =	sld [smem:$0x3F8C];
	_ =	swait.ge [sflag:s4], $0x0  }
0x19: {  	s7 =	sld [smem:$0x3F8D]  }
0x1a: {  	s8 =	sadd.s32 $0xFFFFE003, lr  }
0x1b: {  	s9 =	sadd.s32 $0xFFFFFEF7, lr;
	s5 =	simm.s32 $0xFFFFFFFF;
	p2 =	slt.u32 s8, $0xFFFFF086  }
0x1c: {  	p1 =	slt.u32 s9, $0xF7A;
	s5 =	simm.s32 @!p2 $0x0  }
0x1d: {  	s5 =	simm.s32 @p1 $0x1;
	p0 =	seq.s32 s7, s2  }
0x1e: {  	s7 =	smul.u32 @!p0 $0xF7A, s2;
	p2 =	seq.s32 @!p0 s5, $0x0  }
0x1f: {  	s9 =	smul.u32 $0xF7A, s1;
	s8 =	simm.s32 @!p0 $0x1BF5;
	p2 =	por !p2, p0  }
0x20: {  	[sflag:s8] =	ssyncset.s32 @!p0 $0xFFFFF086;
	s6 =	sadd.s32 @!p0 s3, s7;
	s7 =	simm.s32 @!p0 $0x108  }
0x21: {  	s3 =	sadd.s32 s3, s9;
	s6 =	sadd.s32 @!p0 $0x88, s6;
	s7 =	simm.s32 @p2 $0x1082  }
0x22: {  	[simem:s7], [sflag:s8] =	dma.local @!p0 [hbm:s6], $0xF7A  }
0x23: {  	s9 =	sor.u32 $0xD0000000, s2;
	s6 =	simm.s32 $0x108;
	_ =	swait.ge @!p0 [sflag:s8], $0x0  }
0x24: {  	s3 =	sadd.s32 $0x88, s3;
	s6 =	simm.s32 @!p1 $0x1082;
	[sflag:s4] =	ssyncset.s32 $0xFFFFF086  }
0x25: {  	[simem:s6], [sflag:s4] =	dma.local [hbm:s3], $0xF7A  }
0x26: {  	[smem:$0x3F8D] =	sst s1;
	(tag) =	ssettag s2;
	_ =	strace s9  }
0x27: {  	s1 =	sld [smem:$0x3F9D]  }
0x28: {  	s2 =	sld [smem:$0x3F9E]  }
0x29: {  	s4 =	sld [smem:$0x3FA0]  }
0x2a: {  	p0 =	seq.s32 s5, $0x0;
	s5 =	sld [smem:$0x3FA1]  }
0x2b: {  	s6 =	sld [smem:$0x3FA2]  }
0x2c: {  	s7 =	sld [smem:$0x3FA3]  }
0x2d: {  	s3 =	simm.s32 $0x108;
	s8 =	sld [smem:$0x3FA4]  }
0x2e: {  	s3 =	simm.s32 @!p0 $0x1082;
	s9 =	sld [smem:$0x3FA5]  }
0x2f: {  	lr =	sadd.s32 s0, s3;
	s0 =	sld [smem:$0x3F9C]  }
0x30: {  	s3 =	sld [smem:$0x3F9F]  }
0x31: {  	[smem:$0x3FA8] =	sst s10  }
0x32: {  	s10 =	sld [smem:$0x3FA6];
	_ =	sdelay $0x3  }
0x33: {  	p0 =	seq.s32 s10, $0x1;
	s10 =	sld [smem:$0x3FA8];
	_ =	sdelay $0x3  }
0x34: {  	[smem:$0x3FA8] =	sst s10  }
0x35: {  	s10 =	sld [smem:$0x3FA7];
	_ =	sdelay $0x3  }
0x36: {  	p1 =	seq.s32 s10, $0x1;
	s10 =	sld [smem:$0x3FA8];
	_ =	sdelay $0x3  }
0x37: {  	[smem:$0x3FA8] =	sst s10  }
0x38: {  	s10 =	sld [smem:$0x3FA9]  }
0x39: {  	_ = 	snop;
	(pc) =	sbr.ind lr, $3  }
0x3a: {  	_ = 	snop  }
0x3b: {  	_ = 	snop  }
0x3c: {  	p2 =	seq.s32 s10, $0x1;
	s10 =	sld [smem:$0x3FA8]  }
0x3d: {  	_ =	shalt  }
0x3e: {  	_ =	shalt  }
0x3f: {  	_ =	shalt  }
0x40: {  	_ =	shalt  }
0x41: {  	_ =	shalt  }
0x42: {  	_ =	shalt  }
0x43: {  	_ =	shalt  }
0x44: {  	_ =	shalt  }
0x45: {  	_ =	shalt  }
0x46: {  	_ =	shalt  }
0x47: {  	_ =	shalt  }
0x48: {  	_ =	shalt  }
0x49: {  	_ =	shalt  }
0x4a: {  	_ =	shalt  }
0x4b: {  	_ =	shalt  }
0x4c: {  	_ =	shalt  }
0x4d: {  	_ =	shalt  }
0x4e: {  	_ =	shalt  }
0x4f: {  	_ =	shalt  }
0x50: {  	_ =	shalt  }
0x51: {  	_ =	shalt  }
0x52: {  	_ =	shalt  }
0x53: {  	_ =	shalt  }
0x54: {  	_ =	shalt  }
0x55: {  	_ =	shalt  }
0x56: {  	_ =	shalt  }
0x57: {  	_ =	shalt  }
0x58: {  	_ =	shalt  }
0x59: {  	_ =	shalt  }
0x5a: {  	_ =	shalt  }
0x5b: {  	_ =	shalt  }
0x5c: {  	_ =	shalt  }
0x5d: {  	_ =	shalt  }
0x5e: {  	_ =	shalt  }
0x5f: {  	_ =	shalt  }
0x60: {  	_ =	shalt  }
0x61: {  	_ =	shalt  }
0x62: {  	_ =	shalt  }
0x63: {  	_ =	shalt  }
0x64: {  	_ =	shalt  }
0x65: {  	_ =	shalt  }
0x66: {  	_ =	shalt  }
0x67: {  	_ =	shalt  }
0x68: {  	_ =	shalt  }
0x69: {  	_ =	shalt  }
0x6a: {  	_ =	shalt  }
0x6b: {  	_ =	shalt  }
0x6c: {  	_ =	shalt  }
0x6d: {  	_ =	shalt  }
0x6e: {  	_ =	shalt  }
0x6f: {  	_ =	shalt  }
0x70: {  	_ =	shalt  }
0x71: {  	_ =	shalt  }
0x72: {  	_ =	shalt  }
0x73: {  	_ =	shalt  }
0x74: {  	_ =	shalt  }
0x75: {  	_ =	shalt  }
0x76: {  	_ =	shalt  }
0x77: {  	_ =	shalt  }
0x78: {  	_ =	shalt  }
0x79: {  	_ =	shalt  }
0x7a: {  	_ =	shalt  }
0x7b: {  	_ =	shalt  }
0x7c: {  	_ =	shalt  }
0x7d: {  	_ =	shalt  }
0x7e: {  	_ =	shalt  }
0x7f: {  	_ =	shalt  }
0x80: {  	_ =	shalt  }
0x81: {  	_ =	shalt  }
0x82: {  	_ =	shalt  }
0x83: {  	_ =	shalt  }
0x84: {  	_ =	shalt  }
0x85: {  	_ =	shalt  }
0x86: {  	_ =	shalt  }
0x87: {  	_ =	shalt  }
.Lfunc_end0:
.L_simem_size_0:
called_computation.4_lowered:
.L_overlay_start_0:
0x88: {  	s2 =	sld [smem:$0x3FD9]  }
0x89: {  	s3 =	sld [smem:$0x3FFE];
	_ =	sdelay $0x1  }
0x8a: {  	s1 =	srdreg.scid  }
0x8b: {  	s0 =	sand.u32 $0x1, s1  }
0x8c: {  	s17 =	sshll.u32 s0, $0xA;
	s2 =	sadd.s32 s3, s2  }
0x8d: {  	s2 =	sadd.s32 s2, s17  }
0x8e: {  	[smem:$0x3FB4] =	sst s2  }
0x8f: {  	_ = 	snop  }
0x90: {  	s18 =	sld [smem:$0x3FD0];
	(tm) =	ssettm $0x1  }
0x91: {  	s19 =	sld [smem:$0x3FFB];
	_ =	sdelay $0x3  }
0x92: {  	_ =	strace s19  }
0x93: {  	s2 =	sld [smem:$0x3FFC];
	_ =	sdelay $0x3  }
0x94: {  	_ =	strace s2  }
0x95: {  	s2 =	sld [smem:$0x3FFD];
	_ =	sdelay $0x3  }
0x96: {  	_ =	strace s2  }
0x97: {  	_ =	strace $0x8FFFFFFF  }
0x98: {  	s20 =	sld [smem:$0x3FDB];
	_ =	sdelay $0x1  }
0x99: {  	s4 =	simm.s32 $_scs_section_size  }
0x9a: {  	s5 =	simm.s32 $_size__tile_overlayer_lowered;
	s6 =	simm.s32 $_tile_overlayer_lowered  }
0x9b: {  	s7 =	simm.s32 $0x1BFF;
	s21 =	sshll.u32 s6, $0x1;
	s4 =	sadd.s32 s4, s20  }
0x9c: {  	s22 =	simm.s32 $0x0;
	s5 =	sshll.u32 s5, $0x1;
	s6 =	sadd.s32 s21, s4  }
0x9d: {  	[timem:s22], [sflag:s7] =	dma.local [hbm:s6], s5  }
0x9e: {  	_ =	swait.ge [sflag:s7], s5  }
0x9f: {  	s5 =	ssub.s32 $0x0, s5;
	[sflag:s7] =	ssyncset.done $0x0  }
0xa0: {  	[sflag:s7] =	ssyncadd.s32 s5;
	_ =	sdelay $0x1  }
0xa1: {  	s23 =	simm.s32 $0x1B8B  }
0xa2: {  	_ =	swait.ge [sflag:s23], $0x1  }
0xa3: {  	[sflag:s23] =	ssyncset.done $0x0  }
0xa4: {  	[sflag:s23] =	ssyncadd.s32 $0xFFFFFFFF  }
0xa5: {  	s5 =	sld [smem:$0x0]  }
0xa6: {  	s6 =	sand.u32 $0xFFFFFFFE, s1  }
0xa7: {  	p0 =	sne.s32 s1, s6  }
0xa8: {  	s6 =	sshll.u32 @p0 s6, $0xE  }
0xa9: {  	s6 =	sadd.s32 @p0 $0x11B8D, s6;
	s7 =	sshll.u32 @p0 s5, $0x11  }
0xaa: {  	s6 =	sor.u32 @p0 s7, s6  }
0xab: {  	[sflag:s6] =	ssyncadd.remote.s32 @p0 $0x1;
	_ =	sdelay $0x1  }
0xac: {  	s6 =	simm.s32 @p0 $0x1B8D  }
0xad: {  	_ =	swait.eq @p0 [sflag:s6], $0x1  }
0xae: {  	[sflag:s6] =	ssyncadd.s32 @p0 $0xFFFFFFFF  }
0xaf: {  	s7 =	sshll.u32 @!p0 s1, $0xE  }
0xb0: {  	s7 =	sor.u32 @!p0 $0x4000, s7;
	s6 =	simm.s32 @!p0 $0x1B8D  }
0xb1: {  	s5 =	sshll.u32 @!p0 s5, $0x11;
	s7 =	sadd.s32 @!p0 $0x11B8D, s7;
	_ =	swait.eq @!p0 [sflag:s6], $0x1  }
0xb2: {  	s5 =	sor.u32 @!p0 s5, s7;
	[sflag:s6] =	ssyncadd.s32 @!p0 $0xFFFFFFFF  }
0xb3: {  	s25 =	simm.s32 $0x1B8E;
	s24 =	sld [smem:$0x3FFE];
	[sflag:s5] =	ssyncadd.remote.s32 @!p0 $0x1  }
0xb4: {  	s26 =	simm.s32 $execute0_lowered;
	[smem:$0x3FD2] =	sst s25  }
0xb5: {  	s6 =	sshll.u32 s26, $0x1;
	_ =	strace $0x80000055;
	[dreg:$0x1] =	wrdreg $0xFFFFFFFF  }
0xb6: {  	s28 =	simm.s32 $_size_execute0_lowered;
	s4 =	sadd.s32 s4, s6;
	[dreg:$0x0] =	wrdreg $0x0  }
0xb7: {  	s6 =	sshll.u32 s28, $0x1;
	[dreg:$0x2] =	wrdreg s4  }
0xb8: {  	[dreg:$0x3] =	wrdreg s6  }
0xb9: {  	[dreg:$0x4] =	wrdreg $0xC0  }
0xba: {  	_ =	task [dreg:s22], $0x5FFFF  }
0xbb: {  	[dreg:$0x1] =	wrdreg $0xFFFFFFFF  }
0xbc: {  	[dreg:$0x0] =	wrdreg $0x60  }
0xbd: {  	[dreg:$0x2] =	wrdreg s18  }
0xbe: {  	[dreg:$0x3] =	wrdreg s24  }
0xbf: {  	[dreg:$0x4] =	wrdreg $0x9  }
0xc0: {  	_ =	task.clear_ibuf [dreg:s22], $0x5FFFF;
	_ =	strace $0x90000055  }
0xc1: {  	s29 =	simm.s32 $0x9;
	_ =	strace $0x80000057  }
0xc2: {  	_ =	swait.ge [sflag:s29], $0x1  }
0xc3: {  	[sflag:s29] =	ssyncadd.s32 $0xFFFFFFFF  }
0xc4: {  	_ =	strace $0x90000057  }
0xc5: {  	_ =	sfence  }
0xc6: {  	s30 =	sld [smem:$0x0];
	_ =	sdelay $0x2  }
0xc7: {  	s31 =	sshll.u32 s1, $0xD;
	s1 =	sshrl.u32 s1, $0x2  }
0xc8: {  	s4 =	sand.u32 $0x4000, s31;
	s1 =	sadd.s32 s1, s30  }
0xc9: {  	s0 =	sor.u32 s4, s0;
	s1 =	sshll.u32 s1, $0x11  }
0xca: {  	s0 =	sor.u32 s1, s0  }
0xcb: {  	s0 =	sadd.s32 $0x8F2B, s0  }
0xcc: {  	[sflag:s0] =	ssyncadd.remote.s32 $0x1  }
0xcd: {  	_ =	sfence.sel $0xFFFF  }
0xce: {  	[dreg:$0x0] =	wrdreg $0xFFFFFFFF;
	(pc) =	sbr.abs _section_cstart, $3  }
0xcf: {  	[dreg:$0x1] =	wrdreg $0xFFFFFFFF  }
0xd0: {  	_ =	task.clear_ibuf [dreg:s22], $0x2FFFF;
	_ =	strace $0x9FFFFFFF  }
0xd1: {  	(tm) =	ssettm $0x7FFFFFFF  }
tec
execute0_lowered:
.L_overlay_start_1:
0x0: {  	(tag) =	ssettag $0x1  }
0x1: {  	s2 =	rddreg [dreg:$0x0]  }
0x2: {  	s1 =	srdreg.scid;
	s0 =	stileid.u32  }
0x3: {  	s4 =	rddreg [dreg:$0x1];
	s3 =	simm.s32 $0x0;
	s14 =	simm.s32 $0x6800  }
0x4: {  	s15 =	simm.s32 $0x1;
	s16 =	simm.s32 $0x2;
	s11 =	smul.u32 $0x96, s0  }
0x5: {  	s17 =	simm.s32 $0x2500;
	s8 =	sand.u32 $0x1, s1;
	s31 =	smul.u32 $0x4B000, s0  }
0x6: {  	s18 =	simm.s32 $0x0;
	s5 =	sshll.u32 s0, $0x1;
	s12 =	smul.u32 $0x4B, s8  }
0x7: {  	s1 =	rddreg [dreg:$0x2];
	s5 =	sor.u32 s8, s5;
	s13 =	smul.u32 $0x25800, s8  }
0x8: {  	[smem:$0x7FF] =	sst s3;
	s7 =	ssub.s32 $0x2, s8;
	s6 =	smul.u32 $0x500, s5  }
0x9: {  	s10 =	sadd.s32 $0x992A00, s4;
	s9 =	smul.u32 $0x12C000, s5;
	s26 =	sshrl.u32 s7, $0x1  }
0xa: {  	_ =	strace $0x80000056;
	s29 =	smul.u32 $0x25800, s5;
	s7 =	ssub.s32 s7, s26  }
0xb: {  	s30 =	sadd.s32 s12, s11;
	s12 =	simm.s32 $0x80;
	s6 =	sadd.s32 s6, s4  }
0xc: {  	s9 =	sshrl.u32 s9, $0x3;
	s11 =	sshll.u32 s30, $0xB;
	s4 =	sadd.s32 $0x4C2600, s6  }
0xd: {  	s28 =	sadd.s32 s10, s9;
	s6 =	smax.u32 s7, $0x1;
	s9 =	sadd.s32 s10, s29  }
0xe: {  	s11 =	sadd.s32 s10, s11;
	s10 =	sadd.s32 s31, s10;
	s5 =	sadd.s32 $0x25000, s28  }
0xf: {  	s7 =	sadd.s32 $0x24000, s9;
	s8 =	sadd.s32 $0x24800, s9;
	s9 =	sadd.s32 $0x800, s11  }
0x10: {  	s10 =	sadd.s32 s13, s10;
	s11 =	simm.s32 $0x3;
	s13 =	simm.s32 $0x2800  }
.LBB2_1:
0x11: {  	[tilespmem:s3], [sflag:$0x3] =	stream.linear.gather [hbm4b:s4+s3], $0x2580, $0x38;
	[tilespmem:$0xA800] =	vst v63  }
0x12: {  	_ =	swait.ge [sflag:s11], $0x2580  }
0x13: {  	[sflag:s11] =	ssyncset.done $0x0  }
0x14: {  	[sflag:s11] =	ssyncadd.s32 $0xFFFFDA80  }
0x15: {  	[tilespmem:s13], [sflag:$0x1] =	stream.indirect.gather [hbm4b:s2+s12], $0x80, s3, s12, $0xb8;
	[tilespmem:$0xA800] =	vst v63  }
0x16: {  	_ = 	snop  }
0x17: {  	[tilespmem:s14], [sflag:$0x2] =	stream.indirect.gather [hbm4b:s2+s12], $0x80, s12, s12, $0xb8;
	[tilespmem:$0xA800] =	vst v63  }
0x18: {  	_ =	swait.ge [sflag:s15], $0x4000  }
0x19: {  	[sflag:s15] =	ssyncset.done $0x0  }
0x1a: {  	s19 =	sadd.s32 $0x0, s10;
	[sflag:s15] =	ssyncadd.s32 $0xFFFFC000  }
0x1b: {  	[hbm4b:s19+s3] =	stream.linear.scatter [tilespmem:s13], [sflag:$0x3], $0x4000, $0x38;
	[tilespmem:$0xA800] =	vst v63  }
0x1c: {  	_ =	swait.ge [sflag:s11], $0x4000  }
0x1d: {  	[sflag:s11] =	ssyncset.done $0x0  }
0x1e: {  	s30 =	simm.s32 $0x100;
	[sflag:s11] =	ssyncadd.s32 $0xFFFFC000  }
0x1f: {  	[tilespmem:s13], [sflag:$0x1] =	stream.indirect.gather [hbm4b:s2+s12], $0x80, s30, s12, $0xb8;
	[tilespmem:$0xA800] =	vst v63  }
0x20: {  	_ =	swait.ge [sflag:s16], $0x4000  }
0x21: {  	[sflag:s16] =	ssyncset.done $0x0  }
0x22: {  	s31 =	sadd.s32 $0x0, s9;
	[sflag:s16] =	ssyncadd.s32 $0xFFFFC000  }
0x23: {  	[hbm4b:s31+s3] =	stream.linear.scatter [tilespmem:s14], [sflag:$0x3], $0x4000, $0x38;
	[tilespmem:$0xA800] =	vst v63  }
0x24: {  	_ =	swait.ge [sflag:s11], $0x4000  }
0x25: {  	s20 =	simm.s32 $0x1000;
	[sflag:s11] =	ssyncset.done $0x0  }
0x26: {  	s21 =	simm.s32 $0x280;
	s19 =	simm.s32 $0x180;
	[sflag:s11] =	ssyncadd.s32 $0xFFFFC000  }
.LBB2_2:
0x27: {  	[tilespmem:s14], [sflag:$0x2] =	stream.indirect.gather [hbm4b:s2+s12], $0x80, s19, s12, $0xb8;
	[tilespmem:$0xA800] =	vst v63  }
0x28: {  	s22 =	smov.u32 s20;
	s19 =	smov.u32 s21  }
0x29: {  	p0 =	sne.s32 s20, $0x23000;
	s20 =	sadd.s32 $0x1000, s20;
	_ =	swait.ge [sflag:s15], $0x4000  }
0x2a: {  	[sflag:s15] =	ssyncset.done $0x0  }
0x2b: {  	s23 =	sadd.s32 s22, s10;
	[sflag:s15] =	ssyncadd.s32 $0xFFFFC000  }
0x2c: {  	[hbm4b:s23+s3] =	stream.linear.scatter [tilespmem:s13], [sflag:$0x3], $0x4000, $0x38;
	[tilespmem:$0xA800] =	vst v63  }
0x2d: {  	_ =	swait.ge [sflag:s11], $0x4000  }
0x2e: {  	[sflag:s11] =	ssyncset.done $0x0  }
0x2f: {  	s23 =	sadd.s32 $0xFFFFFF80, s21;
	[sflag:s11] =	ssyncadd.s32 $0xFFFFC000  }
0x30: {  	[tilespmem:s13], [sflag:$0x1] =	stream.indirect.gather [hbm4b:s2+s12], $0x80, s23, s12, $0xb8;
	[tilespmem:$0xA800] =	vst v63  }
0x31: {  	_ =	swait.ge [sflag:s16], $0x4000  }
0x32: {  	[sflag:s16] =	ssyncset.done $0x0  }
.Ltmp0:
0x33: {  	s22 =	sadd.s32 s22, s9;
	[sflag:s16] =	ssyncadd.s32 $0xFFFFC000;
	(pc) =	sbr.rel @p0 .LBB2_2-.Ltmp0, $4  }
0x34: {  	[hbm4b:s22+s3] =	stream.linear.scatter [tilespmem:s14], [sflag:$0x3], $0x4000, $0x38;
	[tilespmem:$0xA800] =	vst v63  }
0x35: {  	_ =	swait.ge [sflag:s11], $0x4000  }
0x36: {  	[sflag:s11] =	ssyncset.done $0x0  }
0x37: {  	s21 =	sadd.s32 $0x100, s21;
	[sflag:s11] =	ssyncadd.s32 $0xFFFFC000  }
0x38: {  	[tilespmem:s14], [sflag:$0x2] =	stream.indirect.gather [hbm4b:s2+s12], $0x80, s19, s12, $0xb8;
	[tilespmem:$0xA800] =	vst v63  }
0x39: {  	_ =	swait.ge [sflag:s15], $0x4000  }
0x3a: {  	[sflag:s15] =	ssyncset.done $0x0  }
0x3b: {  	[sflag:s15] =	ssyncadd.s32 $0xFFFFC000  }
0x3c: {  	[hbm4b:s7+s3] =	stream.linear.scatter [tilespmem:s13], [sflag:$0x3], $0x4000, $0x38;
	[tilespmem:$0xA800] =	vst v63  }
0x3d: {  	_ =	swait.ge [sflag:s11], $0x4000  }
0x3e: {  	[sflag:s11] =	ssyncset.done $0x0  }
0x3f: {  	[sflag:s11] =	ssyncadd.s32 $0xFFFFC000  }
0x40: {  	[tilespmem:s13], [sflag:$0x1] =	stream.indirect.gather [hbm4b:s2+s12], $0x80, s17, s12, $0xb8;
	[tilespmem:$0xA800] =	vst v63  }
0x41: {  	_ =	swait.ge [sflag:s16], $0x4000  }
0x42: {  	[sflag:s16] =	ssyncset.done $0x0  }
0x43: {  	[sflag:s16] =	ssyncadd.s32 $0xFFFFC000  }
0x44: {  	[hbm4b:s8+s3] =	stream.linear.scatter [tilespmem:s14], [sflag:$0x3], $0x4000, $0x38;
	[tilespmem:$0xA800] =	vst v63  }
0x45: {  	_ =	swait.ge [sflag:s11], $0x4000  }
0x46: {  	[sflag:s11] =	ssyncset.done $0x0  }
0x47: {  	[sflag:s11] =	ssyncadd.s32 $0xFFFFC000  }
0x48: {  	s18 =	sadd.s32 $0x1, s18;
	_ =	swait.ge [sflag:s15], $0x4000  }
0x49: {  	p0 =	sne.s32 s18, s6;
	[sflag:s15] =	ssyncset.done $0x0  }
.Ltmp1:
0x4a: {  	[sflag:s15] =	ssyncadd.s32 $0xFFFFC000;
	(pc) =	sbr.rel @p0 .LBB2_1-.Ltmp1, $4  }
0x4b: {  	[hbm4b:s5+s3] =	stream.linear.scatter [tilespmem:s13], [sflag:$0x3], $0x4000, $0x38;
	[tilespmem:$0xA800] =	vst v63  }
0x4c: {  	_ =	swait.ge [sflag:s11], $0x4000  }
0x4d: {  	[sflag:s11] =	ssyncset.done $0x0  }
0x4e: {  	[sflag:s11] =	ssyncadd.s32 $0xFFFFC000  }
0x4f: {  	_ =	sfence.sel $0x180000  }
0x50: {  	[bflag:$0x0] =	sbarrier.arrive $0xFFFF  }
0x51: {  	p0 =	sne.s32 s0, $0x0;
	_ =	strace $0x90000056  }
0x52: {  	s0 =	sadd.s32 @!p0 $0x100000, s1;
	[bflag:$0x2] =	sbarrier.arrive $0xFFFF  }
0x53: {  	[sflag:s0] =	ssyncadd.tile.s32 @!p0 $0x1;
	_ =	shalt  }
.Lfunc_end2:
_tile_overlayer_lowered:
.L_overlay_start_2:
0x54: {  	(tag) =	ssettag $0x2  }
0x55: {  	s0 =	rddreg [dreg:$0x0];
	s2 =	stileid.u32  }
0x56: {  	s1 =	rddreg [dreg:$0x1];
	p0 =	sne.s32 s2, $0x0  }
0x57: {  	s3 =	rddreg [dreg:$0x2];
	[bflag:$0x3] =	sbarrier.arrive $0xFFFF;
	s2 =	simm.s32 @!p0 $0x1C03  }
0x58: {  	[timem:s3], [sflag:s2] =	dma.local @!p0 [hbm:s0], s1  }
0x59: {  	s0 =	simm.s32 @!p0 $0x3  }
0x5a: {  	_ =	swait.ge @!p0 [sflag:s0], s1  }
0x5b: {  	s1 =	ssub.s32 @!p0 $0x0, s1;
	[sflag:s0] =	ssyncset.done @!p0 $0x0  }
0x5c: {  	[sflag:s0] =	ssyncadd.s32 @!p0 s1  }
0x5d: {  	[bflag:$0x3] =	sbarrier.arrive $0xFFFF  }
0x5e: {  	_ =	shalt  }

// kernel: kernel.31.cloned.1.call-start
scs
__scs_entry_jumppad:
0x0: {  	(pc) =	sbr.rel $0x88, $3  }
0x1: {  	(tag) =	ssettag $0x0;
	lr =	simm.s32 $0x1  }
0x2: {  	[smem:$0x3F8D] =	sst lr;
	_ =	strace $0xD0000000  }
0x3: {  	_ = 	snop  }
0x4: {  	_ = 	snop  }
0x5: {  	_ = 	snop  }
0x6: {  	_ = 	snop  }
0x7: {  	_ = 	snop  }
__scs_overlays_trampoline_lowered:
0x8: {  	[smem:$0x3F9C] =	sst s0  }
0x9: {  	[smem:$0x3F9D] =	sst s1  }
0xa: {  	[smem:$0x3F9E] =	sst s2  }
0xb: {  	[smem:$0x3F9F] =	sst s3  }
0xc: {  	[smem:$0x3FA0] =	sst s4  }
0xd: {  	[smem:$0x3FA1] =	sst s5  }
0xe: {  	[smem:$0x3FA2] =	sst s6  }
0xf: {  	[smem:$0x3FA3] =	sst s7  }
0x10: {  	[smem:$0x3FA4] =	sst s8  }
0x11: {  	[smem:$0x3FA5] =	sst s9;
	s0 =	simm.s32 @!p0 $0x0  }
0x12: {  	s1 =	sld [smem:$0x3F8B];
	s0 =	simm.s32 @p0 $0x1  }
0x13: {  	[smem:$0x3FA6] =	sst s0;
	s0 =	simm.s32 @!p1 $0x0  }
0x14: {  	s2 =	sld [smem:$0x3F8A];
	s0 =	simm.s32 @p1 $0x1  }
0x15: {  	[smem:$0x3FA7] =	sst s0;
	s0 =	simm.s32 @!p2 $0x0  }
0x16: {  	s3 =	sld [smem:$0x3FDB];
	s0 =	simm.s32 @p2 $0x1  }
0x17: {  	s4 =	simm.s32 $0x1BF5;
	[smem:$0x3FA9] =	sst s0  }
0x18: {  	s0 =	sld [smem:$0x3F8C];
	_ =	swait.ge [sflag:s4], $0x0  }
0x19: {  	s7 =	sld [smem:$0x3F8D]  }
0x1a: {  	s8 =	sadd.s32 $0xFFFFE003, lr  }
0x1b: {  	s9 =	sadd.s32 $0xFFFFFEF7, lr;
	s5 =	simm.s32 $0xFFFFFFFF;
	p2 =	slt.u32 s8, $0xFFFFF086  }
0x1c: {  	p1 =	slt.u32 s9, $0xF7A;
	s5 =	simm.s32 @!p2 $0x0  }
0x1d: {  	s5 =	simm.s32 @p1 $0x1;
	p0 =	seq.s32 s7, s2  }
0x1e: {  	s7 =	smul.u32 @!p0 $0xF7A, s2;
	p2 =	seq.s32 @!p0 s5, $0x0  }
0x1f: {  	s9 =	smul.u32 $0xF7A, s1;
	s8 =	simm.s32 @!p0 $0x1BF5;
	p2 =	por !p2, p0  }
0x20: {  	[sflag:s8] =	ssyncset.s32 @!p0 $0xFFFFF086;
	s6 =	sadd.s32 @!p0 s3, s7;
	s7 =	simm.s32 @!p0 $0x108  }
0x21: {  	s3 =	sadd.s32 s3, s9;
	s6 =	sadd.s32 @!p0 $0x88, s6;
	s7 =	simm.s32 @p2 $0x1082  }
0x22: {  	[simem:s7], [sflag:s8] =	dma.local @!p0 [hbm:s6], $0xF7A  }
0x23: {  	s9 =	sor.u32 $0xD0000000, s2;
	s6 =	simm.s32 $0x108;
	_ =	swait.ge @!p0 [sflag:s8], $0x0  }
0x24: {  	s3 =	sadd.s32 $0x88, s3;
	s6 =	simm.s32 @!p1 $0x1082;
	[sflag:s4] =	ssyncset.s32 $0xFFFFF086  }
0x25: {  	[simem:s6], [sflag:s4] =	dma.local [hbm:s3], $0xF7A  }
0x26: {  	[smem:$0x3F8D] =	sst s1;
	(tag) =	ssettag s2;
	_ =	strace s9  }
0x27: {  	s1 =	sld [smem:$0x3F9D]  }
0x28: {  	s2 =	sld [smem:$0x3F9E]  }
0x29: {  	s4 =	sld [smem:$0x3FA0]  }
0x2a: {  	p0 =	seq.s32 s5, $0x0;
	s5 =	sld [smem:$0x3FA1]  }
0x2b: {  	s6 =	sld [smem:$0x3FA2]  }
0x2c: {  	s7 =	sld [smem:$0x3FA3]  }
0x2d: {  	s3 =	simm.s32 $0x108;
	s8 =	sld [smem:$0x3FA4]  }
0x2e: {  	s3 =	simm.s32 @!p0 $0x1082;
	s9 =	sld [smem:$0x3FA5]  }
0x2f: {  	lr =	sadd.s32 s0, s3;
	s0 =	sld [smem:$0x3F9C]  }
0x30: {  	s3 =	sld [smem:$0x3F9F]  }
0x31: {  	[smem:$0x3FA8] =	sst s10  }
0x32: {  	s10 =	sld [smem:$0x3FA6];
	_ =	sdelay $0x3  }
0x33: {  	p0 =	seq.s32 s10, $0x1;
	s10 =	sld [smem:$0x3FA8];
	_ =	sdelay $0x3  }
0x34: {  	[smem:$0x3FA8] =	sst s10  }
0x35: {  	s10 =	sld [smem:$0x3FA7];
	_ =	sdelay $0x3  }
0x36: {  	p1 =	seq.s32 s10, $0x1;
	s10 =	sld [smem:$0x3FA8];
	_ =	sdelay $0x3  }
0x37: {  	[smem:$0x3FA8] =	sst s10  }
0x38: {  	s10 =	sld [smem:$0x3FA9]  }
0x39: {  	_ = 	snop;
	(pc) =	sbr.ind lr, $3  }
0x3a: {  	_ = 	snop  }
0x3b: {  	_ = 	snop  }
0x3c: {  	p2 =	seq.s32 s10, $0x1;
	s10 =	sld [smem:$0x3FA8]  }
0x3d: {  	_ =	shalt  }
0x3e: {  	_ =	shalt  }
0x3f: {  	_ =	shalt  }
0x40: {  	_ =	shalt  }
0x41: {  	_ =	shalt  }
0x42: {  	_ =	shalt  }
0x43: {  	_ =	shalt  }
0x44: {  	_ =	shalt  }
0x45: {  	_ =	shalt  }
0x46: {  	_ =	shalt  }
0x47: {  	_ =	shalt  }
0x48: {  	_ =	shalt  }
0x49: {  	_ =	shalt  }
0x4a: {  	_ =	shalt  }
0x4b: {  	_ =	shalt  }
0x4c: {  	_ =	shalt  }
0x4d: {  	_ =	shalt  }
0x4e: {  	_ =	shalt  }
0x4f: {  	_ =	shalt  }
0x50: {  	_ =	shalt  }
0x51: {  	_ =	shalt  }
0x52: {  	_ =	shalt  }
0x53: {  	_ =	shalt  }
0x54: {  	_ =	shalt  }
0x55: {  	_ =	shalt  }
0x56: {  	_ =	shalt  }
0x57: {  	_ =	shalt  }
0x58: {  	_ =	shalt  }
0x59: {  	_ =	shalt  }
0x5a: {  	_ =	shalt  }
0x5b: {  	_ =	shalt  }
0x5c: {  	_ =	shalt  }
0x5d: {  	_ =	shalt  }
0x5e: {  	_ =	shalt  }
0x5f: {  	_ =	shalt  }
0x60: {  	_ =	shalt  }
0x61: {  	_ =	shalt  }
0x62: {  	_ =	shalt  }
0x63: {  	_ =	shalt  }
0x64: {  	_ =	shalt  }
0x65: {  	_ =	shalt  }
0x66: {  	_ =	shalt  }
0x67: {  	_ =	shalt  }
0x68: {  	_ =	shalt  }
0x69: {  	_ =	shalt  }
0x6a: {  	_ =	shalt  }
0x6b: {  	_ =	shalt  }
0x6c: {  	_ =	shalt  }
0x6d: {  	_ =	shalt  }
0x6e: {  	_ =	shalt  }
0x6f: {  	_ =	shalt  }
0x70: {  	_ =	shalt  }
0x71: {  	_ =	shalt  }
0x72: {  	_ =	shalt  }
0x73: {  	_ =	shalt  }
0x74: {  	_ =	shalt  }
0x75: {  	_ =	shalt  }
0x76: {  	_ =	shalt  }
0x77: {  	_ =	shalt  }
0x78: {  	_ =	shalt  }
0x79: {  	_ =	shalt  }
0x7a: {  	_ =	shalt  }
0x7b: {  	_ =	shalt  }
0x7c: {  	_ =	shalt  }
0x7d: {  	_ =	shalt  }
0x7e: {  	_ =	shalt  }
0x7f: {  	_ =	shalt  }
0x80: {  	_ =	shalt  }
0x81: {  	_ =	shalt  }
0x82: {  	_ =	shalt  }
0x83: {  	_ =	shalt  }
0x84: {  	_ =	shalt  }
0x85: {  	_ =	shalt  }
0x86: {  	_ =	shalt  }
0x87: {  	_ =	shalt  }
.Lfunc_end0:
.L_simem_size_0:
called_computation.5_lowered:
.L_overlay_start_0:
0x88: {  	s2 =	sld [smem:$0x3FD9]  }
0x89: {  	s3 =	sld [smem:$0x3FFE];
	_ =	sdelay $0x1  }
0x8a: {  	s1 =	srdreg.scid  }
0x8b: {  	s0 =	sand.u32 $0x1, s1  }
0x8c: {  	s17 =	sshll.u32 s0, $0xA;
	s2 =	sadd.s32 s3, s2  }
0x8d: {  	s2 =	sadd.s32 s2, s17  }
0x8e: {  	[smem:$0x3FB4] =	sst s2  }
0x8f: {  	_ = 	snop  }
0x90: {  	s2 =	sld [smem:$0x3FD0];
	(tm) =	ssettm $0x1  }
0x91: {  	s18 =	sld [smem:$0x3FFB];
	_ =	sdelay $0x3  }
0x92: {  	_ =	strace s18  }
0x93: {  	s3 =	sld [smem:$0x3FFC];
	_ =	sdelay $0x3  }
0x94: {  	_ =	strace s3  }
0x95: {  	s3 =	sld [smem:$0x3FFD];
	_ =	sdelay $0x3  }
0x96: {  	_ =	strace s3  }
0x97: {  	_ =	strace $0x8FFFFFFF  }
0x98: {  	s19 =	sld [smem:$0x3FDB];
	_ =	sdelay $0x1  }
0x99: {  	s4 =	simm.s32 $_scs_section_size  }
0x9a: {  	s5 =	simm.s32 $_size__tile_overlayer_lowered;
	s6 =	simm.s32 $_tile_overlayer_lowered  }
0x9b: {  	s22 =	simm.s32 $0x1BFF;
	s21 =	sshll.u32 s6, $0x1;
	s3 =	sadd.s32 s4, s19  }
0x9c: {  	s7 =	simm.s32 $0x0;
	s20 =	sshll.u32 s5, $0x1;
	s5 =	sadd.s32 s21, s3  }
0x9d: {  	[timem:s7], [sflag:s22] =	dma.local [hbm:s5], s20  }
0x9e: {  	_ =	swait.ge [sflag:s22], s20  }
0x9f: {  	s4 =	ssub.s32 $0x0, s20;
	[sflag:s22] =	ssyncset.done $0x0  }
0xa0: {  	[sflag:s22] =	ssyncadd.s32 s4;
	_ =	sdelay $0x1  }
0xa1: {  	s23 =	simm.s32 $0x1B8B  }
0xa2: {  	_ =	swait.ge [sflag:s23], $0x1  }
0xa3: {  	[sflag:s23] =	ssyncset.done $0x0  }
0xa4: {  	s25 =	simm.s32 $0x1B8E;
	s24 =	sld [smem:$0x3FFE];
	[sflag:s23] =	ssyncadd.s32 $0xFFFFFFFF  }
0xa5: {  	s26 =	simm.s32 $execute0_lowered;
	[smem:$0x3FD2] =	sst s25  }
0xa6: {  	s5 =	sshll.u32 s26, $0x1;
	_ =	strace $0x80000052;
	[dreg:$0x1] =	wrdreg $0xFFFFFFFF  }
0xa7: {  	s28 =	simm.s32 $_size_execute0_lowered;
	s3 =	sadd.s32 s3, s5;
	[dreg:$0x0] =	wrdreg $0x0  }
0xa8: {  	s5 =	sshll.u32 s28, $0x1;
	[dreg:$0x2] =	wrdreg s3  }
0xa9: {  	[dreg:$0x3] =	wrdreg s5  }
0xaa: {  	[dreg:$0x4] =	wrdreg $0xC0  }
0xab: {  	_ =	task [dreg:s7], $0x5FFFF  }
0xac: {  	[dreg:$0x1] =	wrdreg $0xFFFFFFFF  }
0xad: {  	[dreg:$0x0] =	wrdreg $0x60  }
0xae: {  	[dreg:$0x2] =	wrdreg s2  }
0xaf: {  	[dreg:$0x3] =	wrdreg s24  }
0xb0: {  	[dreg:$0x4] =	wrdreg $0xA  }
0xb1: {  	_ =	task.clear_ibuf [dreg:s7], $0x5FFFF;
	_ =	strace $0x90000052  }
0xb2: {  	s29 =	simm.s32 $0xA;
	_ =	strace $0x80000054  }
0xb3: {  	_ =	swait.ge [sflag:s29], $0x1  }
0xb4: {  	[sflag:s29] =	ssyncadd.s32 $0xFFFFFFFF  }
0xb5: {  	_ =	strace $0x90000054  }
0xb6: {  	_ =	sfence  }
0xb7: {  	s30 =	sld [smem:$0x0];
	_ =	sdelay $0x2  }
0xb8: {  	s31 =	sshll.u32 s1, $0xD;
	s1 =	sshrl.u32 s1, $0x2  }
0xb9: {  	s3 =	sand.u32 $0x4000, s31;
	s1 =	sadd.s32 s1, s30  }
0xba: {  	s0 =	sor.u32 s3, s0;
	s1 =	sshll.u32 s1, $0x11  }
0xbb: {  	s0 =	sor.u32 s1, s0  }
0xbc: {  	s0 =	sadd.s32 $0x8F2B, s0  }
0xbd: {  	[sflag:s0] =	ssyncadd.remote.s32 $0x1  }
0xbe: {  	_ =	sfence.sel $0xFFFF  }
0xbf: {  	[dreg:$0x0] =	wrdreg $0xFFFFFFFF;
	(pc) =	sbr.abs _section_cstart, $3  }
0xc0: {  	[dreg:$0x1] =	wrdreg $0xFFFFFFFF  }
0xc1: {  	_ =	task.clear_ibuf [dreg:s7], $0x2FFFF;
	_ =	strace $0x9FFFFFFF  }
0xc2: {  	(tm) =	ssettm $0x7FFFFFFF  }
0xc3: {  	_ =	shalt  }
tec
execute0_lowered:
.L_overlay_start_1:
0x0: {  	(tag) =	ssettag $0x1  }
0x1: {  	s2 =	rddreg [dreg:$0x0]  }
0x2: {  	s1 =	srdreg.scid;
	s0 =	stileid.u32  }
0x3: {  	s4 =	rddreg [dreg:$0x1];
	s3 =	simm.s32 $0x0;
	s14 =	simm.s32 $0x6800  }
0x4: {  	s15 =	simm.s32 $0x1;
	s16 =	simm.s32 $0x2;
	s11 =	smul.u32 $0x96, s0  }
0x5: {  	s17 =	simm.s32 $0x2500;
	s8 =	sand.u32 $0x1, s1;
	s31 =	smul.u32 $0x4B000, s0  }
0x6: {  	s18 =	simm.s32 $0x0;
	s5 =	sshll.u32 s0, $0x1;
	s12 =	smul.u32 $0x4B, s8  }
0x7: {  	s1 =	rddreg [dreg:$0x2];
	s5 =	sor.u32 s8, s5;
	s13 =	smul.u32 $0x25800, s8  }
0x8: {  	[smem:$0x7FF] =	sst s3;
	s7 =	ssub.s32 $0x2, s8;
	s6 =	smul.u32 $0x500, s5  }
0x9: {  	s10 =	sadd.s32 $0x4CC600, s4;
	s9 =	smul.u32 $0x12C000, s5;
	s26 =	sshrl.u32 s7, $0x1  }
0xa: {  	_ =	strace $0x80000053;
	s29 =	smul.u32 $0x25800, s5;
	s7 =	ssub.s32 s7, s26  }
0xb: {  	s30 =	sadd.s32 s12, s11;
	s12 =	simm.s32 $0x80;
	s6 =	sadd.s32 s6, s4  }
0xc: {  	s9 =	sshrl.u32 s9, $0x3;
	s11 =	sshll.u32 s30, $0xB;
	s4 =	sadd.s32 $0x8600, s6  }
0xd: {  	s28 =	sadd.s32 s10, s9;
	s6 =	smax.u32 s7, $0x1;
	s9 =	sadd.s32 s10, s29  }
0xe: {  	s11 =	sadd.s32 s10, s11;
	s10 =	sadd.s32 s31, s10;
	s5 =	sadd.s32 $0x25000, s28  }
0xf: {  	s7 =	sadd.s32 $0x24000, s9;
	s8 =	sadd.s32 $0x24800, s9;
	s9 =	sadd.s32 $0x800, s11  }
0x10: {  	s10 =	sadd.s32 s13, s10;
	s11 =	simm.s32 $0x3;
	s13 =	simm.s32 $0x2800  }
.LBB2_1:
0x11: {  	[tilespmem:s3], [sflag:$0x3] =	stream.linear.gather [hbm4b:s4+s3], $0x2580, $0x38;
	[tilespmem:$0xA800] =	vst v63  }
0x12: {  	_ =	swait.ge [sflag:s11], $0x2580  }
0x13: {  	[sflag:s11] =	ssyncset.done $0x0  }
0x14: {  	[sflag:s11] =	ssyncadd.s32 $0xFFFFDA80  }
0x15: {  	[tilespmem:s13], [sflag:$0x1] =	stream.indirect.gather [hbm4b:s2+s12], $0x80, s3, s12, $0xb8;
	[tilespmem:$0xA800] =	vst v63  }
0x16: {  	_ = 	snop  }
0x17: {  	[tilespmem:s14], [sflag:$0x2] =	stream.indirect.gather [hbm4b:s2+s12], $0x80, s12, s12, $0xb8;
	[tilespmem:$0xA800] =	vst v63  }
0x18: {  	_ =	swait.ge [sflag:s15], $0x4000  }
0x19: {  	[sflag:s15] =	ssyncset.done $0x0  }
0x1a: {  	s19 =	sadd.s32 $0x0, s10;
	[sflag:s15] =	ssyncadd.s32 $0xFFFFC000  }
0x1b: {  	[hbm4b:s19+s3] =	stream.linear.scatter [tilespmem:s13], [sflag:$0x3], $0x4000, $0x38;
	[tilespmem:$0xA800] =	vst v63  }
0x1c: {  	_ =	swait.ge [sflag:s11], $0x4000  }
0x1d: {  	[sflag:s11] =	ssyncset.done $0x0  }
0x1e: {  	s30 =	simm.s32 $0x100;
	[sflag:s11] =	ssyncadd.s32 $0xFFFFC000  }
0x1f: {  	[tilespmem:s13], [sflag:$0x1] =	stream.indirect.gather [hbm4b:s2+s12], $0x80, s30, s12, $0xb8;
	[tilespmem:$0xA800] =	vst v63  }
0x20: {  	_ =	swait.ge [sflag:s16], $0x4000  }
0x21: {  	[sflag:s16] =	ssyncset.done $0x0  }
0x22: {  	s31 =	sadd.s32 $0x0, s9;
	[sflag:s16] =	ssyncadd.s32 $0xFFFFC000  }
0x23: {  	[hbm4b:s31+s3] =	stream.linear.scatter [tilespmem:s14], [sflag:$0x3], $0x4000, $0x38;
	[tilespmem:$0xA800] =	vst v63  }
0x24: {  	_ =	swait.ge [sflag:s11], $0x4000  }
0x25: {  	s20 =	simm.s32 $0x1000;
	[sflag:s11] =	ssyncset.done $0x0  }
0x26: {  	s21 =	simm.s32 $0x280;
	s19 =	simm.s32 $0x180;
	[sflag:s11] =	ssyncadd.s32 $0xFFFFC000  }
.LBB2_2:
0x27: {  	[tilespmem:s14], [sflag:$0x2] =	stream.indirect.gather [hbm4b:s2+s12], $0x80, s19, s12, $0xb8;
	[tilespmem:$0xA800] =	vst v63  }
0x28: {  	s22 =	smov.u32 s20;
	s19 =	smov.u32 s21  }
0x29: {  	p0 =	sne.s32 s20, $0x23000;
	s20 =	sadd.s32 $0x1000, s20;
	_ =	swait.ge [sflag:s15], $0x4000  }
0x2a: {  	[sflag:s15] =	ssyncset.done $0x0  }
0x2b: {  	s23 =	sadd.s32 s22, s10;
	[sflag:s15] =	ssyncadd.s32 $0xFFFFC000  }
0x2c: {  	[hbm4b:s23+s3] =	stream.linear.scatter [tilespmem:s13], [sflag:$0x3], $0x4000, $0x38;
	[tilespmem:$0xA800] =	vst v63  }
0x2d: {  	_ =	swait.ge [sflag:s11], $0x4000  }
0x2e: {  	[sflag:s11] =	ssyncset.done $0x0  }
0x2f: {  	s23 =	sadd.s32 $0xFFFFFF80, s21;
	[sflag:s11] =	ssyncadd.s32 $0xFFFFC000  }
0x30: {  	[tilespmem:s13], [sflag:$0x1] =	stream.indirect.gather [hbm4b:s2+s12], $0x80, s23, s12, $0xb8;
	[tilespmem:$0xA800] =	vst v63  }
0x31: {  	_ =	swait.ge [sflag:s16], $0x4000  }
0x32: {  	[sflag:s16] =	ssyncset.done $0x0  }
.Ltmp0:
0x33: {  	s22 =	sadd.s32 s22, s9;
	[sflag:s16] =	ssyncadd.s32 $0xFFFFC000;
	(pc) =	sbr.rel @p0 .LBB2_2-.Ltmp0, $4  }
0x34: {  	[hbm4b:s22+s3] =	stream.linear.scatter [tilespmem:s14], [sflag:$0x3], $0x4000, $0x38;
	[tilespmem:$0xA800] =	vst v63  }
0x35: {  	_ =	swait.ge [sflag:s11], $0x4000  }
0x36: {  	[sflag:s11] =	ssyncset.done $0x0  }
0x37: {  	s21 =	sadd.s32 $0x100, s21;
	[sflag:s11] =	ssyncadd.s32 $0xFFFFC000  }
0x38: {  	[tilespmem:s14], [sflag:$0x2] =	stream.indirect.gather [hbm4b:s2+s12], $0x80, s19, s12, $0xb8;
	[tilespmem:$0xA800] =	vst v63  }
0x39: {  	_ =	swait.ge [sflag:s15], $0x4000  }
0x3a: {  	[sflag:s15] =	ssyncset.done $0x0  }
0x3b: {  	[sflag:s15] =	ssyncadd.s32 $0xFFFFC000  }
0x3c: {  	[hbm4b:s7+s3] =	stream.linear.scatter [tilespmem:s13], [sflag:$0x3], $0x4000, $0x38;
	[tilespmem:$0xA800] =	vst v63  }
0x3d: {  	_ =	swait.ge [sflag:s11], $0x4000  }
0x3e: {  	[sflag:s11] =	ssyncset.done $0x0  }
0x3f: {  	[sflag:s11] =	ssyncadd.s32 $0xFFFFC000  }
0x40: {  	[tilespmem:s13], [sflag:$0x1] =	stream.indirect.gather [hbm4b:s2+s12], $0x80, s17, s12, $0xb8;
	[tilespmem:$0xA800] =	vst v63  }
0x41: {  	_ =	swait.ge [sflag:s16], $0x4000  }
0x42: {  	[sflag:s16] =	ssyncset.done $0x0  }
0x43: {  	[sflag:s16] =	ssyncadd.s32 $0xFFFFC000  }
0x44: {  	[hbm4b:s8+s3] =	stream.linear.scatter [tilespmem:s14], [sflag:$0x3], $0x4000, $0x38;
	[tilespmem:$0xA800] =	vst v63  }
0x45: {  	_ =	swait.ge [sflag:s11], $0x4000  }
0x46: {  	[sflag:s11] =	ssyncset.done $0x0  }
0x47: {  	[sflag:s11] =	ssyncadd.s32 $0xFFFFC000  }
0x48: {  	s18 =	sadd.s32 $0x1, s18;
	_ =	swait.ge [sflag:s15], $0x4000  }
0x49: {  	p0 =	sne.s32 s18, s6;
	[sflag:s15] =	ssyncset.done $0x0  }
.Ltmp1:
0x4a: {  	[sflag:s15] =	ssyncadd.s32 $0xFFFFC000;
	(pc) =	sbr.rel @p0 .LBB2_1-.Ltmp1, $4  }
0x4b: {  	[hbm4b:s5+s3] =	stream.linear.scatter [tilespmem:s13], [sflag:$0x3], $0x4000, $0x38;
	[tilespmem:$0xA800] =	vst v63  }
0x4c: {  	_ =	swait.ge [sflag:s11], $0x4000  }
0x4d: {  	[sflag:s11] =	ssyncset.done $0x0  }
0x4e: {  	[sflag:s11] =	ssyncadd.s32 $0xFFFFC000  }
0x4f: {  	_ =	sfence.sel $0x180000  }
0x50: {  	[bflag:$0x0] =	sbarrier.arrive $0xFFFF  }
0x51: {  	p0 =	sne.s32 s0, $0x0;
	_ =	strace $0x90000053  }
0x52: {  	s0 =	sadd.s32 @!p0 $0x100000, s1;
	[bflag:$0x2] =	sbarrier.arrive $0xFFFF  }
0x53: {  	[sflag:s0] =	ssyncadd.tile.s32 @!p0 $0x1;
	_ =	shalt  }
.Lfunc_end2:
_tile_overlayer_lowered:
.L_overlay_start_2:
0x54: {  	(tag) =	ssettag $0x2  }
0x55: {  	s0 =	rddreg [dreg:$0x0];
	s2 =	stileid.u32  }
0x56: {  	s1 =	rddreg [dreg:$0x1];
	p0 =	sne.s32 s2, $0x0  }
0x57: {  	s3 =	rddreg [dreg:$0x2];
	[bflag:$0x3] =	sbarrier.arrive $0xFFFF;
	s2 =	simm.s32 @!p0 $0x1C03  }
0x58: {  	[timem:s3], [sflag:s2] =	dma.local @!p0 [hbm:s0], s1  }
0x59: {  	s0 =	simm.s32 @!p0 $0x3  }
0x5a: {  	_ =	swait.ge @!p0 [sflag:s0], s1  }
0x5b: {  	s1 =	ssub.s32 @!p0 $0x0, s1;
	[sflag:s0] =	ssyncset.done @!p0 $0x0  }
0x5c: {  	[sflag:s0] =	ssyncadd.s32 @!p0 s1  }
0x5d: {  	[bflag:$0x3] =	sbarrier.arrive $0xFFFF  }
0x5e: {  	_ =	shalt  }

// kernel: kernel.34.cloned.1.call-start
scs
__scs_entry_jumppad:
0x0: {  	(pc) =	sbr.rel $0x88, $3  }
0x1: {  	(tag) =	ssettag $0x0;
	lr =	simm.s32 $0x1  }
0x2: {  	[smem:$0x3F8D] =	sst lr;
	_ =	strace $0xD0000000  }
0x3: {  	_ = 	snop  }
0x4: {  	_ = 	snop  }
0x5: {  	_ = 	snop  }
0x6: {  	_ = 	snop  }
0x7: {  	_ = 	snop  }
__scs_overlays_trampoline_lowered:
0x8: {  	[smem:$0x3F9C] =	sst s0  }
0x9: {  	[smem:$0x3F9D] =	sst s1  }
0xa: {  	[smem:$0x3F9E] =	sst s2  }
0xb: {  	[smem:$0x3F9F] =	sst s3  }
0xc: {  	[smem:$0x3FA0] =	sst s4  }
0xd: {  	[smem:$0x3FA1] =	sst s5  }
0xe: {  	[smem:$0x3FA2] =	sst s6  }
0xf: {  	[smem:$0x3FA3] =	sst s7  }
0x10: {  	[smem:$0x3FA4] =	sst s8  }
0x11: {  	[smem:$0x3FA5] =	sst s9;
	s0 =	simm.s32 @!p0 $0x0  }
0x12: {  	s1 =	sld [smem:$0x3F8B];
	s0 =	simm.s32 @p0 $0x1  }
0x13: {  	[smem:$0x3FA6] =	sst s0;
	s0 =	simm.s32 @!p1 $0x0  }
0x14: {  	s2 =	sld [smem:$0x3F8A];
	s0 =	simm.s32 @p1 $0x1  }
0x15: {  	[smem:$0x3FA7] =	sst s0;
	s0 =	simm.s32 @!p2 $0x0  }
0x16: {  	s3 =	sld [smem:$0x3FDB];
	s0 =	simm.s32 @p2 $0x1  }
0x17: {  	s4 =	simm.s32 $0x1BF5;
	[smem:$0x3FA9] =	sst s0  }
0x18: {  	s0 =	sld [smem:$0x3F8C];
	_ =	swait.ge [sflag:s4], $0x0  }
0x19: {  	s7 =	sld [smem:$0x3F8D]  }
0x1a: {  	s8 =	sadd.s32 $0xFFFFE003, lr  }
0x1b: {  	s9 =	sadd.s32 $0xFFFFFEF7, lr;
	s5 =	simm.s32 $0xFFFFFFFF;
	p2 =	slt.u32 s8, $0xFFFFF086  }
0x1c: {  	p1 =	slt.u32 s9, $0xF7A;
	s5 =	simm.s32 @!p2 $0x0  }
0x1d: {  	s5 =	simm.s32 @p1 $0x1;
	p0 =	seq.s32 s7, s2  }
0x1e: {  	s7 =	smul.u32 @!p0 $0xF7A, s2;
	p2 =	seq.s32 @!p0 s5, $0x0  }
0x1f: {  	s9 =	smul.u32 $0xF7A, s1;
	s8 =	simm.s32 @!p0 $0x1BF5;
	p2 =	por !p2, p0  }
0x20: {  	[sflag:s8] =	ssyncset.s32 @!p0 $0xFFFFF086;
	s6 =	sadd.s32 @!p0 s3, s7;
	s7 =	simm.s32 @!p0 $0x108  }
0x21: {  	s3 =	sadd.s32 s3, s9;
	s6 =	sadd.s32 @!p0 $0x88, s6;
	s7 =	simm.s32 @p2 $0x1082  }
0x22: {  	[simem:s7], [sflag:s8] =	dma.local @!p0 [hbm:s6], $0xF7A  }
0x23: {  	s9 =	sor.u32 $0xD0000000, s2;
	s6 =	simm.s32 $0x108;
	_ =	swait.ge @!p0 [sflag:s8], $0x0  }
0x24: {  	s3 =	sadd.s32 $0x88, s3;
	s6 =	simm.s32 @!p1 $0x1082;
	[sflag:s4] =	ssyncset.s32 $0xFFFFF086  }
0x25: {  	[simem:s6], [sflag:s4] =	dma.local [hbm:s3], $0xF7A  }
0x26: {  	[smem:$0x3F8D] =	sst s1;
	(tag) =	ssettag s2;
	_ =	strace s9  }
0x27: {  	s1 =	sld [smem:$0x3F9D]  }
0x28: {  	s2 =	sld [smem:$0x3F9E]  }
0x29: {  	s4 =	sld [smem:$0x3FA0]  }
0x2a: {  	p0 =	seq.s32 s5, $0x0;
	s5 =	sld [smem:$0x3FA1]  }
0x2b: {  	s6 =	sld [smem:$0x3FA2]  }
0x2c: {  	s7 =	sld [smem:$0x3FA3]  }
0x2d: {  	s3 =	simm.s32 $0x108;
	s8 =	sld [smem:$0x3FA4]  }
0x2e: {  	s3 =	simm.s32 @!p0 $0x1082;
	s9 =	sld [smem:$0x3FA5]  }
0x2f: {  	lr =	sadd.s32 s0, s3;
	s0 =	sld [smem:$0x3F9C]  }
0x30: {  	s3 =	sld [smem:$0x3F9F]  }
0x31: {  	[smem:$0x3FA8] =	sst s10  }
0x32: {  	s10 =	sld [smem:$0x3FA6];
	_ =	sdelay $0x3  }
0x33: {  	p0 =	seq.s32 s10, $0x1;
	s10 =	sld [smem:$0x3FA8];
	_ =	sdelay $0x3  }
0x34: {  	[smem:$0x3FA8] =	sst s10  }
0x35: {  	s10 =	sld [smem:$0x3FA7];
	_ =	sdelay $0x3  }
0x36: {  	p1 =	seq.s32 s10, $0x1;
	s10 =	sld [smem:$0x3FA8];
	_ =	sdelay $0x3  }
0x37: {  	[smem:$0x3FA8] =	sst s10  }
0x38: {  	s10 =	sld [smem:$0x3FA9]  }
0x39: {  	_ = 	snop;
	(pc) =	sbr.ind lr, $3  }
0x3a: {  	_ = 	snop  }
0x3b: {  	_ = 	snop  }
0x3c: {  	p2 =	seq.s32 s10, $0x1;
	s10 =	sld [smem:$0x3FA8]  }
0x3d: {  	_ =	shalt  }
0x3e: {  	_ =	shalt  }
0x3f: {  	_ =	shalt  }
0x40: {  	_ =	shalt  }
0x41: {  	_ =	shalt  }
0x42: {  	_ =	shalt  }
0x43: {  	_ =	shalt  }
0x44: {  	_ =	shalt  }
0x45: {  	_ =	shalt  }
0x46: {  	_ =	shalt  }
0x47: {  	_ =	shalt  }
0x48: {  	_ =	shalt  }
0x49: {  	_ =	shalt  }
0x4a: {  	_ =	shalt  }
0x4b: {  	_ =	shalt  }
0x4c: {  	_ =	shalt  }
0x4d: {  	_ =	shalt  }
0x4e: {  	_ =	shalt  }
0x4f: {  	_ =	shalt  }
0x50: {  	_ =	shalt  }
0x51: {  	_ =	shalt  }
0x52: {  	_ =	shalt  }
0x53: {  	_ =	shalt  }
0x54: {  	_ =	shalt  }
0x55: {  	_ =	shalt  }
0x56: {  	_ =	shalt  }
0x57: {  	_ =	shalt  }
0x58: {  	_ =	shalt  }
0x59: {  	_ =	shalt  }
0x5a: {  	_ =	shalt  }
0x5b: {  	_ =	shalt  }
0x5c: {  	_ =	shalt  }
0x5d: {  	_ =	shalt  }
0x5e: {  	_ =	shalt  }
0x5f: {  	_ =	shalt  }
0x60: {  	_ =	shalt  }
0x61: {  	_ =	shalt  }
0x62: {  	_ =	shalt  }
0x63: {  	_ =	shalt  }
0x64: {  	_ =	shalt  }
0x65: {  	_ =	shalt  }
0x66: {  	_ =	shalt  }
0x67: {  	_ =	shalt  }
0x68: {  	_ =	shalt  }
0x69: {  	_ =	shalt  }
0x6a: {  	_ =	shalt  }
0x6b: {  	_ =	shalt  }
0x6c: {  	_ =	shalt  }
0x6d: {  	_ =	shalt  }
0x6e: {  	_ =	shalt  }
0x6f: {  	_ =	shalt  }
0x70: {  	_ =	shalt  }
0x71: {  	_ =	shalt  }
0x72: {  	_ =	shalt  }
0x73: {  	_ =	shalt  }
0x74: {  	_ =	shalt  }
0x75: {  	_ =	shalt  }
0x76: {  	_ =	shalt  }
0x77: {  	_ =	shalt  }
0x78: {  	_ =	shalt  }
0x79: {  	_ =	shalt  }
0x7a: {  	_ =	shalt  }
0x7b: {  	_ =	shalt  }
0x7c: {  	_ =	shalt  }
0x7d: {  	_ =	shalt  }
0x7e: {  	_ =	shalt  }
0x7f: {  	_ =	shalt  }
0x80: {  	_ =	shalt  }
0x81: {  	_ =	shalt  }
0x82: {  	_ =	shalt  }
0x83: {  	_ =	shalt  }
0x84: {  	_ =	shalt  }
0x85: {  	_ =	shalt  }
0x86: {  	_ =	shalt  }
0x87: {  	_ =	shalt  }
.Lfunc_end0:
.L_simem_size_0:
called_computation.6_lowered:
.L_overlay_start_0:
0x88: {  	s2 =	sld [smem:$0x3FD9]  }
0x89: {  	s3 =	sld [smem:$0x3FFE];
	_ =	sdelay $0x1  }
0x8a: {  	s1 =	srdreg.scid  }
0x8b: {  	s0 =	sand.u32 $0x1, s1  }
0x8c: {  	s17 =	sshll.u32 s0, $0xA;
	s2 =	sadd.s32 s3, s2  }
0x8d: {  	s2 =	sadd.s32 s2, s17  }
0x8e: {  	[smem:$0x3FB4] =	sst s2  }
0x8f: {  	_ = 	snop  }
0x90: {  	(tm) =	ssettm $0x1  }
0x91: {  	s18 =	sld [smem:$0x3FFB];
	_ =	sdelay $0x3  }
0x92: {  	_ =	strace s18  }
0x93: {  	s2 =	sld [smem:$0x3FFC];
	_ =	sdelay $0x3  }
0x94: {  	_ =	strace s2  }
0x95: {  	s2 =	sld [smem:$0x3FFD];
	_ =	sdelay $0x3  }
0x96: {  	_ =	strace s2  }
0x97: {  	_ =	strace $0x8FFFFFFF  }
0x98: {  	s19 =	sld [smem:$0x3FDB];
	_ =	sdelay $0x1  }
0x99: {  	s20 =	simm.s32 $_scs_section_size  }
0x9a: {  	s4 =	simm.s32 $_size__tile_overlayer_lowered;
	s5 =	simm.s32 $_tile_overlayer_lowered  }
0x9b: {  	s6 =	simm.s32 $0x1BFF;
	s21 =	sshll.u32 s5, $0x1;
	s3 =	sadd.s32 s20, s19  }
0x9c: {  	s22 =	simm.s32 $0x0;
	s4 =	sshll.u32 s4, $0x1;
	s5 =	sadd.s32 s21, s3  }
0x9d: {  	[timem:s22], [sflag:s6] =	dma.local [hbm:s5], s4  }
0x9e: {  	_ =	swait.ge [sflag:s6], s4  }
0x9f: {  	s4 =	ssub.s32 $0x0, s4;
	[sflag:s6] =	ssyncset.done $0x0  }
0xa0: {  	[sflag:s6] =	ssyncadd.s32 s4;
	_ =	sdelay $0x1  }
0xa1: {  	s23 =	simm.s32 $0x1B8B  }
0xa2: {  	_ =	swait.ge [sflag:s23], $0x1  }
0xa3: {  	[sflag:s23] =	ssyncset.done $0x0  }
0xa4: {  	[sflag:s23] =	ssyncadd.s32 $0xFFFFFFFF  }
0xa5: {  	s4 =	sld [smem:$0x0]  }
0xa6: {  	s5 =	sand.u32 $0xFFFFFFFE, s1  }
0xa7: {  	p0 =	sne.s32 s1, s5  }
0xa8: {  	s5 =	sshll.u32 @p0 s5, $0xE  }
0xa9: {  	s5 =	sadd.s32 @p0 $0x11B8D, s5;
	s6 =	sshll.u32 @p0 s4, $0x11  }
0xaa: {  	s5 =	sor.u32 @p0 s6, s5  }
0xab: {  	[sflag:s5] =	ssyncadd.remote.s32 @p0 $0x1;
	_ =	sdelay $0x1  }
0xac: {  	s5 =	simm.s32 @p0 $0x1B8D  }
0xad: {  	_ =	swait.eq @p0 [sflag:s5], $0x1  }
0xae: {  	[sflag:s5] =	ssyncadd.s32 @p0 $0xFFFFFFFF  }
0xaf: {  	s6 =	sshll.u32 @!p0 s1, $0xE  }
0xb0: {  	s6 =	sor.u32 @!p0 $0x4000, s6;
	s5 =	simm.s32 @!p0 $0x1B8D  }
0xb1: {  	s4 =	sshll.u32 @!p0 s4, $0x11;
	s6 =	sadd.s32 @!p0 $0x11B8D, s6;
	_ =	swait.eq @!p0 [sflag:s5], $0x1  }
0xb2: {  	s4 =	sor.u32 @!p0 s4, s6;
	[sflag:s5] =	ssyncadd.s32 @!p0 $0xFFFFFFFF  }
0xb3: {  	s25 =	simm.s32 $0x1B8E;
	s24 =	sld [smem:$0x3FFE];
	[sflag:s4] =	ssyncadd.remote.s32 @!p0 $0x1  }
0xb4: {  	s26 =	simm.s32 $execute0_lowered;
	[smem:$0x3FD2] =	sst s25  }
0xb5: {  	s5 =	sshll.u32 s26, $0x1;
	_ =	strace $0x8000005B;
	[dreg:$0x1] =	wrdreg $0xFFFFFFFF  }
0xb6: {  	s28 =	simm.s32 $_size_execute0_lowered;
	s3 =	sadd.s32 s3, s5;
	[dreg:$0x0] =	wrdreg $0x0  }
0xb7: {  	s5 =	sshll.u32 s28, $0x1;
	[dreg:$0x2] =	wrdreg s3  }
0xb8: {  	[dreg:$0x3] =	wrdreg s5  }
0xb9: {  	[dreg:$0x4] =	wrdreg $0xC0  }
0xba: {  	_ =	task [dreg:s22], $0x5FFFF  }
0xbb: {  	[dreg:$0x1] =	wrdreg $0xFFFFFFFF  }
0xbc: {  	[dreg:$0x0] =	wrdreg $0x60  }
0xbd: {  	[dreg:$0x2] =	wrdreg s24  }
0xbe: {  	[dreg:$0x3] =	wrdreg $0xA8000  }
0xbf: {  	[dreg:$0x4] =	wrdreg $0x9  }
0xc0: {  	_ =	task.clear_ibuf [dreg:s22], $0x5FFFF;
	_ =	strace $0x9000005B  }
0xc1: {  	s29 =	simm.s32 $0x9;
	_ =	strace $0x8000005D  }
0xc2: {  	_ =	swait.ge [sflag:s29], $0x1  }
0xc3: {  	[sflag:s29] =	ssyncadd.s32 $0xFFFFFFFF  }
0xc4: {  	_ =	strace $0x9000005D  }
0xc5: {  	_ =	sfence  }
0xc6: {  	s30 =	sld [smem:$0x0];
	_ =	sdelay $0x2  }
0xc7: {  	s31 =	sshll.u32 s1, $0xD;
	s1 =	sshrl.u32 s1, $0x2  }
0xc8: {  	s4 =	sand.u32 $0x4000, s31;
	s1 =	sadd.s32 s1, s30  }
0xc9: {  	s0 =	sor.u32 s4, s0;
	s1 =	sshll.u32 s1, $0x11  }
0xca: {  	s0 =	sor.u32 s1, s0  }
0xcb: {  	s0 =	sadd.s32 $0x8F2B, s0  }
0xcc: {  	[sflag:s0] =	ssyncadd.remote.s32 $0x1  }
0xcd: {  	_ =	sfence.sel $0xFFFF  }
0xce: {  	[dreg:$0x0] =	wrdreg $0xFFFFFFFF;
	(pc) =	sbr.abs _section_cstart, $3  }
0xcf: {  	[dreg:$0x1] =	wrdreg $0xFFFFFFFF  }
0xd0: {  	_ =	task.clear_ibuf [dreg:s22], $0x2FFFF;
	_ =	strace $0x9FFFFFFF  }
0xd1: {  	(tm) =	ssettm $0x7FFFFFFF  }
tec
execute0_lowered:
.L_overlay_start_1:
0x0: {  	(tag) =	ssettag $0x1  }
0x1: {  	s1 =	srdreg.scid;
	s5 =	rddreg [dreg:$0x0]  }
0x2: {  	s0 =	stileid.u32;
	s2 =	rddreg [dreg:$0x1]  }
0x3: {  	s3 =	simm.s32 $0x0;
	s16 =	simm.s32 $0x2800;
	s17 =	simm.s32 $0x6800  }
0x4: {  	s18 =	simm.s32 $0x1;
	s19 =	simm.s32 $0x80;
	s8 =	smul.u32 $0x13C00, s0  }
0x5: {  	s4 =	sand.u32 $0x1, s1;
	s1 =	rddreg [dreg:$0x2];
	s12 =	smul.u32 $0x4F000, s0  }
0x6: {  	s20 =	sshll.u32 s0, $0x1;
	[smem:$0x7FF] =	sst s3;
	s25 =	smul.u32 $0x96, s0  }
0x7: {  	s10 =	sadd.s32 $0x4CC600, s5;
	s26 =	sshll.u32 s0, $0x6;
	s9 =	smul.u32 $0x13C000, s4  }
0x8: {  	s6 =	sor.u32 s4, s20;
	_ =	strace $0x8000005C;
	s28 =	smul.u32 $0x4B, s4  }
0x9: {  	s21 =	ssub.s32 $0x2, s4;
	s20 =	simm.s32 $0x2;
	s7 =	smul.u32 $0x500, s6  }
0xa: {  	s11 =	sshrl.u32 s8, $0x3;
	s22 =	sshrl.u32 s21, $0x1;
	s23 =	smul.u32 $0x12C000, s6  }
0xb: {  	s24 =	sshrl.u32 s12, $0x2;
	s29 =	smul.u32 $0x25800, s6;
	s11 =	sadd.s32 s11, s5  }
0xc: {  	s8 =	sadd.s32 s8, s9;
	s14 =	ssub.s32 s21, s22;
	s15 =	sadd.s32 s24, s2  }
0xd: {  	s9 =	sadd.s32 s28, s25;
	s21 =	simm.s32 $0x2400;
	s22 =	simm.s32 $0x2480  }
0xe: {  	s24 =	simm.s32 $0x0;
	s7 =	sadd.s32 s7, s5;
	s8 =	sshrl.u32 s8, $0x3  }
0xf: {  	s4 =	sadd.s32 $0x12600, s11;
	s30 =	sshll.u32 s9, $0xB;
	s13 =	sadd.s32 s8, s5  }
0x10: {  	s5 =	sor.u32 $0x1C03, s26;
	s6 =	sadd.s32 $0x4C2600, s7;
	s8 =	sshrl.u32 s23, $0x3  }
0x11: {  	s7 =	sadd.s32 s10, s29;
	s31 =	sadd.s32 s30, s10;
	s23 =	simm.s32 $0x2500  }
0x12: {  	s8 =	sadd.s32 s10, s8;
	s9 =	sadd.s32 $0x88E00, s13;
	s10 =	smax.u32 s14, $0x1  }
0x13: {  	s11 =	sadd.s32 $0x25000, s7;
	s12 =	sadd.s32 $0x1800, s31;
	s13 =	sadd.s32 $0x1000, s31  }
0x14: {  	s14 =	sshrl.u32 s15, $0x3;
	s15 =	simm.s32 $0x3;
	s8 =	sadd.s32 $0x800, s8  }
.LBB2_1:
0x15: {  	[spmem:s14], [sflag:s5] =	dma.local [hbm:s4], $0x2780  }
0x16: {  	_ =	swait.ge [sflag:s15], $0x2780  }
0x17: {  	[sflag:s15] =	ssyncset.done $0x0  }
0x18: {  	[sflag:s15] =	ssyncadd.s32 $0xFFFFD880  }
0x19: {  	[tilespmem:s3], [sflag:$0x3] =	stream.linear.gather [hbm4b:s6+s3], $0x2580, $0x38;
	[tilespmem:$0x1E400] =	vst v63  }
0x1a: {  	_ =	swait.ge [sflag:s15], $0x2580  }
0x1b: {  	[sflag:s15] =	ssyncset.done $0x0  }
0x1c: {  	[sflag:s15] =	ssyncadd.s32 $0xFFFFDA80  }
0x1d: {  	[bflag:$0x0] =	sbarrier.arrive $0xFFFF  }
0x1e: {  	[tilespmem:s16], [sflag:$0x1] =	stream.linear.gather [hbm4b:s7+s3], $0x4000, $0x38;
	[tilespmem:$0x1E400] =	vst v63  }
0x1f: {  	_ = 	snop  }
0x20: {  	[tilespmem:s17], [sflag:$0x2] =	stream.linear.gather [hbm4b:s8+s3], $0x4000, $0x38;
	[tilespmem:$0x1E400] =	vst v63  }
0x21: {  	_ =	swait.ge [sflag:s18], $0x4000  }
0x22: {  	[sflag:s18] =	ssyncset.done $0x0  }
0x23: {  	s25 =	simm.s32 $0x0;
	[sflag:s18] =	ssyncadd.s32 $0xFFFFC000  }
0x24: {  	[spmem:s2] =	stream.indirect.scatter.add.f32 [tilespmem:s16], [sflag:$0x3], $0x80, s25, s19, $0xb8;
	[tilespmem:$0x1E400] =	vst v63  }
0x25: {  	_ =	swait.ge [sflag:s15], $0x4000  }
0x26: {  	[sflag:s15] =	ssyncset.done $0x0  }
0x27: {  	s31 =	sadd.s32 $0x0, s13;
	[sflag:s15] =	ssyncadd.s32 $0xFFFFC000  }
0x28: {  	[tilespmem:s16], [sflag:$0x1] =	stream.linear.gather [hbm4b:s31+s3], $0x4000, $0x38;
	[tilespmem:$0x1E400] =	vst v63  }
0x29: {  	_ =	swait.ge [sflag:s20], $0x4000  }
0x2a: {  	[sflag:s20] =	ssyncset.done $0x0  }
0x2b: {  	[sflag:s20] =	ssyncadd.s32 $0xFFFFC000  }
0x2c: {  	[spmem:s2] =	stream.indirect.scatter.add.f32 [tilespmem:s17], [sflag:$0x3], $0x80, s19, s19, $0xb8;
	[tilespmem:$0x1E400] =	vst v63  }
0x2d: {  	_ =	swait.ge [sflag:s15], $0x4000  }
0x2e: {  	s28 =	sadd.s32 $0x0, s12;
	[sflag:s15] =	ssyncset.done $0x0  }
0x2f: {  	s26 =	simm.s32 $0x180;
	s25 =	simm.s32 $0x1000;
	[sflag:s15] =	ssyncadd.s32 $0xFFFFC000  }
.LBB2_2:
0x30: {  	[tilespmem:s17], [sflag:$0x2] =	stream.linear.gather [hbm4b:s28+s3], $0x4000, $0x38;
	[tilespmem:$0x1E400] =	vst v63  }
0x31: {  	s28 =	smov.u32 s25  }
0x32: {  	p0 =	sne.s32 s25, $0x23000;
	s25 =	sadd.s32 $0x1000, s25;
	_ =	swait.ge [sflag:s18], $0x4000  }
0x33: {  	[sflag:s18] =	ssyncset.done $0x0  }
0x34: {  	s29 =	sadd.s32 $0xFFFFFF80, s26;
	[sflag:s18] =	ssyncadd.s32 $0xFFFFC000  }
0x35: {  	[spmem:s2] =	stream.indirect.scatter.add.f32 [tilespmem:s16], [sflag:$0x3], $0x80, s29, s19, $0xb8;
	[tilespmem:$0x1E400] =	vst v63  }
0x36: {  	_ =	swait.ge [sflag:s15], $0x4000  }
0x37: {  	[sflag:s15] =	ssyncset.done $0x0  }
0x38: {  	s29 =	sadd.s32 s28, s13;
	[sflag:s15] =	ssyncadd.s32 $0xFFFFC000  }
0x39: {  	[tilespmem:s16], [sflag:$0x1] =	stream.linear.gather [hbm4b:s29+s3], $0x4000, $0x38;
	[tilespmem:$0x1E400] =	vst v63  }
0x3a: {  	_ =	swait.ge [sflag:s20], $0x4000  }
0x3b: {  	[sflag:s20] =	ssyncset.done $0x0  }
.Ltmp0:
0x3c: {  	[sflag:s20] =	ssyncadd.s32 $0xFFFFC000;
	(pc) =	sbr.rel @p0 .LBB2_2-.Ltmp0, $4  }
0x3d: {  	[spmem:s2] =	stream.indirect.scatter.add.f32 [tilespmem:s17], [sflag:$0x3], $0x80, s26, s19, $0xb8;
	[tilespmem:$0x1E400] =	vst v63  }
0x3e: {  	_ =	swait.ge [sflag:s15], $0x4000  }
0x3f: {  	[sflag:s15] =	ssyncset.done $0x0  }
0x40: {  	s28 =	sadd.s32 s28, s12;
	s26 =	sadd.s32 $0x100, s26;
	[sflag:s15] =	ssyncadd.s32 $0xFFFFC000  }
0x41: {  	[tilespmem:s17], [sflag:$0x2] =	stream.linear.gather [hbm4b:s28+s3], $0x4000, $0x38;
	[tilespmem:$0x1E400] =	vst v63  }
0x42: {  	_ =	swait.ge [sflag:s18], $0x4000  }
0x43: {  	[sflag:s18] =	ssyncset.done $0x0  }
0x44: {  	[sflag:s18] =	ssyncadd.s32 $0xFFFFC000  }
0x45: {  	[spmem:s2] =	stream.indirect.scatter.add.f32 [tilespmem:s16], [sflag:$0x3], $0x80, s21, s19, $0xb8;
	[tilespmem:$0x1E400] =	vst v63  }
0x46: {  	_ =	swait.ge [sflag:s15], $0x4000  }
0x47: {  	[sflag:s15] =	ssyncset.done $0x0  }
0x48: {  	[sflag:s15] =	ssyncadd.s32 $0xFFFFC000  }
0x49: {  	[tilespmem:s16], [sflag:$0x1] =	stream.linear.gather [hbm4b:s11+s3], $0x4000, $0x38;
	[tilespmem:$0x1E400] =	vst v63  }
0x4a: {  	_ =	swait.ge [sflag:s20], $0x4000  }
0x4b: {  	[sflag:s20] =	ssyncset.done $0x0  }
0x4c: {  	[sflag:s20] =	ssyncadd.s32 $0xFFFFC000  }
0x4d: {  	[spmem:s2] =	stream.indirect.scatter.add.f32 [tilespmem:s17], [sflag:$0x3], $0x80, s22, s19, $0xb8;
	[tilespmem:$0x1E400] =	vst v63  }
0x4e: {  	_ =	swait.ge [sflag:s15], $0x4000  }
0x4f: {  	[sflag:s15] =	ssyncset.done $0x0  }
0x50: {  	[sflag:s15] =	ssyncadd.s32 $0xFFFFC000  }
0x51: {  	_ =	swait.ge [sflag:s18], $0x4000  }
0x52: {  	[sflag:s18] =	ssyncset.done $0x0  }
0x53: {  	[sflag:s18] =	ssyncadd.s32 $0xFFFFC000  }
0x54: {  	[spmem:s2] =	stream.indirect.scatter.add.f32 [tilespmem:s16], [sflag:$0x3], $0x80, s23, s19, $0xb8;
	[tilespmem:$0x1E400] =	vst v63  }
0x55: {  	_ =	swait.ge [sflag:s15], $0x4000  }
0x56: {  	s24 =	sadd.s32 $0x1, s24;
	[sflag:s15] =	ssyncset.done $0x0  }
0x57: {  	p0 =	sne.s32 s24, s10;
	[sflag:s15] =	ssyncadd.s32 $0xFFFFC000  }
.Ltmp1:
0x58: {  	[bflag:$0x0] =	sbarrier.arrive $0xFFFF;
	(pc) =	sbr.rel @p0 .LBB2_1-.Ltmp1, $4  }
0x59: {  	[hbm:s9], [sflag:s5] =	dma.local [spmem:s14], $0x2780  }
0x5a: {  	_ =	swait.ge [sflag:s15], $0x2780  }
0x5b: {  	[sflag:s15] =	ssyncset.done $0x0  }
0x5c: {  	[sflag:s15] =	ssyncadd.s32 $0xFFFFD880  }
0x5d: {  	_ =	sfence.sel $0x180000  }
0x5e: {  	[bflag:$0x0] =	sbarrier.arrive $0xFFFF  }
0x5f: {  	p0 =	sne.s32 s0, $0x0;
	_ =	strace $0x9000005C  }
0x60: {  	s0 =	sadd.s32 @!p0 $0x100000, s1;
	[bflag:$0x2] =	sbarrier.arrive $0xFFFF  }
0x61: {  	[sflag:s0] =	ssyncadd.tile.s32 @!p0 $0x1;
	_ =	shalt  }
.Lfunc_end2:
_tile_overlayer_lowered:
.L_overlay_start_2:
0x62: {  	(tag) =	ssettag $0x2  }
0x63: {  	s0 =	rddreg [dreg:$0x0];
	s2 =	stileid.u32  }
0x64: {  	s1 =	rddreg [dreg:$0x1];
	p0 =	sne.s32 s2, $0x0  }
0x65: {  	s3 =	rddreg [dreg:$0x2];
	[bflag:$0x3] =	sbarrier.arrive $0xFFFF;
	s2 =	simm.s32 @!p0 $0x1C03  }
0x66: {  	[timem:s3], [sflag:s2] =	dma.local @!p0 [hbm:s0], s1  }
0x67: {  	s0 =	simm.s32 @!p0 $0x3  }
0x68: {  	_ =	swait.ge @!p0 [sflag:s0], s1  }
0x69: {  	s1 =	ssub.s32 @!p0 $0x0, s1;
	[sflag:s0] =	ssyncset.done @!p0 $0x0  }
0x6a: {  	[sflag:s0] =	ssyncadd.s32 @!p0 s1  }
0x6b: {  	[bflag:$0x3] =	sbarrier.arrive $0xFFFF  }
0x6c: {  	_ =	shalt  }

// kernel: kernel.37.cloned.1.call-start
scs
__scs_entry_jumppad:
0x0: {  	(pc) =	sbr.rel $0x88, $3  }
0x1: {  	(tag) =	ssettag $0x0;
	lr =	simm.s32 $0x1  }
0x2: {  	[smem:$0x3F8D] =	sst lr;
	_ =	strace $0xD0000000  }
0x3: {  	_ = 	snop  }
0x4: {  	_ = 	snop  }
0x5: {  	_ = 	snop  }
0x6: {  	_ = 	snop  }
0x7: {  	_ = 	snop  }
__scs_overlays_trampoline_lowered:
0x8: {  	[smem:$0x3F9C] =	sst s0  }
0x9: {  	[smem:$0x3F9D] =	sst s1  }
0xa: {  	[smem:$0x3F9E] =	sst s2  }
0xb: {  	[smem:$0x3F9F] =	sst s3  }
0xc: {  	[smem:$0x3FA0] =	sst s4  }
0xd: {  	[smem:$0x3FA1] =	sst s5  }
0xe: {  	[smem:$0x3FA2] =	sst s6  }
0xf: {  	[smem:$0x3FA3] =	sst s7  }
0x10: {  	[smem:$0x3FA4] =	sst s8  }
0x11: {  	[smem:$0x3FA5] =	sst s9;
	s0 =	simm.s32 @!p0 $0x0  }
0x12: {  	s1 =	sld [smem:$0x3F8B];
	s0 =	simm.s32 @p0 $0x1  }
0x13: {  	[smem:$0x3FA6] =	sst s0;
	s0 =	simm.s32 @!p1 $0x0  }
0x14: {  	s2 =	sld [smem:$0x3F8A];
	s0 =	simm.s32 @p1 $0x1  }
0x15: {  	[smem:$0x3FA7] =	sst s0;
	s0 =	simm.s32 @!p2 $0x0  }
0x16: {  	s3 =	sld [smem:$0x3FDB];
	s0 =	simm.s32 @p2 $0x1  }
0x17: {  	s4 =	simm.s32 $0x1BF5;
	[smem:$0x3FA9] =	sst s0  }
0x18: {  	s0 =	sld [smem:$0x3F8C];
	_ =	swait.ge [sflag:s4], $0x0  }
0x19: {  	s7 =	sld [smem:$0x3F8D]  }
0x1a: {  	s8 =	sadd.s32 $0xFFFFE003, lr  }
0x1b: {  	s9 =	sadd.s32 $0xFFFFFEF7, lr;
	s5 =	simm.s32 $0xFFFFFFFF;
	p2 =	slt.u32 s8, $0xFFFFF086  }
0x1c: {  	p1 =	slt.u32 s9, $0xF7A;
	s5 =	simm.s32 @!p2 $0x0  }
0x1d: {  	s5 =	simm.s32 @p1 $0x1;
	p0 =	seq.s32 s7, s2  }
0x1e: {  	s7 =	smul.u32 @!p0 $0xF7A, s2;
	p2 =	seq.s32 @!p0 s5, $0x0  }
0x1f: {  	s9 =	smul.u32 $0xF7A, s1;
	s8 =	simm.s32 @!p0 $0x1BF5;
	p2 =	por !p2, p0  }
0x20: {  	[sflag:s8] =	ssyncset.s32 @!p0 $0xFFFFF086;
	s6 =	sadd.s32 @!p0 s3, s7;
	s7 =	simm.s32 @!p0 $0x108  }
0x21: {  	s3 =	sadd.s32 s3, s9;
	s6 =	sadd.s32 @!p0 $0x88, s6;
	s7 =	simm.s32 @p2 $0x1082  }
0x22: {  	[simem:s7], [sflag:s8] =	dma.local @!p0 [hbm:s6], $0xF7A  }
0x23: {  	s9 =	sor.u32 $0xD0000000, s2;
	s6 =	simm.s32 $0x108;
	_ =	swait.ge @!p0 [sflag:s8], $0x0  }
0x24: {  	s3 =	sadd.s32 $0x88, s3;
	s6 =	simm.s32 @!p1 $0x1082;
	[sflag:s4] =	ssyncset.s32 $0xFFFFF086  }
0x25: {  	[simem:s6], [sflag:s4] =	dma.local [hbm:s3], $0xF7A  }
0x26: {  	[smem:$0x3F8D] =	sst s1;
	(tag) =	ssettag s2;
	_ =	strace s9  }
0x27: {  	s1 =	sld [smem:$0x3F9D]  }
0x28: {  	s2 =	sld [smem:$0x3F9E]  }
0x29: {  	s4 =	sld [smem:$0x3FA0]  }
0x2a: {  	p0 =	seq.s32 s5, $0x0;
	s5 =	sld [smem:$0x3FA1]  }
0x2b: {  	s6 =	sld [smem:$0x3FA2]  }
0x2c: {  	s7 =	sld [smem:$0x3FA3]  }
0x2d: {  	s3 =	simm.s32 $0x108;
	s8 =	sld [smem:$0x3FA4]  }
0x2e: {  	s3 =	simm.s32 @!p0 $0x1082;
	s9 =	sld [smem:$0x3FA5]  }
0x2f: {  	lr =	sadd.s32 s0, s3;
	s0 =	sld [smem:$0x3F9C]  }
0x30: {  	s3 =	sld [smem:$0x3F9F]  }
0x31: {  	[smem:$0x3FA8] =	sst s10  }
0x32: {  	s10 =	sld [smem:$0x3FA6];
	_ =	sdelay $0x3  }
0x33: {  	p0 =	seq.s32 s10, $0x1;
	s10 =	sld [smem:$0x3FA8];
	_ =	sdelay $0x3  }
0x34: {  	[smem:$0x3FA8] =	sst s10  }
0x35: {  	s10 =	sld [smem:$0x3FA7];
	_ =	sdelay $0x3  }
0x36: {  	p1 =	seq.s32 s10, $0x1;
	s10 =	sld [smem:$0x3FA8];
	_ =	sdelay $0x3  }
0x37: {  	[smem:$0x3FA8] =	sst s10  }
0x38: {  	s10 =	sld [smem:$0x3FA9]  }
0x39: {  	_ = 	snop;
	(pc) =	sbr.ind lr, $3  }
0x3a: {  	_ = 	snop  }
0x3b: {  	_ = 	snop  }
0x3c: {  	p2 =	seq.s32 s10, $0x1;
	s10 =	sld [smem:$0x3FA8]  }
0x3d: {  	_ =	shalt  }
0x3e: {  	_ =	shalt  }
0x3f: {  	_ =	shalt  }
0x40: {  	_ =	shalt  }
0x41: {  	_ =	shalt  }
0x42: {  	_ =	shalt  }
0x43: {  	_ =	shalt  }
0x44: {  	_ =	shalt  }
0x45: {  	_ =	shalt  }
0x46: {  	_ =	shalt  }
0x47: {  	_ =	shalt  }
0x48: {  	_ =	shalt  }
0x49: {  	_ =	shalt  }
0x4a: {  	_ =	shalt  }
0x4b: {  	_ =	shalt  }
0x4c: {  	_ =	shalt  }
0x4d: {  	_ =	shalt  }
0x4e: {  	_ =	shalt  }
0x4f: {  	_ =	shalt  }
0x50: {  	_ =	shalt  }
0x51: {  	_ =	shalt  }
0x52: {  	_ =	shalt  }
0x53: {  	_ =	shalt  }
0x54: {  	_ =	shalt  }
0x55: {  	_ =	shalt  }
0x56: {  	_ =	shalt  }
0x57: {  	_ =	shalt  }
0x58: {  	_ =	shalt  }
0x59: {  	_ =	shalt  }
0x5a: {  	_ =	shalt  }
0x5b: {  	_ =	shalt  }
0x5c: {  	_ =	shalt  }
0x5d: {  	_ =	shalt  }
0x5e: {  	_ =	shalt  }
0x5f: {  	_ =	shalt  }
0x60: {  	_ =	shalt  }
0x61: {  	_ =	shalt  }
0x62: {  	_ =	shalt  }
0x63: {  	_ =	shalt  }
0x64: {  	_ =	shalt  }
0x65: {  	_ =	shalt  }
0x66: {  	_ =	shalt  }
0x67: {  	_ =	shalt  }
0x68: {  	_ =	shalt  }
0x69: {  	_ =	shalt  }
0x6a: {  	_ =	shalt  }
0x6b: {  	_ =	shalt  }
0x6c: {  	_ =	shalt  }
0x6d: {  	_ =	shalt  }
0x6e: {  	_ =	shalt  }
0x6f: {  	_ =	shalt  }
0x70: {  	_ =	shalt  }
0x71: {  	_ =	shalt  }
0x72: {  	_ =	shalt  }
0x73: {  	_ =	shalt  }
0x74: {  	_ =	shalt  }
0x75: {  	_ =	shalt  }
0x76: {  	_ =	shalt  }
0x77: {  	_ =	shalt  }
0x78: {  	_ =	shalt  }
0x79: {  	_ =	shalt  }
0x7a: {  	_ =	shalt  }
0x7b: {  	_ =	shalt  }
0x7c: {  	_ =	shalt  }
0x7d: {  	_ =	shalt  }
0x7e: {  	_ =	shalt  }
0x7f: {  	_ =	shalt  }
0x80: {  	_ =	shalt  }
0x81: {  	_ =	shalt  }
0x82: {  	_ =	shalt  }
0x83: {  	_ =	shalt  }
0x84: {  	_ =	shalt  }
0x85: {  	_ =	shalt  }
0x86: {  	_ =	shalt  }
0x87: {  	_ =	shalt  }
.Lfunc_end0:
.L_simem_size_0:
called_computation.7_lowered:
.L_overlay_start_0:
0x88: {  	s2 =	sld [smem:$0x3FD9]  }
0x89: {  	s3 =	sld [smem:$0x3FFE];
	_ =	sdelay $0x1  }
0x8a: {  	s1 =	srdreg.scid  }
0x8b: {  	s0 =	sand.u32 $0x1, s1  }
0x8c: {  	s17 =	sshll.u32 s0, $0xA;
	s2 =	sadd.s32 s3, s2  }
0x8d: {  	s2 =	sadd.s32 s2, s17  }
0x8e: {  	[smem:$0x3FB4] =	sst s2  }
0x8f: {  	_ = 	snop  }
0x90: {  	(tm) =	ssettm $0x1  }
0x91: {  	s18 =	sld [smem:$0x3FFB];
	_ =	sdelay $0x3  }
0x92: {  	_ =	strace s18  }
0x93: {  	s2 =	sld [smem:$0x3FFC];
	_ =	sdelay $0x3  }
0x94: {  	_ =	strace s2  }
0x95: {  	s2 =	sld [smem:$0x3FFD];
	_ =	sdelay $0x3  }
0x96: {  	_ =	strace s2  }
0x97: {  	_ =	strace $0x8FFFFFFF  }
0x98: {  	s19 =	sld [smem:$0x3FDB];
	_ =	sdelay $0x1  }
0x99: {  	s20 =	simm.s32 $_scs_section_size  }
0x9a: {  	s4 =	simm.s32 $_size__tile_overlayer_lowered;
	s5 =	simm.s32 $_tile_overlayer_lowered  }
0x9b: {  	s6 =	simm.s32 $0x1BFF;
	s21 =	sshll.u32 s5, $0x1;
	s3 =	sadd.s32 s20, s19  }
0x9c: {  	s22 =	simm.s32 $0x0;
	s4 =	sshll.u32 s4, $0x1;
	s5 =	sadd.s32 s21, s3  }
0x9d: {  	[timem:s22], [sflag:s6] =	dma.local [hbm:s5], s4  }
0x9e: {  	_ =	swait.ge [sflag:s6], s4  }
0x9f: {  	s4 =	ssub.s32 $0x0, s4;
	[sflag:s6] =	ssyncset.done $0x0  }
0xa0: {  	[sflag:s6] =	ssyncadd.s32 s4;
	_ =	sdelay $0x1  }
0xa1: {  	s23 =	simm.s32 $0x1B8B  }
0xa2: {  	_ =	swait.ge [sflag:s23], $0x1  }
0xa3: {  	[sflag:s23] =	ssyncset.done $0x0  }
0xa4: {  	[sflag:s23] =	ssyncadd.s32 $0xFFFFFFFF  }
0xa5: {  	s4 =	sld [smem:$0x0]  }
0xa6: {  	s5 =	sand.u32 $0xFFFFFFFE, s1  }
0xa7: {  	p0 =	sne.s32 s1, s5  }
0xa8: {  	s5 =	sshll.u32 @p0 s5, $0xE  }
0xa9: {  	s5 =	sadd.s32 @p0 $0x11B8D, s5;
	s6 =	sshll.u32 @p0 s4, $0x11  }
0xaa: {  	s5 =	sor.u32 @p0 s6, s5  }
0xab: {  	[sflag:s5] =	ssyncadd.remote.s32 @p0 $0x1;
	_ =	sdelay $0x1  }
0xac: {  	s5 =	simm.s32 @p0 $0x1B8D  }
0xad: {  	_ =	swait.eq @p0 [sflag:s5], $0x1  }
0xae: {  	[sflag:s5] =	ssyncadd.s32 @p0 $0xFFFFFFFF  }
0xaf: {  	s6 =	sshll.u32 @!p0 s1, $0xE  }
0xb0: {  	s6 =	sor.u32 @!p0 $0x4000, s6;
	s5 =	simm.s32 @!p0 $0x1B8D  }
0xb1: {  	s4 =	sshll.u32 @!p0 s4, $0x11;
	s6 =	sadd.s32 @!p0 $0x11B8D, s6;
	_ =	swait.eq @!p0 [sflag:s5], $0x1  }
0xb2: {  	s4 =	sor.u32 @!p0 s4, s6;
	[sflag:s5] =	ssyncadd.s32 @!p0 $0xFFFFFFFF  }
0xb3: {  	s25 =	simm.s32 $0x1B8E;
	s24 =	sld [smem:$0x3FFE];
	[sflag:s4] =	ssyncadd.remote.s32 @!p0 $0x1  }
0xb4: {  	s26 =	simm.s32 $execute0_lowered;
	[smem:$0x3FD2] =	sst s25  }
0xb5: {  	s5 =	sshll.u32 s26, $0x1;
	_ =	strace $0x80000058;
	[dreg:$0x1] =	wrdreg $0xFFFFFFFF  }
0xb6: {  	s28 =	simm.s32 $_size_execute0_lowered;
	s3 =	sadd.s32 s3, s5;
	[dreg:$0x0] =	wrdreg $0x0  }
0xb7: {  	s5 =	sshll.u32 s28, $0x1;
	[dreg:$0x2] =	wrdreg s3  }
0xb8: {  	[dreg:$0x3] =	wrdreg s5  }
0xb9: {  	[dreg:$0x4] =	wrdreg $0xC0  }
0xba: {  	_ =	task [dreg:s22], $0x5FFFF  }
0xbb: {  	[dreg:$0x1] =	wrdreg $0xFFFFFFFF  }
0xbc: {  	[dreg:$0x0] =	wrdreg $0x60  }
0xbd: {  	[dreg:$0x2] =	wrdreg s24  }
0xbe: {  	[dreg:$0x3] =	wrdreg $0xA8000  }
0xbf: {  	[dreg:$0x4] =	wrdreg $0xA  }
0xc0: {  	_ =	task.clear_ibuf [dreg:s22], $0x5FFFF;
	_ =	strace $0x90000058  }
0xc1: {  	s29 =	simm.s32 $0xA;
	_ =	strace $0x8000005A  }
0xc2: {  	_ =	swait.ge [sflag:s29], $0x1  }
0xc3: {  	[sflag:s29] =	ssyncadd.s32 $0xFFFFFFFF  }
0xc4: {  	_ =	strace $0x9000005A  }
0xc5: {  	_ =	sfence  }
0xc6: {  	s30 =	sld [smem:$0x0];
	_ =	sdelay $0x2  }
0xc7: {  	s31 =	sshll.u32 s1, $0xD;
	s1 =	sshrl.u32 s1, $0x2  }
0xc8: {  	s4 =	sand.u32 $0x4000, s31;
	s1 =	sadd.s32 s1, s30  }
0xc9: {  	s0 =	sor.u32 s4, s0;
	s1 =	sshll.u32 s1, $0x11  }
0xca: {  	s0 =	sor.u32 s1, s0  }
0xcb: {  	s0 =	sadd.s32 $0x8F2B, s0  }
0xcc: {  	[sflag:s0] =	ssyncadd.remote.s32 $0x1  }
0xcd: {  	_ =	sfence.sel $0xFFFF  }
0xce: {  	[dreg:$0x0] =	wrdreg $0xFFFFFFFF;
	(pc) =	sbr.abs _section_cstart, $3  }
0xcf: {  	[dreg:$0x1] =	wrdreg $0xFFFFFFFF  }
0xd0: {  	_ =	task.clear_ibuf [dreg:s22], $0x2FFFF;
	_ =	strace $0x9FFFFFFF  }
0xd1: {  	(tm) =	ssettm $0x7FFFFFFF  }
tec
execute0_lowered:
.L_overlay_start_1:
0x0: {  	(tag) =	ssettag $0x1  }
0x1: {  	s1 =	srdreg.scid;
	s5 =	rddreg [dreg:$0x0]  }
0x2: {  	s0 =	stileid.u32;
	s2 =	rddreg [dreg:$0x1]  }
0x3: {  	s3 =	simm.s32 $0x0;
	s16 =	simm.s32 $0x2800;
	s17 =	simm.s32 $0x6800  }
0x4: {  	s18 =	simm.s32 $0x1;
	s19 =	simm.s32 $0x80;
	s8 =	smul.u32 $0x13C00, s0  }
0x5: {  	s4 =	sand.u32 $0x1, s1;
	s1 =	rddreg [dreg:$0x2];
	s12 =	smul.u32 $0x4F000, s0  }
0x6: {  	s20 =	sshll.u32 s0, $0x1;
	[smem:$0x7FF] =	sst s3;
	s25 =	smul.u32 $0x96, s0  }
0x7: {  	s10 =	sadd.s32 $0xE42A00, s5;
	s26 =	sshll.u32 s0, $0x6;
	s9 =	smul.u32 $0x13C000, s4  }
0x8: {  	s6 =	sor.u32 s4, s20;
	_ =	strace $0x80000059;
	s28 =	smul.u32 $0x4B, s4  }
0x9: {  	s21 =	ssub.s32 $0x2, s4;
	s20 =	simm.s32 $0x2;
	s7 =	smul.u32 $0x500, s6  }
0xa: {  	s11 =	sshrl.u32 s8, $0x3;
	s22 =	sshrl.u32 s21, $0x1;
	s23 =	smul.u32 $0x12C000, s6  }
0xb: {  	s24 =	sshrl.u32 s12, $0x2;
	s29 =	smul.u32 $0x25800, s6;
	s11 =	sadd.s32 s11, s5  }
0xc: {  	s8 =	sadd.s32 s8, s9;
	s14 =	ssub.s32 s21, s22;
	s15 =	sadd.s32 s24, s2  }
0xd: {  	s9 =	sadd.s32 s28, s25;
	s21 =	simm.s32 $0x2400;
	s22 =	simm.s32 $0x2480  }
0xe: {  	s24 =	simm.s32 $0x0;
	s7 =	sadd.s32 s7, s5;
	s8 =	sshrl.u32 s8, $0x3  }
0xf: {  	s4 =	sadd.s32 $0x12600, s11;
	s30 =	sshll.u32 s9, $0xB;
	s13 =	sadd.s32 s8, s5  }
0x10: {  	s5 =	sor.u32 $0x1C03, s26;
	s6 =	sadd.s32 $0x988A00, s7;
	s8 =	sshrl.u32 s23, $0x3  }
0x11: {  	s7 =	sadd.s32 s10, s29;
	s31 =	sadd.s32 s30, s10;
	s23 =	simm.s32 $0x2500  }
0x12: {  	s8 =	sadd.s32 s10, s8;
	s9 =	sadd.s32 $0x39E00, s13;
	s10 =	smax.u32 s14, $0x1  }
0x13: {  	s11 =	sadd.s32 $0x25000, s7;
	s12 =	sadd.s32 $0x1800, s31;
	s13 =	sadd.s32 $0x1000, s31  }
0x14: {  	s14 =	sshrl.u32 s15, $0x3;
	s15 =	simm.s32 $0x3;
	s8 =	sadd.s32 $0x800, s8  }
.LBB2_1:
0x15: {  	[spmem:s14], [sflag:s5] =	dma.local [hbm:s4], $0x2780  }
0x16: {  	_ =	swait.ge [sflag:s15], $0x2780  }
0x17: {  	[sflag:s15] =	ssyncset.done $0x0  }
0x18: {  	[sflag:s15] =	ssyncadd.s32 $0xFFFFD880  }
0x19: {  	[tilespmem:s3], [sflag:$0x3] =	stream.linear.gather [hbm4b:s6+s3], $0x2580, $0x38;
	[tilespmem:$0x1E400] =	vst v63  }
0x1a: {  	_ =	swait.ge [sflag:s15], $0x2580  }
0x1b: {  	[sflag:s15] =	ssyncset.done $0x0  }
0x1c: {  	[sflag:s15] =	ssyncadd.s32 $0xFFFFDA80  }
0x1d: {  	[bflag:$0x0] =	sbarrier.arrive $0xFFFF  }
0x1e: {  	[tilespmem:s16], [sflag:$0x1] =	stream.linear.gather [hbm4b:s7+s3], $0x4000, $0x38;
	[tilespmem:$0x1E400] =	vst v63  }
0x1f: {  	_ = 	snop  }
0x20: {  	[tilespmem:s17], [sflag:$0x2] =	stream.linear.gather [hbm4b:s8+s3], $0x4000, $0x38;
	[tilespmem:$0x1E400] =	vst v63  }
0x21: {  	_ =	swait.ge [sflag:s18], $0x4000  }
0x22: {  	[sflag:s18] =	ssyncset.done $0x0  }
0x23: {  	s25 =	simm.s32 $0x0;
	[sflag:s18] =	ssyncadd.s32 $0xFFFFC000  }
0x24: {  	[spmem:s2] =	stream.indirect.scatter.add.f32 [tilespmem:s16], [sflag:$0x3], $0x80, s25, s19, $0xb8;
	[tilespmem:$0x1E400] =	vst v63  }
0x25: {  	_ =	swait.ge [sflag:s15], $0x4000  }
0x26: {  	[sflag:s15] =	ssyncset.done $0x0  }
0x27: {  	s31 =	sadd.s32 $0x0, s13;
	[sflag:s15] =	ssyncadd.s32 $0xFFFFC000  }
0x28: {  	[tilespmem:s16], [sflag:$0x1] =	stream.linear.gather [hbm4b:s31+s3], $0x4000, $0x38;
	[tilespmem:$0x1E400] =	vst v63  }
0x29: {  	_ =	swait.ge [sflag:s20], $0x4000  }
0x2a: {  	[sflag:s20] =	ssyncset.done $0x0  }
0x2b: {  	[sflag:s20] =	ssyncadd.s32 $0xFFFFC000  }
0x2c: {  	[spmem:s2] =	stream.indirect.scatter.add.f32 [tilespmem:s17], [sflag:$0x3], $0x80, s19, s19, $0xb8;
	[tilespmem:$0x1E400] =	vst v63  }
0x2d: {  	_ =	swait.ge [sflag:s15], $0x4000  }
0x2e: {  	s28 =	sadd.s32 $0x0, s12;
	[sflag:s15] =	ssyncset.done $0x0  }
0x2f: {  	s26 =	simm.s32 $0x180;
	s25 =	simm.s32 $0x1000;
	[sflag:s15] =	ssyncadd.s32 $0xFFFFC000  }
.LBB2_2:
0x30: {  	[tilespmem:s17], [sflag:$0x2] =	stream.linear.gather [hbm4b:s28+s3], $0x4000, $0x38;
	[tilespmem:$0x1E400] =	vst v63  }
0x31: {  	s28 =	smov.u32 s25  }
0x32: {  	p0 =	sne.s32 s25, $0x23000;
	s25 =	sadd.s32 $0x1000, s25;
	_ =	swait.ge [sflag:s18], $0x4000  }
0x33: {  	[sflag:s18] =	ssyncset.done $0x0  }
0x34: {  	s29 =	sadd.s32 $0xFFFFFF80, s26;
	[sflag:s18] =	ssyncadd.s32 $0xFFFFC000  }
0x35: {  	[spmem:s2] =	stream.indirect.scatter.add.f32 [tilespmem:s16], [sflag:$0x3], $0x80, s29, s19, $0xb8;
	[tilespmem:$0x1E400] =	vst v63  }
0x36: {  	_ =	swait.ge [sflag:s15], $0x4000  }
0x37: {  	[sflag:s15] =	ssyncset.done $0x0  }
0x38: {  	s29 =	sadd.s32 s28, s13;
	[sflag:s15] =	ssyncadd.s32 $0xFFFFC000  }
0x39: {  	[tilespmem:s16], [sflag:$0x1] =	stream.linear.gather [hbm4b:s29+s3], $0x4000, $0x38;
	[tilespmem:$0x1E400] =	vst v63  }
0x3a: {  	_ =	swait.ge [sflag:s20], $0x4000  }
0x3b: {  	[sflag:s20] =	ssyncset.done $0x0  }
.Ltmp0:
0x3c: {  	[sflag:s20] =	ssyncadd.s32 $0xFFFFC000;
	(pc) =	sbr.rel @p0 .LBB2_2-.Ltmp0, $4  }
0x3d: {  	[spmem:s2] =	stream.indirect.scatter.add.f32 [tilespmem:s17], [sflag:$0x3], $0x80, s26, s19, $0xb8;
	[tilespmem:$0x1E400] =	vst v63  }
0x3e: {  	_ =	swait.ge [sflag:s15], $0x4000  }
0x3f: {  	[sflag:s15] =	ssyncset.done $0x0  }
0x40: {  	s28 =	sadd.s32 s28, s12;
	s26 =	sadd.s32 $0x100, s26;
	[sflag:s15] =	ssyncadd.s32 $0xFFFFC000  }
0x41: {  	[tilespmem:s17], [sflag:$0x2] =	stream.linear.gather [hbm4b:s28+s3], $0x4000, $0x38;
	[tilespmem:$0x1E400] =	vst v63  }
0x42: {  	_ =	swait.ge [sflag:s18], $0x4000  }
0x43: {  	[sflag:s18] =	ssyncset.done $0x0  }
0x44: {  	[sflag:s18] =	ssyncadd.s32 $0xFFFFC000  }
0x45: {  	[spmem:s2] =	stream.indirect.scatter.add.f32 [tilespmem:s16], [sflag:$0x3], $0x80, s21, s19, $0xb8;
	[tilespmem:$0x1E400] =	vst v63  }
0x46: {  	_ =	swait.ge [sflag:s15], $0x4000  }
0x47: {  	[sflag:s15] =	ssyncset.done $0x0  }
0x48: {  	[sflag:s15] =	ssyncadd.s32 $0xFFFFC000  }
0x49: {  	[tilespmem:s16], [sflag:$0x1] =	stream.linear.gather [hbm4b:s11+s3], $0x4000, $0x38;
	[tilespmem:$0x1E400] =	vst v63  }
0x4a: {  	_ =	swait.ge [sflag:s20], $0x4000  }
0x4b: {  	[sflag:s20] =	ssyncset.done $0x0  }
0x4c: {  	[sflag:s20] =	ssyncadd.s32 $0xFFFFC000  }
0x4d: {  	[spmem:s2] =	stream.indirect.scatter.add.f32 [tilespmem:s17], [sflag:$0x3], $0x80, s22, s19, $0xb8;
	[tilespmem:$0x1E400] =	vst v63  }
0x4e: {  	_ =	swait.ge [sflag:s15], $0x4000  }
0x4f: {  	[sflag:s15] =	ssyncset.done $0x0  }
0x50: {  	[sflag:s15] =	ssyncadd.s32 $0xFFFFC000  }
0x51: {  	_ =	swait.ge [sflag:s18], $0x4000  }
0x52: {  	[sflag:s18] =	ssyncset.done $0x0  }
0x53: {  	[sflag:s18] =	ssyncadd.s32 $0xFFFFC000  }
0x54: {  	[spmem:s2] =	stream.indirect.scatter.add.f32 [tilespmem:s16], [sflag:$0x3], $0x80, s23, s19, $0xb8;
	[tilespmem:$0x1E400] =	vst v63  }
0x55: {  	_ =	swait.ge [sflag:s15], $0x4000  }
0x56: {  	s24 =	sadd.s32 $0x1, s24;
	[sflag:s15] =	ssyncset.done $0x0  }
0x57: {  	p0 =	sne.s32 s24, s10;
	[sflag:s15] =	ssyncadd.s32 $0xFFFFC000  }
.Ltmp1:
0x58: {  	[bflag:$0x0] =	sbarrier.arrive $0xFFFF;
	(pc) =	sbr.rel @p0 .LBB2_1-.Ltmp1, $4  }
0x59: {  	[hbm:s9], [sflag:s5] =	dma.local [spmem:s14], $0x2780  }
0x5a: {  	_ =	swait.ge [sflag:s15], $0x2780  }
0x5b: {  	[sflag:s15] =	ssyncset.done $0x0  }
0x5c: {  	[sflag:s15] =	ssyncadd.s32 $0xFFFFD880  }
0x5d: {  	_ =	sfence.sel $0x180000  }
0x5e: {  	[bflag:$0x0] =	sbarrier.arrive $0xFFFF  }
0x5f: {  	p0 =	sne.s32 s0, $0x0;
	_ =	strace $0x90000059  }
0x60: {  	s0 =	sadd.s32 @!p0 $0x100000, s1;
	[bflag:$0x2] =	sbarrier.arrive $0xFFFF  }
0x61: {  	[sflag:s0] =	ssyncadd.tile.s32 @!p0 $0x1;
	_ =	shalt  }
.Lfunc_end2:
_tile_overlayer_lowered:
.L_overlay_start_2:
0x62: {  	(tag) =	ssettag $0x2  }
0x63: {  	s0 =	rddreg [dreg:$0x0];
	s2 =	stileid.u32  }
0x64: {  	s1 =	rddreg [dreg:$0x1];
	p0 =	sne.s32 s2, $0x0  }
0x65: {  	s3 =	rddreg [dreg:$0x2];
	[bflag:$0x3] =	sbarrier.arrive $0xFFFF;
	s2 =	simm.s32 @!p0 $0x1C03  }
0x66: {  	[timem:s3], [sflag:s2] =	dma.local @!p0 [hbm:s0], s1  }
0x67: {  	s0 =	simm.s32 @!p0 $0x3  }
0x68: {  	_ =	swait.ge @!p0 [sflag:s0], s1  }
0x69: {  	s1 =	ssub.s32 @!p0 $0x0, s1;
	[sflag:s0] =	ssyncset.done @!p0 $0x0  }
0x6a: {  	[sflag:s0] =	ssyncadd.s32 @!p0 s1  }
0x6b: {  	[bflag:$0x3] =	sbarrier.arrive $0xFFFF  }
0x6c: {  	_ =	shalt  }

</sc_bundles>
